<compile_context>
chip_gen: v7x
topology: tpu7x:2x2x1
jax: 0.10.2.dev20260603
libtpu: 0.0.44.dev20260713+nightly
codegen_flags: <defaults>
</compile_context>

<pallas_src>
import functools

import jax
import jax.numpy as jnp
from jax import lax
from jax.experimental import pallas as pl
from jax.experimental.pallas import tpu as pltpu
from jax.experimental.pallas import tpu_sc as plsc

_NC = 2
_NS = 16
_K = 128
_KA = 120
_G = 64


def _sc_mesh():
    return plsc.VectorSubcoreMesh(core_axis_name="c", subcore_axis_name="s")


@functools.lru_cache(maxsize=None)
def _make_deg_kernel(EP, N):
    assert EP % (_NS * _K) == 0 and N % _NS == 0
    chunks = EP // (_NS * _K)
    assert chunks % 8 == 0
    rows_per_tile = N // _NS
    _FK = 8

    @functools.partial(
        pl.kernel,
        out_type=[jax.ShapeDtypeStruct((N,), jnp.float32)] * 2,
        mesh=_sc_mesh(),
        scratch_types=[
            pltpu.VMEM((chunks, _K), jnp.int32),
            pltpu.VMEM((_K,), jnp.float32),
            pltpu.VMEM((N // _NS,), jnp.float32),
            pltpu.VMEM_SHARED((N,), jnp.float32),
            pltpu.SemaphoreType.DMA,
        ],
    )
    def deg_kernel(dst_td, dst_bu, zeros_n, ones_k, out_td, out_bu,
                   didx_v, ones_v, stage_v, hist_s, sem):
        c = lax.axis_index("c")
        s = lax.axis_index("s")
        r0 = s * rows_per_tile
        pltpu.sync_copy(zeros_n, stage_v)
        pltpu.sync_copy(stage_v, hist_s.at[pl.ds(r0, rows_per_tile)])
        pltpu.sync_copy(ones_k, ones_v)
        plsc.subcore_barrier()

        def run(dst2d):
            pltpu.sync_copy(dst2d.at[pl.ds(s * chunks, chunks)], didx_v)

            def group(g, carry):
                for q in range(_FK):
                    pltpu.async_copy(
                        ones_v, hist_s.at[didx_v.at[g * _FK + q]], sem,
                        add=True)
                for q in range(_FK):
                    pltpu.make_async_copy(
                        ones_v, hist_s.at[didx_v.at[g * _FK + q]], sem).wait()
                return carry

            lax.fori_loop(0, chunks // _FK, group, 0)

        @pl.when(c == 0)
        def _():
            run(dst_td)

        @pl.when(c == 1)
        def _():
            run(dst_bu)

        plsc.subcore_barrier()

        pltpu.sync_copy(hist_s.at[pl.ds(r0, rows_per_tile)], stage_v)

        @pl.when(c == 0)
        def _():
            pltpu.sync_copy(stage_v, out_td.at[pl.ds(r0, rows_per_tile)])

        @pl.when(c == 1)
        def _():
            pltpu.sync_copy(stage_v, out_bu.at[pl.ds(r0, rows_per_tile)])

    return deg_kernel


@functools.lru_cache(maxsize=None)
def _make_agg_kernel(EP, N, D):
    KA = _KA
    assert EP % (_NS * KA) == 0 and N % _NS == 0
    chunks = EP // (_NS * KA)
    assert chunks % 6 == 0
    rows_per_tile = N // _NS

    @functools.partial(
        pl.kernel,
        out_type=[jax.ShapeDtypeStruct((N, D), jnp.float32)] * 2,
        mesh=_sc_mesh(),
        scratch_types=(
            [pltpu.VMEM((KA,), jnp.int32)] * 6
            + [pltpu.VMEM((KA,), jnp.int32)] * 6
            + [pltpu.VMEM((KA, D), jnp.float32)] * 3
            + [pltpu.VMEM_SHARED((N, D), jnp.float32)]
            + [pltpu.SemaphoreType.DMA] * 12
        ),
    )
    def agg_kernel(y_td, src_td, dst_td, y_bu, src_bu, dst_bu, zeros_nd,
                   z_td, z_bu,
                   si0, si1, si2, si3, si4, si5,
                   di0, di1, di2, di3, di4, di5,
                   buf0, buf1, buf2, acc_s,
                   gs0, gs1, gs2, ss0, ss1, ss2,
                   is0, is1, is2, is3, is4, is5):
        c = lax.axis_index("c")
        s = lax.axis_index("s")
        r0 = s * rows_per_tile
        pltpu.sync_copy(zeros_nd, acc_s.at[pl.ds(r0, rows_per_tile)])
        plsc.subcore_barrier()

        sidx = (si0, si1, si2, si3, si4, si5)
        didx = (di0, di1, di2, di3, di4, di5)
        bufs = (buf0, buf1, buf2)
        gsem = (gs0, gs1, gs2)
        ssem = (ss0, ss1, ss2)
        isem = (is0, is1, is2, is3, is4, is5)

        def run(y_hbm, src_hbm, dst_hbm):
            base0 = s * chunks * KA

            def iload(i, p):
                b = pl.multiple_of(base0 + i * KA, 8)
                pltpu.async_copy(src_hbm.at[pl.ds(b, KA)], sidx[p], isem[p])
                pltpu.async_copy(dst_hbm.at[pl.ds(b, KA)], didx[p], isem[p])

            def iwait(p):
                pltpu.make_async_copy(src_hbm.at[pl.ds(base0, KA)],
                                      sidx[p], isem[p]).wait()
                pltpu.make_async_copy(dst_hbm.at[pl.ds(base0, KA)],
                                      didx[p], isem[p]).wait()

            def gstart(r, p):
                pltpu.async_copy(y_hbm.at[sidx[p]], bufs[r], gsem[r])

            def gwait(r):
                pltpu.make_async_copy(y_hbm.at[sidx[0]], bufs[r],
                                      gsem[r]).wait()

            def sstart(r, p):
                pltpu.async_copy(bufs[r], acc_s.at[didx[p]], ssem[r],
                                 add=True)

            def swait(r):
                pltpu.make_async_copy(bufs[r], acc_s.at[didx[0]],
                                      ssem[r]).wait()

            for j in range(4):
                iload(j, j)
            iwait(0)
            gstart(0, 0)
            iwait(1)
            gstart(1, 1)

            def hexa(g, carry):
                i0 = 6 * g
                for u in range(6):
                    i = i0 + u
                    r, rn = u % 3, (u + 2) % 3
                    p, p2, p4 = u, (u + 2) % 6, (u + 4) % 6
                    if u == 0:
                        @pl.when(i0 > 0)
                        def _():
                            swait(rn)
                    else:
                        swait(rn)

                    @pl.when(i + 4 < chunks)
                    def _():
                        iload(i + 4, p4)

                    @pl.when(i + 2 < chunks)
                    def _():
                        iwait(p2)
                        gstart(rn, p2)

                    gwait(r)
                    sstart(r, p)
                return carry

            lax.fori_loop(0, chunks // 6, hexa, 0)
            swait((chunks - 1) % 3)

        @pl.when(c == 0)
        def _():
            run(y_td, src_td, dst_td)

        @pl.when(c == 1)
        def _():
            run(y_bu, src_bu, dst_bu)

        plsc.subcore_barrier()

        @pl.when(c == 0)
        def _():
            pltpu.sync_copy(acc_s.at[pl.ds(r0, rows_per_tile)],
                            z_td.at[pl.ds(r0, rows_per_tile)])

        @pl.when(c == 1)
        def _():
            pltpu.sync_copy(acc_s.at[pl.ds(r0, rows_per_tile)],
                            z_bu.at[pl.ds(r0, rows_per_tile)])

    return agg_kernel


def _dot(a, b):
    return jnp.dot(a, b, preferred_element_type=jnp.float32,
                   precision=lax.Precision.HIGHEST)


def _elu(v):
    return jnp.where(v > 0.0, v, jnp.exp(jnp.minimum(v, 0.0)) - 1.0)


def _tc1_body(x_ref, degtd_ref, degbu_ref, w1_ref, w3_ref,
              y1_ref, y3_ref, itd_ref, ibu_ref):
    itd = lax.rsqrt(degtd_ref[...] + 1.0)
    ibu = lax.rsqrt(degbu_ref[...] + 1.0)
    xv = x_ref[...]
    y1_ref[...] = itd * _dot(xv, w1_ref[...])
    y3_ref[...] = ibu * _dot(xv, w3_ref[...])
    itd_ref[...] = itd
    ibu_ref[...] = ibu


def _tc2_body(z1_ref, y1_ref, itd_ref, b1_ref, w2_ref,
              z3_ref, y3_ref, ibu_ref, b3_ref, w4_ref,
              y2_ref, y4_ref):
    itd = itd_ref[...]
    ibu = ibu_ref[...]
    h1 = _elu(itd * (z1_ref[...] + y1_ref[...]) + b1_ref[...])
    h3 = _elu(ibu * (z3_ref[...] + y3_ref[...]) + b3_ref[...])
    y2_ref[...] = itd * _dot(h1, w2_ref[...])
    y4_ref[...] = ibu * _dot(h3, w4_ref[...])


def _tc3_body(nblocks, z2_ref, y2_ref, itd_ref, b2_ref,
              z4_ref, y4_ref, ibu_ref, b4_ref,
              batch_ref, wfc_ref, bfc_ref, out_ref,
              acc_td, acc_bu, acc_cnt):
    i = pl.program_id(0)

    @pl.when(i == 0)
    def _():
        acc_td[...] = jnp.zeros_like(acc_td)
        acc_bu[...] = jnp.zeros_like(acc_bu)
        acc_cnt[...] = jnp.zeros_like(acc_cnt)

    h2 = _elu(itd_ref[...] * (z2_ref[...] + y2_ref[...]) + b2_ref[...])
    h4 = _elu(ibu_ref[...] * (z4_ref[...] + y4_ref[...]) + b4_ref[...])
    r = h2.shape[0]
    b = batch_ref[0]
    pt = (lax.broadcasted_iota(jnp.int32, (_G, r), 0) == b)
    pt = pt.astype(jnp.float32)
    acc_td[...] += _dot(pt, h2)
    acc_bu[...] += _dot(pt, h4)
    acc_cnt[...] += jnp.sum(pt, axis=1, keepdims=True)

    @pl.when(i == nblocks - 1)
    def _():
        inv = 1.0 / jnp.maximum(acc_cnt[...], 1.0)
        z = jnp.concatenate([acc_td[...] * inv, acc_bu[...] * inv], axis=1)
        logits = _dot(z, wfc_ref[...]) + bfc_ref[...]
        mx = jnp.max(logits, axis=1, keepdims=True)
        lse = jnp.log(jnp.sum(jnp.exp(logits - mx), axis=1, keepdims=True))
        out_ref[...] = (logits - mx) - lse


def kernel(x, edge_index, bu_edge_index, batch,
           W1, b1, W2, b2, W3, b3, W4, b4, Wfc, bfc):
    N0, D = x.shape
    H = W1.shape[1]
    C = Wfc.shape[1]
    E0 = edge_index.shape[1]
    f32 = jnp.float32

    N = ((N0 + 127) // 128) * 128
    if N != N0:
        x = jnp.concatenate([x, jnp.zeros((N - N0, D), f32)], axis=0)
        batch = jnp.concatenate(
            [batch, jnp.full((N - N0,), _G, batch.dtype)], axis=0)

    EQA = _NS * _KA * 6
    EA = ((E0 + EQA - 1) // EQA) * EQA
    EQD = _NS * _K * 8
    ED = ((E0 + EQD - 1) // EQD) * EQD
    assert N > N0 or (EA == E0 and ED == E0)

    def pad_to(v, length):
        if length == E0:
            return v
        return jnp.concatenate(
            [v, jnp.full((length - E0,), N0, jnp.int32)])

    def prep(ei):
        src, dst = ei[0], ei[1]
        return (pad_to(src, EA), pad_to(dst, EA),
                pad_to(dst, ED).reshape(ED // _K, _K))

    src_td, dst_td, dst2d_td = prep(edge_index)
    src_bu, dst_bu, dst2d_bu = prep(bu_edge_index)
    E = EA

    zeros_n = jnp.zeros((N // _NS,), f32)
    ones_k = jnp.ones((_K,), f32)
    zeros_nd = jnp.zeros((N // _NS, D), f32)

    deg_td, deg_bu = _make_deg_kernel(ED, N)(dst2d_td, dst2d_bu,
                                             zeros_n, ones_k)
    deg_td = deg_td.reshape(N, 1)
    deg_bu = deg_bu.reshape(N, 1)

    NB = 8
    R = N // NB
    row = pl.BlockSpec((R, H), lambda i: (i, 0))
    row1 = pl.BlockSpec((R, 1), lambda i: (i, 0))
    wspec = pl.BlockSpec((H, H), lambda i: (0, 0))
    bspec = pl.BlockSpec((1, H), lambda i: (0, 0))

    y1, y3, itd, ibu = pl.pallas_call(
        _tc1_body,
        grid=(NB,),
        in_specs=[row, row1, row1, wspec, wspec],
        out_specs=[row, row, row1, row1],
        out_shape=[
            jax.ShapeDtypeStruct((N, H), f32),
            jax.ShapeDtypeStruct((N, H), f32),
            jax.ShapeDtypeStruct((N, 1), f32),
            jax.ShapeDtypeStruct((N, 1), f32),
        ],
    )(x, deg_td, deg_bu, W1, W3)

    agg = _make_agg_kernel(E, N, H)
    z1, z3 = agg(y1, src_td, dst_td, y3, src_bu, dst_bu, zeros_nd)

    y2, y4 = pl.pallas_call(
        _tc2_body,
        grid=(NB,),
        in_specs=[row, row, row1, bspec, wspec,
                  row, row, row1, bspec, wspec],
        out_specs=[row, row],
        out_shape=[
            jax.ShapeDtypeStruct((N, H), f32),
            jax.ShapeDtypeStruct((N, H), f32),
        ],
    )(z1, y1, itd, b1.reshape(1, H), W2,
      z3, y3, ibu, b3.reshape(1, H), W4)

    z2, z4 = agg(y2, src_td, dst_td, y4, src_bu, dst_bu, zeros_nd)

    out = pl.pallas_call(
        functools.partial(_tc3_body, NB),
        grid=(NB,),
        in_specs=[row, row, row1, bspec,
                  row, row, row1, bspec,
                  pl.BlockSpec((1, 1, R), lambda i: (i, 0, 0)),
                  pl.BlockSpec((2 * H, C), lambda i: (0, 0)),
                  pl.BlockSpec((1, C), lambda i: (0, 0))],
        out_specs=pl.BlockSpec((_G, C), lambda i: (0, 0)),
        out_shape=jax.ShapeDtypeStruct((_G, C), f32),
        scratch_shapes=[
            pltpu.VMEM((_G, H), f32),
            pltpu.VMEM((_G, H), f32),
            pltpu.VMEM((_G, 1), f32),
        ],
    )(z2, y2, itd, b2.reshape(1, H),
      z4, y4, ibu, b4.reshape(1, H),
      batch.reshape(NB, 1, R), Wfc, bfc.reshape(1, C))

    return out

# --- scband reference (transcript-rebuilt; emitter-appended) ---
"""Pipeline reference for scband-gcn-46454366273753 (READ-ONLY COPY).

The authoritative reference and input builder live on the scoring server;
editing this copy changes nothing except your own understanding.
"""

import jax, jax.numpy as jnp
import numpy as np

N = 10000
E = 320000
D = 128
H = 128
O = 128
C = 4
G = 64


def setup_inputs(seed: int = 0) -> dict:
    key = jax.random.key(seed)
    ks = jax.random.split(key, 16)
    x = jax.random.normal(ks[0], (N, D), dtype=jnp.float32)
    edge_index = jax.random.randint(ks[1], (2, E), 0, N, dtype=jnp.int32)
    bu_edge_index = jax.random.randint(ks[2], (2, E), 0, N, dtype=jnp.int32)
    batch = jnp.sort(jax.random.randint(ks[3], (N,), 0, G, dtype=jnp.int32))
    W1 = jax.random.normal(ks[4], (D, H), dtype=jnp.float32) * 0.05
    b1 = jnp.zeros((H,), dtype=jnp.float32)
    W2 = jax.random.normal(ks[5], (H, O), dtype=jnp.float32) * 0.05
    b2 = jnp.zeros((O,), dtype=jnp.float32)
    W3 = jax.random.normal(ks[6], (D, H), dtype=jnp.float32) * 0.05
    b3 = jnp.zeros((H,), dtype=jnp.float32)
    W4 = jax.random.normal(ks[7], (H, O), dtype=jnp.float32) * 0.05
    b4 = jnp.zeros((O,), dtype=jnp.float32)
    Wfc = jax.random.normal(ks[8], (2 * O, C), dtype=jnp.float32) * 0.05
    bfc = jnp.zeros((C,), dtype=jnp.float32)
    return {"x": x, "edge_index": edge_index, "bu_edge_index": bu_edge_index,
            "batch": batch, "W1": W1, "b1": b1, "W2": W2, "b2": b2,
            "W3": W3, "b3": b3, "W4": W4, "b4": b4, "Wfc": Wfc, "bfc": bfc}


def gcn_conv(x, edge_index, W, b):
    # PyG GCNConv: add self-loops, symmetric normalization D^-1/2 (A+I) D^-1/2 X W + b
    n = x.shape[0]
    loop = jnp.arange(n, dtype=edge_index.dtype)
    src = jnp.concatenate([edge_index[0], loop])
    dst = jnp.concatenate([edge_index[1], loop])
    deg = jnp.zeros((n,), jnp.float32).at[dst].add(1.0)
    dinv = jnp.where(deg > 0, jax.lax.rsqrt(deg), 0.0)
    norm = dinv[src] * dinv[dst]
    xw = x @ W
    msgs = xw[src] * norm[:, None]
    out = jnp.zeros((n, W.shape[1]), jnp.float32).at[dst].add(msgs)
    return out + b


def scatter_mean(data, seg, num_segments):
    s = jax.ops.segment_sum(data, seg, num_segments=num_segments)
    cnt = jax.ops.segment_sum(jnp.ones((data.shape[0], 1), jnp.float32), seg,
                              num_segments=num_segments)
    return s / jnp.clip(cnt, 1.0, None)


def reference(x, edge_index, bu_edge_index, batch, W1, b1, W2, b2, W3, b3, W4, b4, Wfc, bfc):
    # TD branch
    h = jax.nn.elu(gcn_conv(x, edge_index, W1, b1))
    # dropout is identity in eval mode
    h = jax.nn.elu(gcn_conv(h, edge_index, W2, b2))
    h = scatter_mean(h, batch, G)
    # BU branch
    h1 = jax.nn.elu(gcn_conv(x, bu_edge_index, W3, b3))
    h1 = jax.nn.elu(gcn_conv(h1, bu_edge_index, W4, b4))
    h1 = scatter_mean(h1, batch, G)
    z = jnp.concatenate([h, h1], axis=1)
    logits = z @ Wfc + bfc
    return jax.nn.log_softmax(logits, axis=1)

if __name__ == "__main__":
    import jax
    _d = setup_inputs()
    print(jax.jit(kernel)(*tuple(_d.values())))

</pallas_src>

<mosaic_0001>
#map = affine_map<(d0, d1) -> (0, 0)>
#map1 = affine_map<(d0, d1) -> (0)>
module attributes {stable_mosaic.version = 14 : i64} {
  func.func @agg_kernel(%arg0: i32, %arg1: i32, %arg2: memref<10112x128xf32, #tpu.memory_space<hbm>>, %arg3: memref<322560xi32, #tpu.memory_space<hbm>>, %arg4: memref<322560xi32, #tpu.memory_space<hbm>>, %arg5: memref<10112x128xf32, #tpu.memory_space<hbm>>, %arg6: memref<322560xi32, #tpu.memory_space<hbm>>, %arg7: memref<322560xi32, #tpu.memory_space<hbm>>, %arg8: memref<632x128xf32, #tpu.memory_space<hbm>>, %arg9: memref<10112x128xf32, #tpu.memory_space<hbm>>, %arg10: memref<10112x128xf32, #tpu.memory_space<hbm>>, %arg11: memref<120xi32, #tpu.memory_space<vmem>>, %arg12: memref<120xi32, #tpu.memory_space<vmem>>, %arg13: memref<120xi32, #tpu.memory_space<vmem>>, %arg14: memref<120xi32, #tpu.memory_space<vmem>>, %arg15: memref<120xi32, #tpu.memory_space<vmem>>, %arg16: memref<120xi32, #tpu.memory_space<vmem>>, %arg17: memref<120xi32, #tpu.memory_space<vmem>>, %arg18: memref<120xi32, #tpu.memory_space<vmem>>, %arg19: memref<120xi32, #tpu.memory_space<vmem>>, %arg20: memref<120xi32, #tpu.memory_space<vmem>>, %arg21: memref<120xi32, #tpu.memory_space<vmem>>, %arg22: memref<120xi32, #tpu.memory_space<vmem>>, %arg23: memref<120x128xf32, #tpu.memory_space<vmem>>, %arg24: memref<120x128xf32, #tpu.memory_space<vmem>>, %arg25: memref<120x128xf32, #tpu.memory_space<vmem>>, %arg26: memref<10112x128xf32, #tpu.memory_space<vmem_shared>>, %arg27: memref<!tpu.dma_semaphore, #tpu.memory_space<semaphore_mem>>, %arg28: memref<!tpu.dma_semaphore, #tpu.memory_space<semaphore_mem>>, %arg29: memref<!tpu.dma_semaphore, #tpu.memory_space<semaphore_mem>>, %arg30: memref<!tpu.dma_semaphore, #tpu.memory_space<semaphore_mem>>, %arg31: memref<!tpu.dma_semaphore, #tpu.memory_space<semaphore_mem>>, %arg32: memref<!tpu.dma_semaphore, #tpu.memory_space<semaphore_mem>>, %arg33: memref<!tpu.dma_semaphore, #tpu.memory_space<semaphore_mem>>, %arg34: memref<!tpu.dma_semaphore, #tpu.memory_space<semaphore_mem>>, %arg35: memref<!tpu.dma_semaphore, #tpu.memory_space<semaphore_mem>>, %arg36: memref<!tpu.dma_semaphore, #tpu.memory_space<semaphore_mem>>, %arg37: memref<!tpu.dma_semaphore, #tpu.memory_space<semaphore_mem>>, %arg38: memref<!tpu.dma_semaphore, #tpu.memory_space<semaphore_mem>>) attributes {dimension_semantics = [#tpu.dimension_semantics<core_parallel>, #tpu.dimension_semantics<subcore_parallel>], iteration_bounds = array<i64: 2, 16>, scalar_prefetch = 0 : i64, scratch_operands = 28 : i64, tpu.core_type = #tpu.core_type<sc_vector_subcore>, window_params = [{transform_indices = #map}, {transform_indices = #map1}, {transform_indices = #map1}, {transform_indices = #map}, {transform_indices = #map1}, {transform_indices = #map1}, {transform_indices = #map}, {transform_indices = #map}, {transform_indices = #map}]} {
    %mul3A = arith.constant 632 : i32
    %mul3A_0 = arith.muli %arg1, %mul3A : i32
    "tpu.region"() ({
      %run_scoped3A = tpu.sem_alloc : memref<!tpu.dma_semaphore, #tpu.memory_space<semaphore_mem>>
      %dma_start3A = arith.constant 0 : i32
      %dma_start3A_19 = tpu.memref_slice %arg26[%mul3A_0, %dma_start3A] : memref<10112x128xf32, #tpu.memory_space<vmem_shared>> -> memref<632x128xf32, #tpu.memory_space<vmem_shared>>
      tpu.enqueue_dma source(%arg8 : memref<632x128xf32, #tpu.memory_space<hbm>>) target(%dma_start3A_19 : memref<632x128xf32, #tpu.memory_space<vmem_shared>>) target_semaphore(%run_scoped3A : memref<!tpu.dma_semaphore, #tpu.memory_space<semaphore_mem>>)
      %dma_wait3A = arith.constant 0 : i32
      %dma_wait3A_20 = tpu.memref_slice %arg26[%mul3A_0, %dma_wait3A] : memref<10112x128xf32, #tpu.memory_space<vmem_shared>> -> memref<632x128xf32, #tpu.memory_space<vmem_shared>>
      tpu.wait_dma2 semaphore(%run_scoped3A : memref<!tpu.dma_semaphore, #tpu.memory_space<semaphore_mem>>) src(%arg8 : memref<632x128xf32, #tpu.memory_space<hbm>>) dst(%dma_wait3A_20 : memref<632x128xf32, #tpu.memory_space<vmem_shared>>)
      tpu.yield
    }) : () -> ()
    %barrier3A = arith.constant 0 : index
    tpu.barrier barrier_id(%barrier3A)
    %eq3A = arith.constant 0 : i32
    %eq3A_1 = arith.cmpi eq, %arg0, %eq3A : i32
    %convert_element_type3A = arith.extui %eq3A_1 : i1 to i32
    %cond3A = arith.constant 0 : i32
    %cond3A_2 = arith.cmpi ne, %convert_element_type3A, %cond3A : i32
    scf.if %cond3A_2 {
      %mul3A_19 = arith.constant 168 : i32
      %mul3A_20 = arith.muli %arg1, %mul3A_19 : i32
      %mul3A_21 = arith.constant 120 : i32
      %mul3A_22 = arith.muli %mul3A_20, %mul3A_21 : i32
      %add3A = arith.constant 0 : i32
      %add3A_23 = arith.addi %mul3A_22, %add3A : i32
      %multiple_of3A = tpu.assume_multiple %add3A_23, 8 : i32
      %dma_start3A = tpu.memref_slice %arg3[%multiple_of3A] : memref<322560xi32, #tpu.memory_space<hbm>> -> memref<120xi32, #tpu.memory_space<hbm>>
      %dma_start3A_24 = tpu.memref_slice %arg3[%multiple_of3A] : memref<322560xi32, #tpu.memory_space<hbm>> -> memref<120xi32, #tpu.memory_space<hbm>>
      tpu.enqueue_dma source(%dma_start3A_24 : memref<120xi32, #tpu.memory_space<hbm>>) target(%arg11 : memref<120xi32, #tpu.memory_space<vmem>>) target_semaphore(%arg33 : memref<!tpu.dma_semaphore, #tpu.memory_space<semaphore_mem>>)
      %dma_start3A_25 = tpu.memref_slice %arg4[%multiple_of3A] : memref<322560xi32, #tpu.memory_space<hbm>> -> memref<120xi32, #tpu.memory_space<hbm>>
      %dma_start3A_26 = tpu.memref_slice %arg4[%multiple_of3A] : memref<322560xi32, #tpu.memory_space<hbm>> -> memref<120xi32, #tpu.memory_space<hbm>>
      tpu.enqueue_dma source(%dma_start3A_26 : memref<120xi32, #tpu.memory_space<hbm>>) target(%arg17 : memref<120xi32, #tpu.memory_space<vmem>>) target_semaphore(%arg33 : memref<!tpu.dma_semaphore, #tpu.memory_space<semaphore_mem>>)
      %add3A_27 = arith.constant 120 : i32
      %add3A_28 = arith.addi %mul3A_22, %add3A_27 : i32
      %multiple_of3A_29 = tpu.assume_multiple %add3A_28, 8 : i32
      %dma_start3A_30 = tpu.memref_slice %arg3[%multiple_of3A_29] : memref<322560xi32, #tpu.memory_space<hbm>> -> memref<120xi32, #tpu.memory_space<hbm>>
      %dma_start3A_31 = tpu.memref_slice %arg3[%multiple_of3A_29] : memref<322560xi32, #tpu.memory_space<hbm>> -> memref<120xi32, #tpu.memory_space<hbm>>
      tpu.enqueue_dma source(%dma_start3A_31 : memref<120xi32, #tpu.memory_space<hbm>>) target(%arg12 : memref<120xi32, #tpu.memory_space<vmem>>) target_semaphore(%arg34 : memref<!tpu.dma_semaphore, #tpu.memory_space<semaphore_mem>>)
      %dma_start3A_32 = tpu.memref_slice %arg4[%multiple_of3A_29] : memref<322560xi32, #tpu.memory_space<hbm>> -> memref<120xi32, #tpu.memory_space<hbm>>
      %dma_start3A_33 = tpu.memref_slice %arg4[%multiple_of3A_29] : memref<322560xi32, #tpu.memory_space<hbm>> -> memref<120xi32, #tpu.memory_space<hbm>>
      tpu.enqueue_dma source(%dma_start3A_33 : memref<120xi32, #tpu.memory_space<hbm>>) target(%arg18 : memref<120xi32, #tpu.memory_space<vmem>>) target_semaphore(%arg34 : memref<!tpu.dma_semaphore, #tpu.memory_space<semaphore_mem>>)
      %add3A_34 = arith.constant 240 : i32
      %add3A_35 = arith.addi %mul3A_22, %add3A_34 : i32
      %multiple_of3A_36 = tpu.assume_multiple %add3A_35, 8 : i32
      %dma_start3A_37 = tpu.memref_slice %arg3[%multiple_of3A_36] : memref<322560xi32, #tpu.memory_space<hbm>> -> memref<120xi32, #tpu.memory_space<hbm>>
      %dma_start3A_38 = tpu.memref_slice %arg3[%multiple_of3A_36] : memref<322560xi32, #tpu.memory_space<hbm>> -> memref<120xi32, #tpu.memory_space<hbm>>
      tpu.enqueue_dma source(%dma_start3A_38 : memref<120xi32, #tpu.memory_space<hbm>>) target(%arg13 : memref<120xi32, #tpu.memory_space<vmem>>) target_semaphore(%arg35 : memref<!tpu.dma_semaphore, #tpu.memory_space<semaphore_mem>>)
      %dma_start3A_39 = tpu.memref_slice %arg4[%multiple_of3A_36] : memref<322560xi32, #tpu.memory_space<hbm>> -> memref<120xi32, #tpu.memory_space<hbm>>
      %dma_start3A_40 = tpu.memref_slice %arg4[%multiple_of3A_36] : memref<322560xi32, #tpu.memory_space<hbm>> -> memref<120xi32, #tpu.memory_space<hbm>>
      tpu.enqueue_dma source(%dma_start3A_40 : memref<120xi32, #tpu.memory_space<hbm>>) target(%arg19 : memref<120xi32, #tpu.memory_space<vmem>>) target_semaphore(%arg35 : memref<!tpu.dma_semaphore, #tpu.memory_space<semaphore_mem>>)
      %add3A_41 = arith.constant 360 : i32
      %add3A_42 = arith.addi %mul3A_22, %add3A_41 : i32
      %multiple_of3A_43 = tpu.assume_multiple %add3A_42, 8 : i32
      %dma_start3A_44 = tpu.memref_slice %arg3[%multiple_of3A_43] : memref<322560xi32, #tpu.memory_space<hbm>> -> memref<120xi32, #tpu.memory_space<hbm>>
      %dma_start3A_45 = tpu.memref_slice %arg3[%multiple_of3A_43] : memref<322560xi32, #tpu.memory_space<hbm>> -> memref<120xi32, #tpu.memory_space<hbm>>
      tpu.enqueue_dma source(%dma_start3A_45 : memref<120xi32, #tpu.memory_space<hbm>>) target(%arg14 : memref<120xi32, #tpu.memory_space<vmem>>) target_semaphore(%arg36 : memref<!tpu.dma_semaphore, #tpu.memory_space<semaphore_mem>>)
      %dma_start3A_46 = tpu.memref_slice %arg4[%multiple_of3A_43] : memref<322560xi32, #tpu.memory_space<hbm>> -> memref<120xi32, #tpu.memory_space<hbm>>
      %dma_start3A_47 = tpu.memref_slice %arg4[%multiple_of3A_43] : memref<322560xi32, #tpu.memory_space<hbm>> -> memref<120xi32, #tpu.memory_space<hbm>>
      tpu.enqueue_dma source(%dma_start3A_47 : memref<120xi32, #tpu.memory_space<hbm>>) target(%arg20 : memref<120xi32, #tpu.memory_space<vmem>>) target_semaphore(%arg36 : memref<!tpu.dma_semaphore, #tpu.memory_space<semaphore_mem>>)
      %dma_wait3A = tpu.memref_slice %arg3[%mul3A_22] : memref<322560xi32, #tpu.memory_space<hbm>> -> memref<120xi32, #tpu.memory_space<hbm>>
      %dma_wait3A_48 = tpu.memref_slice %arg3[%mul3A_22] : memref<322560xi32, #tpu.memory_space<hbm>> -> memref<120xi32, #tpu.memory_space<hbm>>
      tpu.wait_dma2 semaphore(%arg33 : memref<!tpu.dma_semaphore, #tpu.memory_space<semaphore_mem>>) src(%dma_wait3A_48 : memref<120xi32, #tpu.memory_space<hbm>>) dst(%arg11 : memref<120xi32, #tpu.memory_space<vmem>>)
      %dma_wait3A_49 = tpu.memref_slice %arg4[%mul3A_22] : memref<322560xi32, #tpu.memory_space<hbm>> -> memref<120xi32, #tpu.memory_space<hbm>>
      %dma_wait3A_50 = tpu.memref_slice %arg4[%mul3A_22] : memref<322560xi32, #tpu.memory_space<hbm>> -> memref<120xi32, #tpu.memory_space<hbm>>
      tpu.wait_dma2 semaphore(%arg33 : memref<!tpu.dma_semaphore, #tpu.memory_space<semaphore_mem>>) src(%dma_wait3A_50 : memref<120xi32, #tpu.memory_space<hbm>>) dst(%arg17 : memref<120xi32, #tpu.memory_space<vmem>>)
      %dma_start3A_51 = arith.constant 0 : i32
      %dma_start3A_52 = arith.constant 0 : i32
      %dma_start3A_53 = tpu.memref_slice %arg2[%dma_start3A_51, %dma_start3A_52] : memref<10112x128xf32, #tpu.memory_space<hbm>> -> memref<10112x128xf32, #tpu.memory_space<hbm>>
      tpu.enqueue_indirect_dma source(%dma_start3A_53 : memref<10112x128xf32, #tpu.memory_space<hbm>>) target(%arg23 : memref<120x128xf32, #tpu.memory_space<vmem>>) offsets(%arg11 : memref<120xi32, #tpu.memory_space<vmem>>) semaphore(%arg27 : memref<!tpu.dma_semaphore, #tpu.memory_space<semaphore_mem>>)
      %dma_wait3A_54 = tpu.memref_slice %arg3[%mul3A_22] : memref<322560xi32, #tpu.memory_space<hbm>> -> memref<120xi32, #tpu.memory_space<hbm>>
      %dma_wait3A_55 = tpu.memref_slice %arg3[%mul3A_22] : memref<322560xi32, #tpu.memory_space<hbm>> -> memref<120xi32, #tpu.memory_space<hbm>>
      tpu.wait_dma2 semaphore(%arg34 : memref<!tpu.dma_semaphore, #tpu.memory_space<semaphore_mem>>) src(%dma_wait3A_55 : memref<120xi32, #tpu.memory_space<hbm>>) dst(%arg12 : memref<120xi32, #tpu.memory_space<vmem>>)
      %dma_wait3A_56 = tpu.memref_slice %arg4[%mul3A_22] : memref<322560xi32, #tpu.memory_space<hbm>> -> memref<120xi32, #tpu.memory_space<hbm>>
      %dma_wait3A_57 = tpu.memref_slice %arg4[%mul3A_22] : memref<322560xi32, #tpu.memory_space<hbm>> -> memref<120xi32, #tpu.memory_space<hbm>>
      tpu.wait_dma2 semaphore(%arg34 : memref<!tpu.dma_semaphore, #tpu.memory_space<semaphore_mem>>) src(%dma_wait3A_57 : memref<120xi32, #tpu.memory_space<hbm>>) dst(%arg18 : memref<120xi32, #tpu.memory_space<vmem>>)
      %dma_start3A_58 = arith.constant 0 : i32
      %dma_start3A_59 = arith.constant 0 : i32
      %dma_start3A_60 = tpu.memref_slice %arg2[%dma_start3A_58, %dma_start3A_59] : memref<10112x128xf32, #tpu.memory_space<hbm>> -> memref<10112x128xf32, #tpu.memory_space<hbm>>
      tpu.enqueue_indirect_dma source(%dma_start3A_60 : memref<10112x128xf32, #tpu.memory_space<hbm>>) target(%arg24 : memref<120x128xf32, #tpu.memory_space<vmem>>) offsets(%arg12 : memref<120xi32, #tpu.memory_space<vmem>>) semaphore(%arg28 : memref<!tpu.dma_semaphore, #tpu.memory_space<semaphore_mem>>)
      %scan3A = arith.constant 0 : i32
      %scan3A_61 = arith.constant 0 : i32
      %scan3A_62 = arith.constant 28 : i32
      %scan3A_63 = arith.addi %scan3A_61, %scan3A_62 : i32
      %scan3A_64 = arith.constant 1 : i32
      scf.for %scan3A_69 = %scan3A_61 to %scan3A_63 step %scan3A_64  : i32 {
        %mul3A_70 = arith.constant 6 : i32
        %mul3A_71 = arith.muli %mul3A_70, %scan3A_69 : i32
        %add3A_72 = arith.constant 0 : i32
        %add3A_73 = arith.addi %mul3A_71, %add3A_72 : i32
        %gt3A = arith.constant 0 : i32
        %gt3A_74 = arith.cmpi sgt, %mul3A_71, %gt3A : i32
        %convert_element_type3A_75 = arith.extui %gt3A_74 : i1 to i32
        %cond3A_76 = arith.constant 0 : i32
        %cond3A_77 = arith.cmpi ne, %convert_element_type3A_75, %cond3A_76 : i32
        scf.if %cond3A_77 {
          %dma_wait3A_222 = arith.constant 0 : i32
          %dma_wait3A_223 = arith.constant 0 : i32
          %dma_wait3A_224 = tpu.memref_slice %arg26[%dma_wait3A_222, %dma_wait3A_223] : memref<10112x128xf32, #tpu.memory_space<vmem_shared>> -> memref<10112x128xf32, #tpu.memory_space<vmem_shared>>
          tpu.wait_indirect_dma semaphore(%arg32 : memref<!tpu.dma_semaphore, #tpu.memory_space<semaphore_mem>>) src(%arg25 : memref<120x128xf32, #tpu.memory_space<vmem>>) dst(%dma_wait3A_224 : memref<10112x128xf32, #tpu.memory_space<vmem_shared>>)
        } else {
        }
        %add3A_78 = arith.constant 4 : i32
        %add3A_79 = arith.addi %add3A_73, %add3A_78 : i32
        %lt3A = arith.constant 168 : i32
        %lt3A_80 = arith.cmpi slt, %add3A_79, %lt3A : i32
        %convert_element_type3A_81 = arith.extui %lt3A_80 : i1 to i32
        %cond3A_82 = arith.constant 0 : i32
        %cond3A_83 = arith.cmpi ne, %convert_element_type3A_81, %cond3A_82 : i32
        scf.if %cond3A_83 {
          %add3A_222 = arith.constant 4 : i32
          %add3A_223 = arith.addi %add3A_73, %add3A_222 : i32
          %mul3A_224 = arith.constant 120 : i32
          %mul3A_225 = arith.muli %add3A_223, %mul3A_224 : i32
          %add3A_226 = arith.addi %mul3A_22, %mul3A_225 : i32
          %multiple_of3A_227 = tpu.assume_multiple %add3A_226, 8 : i32
          %dma_start3A_228 = tpu.memref_slice %arg3[%multiple_of3A_227] : memref<322560xi32, #tpu.memory_space<hbm>> -> memref<120xi32, #tpu.memory_space<hbm>>
          %dma_start3A_229 = tpu.memref_slice %arg3[%multiple_of3A_227] : memref<322560xi32, #tpu.memory_space<hbm>> -> memref<120xi32, #tpu.memory_space<hbm>>
          tpu.enqueue_dma source(%dma_start3A_229 : memref<120xi32, #tpu.memory_space<hbm>>) target(%arg15 : memref<120xi32, #tpu.memory_space<vmem>>) target_semaphore(%arg37 : memref<!tpu.dma_semaphore, #tpu.memory_space<semaphore_mem>>)
          %dma_start3A_230 = tpu.memref_slice %arg4[%multiple_of3A_227] : memref<322560xi32, #tpu.memory_space<hbm>> -> memref<120xi32, #tpu.memory_space<hbm>>
          %dma_start3A_231 = tpu.memref_slice %arg4[%multiple_of3A_227] : memref<322560xi32, #tpu.memory_space<hbm>> -> memref<120xi32, #tpu.memory_space<hbm>>
          tpu.enqueue_dma source(%dma_start3A_231 : memref<120xi32, #tpu.memory_space<hbm>>) target(%arg21 : memref<120xi32, #tpu.memory_space<vmem>>) target_semaphore(%arg37 : memref<!tpu.dma_semaphore, #tpu.memory_space<semaphore_mem>>)
        } else {
        }
        %add3A_84 = arith.constant 2 : i32
        %add3A_85 = arith.addi %add3A_73, %add3A_84 : i32
        %lt3A_86 = arith.constant 168 : i32
        %lt3A_87 = arith.cmpi slt, %add3A_85, %lt3A_86 : i32
        %convert_element_type3A_88 = arith.extui %lt3A_87 : i1 to i32
        %cond3A_89 = arith.constant 0 : i32
        %cond3A_90 = arith.cmpi ne, %convert_element_type3A_88, %cond3A_89 : i32
        scf.if %cond3A_90 {
          %dma_wait3A_222 = tpu.memref_slice %arg3[%mul3A_22] : memref<322560xi32, #tpu.memory_space<hbm>> -> memref<120xi32, #tpu.memory_space<hbm>>
          %dma_wait3A_223 = tpu.memref_slice %arg3[%mul3A_22] : memref<322560xi32, #tpu.memory_space<hbm>> -> memref<120xi32, #tpu.memory_space<hbm>>
          tpu.wait_dma2 semaphore(%arg35 : memref<!tpu.dma_semaphore, #tpu.memory_space<semaphore_mem>>) src(%dma_wait3A_223 : memref<120xi32, #tpu.memory_space<hbm>>) dst(%arg13 : memref<120xi32, #tpu.memory_space<vmem>>)
          %dma_wait3A_224 = tpu.memref_slice %arg4[%mul3A_22] : memref<322560xi32, #tpu.memory_space<hbm>> -> memref<120xi32, #tpu.memory_space<hbm>>
          %dma_wait3A_225 = tpu.memref_slice %arg4[%mul3A_22] : memref<322560xi32, #tpu.memory_space<hbm>> -> memref<120xi32, #tpu.memory_space<hbm>>
          tpu.wait_dma2 semaphore(%arg35 : memref<!tpu.dma_semaphore, #tpu.memory_space<semaphore_mem>>) src(%dma_wait3A_225 : memref<120xi32, #tpu.memory_space<hbm>>) dst(%arg19 : memref<120xi32, #tpu.memory_space<vmem>>)
          %dma_start3A_226 = arith.constant 0 : i32
          %dma_start3A_227 = arith.constant 0 : i32
          %dma_start3A_228 = tpu.memref_slice %arg2[%dma_start3A_226, %dma_start3A_227] : memref<10112x128xf32, #tpu.memory_space<hbm>> -> memref<10112x128xf32, #tpu.memory_space<hbm>>
          tpu.enqueue_indirect_dma source(%dma_start3A_228 : memref<10112x128xf32, #tpu.memory_space<hbm>>) target(%arg25 : memref<120x128xf32, #tpu.memory_space<vmem>>) offsets(%arg13 : memref<120xi32, #tpu.memory_space<vmem>>) semaphore(%arg29 : memref<!tpu.dma_semaphore, #tpu.memory_space<semaphore_mem>>)
        } else {
        }
        %dma_wait3A_91 = arith.constant 0 : i32
        %dma_wait3A_92 = arith.constant 0 : i32
        %dma_wait3A_93 = tpu.memref_slice %arg2[%dma_wait3A_91, %dma_wait3A_92] : memref<10112x128xf32, #tpu.memory_space<hbm>> -> memref<10112x128xf32, #tpu.memory_space<hbm>>
        tpu.wait_indirect_dma semaphore(%arg27 : memref<!tpu.dma_semaphore, #tpu.memory_space<semaphore_mem>>) src(%dma_wait3A_93 : memref<10112x128xf32, #tpu.memory_space<hbm>>) dst(%arg23 : memref<120x128xf32, #tpu.memory_space<vmem>>)
        %dma_start3A_94 = arith.constant 0 : i32
        %dma_start3A_95 = arith.constant 0 : i32
        %dma_start3A_96 = tpu.memref_slice %arg26[%dma_start3A_94, %dma_start3A_95] : memref<10112x128xf32, #tpu.memory_space<vmem_shared>> -> memref<10112x128xf32, #tpu.memory_space<vmem_shared>>
        tpu.enqueue_indirect_dma source(%arg23 : memref<120x128xf32, #tpu.memory_space<vmem>>) target(%dma_start3A_96 : memref<10112x128xf32, #tpu.memory_space<vmem_shared>>) offsets(%arg17 : memref<120xi32, #tpu.memory_space<vmem>>) semaphore(%arg30 : memref<!tpu.dma_semaphore, #tpu.memory_space<semaphore_mem>>) {add = true}
        %add3A_97 = arith.constant 1 : i32
        %add3A_98 = arith.addi %mul3A_71, %add3A_97 : i32
        %dma_wait3A_99 = arith.constant 0 : i32
        %dma_wait3A_100 = arith.constant 0 : i32
        %dma_wait3A_101 = tpu.memref_slice %arg26[%dma_wait3A_99, %dma_wait3A_100] : memref<10112x128xf32, #tpu.memory_space<vmem_shared>> -> memref<10112x128xf32, #tpu.memory_space<vmem_shared>>
        tpu.wait_indirect_dma semaphore(%arg30 : memref<!tpu.dma_semaphore, #tpu.memory_space<semaphore_mem>>) src(%arg23 : memref<120x128xf32, #tpu.memory_space<vmem>>) dst(%dma_wait3A_101 : memref<10112x128xf32, #tpu.memory_space<vmem_shared>>)
        %add3A_102 = arith.constant 4 : i32
        %add3A_103 = arith.addi %add3A_98, %add3A_102 : i32
        %lt3A_104 = arith.constant 168 : i32
        %lt3A_105 = arith.cmpi slt, %add3A_103, %lt3A_104 : i32
        %convert_element_type3A_106 = arith.extui %lt3A_105 : i1 to i32
        %cond3A_107 = arith.constant 0 : i32
        %cond3A_108 = arith.cmpi ne, %convert_element_type3A_106, %cond3A_107 : i32
        scf.if %cond3A_108 {
          %add3A_222 = arith.constant 4 : i32
          %add3A_223 = arith.addi %add3A_98, %add3A_222 : i32
          %mul3A_224 = arith.constant 120 : i32
          %mul3A_225 = arith.muli %add3A_223, %mul3A_224 : i32
          %add3A_226 = arith.addi %mul3A_22, %mul3A_225 : i32
          %multiple_of3A_227 = tpu.assume_multiple %add3A_226, 8 : i32
          %dma_start3A_228 = tpu.memref_slice %arg3[%multiple_of3A_227] : memref<322560xi32, #tpu.memory_space<hbm>> -> memref<120xi32, #tpu.memory_space<hbm>>
          %dma_start3A_229 = tpu.memref_slice %arg3[%multiple_of3A_227] : memref<322560xi32, #tpu.memory_space<hbm>> -> memref<120xi32, #tpu.memory_space<hbm>>
          tpu.enqueue_dma source(%dma_start3A_229 : memref<120xi32, #tpu.memory_space<hbm>>) target(%arg16 : memref<120xi32, #tpu.memory_space<vmem>>) target_semaphore(%arg38 : memref<!tpu.dma_semaphore, #tpu.memory_space<semaphore_mem>>)
          %dma_start3A_230 = tpu.memref_slice %arg4[%multiple_of3A_227] : memref<322560xi32, #tpu.memory_space<hbm>> -> memref<120xi32, #tpu.memory_space<hbm>>
          %dma_start3A_231 = tpu.memref_slice %arg4[%multiple_of3A_227] : memref<322560xi32, #tpu.memory_space<hbm>> -> memref<120xi32, #tpu.memory_space<hbm>>
          tpu.enqueue_dma source(%dma_start3A_231 : memref<120xi32, #tpu.memory_space<hbm>>) target(%arg22 : memref<120xi32, #tpu.memory_space<vmem>>) target_semaphore(%arg38 : memref<!tpu.dma_semaphore, #tpu.memory_space<semaphore_mem>>)
        } else {
        }
        %add3A_109 = arith.constant 2 : i32
        %add3A_110 = arith.addi %add3A_98, %add3A_109 : i32
        %lt3A_111 = arith.constant 168 : i32
        %lt3A_112 = arith.cmpi slt, %add3A_110, %lt3A_111 : i32
        %convert_element_type3A_113 = arith.extui %lt3A_112 : i1 to i32
        %cond3A_114 = arith.constant 0 : i32
        %cond3A_115 = arith.cmpi ne, %convert_element_type3A_113, %cond3A_114 : i32
        scf.if %cond3A_115 {
          %dma_wait3A_222 = tpu.memref_slice %arg3[%mul3A_22] : memref<322560xi32, #tpu.memory_space<hbm>> -> memref<120xi32, #tpu.memory_space<hbm>>
          %dma_wait3A_223 = tpu.memref_slice %arg3[%mul3A_22] : memref<322560xi32, #tpu.memory_space<hbm>> -> memref<120xi32, #tpu.memory_space<hbm>>
          tpu.wait_dma2 semaphore(%arg36 : memref<!tpu.dma_semaphore, #tpu.memory_space<semaphore_mem>>) src(%dma_wait3A_223 : memref<120xi32, #tpu.memory_space<hbm>>) dst(%arg14 : memref<120xi32, #tpu.memory_space<vmem>>)
          %dma_wait3A_224 = tpu.memref_slice %arg4[%mul3A_22] : memref<322560xi32, #tpu.memory_space<hbm>> -> memref<120xi32, #tpu.memory_space<hbm>>
          %dma_wait3A_225 = tpu.memref_slice %arg4[%mul3A_22] : memref<322560xi32, #tpu.memory_space<hbm>> -> memref<120xi32, #tpu.memory_space<hbm>>
          tpu.wait_dma2 semaphore(%arg36 : memref<!tpu.dma_semaphore, #tpu.memory_space<semaphore_mem>>) src(%dma_wait3A_225 : memref<120xi32, #tpu.memory_space<hbm>>) dst(%arg20 : memref<120xi32, #tpu.memory_space<vmem>>)
          %dma_start3A_226 = arith.constant 0 : i32
          %dma_start3A_227 = arith.constant 0 : i32
          %dma_start3A_228 = tpu.memref_slice %arg2[%dma_start3A_226, %dma_start3A_227] : memref<10112x128xf32, #tpu.memory_space<hbm>> -> memref<10112x128xf32, #tpu.memory_space<hbm>>
          tpu.enqueue_indirect_dma source(%dma_start3A_228 : memref<10112x128xf32, #tpu.memory_space<hbm>>) target(%arg23 : memref<120x128xf32, #tpu.memory_space<vmem>>) offsets(%arg14 : memref<120xi32, #tpu.memory_space<vmem>>) semaphore(%arg27 : memref<!tpu.dma_semaphore, #tpu.memory_space<semaphore_mem>>)
        } else {
        }
        %dma_wait3A_116 = arith.constant 0 : i32
        %dma_wait3A_117 = arith.constant 0 : i32
        %dma_wait3A_118 = tpu.memref_slice %arg2[%dma_wait3A_116, %dma_wait3A_117] : memref<10112x128xf32, #tpu.memory_space<hbm>> -> memref<10112x128xf32, #tpu.memory_space<hbm>>
        tpu.wait_indirect_dma semaphore(%arg28 : memref<!tpu.dma_semaphore, #tpu.memory_space<semaphore_mem>>) src(%dma_wait3A_118 : memref<10112x128xf32, #tpu.memory_space<hbm>>) dst(%arg24 : memref<120x128xf32, #tpu.memory_space<vmem>>)
        %dma_start3A_119 = arith.constant 0 : i32
        %dma_start3A_120 = arith.constant 0 : i32
        %dma_start3A_121 = tpu.memref_slice %arg26[%dma_start3A_119, %dma_start3A_120] : memref<10112x128xf32, #tpu.memory_space<vmem_shared>> -> memref<10112x128xf32, #tpu.memory_space<vmem_shared>>
        tpu.enqueue_indirect_dma source(%arg24 : memref<120x128xf32, #tpu.memory_space<vmem>>) target(%dma_start3A_121 : memref<10112x128xf32, #tpu.memory_space<vmem_shared>>) offsets(%arg18 : memref<120xi32, #tpu.memory_space<vmem>>) semaphore(%arg31 : memref<!tpu.dma_semaphore, #tpu.memory_space<semaphore_mem>>) {add = true}
        %add3A_122 = arith.constant 2 : i32
        %add3A_123 = arith.addi %mul3A_71, %add3A_122 : i32
        %dma_wait3A_124 = arith.constant 0 : i32
        %dma_wait3A_125 = arith.constant 0 : i32
        %dma_wait3A_126 = tpu.memref_slice %arg26[%dma_wait3A_124, %dma_wait3A_125] : memref<10112x128xf32, #tpu.memory_space<vmem_shared>> -> memref<10112x128xf32, #tpu.memory_space<vmem_shared>>
        tpu.wait_indirect_dma semaphore(%arg31 : memref<!tpu.dma_semaphore, #tpu.memory_space<semaphore_mem>>) src(%arg24 : memref<120x128xf32, #tpu.memory_space<vmem>>) dst(%dma_wait3A_126 : memref<10112x128xf32, #tpu.memory_space<vmem_shared>>)
        %add3A_127 = arith.constant 4 : i32
        %add3A_128 = arith.addi %add3A_123, %add3A_127 : i32
        %lt3A_129 = arith.constant 168 : i32
        %lt3A_130 = arith.cmpi slt, %add3A_128, %lt3A_129 : i32
        %convert_element_type3A_131 = arith.extui %lt3A_130 : i1 to i32
        %cond3A_132 = arith.constant 0 : i32
        %cond3A_133 = arith.cmpi ne, %convert_element_type3A_131, %cond3A_132 : i32
        scf.if %cond3A_133 {
          %add3A_222 = arith.constant 4 : i32
          %add3A_223 = arith.addi %add3A_123, %add3A_222 : i32
          %mul3A_224 = arith.constant 120 : i32
          %mul3A_225 = arith.muli %add3A_223, %mul3A_224 : i32
          %add3A_226 = arith.addi %mul3A_22, %mul3A_225 : i32
          %multiple_of3A_227 = tpu.assume_multiple %add3A_226, 8 : i32
          %dma_start3A_228 = tpu.memref_slice %arg3[%multiple_of3A_227] : memref<322560xi32, #tpu.memory_space<hbm>> -> memref<120xi32, #tpu.memory_space<hbm>>
          %dma_start3A_229 = tpu.memref_slice %arg3[%multiple_of3A_227] : memref<322560xi32, #tpu.memory_space<hbm>> -> memref<120xi32, #tpu.memory_space<hbm>>
          tpu.enqueue_dma source(%dma_start3A_229 : memref<120xi32, #tpu.memory_space<hbm>>) target(%arg11 : memref<120xi32, #tpu.memory_space<vmem>>) target_semaphore(%arg33 : memref<!tpu.dma_semaphore, #tpu.memory_space<semaphore_mem>>)
          %dma_start3A_230 = tpu.memref_slice %arg4[%multiple_of3A_227] : memref<322560xi32, #tpu.memory_space<hbm>> -> memref<120xi32, #tpu.memory_space<hbm>>
          %dma_start3A_231 = tpu.memref_slice %arg4[%multiple_of3A_227] : memref<322560xi32, #tpu.memory_space<hbm>> -> memref<120xi32, #tpu.memory_space<hbm>>
          tpu.enqueue_dma source(%dma_start3A_231 : memref<120xi32, #tpu.memory_space<hbm>>) target(%arg17 : memref<120xi32, #tpu.memory_space<vmem>>) target_semaphore(%arg33 : memref<!tpu.dma_semaphore, #tpu.memory_space<semaphore_mem>>)
        } else {
        }
        %add3A_134 = arith.constant 2 : i32
        %add3A_135 = arith.addi %add3A_123, %add3A_134 : i32
        %lt3A_136 = arith.constant 168 : i32
        %lt3A_137 = arith.cmpi slt, %add3A_135, %lt3A_136 : i32
        %convert_element_type3A_138 = arith.extui %lt3A_137 : i1 to i32
        %cond3A_139 = arith.constant 0 : i32
        %cond3A_140 = arith.cmpi ne, %convert_element_type3A_138, %cond3A_139 : i32
        scf.if %cond3A_140 {
          %dma_wait3A_222 = tpu.memref_slice %arg3[%mul3A_22] : memref<322560xi32, #tpu.memory_space<hbm>> -> memref<120xi32, #tpu.memory_space<hbm>>
          %dma_wait3A_223 = tpu.memref_slice %arg3[%mul3A_22] : memref<322560xi32, #tpu.memory_space<hbm>> -> memref<120xi32, #tpu.memory_space<hbm>>
          tpu.wait_dma2 semaphore(%arg37 : memref<!tpu.dma_semaphore, #tpu.memory_space<semaphore_mem>>) src(%dma_wait3A_223 : memref<120xi32, #tpu.memory_space<hbm>>) dst(%arg15 : memref<120xi32, #tpu.memory_space<vmem>>)
          %dma_wait3A_224 = tpu.memref_slice %arg4[%mul3A_22] : memref<322560xi32, #tpu.memory_space<hbm>> -> memref<120xi32, #tpu.memory_space<hbm>>
          %dma_wait3A_225 = tpu.memref_slice %arg4[%mul3A_22] : memref<322560xi32, #tpu.memory_space<hbm>> -> memref<120xi32, #tpu.memory_space<hbm>>
          tpu.wait_dma2 semaphore(%arg37 : memref<!tpu.dma_semaphore, #tpu.memory_space<semaphore_mem>>) src(%dma_wait3A_225 : memref<120xi32, #tpu.memory_space<hbm>>) dst(%arg21 : memref<120xi32, #tpu.memory_space<vmem>>)
          %dma_start3A_226 = arith.constant 0 : i32
          %dma_start3A_227 = arith.constant 0 : i32
          %dma_start3A_228 = tpu.memref_slice %arg2[%dma_start3A_226, %dma_start3A_227] : memref<10112x128xf32, #tpu.memory_space<hbm>> -> memref<10112x128xf32, #tpu.memory_space<hbm>>
          tpu.enqueue_indirect_dma source(%dma_start3A_228 : memref<10112x128xf32, #tpu.memory_space<hbm>>) target(%arg24 : memref<120x128xf32, #tpu.memory_space<vmem>>) offsets(%arg15 : memref<120xi32, #tpu.memory_space<vmem>>) semaphore(%arg28 : memref<!tpu.dma_semaphore, #tpu.memory_space<semaphore_mem>>)
        } else {
        }
        %dma_wait3A_141 = arith.constant 0 : i32
        %dma_wait3A_142 = arith.constant 0 : i32
        %dma_wait3A_143 = tpu.memref_slice %arg2[%dma_wait3A_141, %dma_wait3A_142] : memref<10112x128xf32, #tpu.memory_space<hbm>> -> memref<10112x128xf32, #tpu.memory_space<hbm>>
        tpu.wait_indirect_dma semaphore(%arg29 : memref<!tpu.dma_semaphore, #tpu.memory_space<semaphore_mem>>) src(%dma_wait3A_143 : memref<10112x128xf32, #tpu.memory_space<hbm>>) dst(%arg25 : memref<120x128xf32, #tpu.memory_space<vmem>>)
        %dma_start3A_144 = arith.constant 0 : i32
        %dma_start3A_145 = arith.constant 0 : i32
        %dma_start3A_146 = tpu.memref_slice %arg26[%dma_start3A_144, %dma_start3A_145] : memref<10112x128xf32, #tpu.memory_space<vmem_shared>> -> memref<10112x128xf32, #tpu.memory_space<vmem_shared>>
        tpu.enqueue_indirect_dma source(%arg25 : memref<120x128xf32, #tpu.memory_space<vmem>>) target(%dma_start3A_146 : memref<10112x128xf32, #tpu.memory_space<vmem_shared>>) offsets(%arg19 : memref<120xi32, #tpu.memory_space<vmem>>) semaphore(%arg32 : memref<!tpu.dma_semaphore, #tpu.memory_space<semaphore_mem>>) {add = true}
        %add3A_147 = arith.constant 3 : i32
        %add3A_148 = arith.addi %mul3A_71, %add3A_147 : i32
        %dma_wait3A_149 = arith.constant 0 : i32
        %dma_wait3A_150 = arith.constant 0 : i32
        %dma_wait3A_151 = tpu.memref_slice %arg26[%dma_wait3A_149, %dma_wait3A_150] : memref<10112x128xf32, #tpu.memory_space<vmem_shared>> -> memref<10112x128xf32, #tpu.memory_space<vmem_shared>>
        tpu.wait_indirect_dma semaphore(%arg32 : memref<!tpu.dma_semaphore, #tpu.memory_space<semaphore_mem>>) src(%arg25 : memref<120x128xf32, #tpu.memory_space<vmem>>) dst(%dma_wait3A_151 : memref<10112x128xf32, #tpu.memory_space<vmem_shared>>)
        %add3A_152 = arith.constant 4 : i32
        %add3A_153 = arith.addi %add3A_148, %add3A_152 : i32
        %lt3A_154 = arith.constant 168 : i32
        %lt3A_155 = arith.cmpi slt, %add3A_153, %lt3A_154 : i32
        %convert_element_type3A_156 = arith.extui %lt3A_155 : i1 to i32
        %cond3A_157 = arith.constant 0 : i32
        %cond3A_158 = arith.cmpi ne, %convert_element_type3A_156, %cond3A_157 : i32
        scf.if %cond3A_158 {
          %add3A_222 = arith.constant 4 : i32
          %add3A_223 = arith.addi %add3A_148, %add3A_222 : i32
          %mul3A_224 = arith.constant 120 : i32
          %mul3A_225 = arith.muli %add3A_223, %mul3A_224 : i32
          %add3A_226 = arith.addi %mul3A_22, %mul3A_225 : i32
          %multiple_of3A_227 = tpu.assume_multiple %add3A_226, 8 : i32
          %dma_start3A_228 = tpu.memref_slice %arg3[%multiple_of3A_227] : memref<322560xi32, #tpu.memory_space<hbm>> -> memref<120xi32, #tpu.memory_space<hbm>>
          %dma_start3A_229 = tpu.memref_slice %arg3[%multiple_of3A_227] : memref<322560xi32, #tpu.memory_space<hbm>> -> memref<120xi32, #tpu.memory_space<hbm>>
          tpu.enqueue_dma source(%dma_start3A_229 : memref<120xi32, #tpu.memory_space<hbm>>) target(%arg12 : memref<120xi32, #tpu.memory_space<vmem>>) target_semaphore(%arg34 : memref<!tpu.dma_semaphore, #tpu.memory_space<semaphore_mem>>)
          %dma_start3A_230 = tpu.memref_slice %arg4[%multiple_of3A_227] : memref<322560xi32, #tpu.memory_space<hbm>> -> memref<120xi32, #tpu.memory_space<hbm>>
          %dma_start3A_231 = tpu.memref_slice %arg4[%multiple_of3A_227] : memref<322560xi32, #tpu.memory_space<hbm>> -> memref<120xi32, #tpu.memory_space<hbm>>
          tpu.enqueue_dma source(%dma_start3A_231 : memref<120xi32, #tpu.memory_space<hbm>>) target(%arg18 : memref<120xi32, #tpu.memory_space<vmem>>) target_semaphore(%arg34 : memref<!tpu.dma_semaphore, #tpu.memory_space<semaphore_mem>>)
        } else {
        }
        %add3A_159 = arith.constant 2 : i32
        %add3A_160 = arith.addi %add3A_148, %add3A_159 : i32
        %lt3A_161 = arith.constant 168 : i32
        %lt3A_162 = arith.cmpi slt, %add3A_160, %lt3A_161 : i32
        %convert_element_type3A_163 = arith.extui %lt3A_162 : i1 to i32
        %cond3A_164 = arith.constant 0 : i32
        %cond3A_165 = arith.cmpi ne, %convert_element_type3A_163, %cond3A_164 : i32
        scf.if %cond3A_165 {
          %dma_wait3A_222 = tpu.memref_slice %arg3[%mul3A_22] : memref<322560xi32, #tpu.memory_space<hbm>> -> memref<120xi32, #tpu.memory_space<hbm>>
          %dma_wait3A_223 = tpu.memref_slice %arg3[%mul3A_22] : memref<322560xi32, #tpu.memory_space<hbm>> -> memref<120xi32, #tpu.memory_space<hbm>>
          tpu.wait_dma2 semaphore(%arg38 : memref<!tpu.dma_semaphore, #tpu.memory_space<semaphore_mem>>) src(%dma_wait3A_223 : memref<120xi32, #tpu.memory_space<hbm>>) dst(%arg16 : memref<120xi32, #tpu.memory_space<vmem>>)
          %dma_wait3A_224 = tpu.memref_slice %arg4[%mul3A_22] : memref<322560xi32, #tpu.memory_space<hbm>> -> memref<120xi32, #tpu.memory_space<hbm>>
          %dma_wait3A_225 = tpu.memref_slice %arg4[%mul3A_22] : memref<322560xi32, #tpu.memory_space<hbm>> -> memref<120xi32, #tpu.memory_space<hbm>>
          tpu.wait_dma2 semaphore(%arg38 : memref<!tpu.dma_semaphore, #tpu.memory_space<semaphore_mem>>) src(%dma_wait3A_225 : memref<120xi32, #tpu.memory_space<hbm>>) dst(%arg22 : memref<120xi32, #tpu.memory_space<vmem>>)
          %dma_start3A_226 = arith.constant 0 : i32
          %dma_start3A_227 = arith.constant 0 : i32
          %dma_start3A_228 = tpu.memref_slice %arg2[%dma_start3A_226, %dma_start3A_227] : memref<10112x128xf32, #tpu.memory_space<hbm>> -> memref<10112x128xf32, #tpu.memory_space<hbm>>
          tpu.enqueue_indirect_dma source(%dma_start3A_228 : memref<10112x128xf32, #tpu.memory_space<hbm>>) target(%arg25 : memref<120x128xf32, #tpu.memory_space<vmem>>) offsets(%arg16 : memref<120xi32, #tpu.memory_space<vmem>>) semaphore(%arg29 : memref<!tpu.dma_semaphore, #tpu.memory_space<semaphore_mem>>)
        } else {
        }
        %dma_wait3A_166 = arith.constant 0 : i32
        %dma_wait3A_167 = arith.constant 0 : i32
        %dma_wait3A_168 = tpu.memref_slice %arg2[%dma_wait3A_166, %dma_wait3A_167] : memref<10112x128xf32, #tpu.memory_space<hbm>> -> memref<10112x128xf32, #tpu.memory_space<hbm>>
        tpu.wait_indirect_dma semaphore(%arg27 : memref<!tpu.dma_semaphore, #tpu.memory_space<semaphore_mem>>) src(%dma_wait3A_168 : memref<10112x128xf32, #tpu.memory_space<hbm>>) dst(%arg23 : memref<120x128xf32, #tpu.memory_space<vmem>>)
        %dma_start3A_169 = arith.constant 0 : i32
        %dma_start3A_170 = arith.constant 0 : i32
        %dma_start3A_171 = tpu.memref_slice %arg26[%dma_start3A_169, %dma_start3A_170] : memref<10112x128xf32, #tpu.memory_space<vmem_shared>> -> memref<10112x128xf32, #tpu.memory_space<vmem_shared>>
        tpu.enqueue_indirect_dma source(%arg23 : memref<120x128xf32, #tpu.memory_space<vmem>>) target(%dma_start3A_171 : memref<10112x128xf32, #tpu.memory_space<vmem_shared>>) offsets(%arg20 : memref<120xi32, #tpu.memory_space<vmem>>) semaphore(%arg30 : memref<!tpu.dma_semaphore, #tpu.memory_space<semaphore_mem>>) {add = true}
        %add3A_172 = arith.constant 4 : i32
        %add3A_173 = arith.addi %mul3A_71, %add3A_172 : i32
        %dma_wait3A_174 = arith.constant 0 : i32
        %dma_wait3A_175 = arith.constant 0 : i32
        %dma_wait3A_176 = tpu.memref_slice %arg26[%dma_wait3A_174, %dma_wait3A_175] : memref<10112x128xf32, #tpu.memory_space<vmem_shared>> -> memref<10112x128xf32, #tpu.memory_space<vmem_shared>>
        tpu.wait_indirect_dma semaphore(%arg30 : memref<!tpu.dma_semaphore, #tpu.memory_space<semaphore_mem>>) src(%arg23 : memref<120x128xf32, #tpu.memory_space<vmem>>) dst(%dma_wait3A_176 : memref<10112x128xf32, #tpu.memory_space<vmem_shared>>)
        %add3A_177 = arith.constant 4 : i32
        %add3A_178 = arith.addi %add3A_173, %add3A_177 : i32
        %lt3A_179 = arith.constant 168 : i32
        %lt3A_180 = arith.cmpi slt, %add3A_178, %lt3A_179 : i32
        %convert_element_type3A_181 = arith.extui %lt3A_180 : i1 to i32
        %cond3A_182 = arith.constant 0 : i32
        %cond3A_183 = arith.cmpi ne, %convert_element_type3A_181, %cond3A_182 : i32
        scf.if %cond3A_183 {
          %add3A_222 = arith.constant 4 : i32
          %add3A_223 = arith.addi %add3A_173, %add3A_222 : i32
          %mul3A_224 = arith.constant 120 : i32
          %mul3A_225 = arith.muli %add3A_223, %mul3A_224 : i32
          %add3A_226 = arith.addi %mul3A_22, %mul3A_225 : i32
          %multiple_of3A_227 = tpu.assume_multiple %add3A_226, 8 : i32
          %dma_start3A_228 = tpu.memref_slice %arg3[%multiple_of3A_227] : memref<322560xi32, #tpu.memory_space<hbm>> -> memref<120xi32, #tpu.memory_space<hbm>>
          %dma_start3A_229 = tpu.memref_slice %arg3[%multiple_of3A_227] : memref<322560xi32, #tpu.memory_space<hbm>> -> memref<120xi32, #tpu.memory_space<hbm>>
          tpu.enqueue_dma source(%dma_start3A_229 : memref<120xi32, #tpu.memory_space<hbm>>) target(%arg13 : memref<120xi32, #tpu.memory_space<vmem>>) target_semaphore(%arg35 : memref<!tpu.dma_semaphore, #tpu.memory_space<semaphore_mem>>)
          %dma_start3A_230 = tpu.memref_slice %arg4[%multiple_of3A_227] : memref<322560xi32, #tpu.memory_space<hbm>> -> memref<120xi32, #tpu.memory_space<hbm>>
          %dma_start3A_231 = tpu.memref_slice %arg4[%multiple_of3A_227] : memref<322560xi32, #tpu.memory_space<hbm>> -> memref<120xi32, #tpu.memory_space<hbm>>
          tpu.enqueue_dma source(%dma_start3A_231 : memref<120xi32, #tpu.memory_space<hbm>>) target(%arg19 : memref<120xi32, #tpu.memory_space<vmem>>) target_semaphore(%arg35 : memref<!tpu.dma_semaphore, #tpu.memory_space<semaphore_mem>>)
        } else {
        }
        %add3A_184 = arith.constant 2 : i32
        %add3A_185 = arith.addi %add3A_173, %add3A_184 : i32
        %lt3A_186 = arith.constant 168 : i32
        %lt3A_187 = arith.cmpi slt, %add3A_185, %lt3A_186 : i32
        %convert_element_type3A_188 = arith.extui %lt3A_187 : i1 to i32
        %cond3A_189 = arith.constant 0 : i32
        %cond3A_190 = arith.cmpi ne, %convert_element_type3A_188, %cond3A_189 : i32
        scf.if %cond3A_190 {
          %dma_wait3A_222 = tpu.memref_slice %arg3[%mul3A_22] : memref<322560xi32, #tpu.memory_space<hbm>> -> memref<120xi32, #tpu.memory_space<hbm>>
          %dma_wait3A_223 = tpu.memref_slice %arg3[%mul3A_22] : memref<322560xi32, #tpu.memory_space<hbm>> -> memref<120xi32, #tpu.memory_space<hbm>>
          tpu.wait_dma2 semaphore(%arg33 : memref<!tpu.dma_semaphore, #tpu.memory_space<semaphore_mem>>) src(%dma_wait3A_223 : memref<120xi32, #tpu.memory_space<hbm>>) dst(%arg11 : memref<120xi32, #tpu.memory_space<vmem>>)
          %dma_wait3A_224 = tpu.memref_slice %arg4[%mul3A_22] : memref<322560xi32, #tpu.memory_space<hbm>> -> memref<120xi32, #tpu.memory_space<hbm>>
          %dma_wait3A_225 = tpu.memref_slice %arg4[%mul3A_22] : memref<322560xi32, #tpu.memory_space<hbm>> -> memref<120xi32, #tpu.memory_space<hbm>>
          tpu.wait_dma2 semaphore(%arg33 : memref<!tpu.dma_semaphore, #tpu.memory_space<semaphore_mem>>) src(%dma_wait3A_225 : memref<120xi32, #tpu.memory_space<hbm>>) dst(%arg17 : memref<120xi32, #tpu.memory_space<vmem>>)
          %dma_start3A_226 = arith.constant 0 : i32
          %dma_start3A_227 = arith.constant 0 : i32
          %dma_start3A_228 = tpu.memref_slice %arg2[%dma_start3A_226, %dma_start3A_227] : memref<10112x128xf32, #tpu.memory_space<hbm>> -> memref<10112x128xf32, #tpu.memory_space<hbm>>
          tpu.enqueue_indirect_dma source(%dma_start3A_228 : memref<10112x128xf32, #tpu.memory_space<hbm>>) target(%arg23 : memref<120x128xf32, #tpu.memory_space<vmem>>) offsets(%arg11 : memref<120xi32, #tpu.memory_space<vmem>>) semaphore(%arg27 : memref<!tpu.dma_semaphore, #tpu.memory_space<semaphore_mem>>)
        } else {
        }
        %dma_wait3A_191 = arith.constant 0 : i32
        %dma_wait3A_192 = arith.constant 0 : i32
        %dma_wait3A_193 = tpu.memref_slice %arg2[%dma_wait3A_191, %dma_wait3A_192] : memref<10112x128xf32, #tpu.memory_space<hbm>> -> memref<10112x128xf32, #tpu.memory_space<hbm>>
        tpu.wait_indirect_dma semaphore(%arg28 : memref<!tpu.dma_semaphore, #tpu.memory_space<semaphore_mem>>) src(%dma_wait3A_193 : memref<10112x128xf32, #tpu.memory_space<hbm>>) dst(%arg24 : memref<120x128xf32, #tpu.memory_space<vmem>>)
        %dma_start3A_194 = arith.constant 0 : i32
        %dma_start3A_195 = arith.constant 0 : i32
        %dma_start3A_196 = tpu.memref_slice %arg26[%dma_start3A_194, %dma_start3A_195] : memref<10112x128xf32, #tpu.memory_space<vmem_shared>> -> memref<10112x128xf32, #tpu.memory_space<vmem_shared>>
        tpu.enqueue_indirect_dma source(%arg24 : memref<120x128xf32, #tpu.memory_space<vmem>>) target(%dma_start3A_196 : memref<10112x128xf32, #tpu.memory_space<vmem_shared>>) offsets(%arg21 : memref<120xi32, #tpu.memory_space<vmem>>) semaphore(%arg31 : memref<!tpu.dma_semaphore, #tpu.memory_space<semaphore_mem>>) {add = true}
        %add3A_197 = arith.constant 5 : i32
        %add3A_198 = arith.addi %mul3A_71, %add3A_197 : i32
        %dma_wait3A_199 = arith.constant 0 : i32
        %dma_wait3A_200 = arith.constant 0 : i32
        %dma_wait3A_201 = tpu.memref_slice %arg26[%dma_wait3A_199, %dma_wait3A_200] : memref<10112x128xf32, #tpu.memory_space<vmem_shared>> -> memref<10112x128xf32, #tpu.memory_space<vmem_shared>>
        tpu.wait_indirect_dma semaphore(%arg31 : memref<!tpu.dma_semaphore, #tpu.memory_space<semaphore_mem>>) src(%arg24 : memref<120x128xf32, #tpu.memory_space<vmem>>) dst(%dma_wait3A_201 : memref<10112x128xf32, #tpu.memory_space<vmem_shared>>)
        %add3A_202 = arith.constant 4 : i32
        %add3A_203 = arith.addi %add3A_198, %add3A_202 : i32
        %lt3A_204 = arith.constant 168 : i32
        %lt3A_205 = arith.cmpi slt, %add3A_203, %lt3A_204 : i32
        %convert_element_type3A_206 = arith.extui %lt3A_205 : i1 to i32
        %cond3A_207 = arith.constant 0 : i32
        %cond3A_208 = arith.cmpi ne, %convert_element_type3A_206, %cond3A_207 : i32
        scf.if %cond3A_208 {
          %add3A_222 = arith.constant 4 : i32
          %add3A_223 = arith.addi %add3A_198, %add3A_222 : i32
          %mul3A_224 = arith.constant 120 : i32
          %mul3A_225 = arith.muli %add3A_223, %mul3A_224 : i32
          %add3A_226 = arith.addi %mul3A_22, %mul3A_225 : i32
          %multiple_of3A_227 = tpu.assume_multiple %add3A_226, 8 : i32
          %dma_start3A_228 = tpu.memref_slice %arg3[%multiple_of3A_227] : memref<322560xi32, #tpu.memory_space<hbm>> -> memref<120xi32, #tpu.memory_space<hbm>>
          %dma_start3A_229 = tpu.memref_slice %arg3[%multiple_of3A_227] : memref<322560xi32, #tpu.memory_space<hbm>> -> memref<120xi32, #tpu.memory_space<hbm>>
          tpu.enqueue_dma source(%dma_start3A_229 : memref<120xi32, #tpu.memory_space<hbm>>) target(%arg14 : memref<120xi32, #tpu.memory_space<vmem>>) target_semaphore(%arg36 : memref<!tpu.dma_semaphore, #tpu.memory_space<semaphore_mem>>)
          %dma_start3A_230 = tpu.memref_slice %arg4[%multiple_of3A_227] : memref<322560xi32, #tpu.memory_space<hbm>> -> memref<120xi32, #tpu.memory_space<hbm>>
          %dma_start3A_231 = tpu.memref_slice %arg4[%multiple_of3A_227] : memref<322560xi32, #tpu.memory_space<hbm>> -> memref<120xi32, #tpu.memory_space<hbm>>
          tpu.enqueue_dma source(%dma_start3A_231 : memref<120xi32, #tpu.memory_space<hbm>>) target(%arg20 : memref<120xi32, #tpu.memory_space<vmem>>) target_semaphore(%arg36 : memref<!tpu.dma_semaphore, #tpu.memory_space<semaphore_mem>>)
        } else {
        }
        %add3A_209 = arith.constant 2 : i32
        %add3A_210 = arith.addi %add3A_198, %add3A_209 : i32
        %lt3A_211 = arith.constant 168 : i32
        %lt3A_212 = arith.cmpi slt, %add3A_210, %lt3A_211 : i32
        %convert_element_type3A_213 = arith.extui %lt3A_212 : i1 to i32
        %cond3A_214 = arith.constant 0 : i32
        %cond3A_215 = arith.cmpi ne, %convert_element_type3A_213, %cond3A_214 : i32
        scf.if %cond3A_215 {
          %dma_wait3A_222 = tpu.memref_slice %arg3[%mul3A_22] : memref<322560xi32, #tpu.memory_space<hbm>> -> memref<120xi32, #tpu.memory_space<hbm>>
          %dma_wait3A_223 = tpu.memref_slice %arg3[%mul3A_22] : memref<322560xi32, #tpu.memory_space<hbm>> -> memref<120xi32, #tpu.memory_space<hbm>>
          tpu.wait_dma2 semaphore(%arg34 : memref<!tpu.dma_semaphore, #tpu.memory_space<semaphore_mem>>) src(%dma_wait3A_223 : memref<120xi32, #tpu.memory_space<hbm>>) dst(%arg12 : memref<120xi32, #tpu.memory_space<vmem>>)
          %dma_wait3A_224 = tpu.memref_slice %arg4[%mul3A_22] : memref<322560xi32, #tpu.memory_space<hbm>> -> memref<120xi32, #tpu.memory_space<hbm>>
          %dma_wait3A_225 = tpu.memref_slice %arg4[%mul3A_22] : memref<322560xi32, #tpu.memory_space<hbm>> -> memref<120xi32, #tpu.memory_space<hbm>>
          tpu.wait_dma2 semaphore(%arg34 : memref<!tpu.dma_semaphore, #tpu.memory_space<semaphore_mem>>) src(%dma_wait3A_225 : memref<120xi32, #tpu.memory_space<hbm>>) dst(%arg18 : memref<120xi32, #tpu.memory_space<vmem>>)
          %dma_start3A_226 = arith.constant 0 : i32
          %dma_start3A_227 = arith.constant 0 : i32
          %dma_start3A_228 = tpu.memref_slice %arg2[%dma_start3A_226, %dma_start3A_227] : memref<10112x128xf32, #tpu.memory_space<hbm>> -> memref<10112x128xf32, #tpu.memory_space<hbm>>
          tpu.enqueue_indirect_dma source(%dma_start3A_228 : memref<10112x128xf32, #tpu.memory_space<hbm>>) target(%arg24 : memref<120x128xf32, #tpu.memory_space<vmem>>) offsets(%arg12 : memref<120xi32, #tpu.memory_space<vmem>>) semaphore(%arg28 : memref<!tpu.dma_semaphore, #tpu.memory_space<semaphore_mem>>)
        } else {
        }
        %dma_wait3A_216 = arith.constant 0 : i32
        %dma_wait3A_217 = arith.constant 0 : i32
        %dma_wait3A_218 = tpu.memref_slice %arg2[%dma_wait3A_216, %dma_wait3A_217] : memref<10112x128xf32, #tpu.memory_space<hbm>> -> memref<10112x128xf32, #tpu.memory_space<hbm>>
        tpu.wait_indirect_dma semaphore(%arg29 : memref<!tpu.dma_semaphore, #tpu.memory_space<semaphore_mem>>) src(%dma_wait3A_218 : memref<10112x128xf32, #tpu.memory_space<hbm>>) dst(%arg25 : memref<120x128xf32, #tpu.memory_space<vmem>>)
        %dma_start3A_219 = arith.constant 0 : i32
        %dma_start3A_220 = arith.constant 0 : i32
        %dma_start3A_221 = tpu.memref_slice %arg26[%dma_start3A_219, %dma_start3A_220] : memref<10112x128xf32, #tpu.memory_space<vmem_shared>> -> memref<10112x128xf32, #tpu.memory_space<vmem_shared>>
        tpu.enqueue_indirect_dma source(%arg25 : memref<120x128xf32, #tpu.memory_space<vmem>>) target(%dma_start3A_221 : memref<10112x128xf32, #tpu.memory_space<vmem_shared>>) offsets(%arg22 : memref<120xi32, #tpu.memory_space<vmem>>) semaphore(%arg32 : memref<!tpu.dma_semaphore, #tpu.memory_space<semaphore_mem>>) {add = true}
      }
      %scan3A_65 = arith.constant 28 : i32
      %dma_wait3A_66 = arith.constant 0 : i32
      %dma_wait3A_67 = arith.constant 0 : i32
      %dma_wait3A_68 = tpu.memref_slice %arg26[%dma_wait3A_66, %dma_wait3A_67] : memref<10112x128xf32, #tpu.memory_space<vmem_shared>> -> memref<10112x128xf32, #tpu.memory_space<vmem_shared>>
      tpu.wait_indirect_dma semaphore(%arg32 : memref<!tpu.dma_semaphore, #tpu.memory_space<semaphore_mem>>) src(%arg25 : memref<120x128xf32, #tpu.memory_space<vmem>>) dst(%dma_wait3A_68 : memref<10112x128xf32, #tpu.memory_space<vmem_shared>>)
    } else {
    }
    %eq3A_3 = arith.constant 1 : i32
    %eq3A_4 = arith.cmpi eq, %arg0, %eq3A_3 : i32
    %convert_element_type3A_5 = arith.extui %eq3A_4 : i1 to i32
    %cond3A_6 = arith.constant 0 : i32
    %cond3A_7 = arith.cmpi ne, %convert_element_type3A_5, %cond3A_6 : i32
    scf.if %cond3A_7 {
      %mul3A_19 = arith.constant 168 : i32
      %mul3A_20 = arith.muli %arg1, %mul3A_19 : i32
      %mul3A_21 = arith.constant 120 : i32
      %mul3A_22 = arith.muli %mul3A_20, %mul3A_21 : i32
      %add3A = arith.constant 0 : i32
      %add3A_23 = arith.addi %mul3A_22, %add3A : i32
      %multiple_of3A = tpu.assume_multiple %add3A_23, 8 : i32
      %dma_start3A = tpu.memref_slice %arg6[%multiple_of3A] : memref<322560xi32, #tpu.memory_space<hbm>> -> memref<120xi32, #tpu.memory_space<hbm>>
      %dma_start3A_24 = tpu.memref_slice %arg6[%multiple_of3A] : memref<322560xi32, #tpu.memory_space<hbm>> -> memref<120xi32, #tpu.memory_space<hbm>>
      tpu.enqueue_dma source(%dma_start3A_24 : memref<120xi32, #tpu.memory_space<hbm>>) target(%arg11 : memref<120xi32, #tpu.memory_space<vmem>>) target_semaphore(%arg33 : memref<!tpu.dma_semaphore, #tpu.memory_space<semaphore_mem>>)
      %dma_start3A_25 = tpu.memref_slice %arg7[%multiple_of3A] : memref<322560xi32, #tpu.memory_space<hbm>> -> memref<120xi32, #tpu.memory_space<hbm>>
      %dma_start3A_26 = tpu.memref_slice %arg7[%multiple_of3A] : memref<322560xi32, #tpu.memory_space<hbm>> -> memref<120xi32, #tpu.memory_space<hbm>>
      tpu.enqueue_dma source(%dma_start3A_26 : memref<120xi32, #tpu.memory_space<hbm>>) target(%arg17 : memref<120xi32, #tpu.memory_space<vmem>>) target_semaphore(%arg33 : memref<!tpu.dma_semaphore, #tpu.memory_space<semaphore_mem>>)
      %add3A_27 = arith.constant 120 : i32
      %add3A_28 = arith.addi %mul3A_22, %add3A_27 : i32
      %multiple_of3A_29 = tpu.assume_multiple %add3A_28, 8 : i32
      %dma_start3A_30 = tpu.memref_slice %arg6[%multiple_of3A_29] : memref<322560xi32, #tpu.memory_space<hbm>> -> memref<120xi32, #tpu.memory_space<hbm>>
      %dma_start3A_31 = tpu.memref_slice %arg6[%multiple_of3A_29] : memref<322560xi32, #tpu.memory_space<hbm>> -> memref<120xi32, #tpu.memory_space<hbm>>
      tpu.enqueue_dma source(%dma_start3A_31 : memref<120xi32, #tpu.memory_space<hbm>>) target(%arg12 : memref<120xi32, #tpu.memory_space<vmem>>) target_semaphore(%arg34 : memref<!tpu.dma_semaphore, #tpu.memory_space<semaphore_mem>>)
      %dma_start3A_32 = tpu.memref_slice %arg7[%multiple_of3A_29] : memref<322560xi32, #tpu.memory_space<hbm>> -> memref<120xi32, #tpu.memory_space<hbm>>
      %dma_start3A_33 = tpu.memref_slice %arg7[%multiple_of3A_29] : memref<322560xi32, #tpu.memory_space<hbm>> -> memref<120xi32, #tpu.memory_space<hbm>>
      tpu.enqueue_dma source(%dma_start3A_33 : memref<120xi32, #tpu.memory_space<hbm>>) target(%arg18 : memref<120xi32, #tpu.memory_space<vmem>>) target_semaphore(%arg34 : memref<!tpu.dma_semaphore, #tpu.memory_space<semaphore_mem>>)
      %add3A_34 = arith.constant 240 : i32
      %add3A_35 = arith.addi %mul3A_22, %add3A_34 : i32
      %multiple_of3A_36 = tpu.assume_multiple %add3A_35, 8 : i32
      %dma_start3A_37 = tpu.memref_slice %arg6[%multiple_of3A_36] : memref<322560xi32, #tpu.memory_space<hbm>> -> memref<120xi32, #tpu.memory_space<hbm>>
      %dma_start3A_38 = tpu.memref_slice %arg6[%multiple_of3A_36] : memref<322560xi32, #tpu.memory_space<hbm>> -> memref<120xi32, #tpu.memory_space<hbm>>
      tpu.enqueue_dma source(%dma_start3A_38 : memref<120xi32, #tpu.memory_space<hbm>>) target(%arg13 : memref<120xi32, #tpu.memory_space<vmem>>) target_semaphore(%arg35 : memref<!tpu.dma_semaphore, #tpu.memory_space<semaphore_mem>>)
      %dma_start3A_39 = tpu.memref_slice %arg7[%multiple_of3A_36] : memref<322560xi32, #tpu.memory_space<hbm>> -> memref<120xi32, #tpu.memory_space<hbm>>
      %dma_start3A_40 = tpu.memref_slice %arg7[%multiple_of3A_36] : memref<322560xi32, #tpu.memory_space<hbm>> -> memref<120xi32, #tpu.memory_space<hbm>>
      tpu.enqueue_dma source(%dma_start3A_40 : memref<120xi32, #tpu.memory_space<hbm>>) target(%arg19 : memref<120xi32, #tpu.memory_space<vmem>>) target_semaphore(%arg35 : memref<!tpu.dma_semaphore, #tpu.memory_space<semaphore_mem>>)
      %add3A_41 = arith.constant 360 : i32
      %add3A_42 = arith.addi %mul3A_22, %add3A_41 : i32
      %multiple_of3A_43 = tpu.assume_multiple %add3A_42, 8 : i32
      %dma_start3A_44 = tpu.memref_slice %arg6[%multiple_of3A_43] : memref<322560xi32, #tpu.memory_space<hbm>> -> memref<120xi32, #tpu.memory_space<hbm>>
      %dma_start3A_45 = tpu.memref_slice %arg6[%multiple_of3A_43] : memref<322560xi32, #tpu.memory_space<hbm>> -> memref<120xi32, #tpu.memory_space<hbm>>
      tpu.enqueue_dma source(%dma_start3A_45 : memref<120xi32, #tpu.memory_space<hbm>>) target(%arg14 : memref<120xi32, #tpu.memory_space<vmem>>) target_semaphore(%arg36 : memref<!tpu.dma_semaphore, #tpu.memory_space<semaphore_mem>>)
      %dma_start3A_46 = tpu.memref_slice %arg7[%multiple_of3A_43] : memref<322560xi32, #tpu.memory_space<hbm>> -> memref<120xi32, #tpu.memory_space<hbm>>
      %dma_start3A_47 = tpu.memref_slice %arg7[%multiple_of3A_43] : memref<322560xi32, #tpu.memory_space<hbm>> -> memref<120xi32, #tpu.memory_space<hbm>>
      tpu.enqueue_dma source(%dma_start3A_47 : memref<120xi32, #tpu.memory_space<hbm>>) target(%arg20 : memref<120xi32, #tpu.memory_space<vmem>>) target_semaphore(%arg36 : memref<!tpu.dma_semaphore, #tpu.memory_space<semaphore_mem>>)
      %dma_wait3A = tpu.memref_slice %arg6[%mul3A_22] : memref<322560xi32, #tpu.memory_space<hbm>> -> memref<120xi32, #tpu.memory_space<hbm>>
      %dma_wait3A_48 = tpu.memref_slice %arg6[%mul3A_22] : memref<322560xi32, #tpu.memory_space<hbm>> -> memref<120xi32, #tpu.memory_space<hbm>>
      tpu.wait_dma2 semaphore(%arg33 : memref<!tpu.dma_semaphore, #tpu.memory_space<semaphore_mem>>) src(%dma_wait3A_48 : memref<120xi32, #tpu.memory_space<hbm>>) dst(%arg11 : memref<120xi32, #tpu.memory_space<vmem>>)
      %dma_wait3A_49 = tpu.memref_slice %arg7[%mul3A_22] : memref<322560xi32, #tpu.memory_space<hbm>> -> memref<120xi32, #tpu.memory_space<hbm>>
      %dma_wait3A_50 = tpu.memref_slice %arg7[%mul3A_22] : memref<322560xi32, #tpu.memory_space<hbm>> -> memref<120xi32, #tpu.memory_space<hbm>>
      tpu.wait_dma2 semaphore(%arg33 : memref<!tpu.dma_semaphore, #tpu.memory_space<semaphore_mem>>) src(%dma_wait3A_50 : memref<120xi32, #tpu.memory_space<hbm>>) dst(%arg17 : memref<120xi32, #tpu.memory_space<vmem>>)
      %dma_start3A_51 = arith.constant 0 : i32
      %dma_start3A_52 = arith.constant 0 : i32
      %dma_start3A_53 = tpu.memref_slice %arg5[%dma_start3A_51, %dma_start3A_52] : memref<10112x128xf32, #tpu.memory_space<hbm>> -> memref<10112x128xf32, #tpu.memory_space<hbm>>
      tpu.enqueue_indirect_dma source(%dma_start3A_53 : memref<10112x128xf32, #tpu.memory_space<hbm>>) target(%arg23 : memref<120x128xf32, #tpu.memory_space<vmem>>) offsets(%arg11 : memref<120xi32, #tpu.memory_space<vmem>>) semaphore(%arg27 : memref<!tpu.dma_semaphore, #tpu.memory_space<semaphore_mem>>)
      %dma_wait3A_54 = tpu.memref_slice %arg6[%mul3A_22] : memref<322560xi32, #tpu.memory_space<hbm>> -> memref<120xi32, #tpu.memory_space<hbm>>
      %dma_wait3A_55 = tpu.memref_slice %arg6[%mul3A_22] : memref<322560xi32, #tpu.memory_space<hbm>> -> memref<120xi32, #tpu.memory_space<hbm>>
      tpu.wait_dma2 semaphore(%arg34 : memref<!tpu.dma_semaphore, #tpu.memory_space<semaphore_mem>>) src(%dma_wait3A_55 : memref<120xi32, #tpu.memory_space<hbm>>) dst(%arg12 : memref<120xi32, #tpu.memory_space<vmem>>)
      %dma_wait3A_56 = tpu.memref_slice %arg7[%mul3A_22] : memref<322560xi32, #tpu.memory_space<hbm>> -> memref<120xi32, #tpu.memory_space<hbm>>
      %dma_wait3A_57 = tpu.memref_slice %arg7[%mul3A_22] : memref<322560xi32, #tpu.memory_space<hbm>> -> memref<120xi32, #tpu.memory_space<hbm>>
      tpu.wait_dma2 semaphore(%arg34 : memref<!tpu.dma_semaphore, #tpu.memory_space<semaphore_mem>>) src(%dma_wait3A_57 : memref<120xi32, #tpu.memory_space<hbm>>) dst(%arg18 : memref<120xi32, #tpu.memory_space<vmem>>)
      %dma_start3A_58 = arith.constant 0 : i32
      %dma_start3A_59 = arith.constant 0 : i32
      %dma_start3A_60 = tpu.memref_slice %arg5[%dma_start3A_58, %dma_start3A_59] : memref<10112x128xf32, #tpu.memory_space<hbm>> -> memref<10112x128xf32, #tpu.memory_space<hbm>>
      tpu.enqueue_indirect_dma source(%dma_start3A_60 : memref<10112x128xf32, #tpu.memory_space<hbm>>) target(%arg24 : memref<120x128xf32, #tpu.memory_space<vmem>>) offsets(%arg12 : memref<120xi32, #tpu.memory_space<vmem>>) semaphore(%arg28 : memref<!tpu.dma_semaphore, #tpu.memory_space<semaphore_mem>>)
      %scan3A = arith.constant 0 : i32
      %scan3A_61 = arith.constant 0 : i32
      %scan3A_62 = arith.constant 28 : i32
      %scan3A_63 = arith.addi %scan3A_61, %scan3A_62 : i32
      %scan3A_64 = arith.constant 1 : i32
      scf.for %scan3A_69 = %scan3A_61 to %scan3A_63 step %scan3A_64  : i32 {
        %mul3A_70 = arith.constant 6 : i32
        %mul3A_71 = arith.muli %mul3A_70, %scan3A_69 : i32
        %add3A_72 = arith.constant 0 : i32
        %add3A_73 = arith.addi %mul3A_71, %add3A_72 : i32
        %gt3A = arith.constant 0 : i32
        %gt3A_74 = arith.cmpi sgt, %mul3A_71, %gt3A : i32
        %convert_element_type3A_75 = arith.extui %gt3A_74 : i1 to i32
        %cond3A_76 = arith.constant 0 : i32
        %cond3A_77 = arith.cmpi ne, %convert_element_type3A_75, %cond3A_76 : i32
        scf.if %cond3A_77 {
          %dma_wait3A_222 = arith.constant 0 : i32
          %dma_wait3A_223 = arith.constant 0 : i32
          %dma_wait3A_224 = tpu.memref_slice %arg26[%dma_wait3A_222, %dma_wait3A_223] : memref<10112x128xf32, #tpu.memory_space<vmem_shared>> -> memref<10112x128xf32, #tpu.memory_space<vmem_shared>>
          tpu.wait_indirect_dma semaphore(%arg32 : memref<!tpu.dma_semaphore, #tpu.memory_space<semaphore_mem>>) src(%arg25 : memref<120x128xf32, #tpu.memory_space<vmem>>) dst(%dma_wait3A_224 : memref<10112x128xf32, #tpu.memory_space<vmem_shared>>)
        } else {
        }
        %add3A_78 = arith.constant 4 : i32
        %add3A_79 = arith.addi %add3A_73, %add3A_78 : i32
        %lt3A = arith.constant 168 : i32
        %lt3A_80 = arith.cmpi slt, %add3A_79, %lt3A : i32
        %convert_element_type3A_81 = arith.extui %lt3A_80 : i1 to i32
        %cond3A_82 = arith.constant 0 : i32
        %cond3A_83 = arith.cmpi ne, %convert_element_type3A_81, %cond3A_82 : i32
        scf.if %cond3A_83 {
          %add3A_222 = arith.constant 4 : i32
          %add3A_223 = arith.addi %add3A_73, %add3A_222 : i32
          %mul3A_224 = arith.constant 120 : i32
          %mul3A_225 = arith.muli %add3A_223, %mul3A_224 : i32
          %add3A_226 = arith.addi %mul3A_22, %mul3A_225 : i32
          %multiple_of3A_227 = tpu.assume_multiple %add3A_226, 8 : i32
          %dma_start3A_228 = tpu.memref_slice %arg6[%multiple_of3A_227] : memref<322560xi32, #tpu.memory_space<hbm>> -> memref<120xi32, #tpu.memory_space<hbm>>
          %dma_start3A_229 = tpu.memref_slice %arg6[%multiple_of3A_227] : memref<322560xi32, #tpu.memory_space<hbm>> -> memref<120xi32, #tpu.memory_space<hbm>>
          tpu.enqueue_dma source(%dma_start3A_229 : memref<120xi32, #tpu.memory_space<hbm>>) target(%arg15 : memref<120xi32, #tpu.memory_space<vmem>>) target_semaphore(%arg37 : memref<!tpu.dma_semaphore, #tpu.memory_space<semaphore_mem>>)
          %dma_start3A_230 = tpu.memref_slice %arg7[%multiple_of3A_227] : memref<322560xi32, #tpu.memory_space<hbm>> -> memref<120xi32, #tpu.memory_space<hbm>>
          %dma_start3A_231 = tpu.memref_slice %arg7[%multiple_of3A_227] : memref<322560xi32, #tpu.memory_space<hbm>> -> memref<120xi32, #tpu.memory_space<hbm>>
          tpu.enqueue_dma source(%dma_start3A_231 : memref<120xi32, #tpu.memory_space<hbm>>) target(%arg21 : memref<120xi32, #tpu.memory_space<vmem>>) target_semaphore(%arg37 : memref<!tpu.dma_semaphore, #tpu.memory_space<semaphore_mem>>)
        } else {
        }
        %add3A_84 = arith.constant 2 : i32
        %add3A_85 = arith.addi %add3A_73, %add3A_84 : i32
        %lt3A_86 = arith.constant 168 : i32
        %lt3A_87 = arith.cmpi slt, %add3A_85, %lt3A_86 : i32
        %convert_element_type3A_88 = arith.extui %lt3A_87 : i1 to i32
        %cond3A_89 = arith.constant 0 : i32
        %cond3A_90 = arith.cmpi ne, %convert_element_type3A_88, %cond3A_89 : i32
        scf.if %cond3A_90 {
          %dma_wait3A_222 = tpu.memref_slice %arg6[%mul3A_22] : memref<322560xi32, #tpu.memory_space<hbm>> -> memref<120xi32, #tpu.memory_space<hbm>>
          %dma_wait3A_223 = tpu.memref_slice %arg6[%mul3A_22] : memref<322560xi32, #tpu.memory_space<hbm>> -> memref<120xi32, #tpu.memory_space<hbm>>
          tpu.wait_dma2 semaphore(%arg35 : memref<!tpu.dma_semaphore, #tpu.memory_space<semaphore_mem>>) src(%dma_wait3A_223 : memref<120xi32, #tpu.memory_space<hbm>>) dst(%arg13 : memref<120xi32, #tpu.memory_space<vmem>>)
          %dma_wait3A_224 = tpu.memref_slice %arg7[%mul3A_22] : memref<322560xi32, #tpu.memory_space<hbm>> -> memref<120xi32, #tpu.memory_space<hbm>>
          %dma_wait3A_225 = tpu.memref_slice %arg7[%mul3A_22] : memref<322560xi32, #tpu.memory_space<hbm>> -> memref<120xi32, #tpu.memory_space<hbm>>
          tpu.wait_dma2 semaphore(%arg35 : memref<!tpu.dma_semaphore, #tpu.memory_space<semaphore_mem>>) src(%dma_wait3A_225 : memref<120xi32, #tpu.memory_space<hbm>>) dst(%arg19 : memref<120xi32, #tpu.memory_space<vmem>>)
          %dma_start3A_226 = arith.constant 0 : i32
          %dma_start3A_227 = arith.constant 0 : i32
          %dma_start3A_228 = tpu.memref_slice %arg5[%dma_start3A_226, %dma_start3A_227] : memref<10112x128xf32, #tpu.memory_space<hbm>> -> memref<10112x128xf32, #tpu.memory_space<hbm>>
          tpu.enqueue_indirect_dma source(%dma_start3A_228 : memref<10112x128xf32, #tpu.memory_space<hbm>>) target(%arg25 : memref<120x128xf32, #tpu.memory_space<vmem>>) offsets(%arg13 : memref<120xi32, #tpu.memory_space<vmem>>) semaphore(%arg29 : memref<!tpu.dma_semaphore, #tpu.memory_space<semaphore_mem>>)
        } else {
        }
        %dma_wait3A_91 = arith.constant 0 : i32
        %dma_wait3A_92 = arith.constant 0 : i32
        %dma_wait3A_93 = tpu.memref_slice %arg5[%dma_wait3A_91, %dma_wait3A_92] : memref<10112x128xf32, #tpu.memory_space<hbm>> -> memref<10112x128xf32, #tpu.memory_space<hbm>>
        tpu.wait_indirect_dma semaphore(%arg27 : memref<!tpu.dma_semaphore, #tpu.memory_space<semaphore_mem>>) src(%dma_wait3A_93 : memref<10112x128xf32, #tpu.memory_space<hbm>>) dst(%arg23 : memref<120x128xf32, #tpu.memory_space<vmem>>)
        %dma_start3A_94 = arith.constant 0 : i32
        %dma_start3A_95 = arith.constant 0 : i32
        %dma_start3A_96 = tpu.memref_slice %arg26[%dma_start3A_94, %dma_start3A_95] : memref<10112x128xf32, #tpu.memory_space<vmem_shared>> -> memref<10112x128xf32, #tpu.memory_space<vmem_shared>>
        tpu.enqueue_indirect_dma source(%arg23 : memref<120x128xf32, #tpu.memory_space<vmem>>) target(%dma_start3A_96 : memref<10112x128xf32, #tpu.memory_space<vmem_shared>>) offsets(%arg17 : memref<120xi32, #tpu.memory_space<vmem>>) semaphore(%arg30 : memref<!tpu.dma_semaphore, #tpu.memory_space<semaphore_mem>>) {add = true}
        %add3A_97 = arith.constant 1 : i32
        %add3A_98 = arith.addi %mul3A_71, %add3A_97 : i32
        %dma_wait3A_99 = arith.constant 0 : i32
        %dma_wait3A_100 = arith.constant 0 : i32
        %dma_wait3A_101 = tpu.memref_slice %arg26[%dma_wait3A_99, %dma_wait3A_100] : memref<10112x128xf32, #tpu.memory_space<vmem_shared>> -> memref<10112x128xf32, #tpu.memory_space<vmem_shared>>
        tpu.wait_indirect_dma semaphore(%arg30 : memref<!tpu.dma_semaphore, #tpu.memory_space<semaphore_mem>>) src(%arg23 : memref<120x128xf32, #tpu.memory_space<vmem>>) dst(%dma_wait3A_101 : memref<10112x128xf32, #tpu.memory_space<vmem_shared>>)
        %add3A_102 = arith.constant 4 : i32
        %add3A_103 = arith.addi %add3A_98, %add3A_102 : i32
        %lt3A_104 = arith.constant 168 : i32
        %lt3A_105 = arith.cmpi slt, %add3A_103, %lt3A_104 : i32
        %convert_element_type3A_106 = arith.extui %lt3A_105 : i1 to i32
        %cond3A_107 = arith.constant 0 : i32
        %cond3A_108 = arith.cmpi ne, %convert_element_type3A_106, %cond3A_107 : i32
        scf.if %cond3A_108 {
          %add3A_222 = arith.constant 4 : i32
          %add3A_223 = arith.addi %add3A_98, %add3A_222 : i32
          %mul3A_224 = arith.constant 120 : i32
          %mul3A_225 = arith.muli %add3A_223, %mul3A_224 : i32
          %add3A_226 = arith.addi %mul3A_22, %mul3A_225 : i32
          %multiple_of3A_227 = tpu.assume_multiple %add3A_226, 8 : i32
          %dma_start3A_228 = tpu.memref_slice %arg6[%multiple_of3A_227] : memref<322560xi32, #tpu.memory_space<hbm>> -> memref<120xi32, #tpu.memory_space<hbm>>
          %dma_start3A_229 = tpu.memref_slice %arg6[%multiple_of3A_227] : memref<322560xi32, #tpu.memory_space<hbm>> -> memref<120xi32, #tpu.memory_space<hbm>>
          tpu.enqueue_dma source(%dma_start3A_229 : memref<120xi32, #tpu.memory_space<hbm>>) target(%arg16 : memref<120xi32, #tpu.memory_space<vmem>>) target_semaphore(%arg38 : memref<!tpu.dma_semaphore, #tpu.memory_space<semaphore_mem>>)
          %dma_start3A_230 = tpu.memref_slice %arg7[%multiple_of3A_227] : memref<322560xi32, #tpu.memory_space<hbm>> -> memref<120xi32, #tpu.memory_space<hbm>>
          %dma_start3A_231 = tpu.memref_slice %arg7[%multiple_of3A_227] : memref<322560xi32, #tpu.memory_space<hbm>> -> memref<120xi32, #tpu.memory_space<hbm>>
          tpu.enqueue_dma source(%dma_start3A_231 : memref<120xi32, #tpu.memory_space<hbm>>) target(%arg22 : memref<120xi32, #tpu.memory_space<vmem>>) target_semaphore(%arg38 : memref<!tpu.dma_semaphore, #tpu.memory_space<semaphore_mem>>)
        } else {
        }
        %add3A_109 = arith.constant 2 : i32
        %add3A_110 = arith.addi %add3A_98, %add3A_109 : i32
        %lt3A_111 = arith.constant 168 : i32
        %lt3A_112 = arith.cmpi slt, %add3A_110, %lt3A_111 : i32
        %convert_element_type3A_113 = arith.extui %lt3A_112 : i1 to i32
        %cond3A_114 = arith.constant 0 : i32
        %cond3A_115 = arith.cmpi ne, %convert_element_type3A_113, %cond3A_114 : i32
        scf.if %cond3A_115 {
          %dma_wait3A_222 = tpu.memref_slice %arg6[%mul3A_22] : memref<322560xi32, #tpu.memory_space<hbm>> -> memref<120xi32, #tpu.memory_space<hbm>>
          %dma_wait3A_223 = tpu.memref_slice %arg6[%mul3A_22] : memref<322560xi32, #tpu.memory_space<hbm>> -> memref<120xi32, #tpu.memory_space<hbm>>
          tpu.wait_dma2 semaphore(%arg36 : memref<!tpu.dma_semaphore, #tpu.memory_space<semaphore_mem>>) src(%dma_wait3A_223 : memref<120xi32, #tpu.memory_space<hbm>>) dst(%arg14 : memref<120xi32, #tpu.memory_space<vmem>>)
          %dma_wait3A_224 = tpu.memref_slice %arg7[%mul3A_22] : memref<322560xi32, #tpu.memory_space<hbm>> -> memref<120xi32, #tpu.memory_space<hbm>>
          %dma_wait3A_225 = tpu.memref_slice %arg7[%mul3A_22] : memref<322560xi32, #tpu.memory_space<hbm>> -> memref<120xi32, #tpu.memory_space<hbm>>
          tpu.wait_dma2 semaphore(%arg36 : memref<!tpu.dma_semaphore, #tpu.memory_space<semaphore_mem>>) src(%dma_wait3A_225 : memref<120xi32, #tpu.memory_space<hbm>>) dst(%arg20 : memref<120xi32, #tpu.memory_space<vmem>>)
          %dma_start3A_226 = arith.constant 0 : i32
          %dma_start3A_227 = arith.constant 0 : i32
          %dma_start3A_228 = tpu.memref_slice %arg5[%dma_start3A_226, %dma_start3A_227] : memref<10112x128xf32, #tpu.memory_space<hbm>> -> memref<10112x128xf32, #tpu.memory_space<hbm>>
          tpu.enqueue_indirect_dma source(%dma_start3A_228 : memref<10112x128xf32, #tpu.memory_space<hbm>>) target(%arg23 : memref<120x128xf32, #tpu.memory_space<vmem>>) offsets(%arg14 : memref<120xi32, #tpu.memory_space<vmem>>) semaphore(%arg27 : memref<!tpu.dma_semaphore, #tpu.memory_space<semaphore_mem>>)
        } else {
        }
        %dma_wait3A_116 = arith.constant 0 : i32
        %dma_wait3A_117 = arith.constant 0 : i32
        %dma_wait3A_118 = tpu.memref_slice %arg5[%dma_wait3A_116, %dma_wait3A_117] : memref<10112x128xf32, #tpu.memory_space<hbm>> -> memref<10112x128xf32, #tpu.memory_space<hbm>>
        tpu.wait_indirect_dma semaphore(%arg28 : memref<!tpu.dma_semaphore, #tpu.memory_space<semaphore_mem>>) src(%dma_wait3A_118 : memref<10112x128xf32, #tpu.memory_space<hbm>>) dst(%arg24 : memref<120x128xf32, #tpu.memory_space<vmem>>)
        %dma_start3A_119 = arith.constant 0 : i32
        %dma_start3A_120 = arith.constant 0 : i32
        %dma_start3A_121 = tpu.memref_slice %arg26[%dma_start3A_119, %dma_start3A_120] : memref<10112x128xf32, #tpu.memory_space<vmem_shared>> -> memref<10112x128xf32, #tpu.memory_space<vmem_shared>>
        tpu.enqueue_indirect_dma source(%arg24 : memref<120x128xf32, #tpu.memory_space<vmem>>) target(%dma_start3A_121 : memref<10112x128xf32, #tpu.memory_space<vmem_shared>>) offsets(%arg18 : memref<120xi32, #tpu.memory_space<vmem>>) semaphore(%arg31 : memref<!tpu.dma_semaphore, #tpu.memory_space<semaphore_mem>>) {add = true}
        %add3A_122 = arith.constant 2 : i32
        %add3A_123 = arith.addi %mul3A_71, %add3A_122 : i32
        %dma_wait3A_124 = arith.constant 0 : i32
        %dma_wait3A_125 = arith.constant 0 : i32
        %dma_wait3A_126 = tpu.memref_slice %arg26[%dma_wait3A_124, %dma_wait3A_125] : memref<10112x128xf32, #tpu.memory_space<vmem_shared>> -> memref<10112x128xf32, #tpu.memory_space<vmem_shared>>
        tpu.wait_indirect_dma semaphore(%arg31 : memref<!tpu.dma_semaphore, #tpu.memory_space<semaphore_mem>>) src(%arg24 : memref<120x128xf32, #tpu.memory_space<vmem>>) dst(%dma_wait3A_126 : memref<10112x128xf32, #tpu.memory_space<vmem_shared>>)
        %add3A_127 = arith.constant 4 : i32
        %add3A_128 = arith.addi %add3A_123, %add3A_127 : i32
        %lt3A_129 = arith.constant 168 : i32
        %lt3A_130 = arith.cmpi slt, %add3A_128, %lt3A_129 : i32
        %convert_element_type3A_131 = arith.extui %lt3A_130 : i1 to i32
        %cond3A_132 = arith.constant 0 : i32
        %cond3A_133 = arith.cmpi ne, %convert_element_type3A_131, %cond3A_132 : i32
        scf.if %cond3A_133 {
          %add3A_222 = arith.constant 4 : i32
          %add3A_223 = arith.addi %add3A_123, %add3A_222 : i32
          %mul3A_224 = arith.constant 120 : i32
          %mul3A_225 = arith.muli %add3A_223, %mul3A_224 : i32
          %add3A_226 = arith.addi %mul3A_22, %mul3A_225 : i32
          %multiple_of3A_227 = tpu.assume_multiple %add3A_226, 8 : i32
          %dma_start3A_228 = tpu.memref_slice %arg6[%multiple_of3A_227] : memref<322560xi32, #tpu.memory_space<hbm>> -> memref<120xi32, #tpu.memory_space<hbm>>
          %dma_start3A_229 = tpu.memref_slice %arg6[%multiple_of3A_227] : memref<322560xi32, #tpu.memory_space<hbm>> -> memref<120xi32, #tpu.memory_space<hbm>>
          tpu.enqueue_dma source(%dma_start3A_229 : memref<120xi32, #tpu.memory_space<hbm>>) target(%arg11 : memref<120xi32, #tpu.memory_space<vmem>>) target_semaphore(%arg33 : memref<!tpu.dma_semaphore, #tpu.memory_space<semaphore_mem>>)
          %dma_start3A_230 = tpu.memref_slice %arg7[%multiple_of3A_227] : memref<322560xi32, #tpu.memory_space<hbm>> -> memref<120xi32, #tpu.memory_space<hbm>>
          %dma_start3A_231 = tpu.memref_slice %arg7[%multiple_of3A_227] : memref<322560xi32, #tpu.memory_space<hbm>> -> memref<120xi32, #tpu.memory_space<hbm>>
          tpu.enqueue_dma source(%dma_start3A_231 : memref<120xi32, #tpu.memory_space<hbm>>) target(%arg17 : memref<120xi32, #tpu.memory_space<vmem>>) target_semaphore(%arg33 : memref<!tpu.dma_semaphore, #tpu.memory_space<semaphore_mem>>)
        } else {
        }
        %add3A_134 = arith.constant 2 : i32
        %add3A_135 = arith.addi %add3A_123, %add3A_134 : i32
        %lt3A_136 = arith.constant 168 : i32
        %lt3A_137 = arith.cmpi slt, %add3A_135, %lt3A_136 : i32
        %convert_element_type3A_138 = arith.extui %lt3A_137 : i1 to i32
        %cond3A_139 = arith.constant 0 : i32
        %cond3A_140 = arith.cmpi ne, %convert_element_type3A_138, %cond3A_139 : i32
        scf.if %cond3A_140 {
          %dma_wait3A_222 = tpu.memref_slice %arg6[%mul3A_22] : memref<322560xi32, #tpu.memory_space<hbm>> -> memref<120xi32, #tpu.memory_space<hbm>>
          %dma_wait3A_223 = tpu.memref_slice %arg6[%mul3A_22] : memref<322560xi32, #tpu.memory_space<hbm>> -> memref<120xi32, #tpu.memory_space<hbm>>
          tpu.wait_dma2 semaphore(%arg37 : memref<!tpu.dma_semaphore, #tpu.memory_space<semaphore_mem>>) src(%dma_wait3A_223 : memref<120xi32, #tpu.memory_space<hbm>>) dst(%arg15 : memref<120xi32, #tpu.memory_space<vmem>>)
          %dma_wait3A_224 = tpu.memref_slice %arg7[%mul3A_22] : memref<322560xi32, #tpu.memory_space<hbm>> -> memref<120xi32, #tpu.memory_space<hbm>>
          %dma_wait3A_225 = tpu.memref_slice %arg7[%mul3A_22] : memref<322560xi32, #tpu.memory_space<hbm>> -> memref<120xi32, #tpu.memory_space<hbm>>
          tpu.wait_dma2 semaphore(%arg37 : memref<!tpu.dma_semaphore, #tpu.memory_space<semaphore_mem>>) src(%dma_wait3A_225 : memref<120xi32, #tpu.memory_space<hbm>>) dst(%arg21 : memref<120xi32, #tpu.memory_space<vmem>>)
          %dma_start3A_226 = arith.constant 0 : i32
          %dma_start3A_227 = arith.constant 0 : i32
          %dma_start3A_228 = tpu.memref_slice %arg5[%dma_start3A_226, %dma_start3A_227] : memref<10112x128xf32, #tpu.memory_space<hbm>> -> memref<10112x128xf32, #tpu.memory_space<hbm>>
          tpu.enqueue_indirect_dma source(%dma_start3A_228 : memref<10112x128xf32, #tpu.memory_space<hbm>>) target(%arg24 : memref<120x128xf32, #tpu.memory_space<vmem>>) offsets(%arg15 : memref<120xi32, #tpu.memory_space<vmem>>) semaphore(%arg28 : memref<!tpu.dma_semaphore, #tpu.memory_space<semaphore_mem>>)
        } else {
        }
        %dma_wait3A_141 = arith.constant 0 : i32
        %dma_wait3A_142 = arith.constant 0 : i32
        %dma_wait3A_143 = tpu.memref_slice %arg5[%dma_wait3A_141, %dma_wait3A_142] : memref<10112x128xf32, #tpu.memory_space<hbm>> -> memref<10112x128xf32, #tpu.memory_space<hbm>>
        tpu.wait_indirect_dma semaphore(%arg29 : memref<!tpu.dma_semaphore, #tpu.memory_space<semaphore_mem>>) src(%dma_wait3A_143 : memref<10112x128xf32, #tpu.memory_space<hbm>>) dst(%arg25 : memref<120x128xf32, #tpu.memory_space<vmem>>)
        %dma_start3A_144 = arith.constant 0 : i32
        %dma_start3A_145 = arith.constant 0 : i32
        %dma_start3A_146 = tpu.memref_slice %arg26[%dma_start3A_144, %dma_start3A_145] : memref<10112x128xf32, #tpu.memory_space<vmem_shared>> -> memref<10112x128xf32, #tpu.memory_space<vmem_shared>>
        tpu.enqueue_indirect_dma source(%arg25 : memref<120x128xf32, #tpu.memory_space<vmem>>) target(%dma_start3A_146 : memref<10112x128xf32, #tpu.memory_space<vmem_shared>>) offsets(%arg19 : memref<120xi32, #tpu.memory_space<vmem>>) semaphore(%arg32 : memref<!tpu.dma_semaphore, #tpu.memory_space<semaphore_mem>>) {add = true}
        %add3A_147 = arith.constant 3 : i32
        %add3A_148 = arith.addi %mul3A_71, %add3A_147 : i32
        %dma_wait3A_149 = arith.constant 0 : i32
        %dma_wait3A_150 = arith.constant 0 : i32
        %dma_wait3A_151 = tpu.memref_slice %arg26[%dma_wait3A_149, %dma_wait3A_150] : memref<10112x128xf32, #tpu.memory_space<vmem_shared>> -> memref<10112x128xf32, #tpu.memory_space<vmem_shared>>
        tpu.wait_indirect_dma semaphore(%arg32 : memref<!tpu.dma_semaphore, #tpu.memory_space<semaphore_mem>>) src(%arg25 : memref<120x128xf32, #tpu.memory_space<vmem>>) dst(%dma_wait3A_151 : memref<10112x128xf32, #tpu.memory_space<vmem_shared>>)
        %add3A_152 = arith.constant 4 : i32
        %add3A_153 = arith.addi %add3A_148, %add3A_152 : i32
        %lt3A_154 = arith.constant 168 : i32
        %lt3A_155 = arith.cmpi slt, %add3A_153, %lt3A_154 : i32
        %convert_element_type3A_156 = arith.extui %lt3A_155 : i1 to i32
        %cond3A_157 = arith.constant 0 : i32
        %cond3A_158 = arith.cmpi ne, %convert_element_type3A_156, %cond3A_157 : i32
        scf.if %cond3A_158 {
          %add3A_222 = arith.constant 4 : i32
          %add3A_223 = arith.addi %add3A_148, %add3A_222 : i32
          %mul3A_224 = arith.constant 120 : i32
          %mul3A_225 = arith.muli %add3A_223, %mul3A_224 : i32
          %add3A_226 = arith.addi %mul3A_22, %mul3A_225 : i32
          %multiple_of3A_227 = tpu.assume_multiple %add3A_226, 8 : i32
          %dma_start3A_228 = tpu.memref_slice %arg6[%multiple_of3A_227] : memref<322560xi32, #tpu.memory_space<hbm>> -> memref<120xi32, #tpu.memory_space<hbm>>
          %dma_start3A_229 = tpu.memref_slice %arg6[%multiple_of3A_227] : memref<322560xi32, #tpu.memory_space<hbm>> -> memref<120xi32, #tpu.memory_space<hbm>>
          tpu.enqueue_dma source(%dma_start3A_229 : memref<120xi32, #tpu.memory_space<hbm>>) target(%arg12 : memref<120xi32, #tpu.memory_space<vmem>>) target_semaphore(%arg34 : memref<!tpu.dma_semaphore, #tpu.memory_space<semaphore_mem>>)
          %dma_start3A_230 = tpu.memref_slice %arg7[%multiple_of3A_227] : memref<322560xi32, #tpu.memory_space<hbm>> -> memref<120xi32, #tpu.memory_space<hbm>>
          %dma_start3A_231 = tpu.memref_slice %arg7[%multiple_of3A_227] : memref<322560xi32, #tpu.memory_space<hbm>> -> memref<120xi32, #tpu.memory_space<hbm>>
          tpu.enqueue_dma source(%dma_start3A_231 : memref<120xi32, #tpu.memory_space<hbm>>) target(%arg18 : memref<120xi32, #tpu.memory_space<vmem>>) target_semaphore(%arg34 : memref<!tpu.dma_semaphore, #tpu.memory_space<semaphore_mem>>)
        } else {
        }
        %add3A_159 = arith.constant 2 : i32
        %add3A_160 = arith.addi %add3A_148, %add3A_159 : i32
        %lt3A_161 = arith.constant 168 : i32
        %lt3A_162 = arith.cmpi slt, %add3A_160, %lt3A_161 : i32
        %convert_element_type3A_163 = arith.extui %lt3A_162 : i1 to i32
        %cond3A_164 = arith.constant 0 : i32
        %cond3A_165 = arith.cmpi ne, %convert_element_type3A_163, %cond3A_164 : i32
        scf.if %cond3A_165 {
          %dma_wait3A_222 = tpu.memref_slice %arg6[%mul3A_22] : memref<322560xi32, #tpu.memory_space<hbm>> -> memref<120xi32, #tpu.memory_space<hbm>>
          %dma_wait3A_223 = tpu.memref_slice %arg6[%mul3A_22] : memref<322560xi32, #tpu.memory_space<hbm>> -> memref<120xi32, #tpu.memory_space<hbm>>
          tpu.wait_dma2 semaphore(%arg38 : memref<!tpu.dma_semaphore, #tpu.memory_space<semaphore_mem>>) src(%dma_wait3A_223 : memref<120xi32, #tpu.memory_space<hbm>>) dst(%arg16 : memref<120xi32, #tpu.memory_space<vmem>>)
          %dma_wait3A_224 = tpu.memref_slice %arg7[%mul3A_22] : memref<322560xi32, #tpu.memory_space<hbm>> -> memref<120xi32, #tpu.memory_space<hbm>>
          %dma_wait3A_225 = tpu.memref_slice %arg7[%mul3A_22] : memref<322560xi32, #tpu.memory_space<hbm>> -> memref<120xi32, #tpu.memory_space<hbm>>
          tpu.wait_dma2 semaphore(%arg38 : memref<!tpu.dma_semaphore, #tpu.memory_space<semaphore_mem>>) src(%dma_wait3A_225 : memref<120xi32, #tpu.memory_space<hbm>>) dst(%arg22 : memref<120xi32, #tpu.memory_space<vmem>>)
          %dma_start3A_226 = arith.constant 0 : i32
          %dma_start3A_227 = arith.constant 0 : i32
          %dma_start3A_228 = tpu.memref_slice %arg5[%dma_start3A_226, %dma_start3A_227] : memref<10112x128xf32, #tpu.memory_space<hbm>> -> memref<10112x128xf32, #tpu.memory_space<hbm>>
          tpu.enqueue_indirect_dma source(%dma_start3A_228 : memref<10112x128xf32, #tpu.memory_space<hbm>>) target(%arg25 : memref<120x128xf32, #tpu.memory_space<vmem>>) offsets(%arg16 : memref<120xi32, #tpu.memory_space<vmem>>) semaphore(%arg29 : memref<!tpu.dma_semaphore, #tpu.memory_space<semaphore_mem>>)
        } else {
        }
        %dma_wait3A_166 = arith.constant 0 : i32
        %dma_wait3A_167 = arith.constant 0 : i32
        %dma_wait3A_168 = tpu.memref_slice %arg5[%dma_wait3A_166, %dma_wait3A_167] : memref<10112x128xf32, #tpu.memory_space<hbm>> -> memref<10112x128xf32, #tpu.memory_space<hbm>>
        tpu.wait_indirect_dma semaphore(%arg27 : memref<!tpu.dma_semaphore, #tpu.memory_space<semaphore_mem>>) src(%dma_wait3A_168 : memref<10112x128xf32, #tpu.memory_space<hbm>>) dst(%arg23 : memref<120x128xf32, #tpu.memory_space<vmem>>)
        %dma_start3A_169 = arith.constant 0 : i32
        %dma_start3A_170 = arith.constant 0 : i32
        %dma_start3A_171 = tpu.memref_slice %arg26[%dma_start3A_169, %dma_start3A_170] : memref<10112x128xf32, #tpu.memory_space<vmem_shared>> -> memref<10112x128xf32, #tpu.memory_space<vmem_shared>>
        tpu.enqueue_indirect_dma source(%arg23 : memref<120x128xf32, #tpu.memory_space<vmem>>) target(%dma_start3A_171 : memref<10112x128xf32, #tpu.memory_space<vmem_shared>>) offsets(%arg20 : memref<120xi32, #tpu.memory_space<vmem>>) semaphore(%arg30 : memref<!tpu.dma_semaphore, #tpu.memory_space<semaphore_mem>>) {add = true}
        %add3A_172 = arith.constant 4 : i32
        %add3A_173 = arith.addi %mul3A_71, %add3A_172 : i32
        %dma_wait3A_174 = arith.constant 0 : i32
        %dma_wait3A_175 = arith.constant 0 : i32
        %dma_wait3A_176 = tpu.memref_slice %arg26[%dma_wait3A_174, %dma_wait3A_175] : memref<10112x128xf32, #tpu.memory_space<vmem_shared>> -> memref<10112x128xf32, #tpu.memory_space<vmem_shared>>
        tpu.wait_indirect_dma semaphore(%arg30 : memref<!tpu.dma_semaphore, #tpu.memory_space<semaphore_mem>>) src(%arg23 : memref<120x128xf32, #tpu.memory_space<vmem>>) dst(%dma_wait3A_176 : memref<10112x128xf32, #tpu.memory_space<vmem_shared>>)
        %add3A_177 = arith.constant 4 : i32
        %add3A_178 = arith.addi %add3A_173, %add3A_177 : i32
        %lt3A_179 = arith.constant 168 : i32
        %lt3A_180 = arith.cmpi slt, %add3A_178, %lt3A_179 : i32
        %convert_element_type3A_181 = arith.extui %lt3A_180 : i1 to i32
        %cond3A_182 = arith.constant 0 : i32
        %cond3A_183 = arith.cmpi ne, %convert_element_type3A_181, %cond3A_182 : i32
        scf.if %cond3A_183 {
          %add3A_222 = arith.constant 4 : i32
          %add3A_223 = arith.addi %add3A_173, %add3A_222 : i32
          %mul3A_224 = arith.constant 120 : i32
          %mul3A_225 = arith.muli %add3A_223, %mul3A_224 : i32
          %add3A_226 = arith.addi %mul3A_22, %mul3A_225 : i32
          %multiple_of3A_227 = tpu.assume_multiple %add3A_226, 8 : i32
          %dma_start3A_228 = tpu.memref_slice %arg6[%multiple_of3A_227] : memref<322560xi32, #tpu.memory_space<hbm>> -> memref<120xi32, #tpu.memory_space<hbm>>
          %dma_start3A_229 = tpu.memref_slice %arg6[%multiple_of3A_227] : memref<322560xi32, #tpu.memory_space<hbm>> -> memref<120xi32, #tpu.memory_space<hbm>>
          tpu.enqueue_dma source(%dma_start3A_229 : memref<120xi32, #tpu.memory_space<hbm>>) target(%arg13 : memref<120xi32, #tpu.memory_space<vmem>>) target_semaphore(%arg35 : memref<!tpu.dma_semaphore, #tpu.memory_space<semaphore_mem>>)
          %dma_start3A_230 = tpu.memref_slice %arg7[%multiple_of3A_227] : memref<322560xi32, #tpu.memory_space<hbm>> -> memref<120xi32, #tpu.memory_space<hbm>>
          %dma_start3A_231 = tpu.memref_slice %arg7[%multiple_of3A_227] : memref<322560xi32, #tpu.memory_space<hbm>> -> memref<120xi32, #tpu.memory_space<hbm>>
          tpu.enqueue_dma source(%dma_start3A_231 : memref<120xi32, #tpu.memory_space<hbm>>) target(%arg19 : memref<120xi32, #tpu.memory_space<vmem>>) target_semaphore(%arg35 : memref<!tpu.dma_semaphore, #tpu.memory_space<semaphore_mem>>)
        } else {
        }
        %add3A_184 = arith.constant 2 : i32
        %add3A_185 = arith.addi %add3A_173, %add3A_184 : i32
        %lt3A_186 = arith.constant 168 : i32
        %lt3A_187 = arith.cmpi slt, %add3A_185, %lt3A_186 : i32
        %convert_element_type3A_188 = arith.extui %lt3A_187 : i1 to i32
        %cond3A_189 = arith.constant 0 : i32
        %cond3A_190 = arith.cmpi ne, %convert_element_type3A_188, %cond3A_189 : i32
        scf.if %cond3A_190 {
          %dma_wait3A_222 = tpu.memref_slice %arg6[%mul3A_22] : memref<322560xi32, #tpu.memory_space<hbm>> -> memref<120xi32, #tpu.memory_space<hbm>>
          %dma_wait3A_223 = tpu.memref_slice %arg6[%mul3A_22] : memref<322560xi32, #tpu.memory_space<hbm>> -> memref<120xi32, #tpu.memory_space<hbm>>
          tpu.wait_dma2 semaphore(%arg33 : memref<!tpu.dma_semaphore, #tpu.memory_space<semaphore_mem>>) src(%dma_wait3A_223 : memref<120xi32, #tpu.memory_space<hbm>>) dst(%arg11 : memref<120xi32, #tpu.memory_space<vmem>>)
          %dma_wait3A_224 = tpu.memref_slice %arg7[%mul3A_22] : memref<322560xi32, #tpu.memory_space<hbm>> -> memref<120xi32, #tpu.memory_space<hbm>>
          %dma_wait3A_225 = tpu.memref_slice %arg7[%mul3A_22] : memref<322560xi32, #tpu.memory_space<hbm>> -> memref<120xi32, #tpu.memory_space<hbm>>
          tpu.wait_dma2 semaphore(%arg33 : memref<!tpu.dma_semaphore, #tpu.memory_space<semaphore_mem>>) src(%dma_wait3A_225 : memref<120xi32, #tpu.memory_space<hbm>>) dst(%arg17 : memref<120xi32, #tpu.memory_space<vmem>>)
          %dma_start3A_226 = arith.constant 0 : i32
          %dma_start3A_227 = arith.constant 0 : i32
          %dma_start3A_228 = tpu.memref_slice %arg5[%dma_start3A_226, %dma_start3A_227] : memref<10112x128xf32, #tpu.memory_space<hbm>> -> memref<10112x128xf32, #tpu.memory_space<hbm>>
          tpu.enqueue_indirect_dma source(%dma_start3A_228 : memref<10112x128xf32, #tpu.memory_space<hbm>>) target(%arg23 : memref<120x128xf32, #tpu.memory_space<vmem>>) offsets(%arg11 : memref<120xi32, #tpu.memory_space<vmem>>) semaphore(%arg27 : memref<!tpu.dma_semaphore, #tpu.memory_space<semaphore_mem>>)
        } else {
        }
        %dma_wait3A_191 = arith.constant 0 : i32
        %dma_wait3A_192 = arith.constant 0 : i32
        %dma_wait3A_193 = tpu.memref_slice %arg5[%dma_wait3A_191, %dma_wait3A_192] : memref<10112x128xf32, #tpu.memory_space<hbm>> -> memref<10112x128xf32, #tpu.memory_space<hbm>>
        tpu.wait_indirect_dma semaphore(%arg28 : memref<!tpu.dma_semaphore, #tpu.memory_space<semaphore_mem>>) src(%dma_wait3A_193 : memref<10112x128xf32, #tpu.memory_space<hbm>>) dst(%arg24 : memref<120x128xf32, #tpu.memory_space<vmem>>)
        %dma_start3A_194 = arith.constant 0 : i32
        %dma_start3A_195 = arith.constant 0 : i32
        %dma_start3A_196 = tpu.memref_slice %arg26[%dma_start3A_194, %dma_start3A_195] : memref<10112x128xf32, #tpu.memory_space<vmem_shared>> -> memref<10112x128xf32, #tpu.memory_space<vmem_shared>>
        tpu.enqueue_indirect_dma source(%arg24 : memref<120x128xf32, #tpu.memory_space<vmem>>) target(%dma_start3A_196 : memref<10112x128xf32, #tpu.memory_space<vmem_shared>>) offsets(%arg21 : memref<120xi32, #tpu.memory_space<vmem>>) semaphore(%arg31 : memref<!tpu.dma_semaphore, #tpu.memory_space<semaphore_mem>>) {add = true}
        %add3A_197 = arith.constant 5 : i32
        %add3A_198 = arith.addi %mul3A_71, %add3A_197 : i32
        %dma_wait3A_199 = arith.constant 0 : i32
        %dma_wait3A_200 = arith.constant 0 : i32
        %dma_wait3A_201 = tpu.memref_slice %arg26[%dma_wait3A_199, %dma_wait3A_200] : memref<10112x128xf32, #tpu.memory_space<vmem_shared>> -> memref<10112x128xf32, #tpu.memory_space<vmem_shared>>
        tpu.wait_indirect_dma semaphore(%arg31 : memref<!tpu.dma_semaphore, #tpu.memory_space<semaphore_mem>>) src(%arg24 : memref<120x128xf32, #tpu.memory_space<vmem>>) dst(%dma_wait3A_201 : memref<10112x128xf32, #tpu.memory_space<vmem_shared>>)
        %add3A_202 = arith.constant 4 : i32
        %add3A_203 = arith.addi %add3A_198, %add3A_202 : i32
        %lt3A_204 = arith.constant 168 : i32
        %lt3A_205 = arith.cmpi slt, %add3A_203, %lt3A_204 : i32
        %convert_element_type3A_206 = arith.extui %lt3A_205 : i1 to i32
        %cond3A_207 = arith.constant 0 : i32
        %cond3A_208 = arith.cmpi ne, %convert_element_type3A_206, %cond3A_207 : i32
        scf.if %cond3A_208 {
          %add3A_222 = arith.constant 4 : i32
          %add3A_223 = arith.addi %add3A_198, %add3A_222 : i32
          %mul3A_224 = arith.constant 120 : i32
          %mul3A_225 = arith.muli %add3A_223, %mul3A_224 : i32
          %add3A_226 = arith.addi %mul3A_22, %mul3A_225 : i32
          %multiple_of3A_227 = tpu.assume_multiple %add3A_226, 8 : i32
          %dma_start3A_228 = tpu.memref_slice %arg6[%multiple_of3A_227] : memref<322560xi32, #tpu.memory_space<hbm>> -> memref<120xi32, #tpu.memory_space<hbm>>
          %dma_start3A_229 = tpu.memref_slice %arg6[%multiple_of3A_227] : memref<322560xi32, #tpu.memory_space<hbm>> -> memref<120xi32, #tpu.memory_space<hbm>>
          tpu.enqueue_dma source(%dma_start3A_229 : memref<120xi32, #tpu.memory_space<hbm>>) target(%arg14 : memref<120xi32, #tpu.memory_space<vmem>>) target_semaphore(%arg36 : memref<!tpu.dma_semaphore, #tpu.memory_space<semaphore_mem>>)
          %dma_start3A_230 = tpu.memref_slice %arg7[%multiple_of3A_227] : memref<322560xi32, #tpu.memory_space<hbm>> -> memref<120xi32, #tpu.memory_space<hbm>>
          %dma_start3A_231 = tpu.memref_slice %arg7[%multiple_of3A_227] : memref<322560xi32, #tpu.memory_space<hbm>> -> memref<120xi32, #tpu.memory_space<hbm>>
          tpu.enqueue_dma source(%dma_start3A_231 : memref<120xi32, #tpu.memory_space<hbm>>) target(%arg20 : memref<120xi32, #tpu.memory_space<vmem>>) target_semaphore(%arg36 : memref<!tpu.dma_semaphore, #tpu.memory_space<semaphore_mem>>)
        } else {
        }
        %add3A_209 = arith.constant 2 : i32
        %add3A_210 = arith.addi %add3A_198, %add3A_209 : i32
        %lt3A_211 = arith.constant 168 : i32
        %lt3A_212 = arith.cmpi slt, %add3A_210, %lt3A_211 : i32
        %convert_element_type3A_213 = arith.extui %lt3A_212 : i1 to i32
        %cond3A_214 = arith.constant 0 : i32
        %cond3A_215 = arith.cmpi ne, %convert_element_type3A_213, %cond3A_214 : i32
        scf.if %cond3A_215 {
          %dma_wait3A_222 = tpu.memref_slice %arg6[%mul3A_22] : memref<322560xi32, #tpu.memory_space<hbm>> -> memref<120xi32, #tpu.memory_space<hbm>>
          %dma_wait3A_223 = tpu.memref_slice %arg6[%mul3A_22] : memref<322560xi32, #tpu.memory_space<hbm>> -> memref<120xi32, #tpu.memory_space<hbm>>
          tpu.wait_dma2 semaphore(%arg34 : memref<!tpu.dma_semaphore, #tpu.memory_space<semaphore_mem>>) src(%dma_wait3A_223 : memref<120xi32, #tpu.memory_space<hbm>>) dst(%arg12 : memref<120xi32, #tpu.memory_space<vmem>>)
          %dma_wait3A_224 = tpu.memref_slice %arg7[%mul3A_22] : memref<322560xi32, #tpu.memory_space<hbm>> -> memref<120xi32, #tpu.memory_space<hbm>>
          %dma_wait3A_225 = tpu.memref_slice %arg7[%mul3A_22] : memref<322560xi32, #tpu.memory_space<hbm>> -> memref<120xi32, #tpu.memory_space<hbm>>
          tpu.wait_dma2 semaphore(%arg34 : memref<!tpu.dma_semaphore, #tpu.memory_space<semaphore_mem>>) src(%dma_wait3A_225 : memref<120xi32, #tpu.memory_space<hbm>>) dst(%arg18 : memref<120xi32, #tpu.memory_space<vmem>>)
          %dma_start3A_226 = arith.constant 0 : i32
          %dma_start3A_227 = arith.constant 0 : i32
          %dma_start3A_228 = tpu.memref_slice %arg5[%dma_start3A_226, %dma_start3A_227] : memref<10112x128xf32, #tpu.memory_space<hbm>> -> memref<10112x128xf32, #tpu.memory_space<hbm>>
          tpu.enqueue_indirect_dma source(%dma_start3A_228 : memref<10112x128xf32, #tpu.memory_space<hbm>>) target(%arg24 : memref<120x128xf32, #tpu.memory_space<vmem>>) offsets(%arg12 : memref<120xi32, #tpu.memory_space<vmem>>) semaphore(%arg28 : memref<!tpu.dma_semaphore, #tpu.memory_space<semaphore_mem>>)
        } else {
        }
        %dma_wait3A_216 = arith.constant 0 : i32
        %dma_wait3A_217 = arith.constant 0 : i32
        %dma_wait3A_218 = tpu.memref_slice %arg5[%dma_wait3A_216, %dma_wait3A_217] : memref<10112x128xf32, #tpu.memory_space<hbm>> -> memref<10112x128xf32, #tpu.memory_space<hbm>>
        tpu.wait_indirect_dma semaphore(%arg29 : memref<!tpu.dma_semaphore, #tpu.memory_space<semaphore_mem>>) src(%dma_wait3A_218 : memref<10112x128xf32, #tpu.memory_space<hbm>>) dst(%arg25 : memref<120x128xf32, #tpu.memory_space<vmem>>)
        %dma_start3A_219 = arith.constant 0 : i32
        %dma_start3A_220 = arith.constant 0 : i32
        %dma_start3A_221 = tpu.memref_slice %arg26[%dma_start3A_219, %dma_start3A_220] : memref<10112x128xf32, #tpu.memory_space<vmem_shared>> -> memref<10112x128xf32, #tpu.memory_space<vmem_shared>>
        tpu.enqueue_indirect_dma source(%arg25 : memref<120x128xf32, #tpu.memory_space<vmem>>) target(%dma_start3A_221 : memref<10112x128xf32, #tpu.memory_space<vmem_shared>>) offsets(%arg22 : memref<120xi32, #tpu.memory_space<vmem>>) semaphore(%arg32 : memref<!tpu.dma_semaphore, #tpu.memory_space<semaphore_mem>>) {add = true}
      }
      %scan3A_65 = arith.constant 28 : i32
      %dma_wait3A_66 = arith.constant 0 : i32
      %dma_wait3A_67 = arith.constant 0 : i32
      %dma_wait3A_68 = tpu.memref_slice %arg26[%dma_wait3A_66, %dma_wait3A_67] : memref<10112x128xf32, #tpu.memory_space<vmem_shared>> -> memref<10112x128xf32, #tpu.memory_space<vmem_shared>>
      tpu.wait_indirect_dma semaphore(%arg32 : memref<!tpu.dma_semaphore, #tpu.memory_space<semaphore_mem>>) src(%arg25 : memref<120x128xf32, #tpu.memory_space<vmem>>) dst(%dma_wait3A_68 : memref<10112x128xf32, #tpu.memory_space<vmem_shared>>)
    } else {
    }
    %barrier3A_8 = arith.constant 0 : index
    tpu.barrier barrier_id(%barrier3A_8)
    %eq3A_9 = arith.constant 0 : i32
    %eq3A_10 = arith.cmpi eq, %arg0, %eq3A_9 : i32
    %convert_element_type3A_11 = arith.extui %eq3A_10 : i1 to i32
    %cond3A_12 = arith.constant 0 : i32
    %cond3A_13 = arith.cmpi ne, %convert_element_type3A_11, %cond3A_12 : i32
    scf.if %cond3A_13 {
      "tpu.region"() ({
        %run_scoped3A = tpu.sem_alloc : memref<!tpu.dma_semaphore, #tpu.memory_space<semaphore_mem>>
        %dma_start3A = arith.constant 0 : i32
        %dma_start3A_19 = tpu.memref_slice %arg9[%mul3A_0, %dma_start3A] : memref<10112x128xf32, #tpu.memory_space<hbm>> -> memref<632x128xf32, #tpu.memory_space<hbm>>
        %dma_start3A_20 = arith.constant 0 : i32
        %dma_start3A_21 = tpu.memref_slice %arg26[%mul3A_0, %dma_start3A_20] : memref<10112x128xf32, #tpu.memory_space<vmem_shared>> -> memref<632x128xf32, #tpu.memory_space<vmem_shared>>
        tpu.enqueue_dma source(%dma_start3A_21 : memref<632x128xf32, #tpu.memory_space<vmem_shared>>) target(%dma_start3A_19 : memref<632x128xf32, #tpu.memory_space<hbm>>) target_semaphore(%run_scoped3A : memref<!tpu.dma_semaphore, #tpu.memory_space<semaphore_mem>>)
        %dma_wait3A = arith.constant 0 : i32
        %dma_wait3A_22 = tpu.memref_slice %arg9[%mul3A_0, %dma_wait3A] : memref<10112x128xf32, #tpu.memory_space<hbm>> -> memref<632x128xf32, #tpu.memory_space<hbm>>
        %dma_wait3A_23 = arith.constant 0 : i32
        %dma_wait3A_24 = tpu.memref_slice %arg26[%mul3A_0, %dma_wait3A_23] : memref<10112x128xf32, #tpu.memory_space<vmem_shared>> -> memref<632x128xf32, #tpu.memory_space<vmem_shared>>
        tpu.wait_dma2 semaphore(%run_scoped3A : memref<!tpu.dma_semaphore, #tpu.memory_space<semaphore_mem>>) src(%dma_wait3A_24 : memref<632x128xf32, #tpu.memory_space<vmem_shared>>) dst(%dma_wait3A_22 : memref<632x128xf32, #tpu.memory_space<hbm>>)
        tpu.yield
      }) : () -> ()
    } else {
    }
    %eq3A_14 = arith.constant 1 : i32
    %eq3A_15 = arith.cmpi eq, %arg0, %eq3A_14 : i32
    %convert_element_type3A_16 = arith.extui %eq3A_15 : i1 to i32
    %cond3A_17 = arith.constant 0 : i32
    %cond3A_18 = arith.cmpi ne, %convert_element_type3A_16, %cond3A_17 : i32
    scf.if %cond3A_18 {
      "tpu.region"() ({
        %run_scoped3A = tpu.sem_alloc : memref<!tpu.dma_semaphore, #tpu.memory_space<semaphore_mem>>
        %dma_start3A = arith.constant 0 : i32
        %dma_start3A_19 = tpu.memref_slice %arg10[%mul3A_0, %dma_start3A] : memref<10112x128xf32, #tpu.memory_space<hbm>> -> memref<632x128xf32, #tpu.memory_space<hbm>>
        %dma_start3A_20 = arith.constant 0 : i32
        %dma_start3A_21 = tpu.memref_slice %arg26[%mul3A_0, %dma_start3A_20] : memref<10112x128xf32, #tpu.memory_space<vmem_shared>> -> memref<632x128xf32, #tpu.memory_space<vmem_shared>>
        tpu.enqueue_dma source(%dma_start3A_21 : memref<632x128xf32, #tpu.memory_space<vmem_shared>>) target(%dma_start3A_19 : memref<632x128xf32, #tpu.memory_space<hbm>>) target_semaphore(%run_scoped3A : memref<!tpu.dma_semaphore, #tpu.memory_space<semaphore_mem>>)
        %dma_wait3A = arith.constant 0 : i32
        %dma_wait3A_22 = tpu.memref_slice %arg10[%mul3A_0, %dma_wait3A] : memref<10112x128xf32, #tpu.memory_space<hbm>> -> memref<632x128xf32, #tpu.memory_space<hbm>>
        %dma_wait3A_23 = arith.constant 0 : i32
        %dma_wait3A_24 = tpu.memref_slice %arg26[%mul3A_0, %dma_wait3A_23] : memref<10112x128xf32, #tpu.memory_space<vmem_shared>> -> memref<632x128xf32, #tpu.memory_space<vmem_shared>>
        tpu.wait_dma2 semaphore(%run_scoped3A : memref<!tpu.dma_semaphore, #tpu.memory_space<semaphore_mem>>) src(%dma_wait3A_24 : memref<632x128xf32, #tpu.memory_space<vmem_shared>>) dst(%dma_wait3A_22 : memref<632x128xf32, #tpu.memory_space<hbm>>)
        tpu.yield
      }) : () -> ()
    } else {
    }
    return
  }
}

#map = affine_map<(d0, d1) -> (0, 0)>
#map1 = affine_map<(d0, d1) -> (0)>
module attributes {stable_mosaic.version = 14 : i64} {
  func.func @deg_kernel(%arg0: i32, %arg1: i32, %arg2: memref<2560x128xi32, #tpu.memory_space<hbm>>, %arg3: memref<2560x128xi32, #tpu.memory_space<hbm>>, %arg4: memref<632xf32, #tpu.memory_space<hbm>>, %arg5: memref<128xf32, #tpu.memory_space<hbm>>, %arg6: memref<10112xf32, #tpu.memory_space<hbm>>, %arg7: memref<10112xf32, #tpu.memory_space<hbm>>, %arg8: memref<160x128xi32, #tpu.memory_space<vmem>>, %arg9: memref<128xf32, #tpu.memory_space<vmem>>, %arg10: memref<632xf32, #tpu.memory_space<vmem>>, %arg11: memref<10112xf32, #tpu.memory_space<vmem_shared>>, %arg12: memref<!tpu.dma_semaphore, #tpu.memory_space<semaphore_mem>>) attributes {dimension_semantics = [#tpu.dimension_semantics<core_parallel>, #tpu.dimension_semantics<subcore_parallel>], iteration_bounds = array<i64: 2, 16>, scalar_prefetch = 0 : i64, scratch_operands = 5 : i64, tpu.core_type = #tpu.core_type<sc_vector_subcore>, window_params = [{transform_indices = #map}, {transform_indices = #map}, {transform_indices = #map1}, {transform_indices = #map1}, {transform_indices = #map1}, {transform_indices = #map1}]} {
    %mul3A = arith.constant 632 : i32
    %mul3A_0 = arith.muli %arg1, %mul3A : i32
    "tpu.region"() ({
      %run_scoped3A = tpu.sem_alloc : memref<!tpu.dma_semaphore, #tpu.memory_space<semaphore_mem>>
      tpu.enqueue_dma source(%arg4 : memref<632xf32, #tpu.memory_space<hbm>>) target(%arg10 : memref<632xf32, #tpu.memory_space<vmem>>) target_semaphore(%run_scoped3A : memref<!tpu.dma_semaphore, #tpu.memory_space<semaphore_mem>>)
      tpu.wait_dma2 semaphore(%run_scoped3A : memref<!tpu.dma_semaphore, #tpu.memory_space<semaphore_mem>>) src(%arg4 : memref<632xf32, #tpu.memory_space<hbm>>) dst(%arg10 : memref<632xf32, #tpu.memory_space<vmem>>)
      tpu.yield
    }) : () -> ()
    "tpu.region"() ({
      %run_scoped3A = tpu.sem_alloc : memref<!tpu.dma_semaphore, #tpu.memory_space<semaphore_mem>>
      %dma_start3A = tpu.memref_slice %arg11[%mul3A_0] : memref<10112xf32, #tpu.memory_space<vmem_shared>> -> memref<632xf32, #tpu.memory_space<vmem_shared>>
      %dma_start3A_19 = tpu.memref_slice %arg11[%mul3A_0] : memref<10112xf32, #tpu.memory_space<vmem_shared>> -> memref<632xf32, #tpu.memory_space<vmem_shared>>
      tpu.enqueue_dma source(%arg10 : memref<632xf32, #tpu.memory_space<vmem>>) target(%dma_start3A_19 : memref<632xf32, #tpu.memory_space<vmem_shared>>) target_semaphore(%run_scoped3A : memref<!tpu.dma_semaphore, #tpu.memory_space<semaphore_mem>>)
      %dma_wait3A = tpu.memref_slice %arg11[%mul3A_0] : memref<10112xf32, #tpu.memory_space<vmem_shared>> -> memref<632xf32, #tpu.memory_space<vmem_shared>>
      %dma_wait3A_20 = tpu.memref_slice %arg11[%mul3A_0] : memref<10112xf32, #tpu.memory_space<vmem_shared>> -> memref<632xf32, #tpu.memory_space<vmem_shared>>
      tpu.wait_dma2 semaphore(%run_scoped3A : memref<!tpu.dma_semaphore, #tpu.memory_space<semaphore_mem>>) src(%arg10 : memref<632xf32, #tpu.memory_space<vmem>>) dst(%dma_wait3A_20 : memref<632xf32, #tpu.memory_space<vmem_shared>>)
      tpu.yield
    }) : () -> ()
    "tpu.region"() ({
      %run_scoped3A = tpu.sem_alloc : memref<!tpu.dma_semaphore, #tpu.memory_space<semaphore_mem>>
      tpu.enqueue_dma source(%arg5 : memref<128xf32, #tpu.memory_space<hbm>>) target(%arg9 : memref<128xf32, #tpu.memory_space<vmem>>) target_semaphore(%run_scoped3A : memref<!tpu.dma_semaphore, #tpu.memory_space<semaphore_mem>>)
      tpu.wait_dma2 semaphore(%run_scoped3A : memref<!tpu.dma_semaphore, #tpu.memory_space<semaphore_mem>>) src(%arg5 : memref<128xf32, #tpu.memory_space<hbm>>) dst(%arg9 : memref<128xf32, #tpu.memory_space<vmem>>)
      tpu.yield
    }) : () -> ()
    %barrier3A = arith.constant 0 : index
    tpu.barrier barrier_id(%barrier3A)
    %eq3A = arith.constant 0 : i32
    %eq3A_1 = arith.cmpi eq, %arg0, %eq3A : i32
    %convert_element_type3A = arith.extui %eq3A_1 : i1 to i32
    %cond3A = arith.constant 0 : i32
    %cond3A_2 = arith.cmpi ne, %convert_element_type3A, %cond3A : i32
    scf.if %cond3A_2 {
      %mul3A_19 = arith.constant 160 : i32
      %mul3A_20 = arith.muli %arg1, %mul3A_19 : i32
      "tpu.region"() ({
        %run_scoped3A = tpu.sem_alloc : memref<!tpu.dma_semaphore, #tpu.memory_space<semaphore_mem>>
        %dma_start3A = arith.constant 0 : i32
        %dma_start3A_26 = tpu.memref_slice %arg2[%mul3A_20, %dma_start3A] : memref<2560x128xi32, #tpu.memory_space<hbm>> -> memref<160x128xi32, #tpu.memory_space<hbm>>
        %dma_start3A_27 = arith.constant 0 : i32
        %dma_start3A_28 = tpu.memref_slice %arg2[%mul3A_20, %dma_start3A_27] : memref<2560x128xi32, #tpu.memory_space<hbm>> -> memref<160x128xi32, #tpu.memory_space<hbm>>
        tpu.enqueue_dma source(%dma_start3A_28 : memref<160x128xi32, #tpu.memory_space<hbm>>) target(%arg8 : memref<160x128xi32, #tpu.memory_space<vmem>>) target_semaphore(%run_scoped3A : memref<!tpu.dma_semaphore, #tpu.memory_space<semaphore_mem>>)
        %dma_wait3A = arith.constant 0 : i32
        %dma_wait3A_29 = tpu.memref_slice %arg2[%mul3A_20, %dma_wait3A] : memref<2560x128xi32, #tpu.memory_space<hbm>> -> memref<160x128xi32, #tpu.memory_space<hbm>>
        %dma_wait3A_30 = arith.constant 0 : i32
        %dma_wait3A_31 = tpu.memref_slice %arg2[%mul3A_20, %dma_wait3A_30] : memref<2560x128xi32, #tpu.memory_space<hbm>> -> memref<160x128xi32, #tpu.memory_space<hbm>>
        tpu.wait_dma2 semaphore(%run_scoped3A : memref<!tpu.dma_semaphore, #tpu.memory_space<semaphore_mem>>) src(%dma_wait3A_31 : memref<160x128xi32, #tpu.memory_space<hbm>>) dst(%arg8 : memref<160x128xi32, #tpu.memory_space<vmem>>)
        tpu.yield
      }) : () -> ()
      %scan3A = arith.constant 0 : i32
      %scan3A_21 = arith.constant 0 : i32
      %scan3A_22 = arith.constant 20 : i32
      %scan3A_23 = arith.addi %scan3A_21, %scan3A_22 : i32
      %scan3A_24 = arith.constant 1 : i32
      scf.for %scan3A_26 = %scan3A_21 to %scan3A_23 step %scan3A_24  : i32 {
        %mul3A_27 = arith.constant 8 : i32
        %mul3A_28 = arith.muli %scan3A_26, %mul3A_27 : i32
        %add3A = arith.constant 0 : i32
        %add3A_29 = arith.addi %mul3A_28, %add3A : i32
        %dma_start3A = arith.constant 0 : i32
        %dma_start3A_30 = tpu.memref_slice %arg8[%add3A_29, %dma_start3A] : memref<160x128xi32, #tpu.memory_space<vmem>> -> memref<1x128xi32, #tpu.memory_space<vmem>>
        %dma_start3A_31 = tpu.memref_squeeze %dma_start3A_30 : memref<1x128xi32, #tpu.memory_space<vmem>> -> memref<128xi32, #tpu.memory_space<vmem>>
        %dma_start3A_32 = arith.constant 0 : i32
        %dma_start3A_33 = tpu.memref_slice %arg11[%dma_start3A_32] : memref<10112xf32, #tpu.memory_space<vmem_shared>> -> memref<10112xf32, #tpu.memory_space<vmem_shared>>
        tpu.enqueue_indirect_dma source(%arg9 : memref<128xf32, #tpu.memory_space<vmem>>) target(%dma_start3A_33 : memref<10112xf32, #tpu.memory_space<vmem_shared>>) offsets(%dma_start3A_31 : memref<128xi32, #tpu.memory_space<vmem>>) semaphore(%arg12 : memref<!tpu.dma_semaphore, #tpu.memory_space<semaphore_mem>>) {add = true}
        %mul3A_34 = arith.constant 8 : i32
        %mul3A_35 = arith.muli %scan3A_26, %mul3A_34 : i32
        %add3A_36 = arith.constant 1 : i32
        %add3A_37 = arith.addi %mul3A_35, %add3A_36 : i32
        %dma_start3A_38 = arith.constant 0 : i32
        %dma_start3A_39 = tpu.memref_slice %arg8[%add3A_37, %dma_start3A_38] : memref<160x128xi32, #tpu.memory_space<vmem>> -> memref<1x128xi32, #tpu.memory_space<vmem>>
        %dma_start3A_40 = tpu.memref_squeeze %dma_start3A_39 : memref<1x128xi32, #tpu.memory_space<vmem>> -> memref<128xi32, #tpu.memory_space<vmem>>
        %dma_start3A_41 = arith.constant 0 : i32
        %dma_start3A_42 = tpu.memref_slice %arg11[%dma_start3A_41] : memref<10112xf32, #tpu.memory_space<vmem_shared>> -> memref<10112xf32, #tpu.memory_space<vmem_shared>>
        tpu.enqueue_indirect_dma source(%arg9 : memref<128xf32, #tpu.memory_space<vmem>>) target(%dma_start3A_42 : memref<10112xf32, #tpu.memory_space<vmem_shared>>) offsets(%dma_start3A_40 : memref<128xi32, #tpu.memory_space<vmem>>) semaphore(%arg12 : memref<!tpu.dma_semaphore, #tpu.memory_space<semaphore_mem>>) {add = true}
        %mul3A_43 = arith.constant 8 : i32
        %mul3A_44 = arith.muli %scan3A_26, %mul3A_43 : i32
        %add3A_45 = arith.constant 2 : i32
        %add3A_46 = arith.addi %mul3A_44, %add3A_45 : i32
        %dma_start3A_47 = arith.constant 0 : i32
        %dma_start3A_48 = tpu.memref_slice %arg8[%add3A_46, %dma_start3A_47] : memref<160x128xi32, #tpu.memory_space<vmem>> -> memref<1x128xi32, #tpu.memory_space<vmem>>
        %dma_start3A_49 = tpu.memref_squeeze %dma_start3A_48 : memref<1x128xi32, #tpu.memory_space<vmem>> -> memref<128xi32, #tpu.memory_space<vmem>>
        %dma_start3A_50 = arith.constant 0 : i32
        %dma_start3A_51 = tpu.memref_slice %arg11[%dma_start3A_50] : memref<10112xf32, #tpu.memory_space<vmem_shared>> -> memref<10112xf32, #tpu.memory_space<vmem_shared>>
        tpu.enqueue_indirect_dma source(%arg9 : memref<128xf32, #tpu.memory_space<vmem>>) target(%dma_start3A_51 : memref<10112xf32, #tpu.memory_space<vmem_shared>>) offsets(%dma_start3A_49 : memref<128xi32, #tpu.memory_space<vmem>>) semaphore(%arg12 : memref<!tpu.dma_semaphore, #tpu.memory_space<semaphore_mem>>) {add = true}
        %mul3A_52 = arith.constant 8 : i32
        %mul3A_53 = arith.muli %scan3A_26, %mul3A_52 : i32
        %add3A_54 = arith.constant 3 : i32
        %add3A_55 = arith.addi %mul3A_53, %add3A_54 : i32
        %dma_start3A_56 = arith.constant 0 : i32
        %dma_start3A_57 = tpu.memref_slice %arg8[%add3A_55, %dma_start3A_56] : memref<160x128xi32, #tpu.memory_space<vmem>> -> memref<1x128xi32, #tpu.memory_space<vmem>>
        %dma_start3A_58 = tpu.memref_squeeze %dma_start3A_57 : memref<1x128xi32, #tpu.memory_space<vmem>> -> memref<128xi32, #tpu.memory_space<vmem>>
        %dma_start3A_59 = arith.constant 0 : i32
        %dma_start3A_60 = tpu.memref_slice %arg11[%dma_start3A_59] : memref<10112xf32, #tpu.memory_space<vmem_shared>> -> memref<10112xf32, #tpu.memory_space<vmem_shared>>
        tpu.enqueue_indirect_dma source(%arg9 : memref<128xf32, #tpu.memory_space<vmem>>) target(%dma_start3A_60 : memref<10112xf32, #tpu.memory_space<vmem_shared>>) offsets(%dma_start3A_58 : memref<128xi32, #tpu.memory_space<vmem>>) semaphore(%arg12 : memref<!tpu.dma_semaphore, #tpu.memory_space<semaphore_mem>>) {add = true}
        %mul3A_61 = arith.constant 8 : i32
        %mul3A_62 = arith.muli %scan3A_26, %mul3A_61 : i32
        %add3A_63 = arith.constant 4 : i32
        %add3A_64 = arith.addi %mul3A_62, %add3A_63 : i32
        %dma_start3A_65 = arith.constant 0 : i32
        %dma_start3A_66 = tpu.memref_slice %arg8[%add3A_64, %dma_start3A_65] : memref<160x128xi32, #tpu.memory_space<vmem>> -> memref<1x128xi32, #tpu.memory_space<vmem>>
        %dma_start3A_67 = tpu.memref_squeeze %dma_start3A_66 : memref<1x128xi32, #tpu.memory_space<vmem>> -> memref<128xi32, #tpu.memory_space<vmem>>
        %dma_start3A_68 = arith.constant 0 : i32
        %dma_start3A_69 = tpu.memref_slice %arg11[%dma_start3A_68] : memref<10112xf32, #tpu.memory_space<vmem_shared>> -> memref<10112xf32, #tpu.memory_space<vmem_shared>>
        tpu.enqueue_indirect_dma source(%arg9 : memref<128xf32, #tpu.memory_space<vmem>>) target(%dma_start3A_69 : memref<10112xf32, #tpu.memory_space<vmem_shared>>) offsets(%dma_start3A_67 : memref<128xi32, #tpu.memory_space<vmem>>) semaphore(%arg12 : memref<!tpu.dma_semaphore, #tpu.memory_space<semaphore_mem>>) {add = true}
        %mul3A_70 = arith.constant 8 : i32
        %mul3A_71 = arith.muli %scan3A_26, %mul3A_70 : i32
        %add3A_72 = arith.constant 5 : i32
        %add3A_73 = arith.addi %mul3A_71, %add3A_72 : i32
        %dma_start3A_74 = arith.constant 0 : i32
        %dma_start3A_75 = tpu.memref_slice %arg8[%add3A_73, %dma_start3A_74] : memref<160x128xi32, #tpu.memory_space<vmem>> -> memref<1x128xi32, #tpu.memory_space<vmem>>
        %dma_start3A_76 = tpu.memref_squeeze %dma_start3A_75 : memref<1x128xi32, #tpu.memory_space<vmem>> -> memref<128xi32, #tpu.memory_space<vmem>>
        %dma_start3A_77 = arith.constant 0 : i32
        %dma_start3A_78 = tpu.memref_slice %arg11[%dma_start3A_77] : memref<10112xf32, #tpu.memory_space<vmem_shared>> -> memref<10112xf32, #tpu.memory_space<vmem_shared>>
        tpu.enqueue_indirect_dma source(%arg9 : memref<128xf32, #tpu.memory_space<vmem>>) target(%dma_start3A_78 : memref<10112xf32, #tpu.memory_space<vmem_shared>>) offsets(%dma_start3A_76 : memref<128xi32, #tpu.memory_space<vmem>>) semaphore(%arg12 : memref<!tpu.dma_semaphore, #tpu.memory_space<semaphore_mem>>) {add = true}
        %mul3A_79 = arith.constant 8 : i32
        %mul3A_80 = arith.muli %scan3A_26, %mul3A_79 : i32
        %add3A_81 = arith.constant 6 : i32
        %add3A_82 = arith.addi %mul3A_80, %add3A_81 : i32
        %dma_start3A_83 = arith.constant 0 : i32
        %dma_start3A_84 = tpu.memref_slice %arg8[%add3A_82, %dma_start3A_83] : memref<160x128xi32, #tpu.memory_space<vmem>> -> memref<1x128xi32, #tpu.memory_space<vmem>>
        %dma_start3A_85 = tpu.memref_squeeze %dma_start3A_84 : memref<1x128xi32, #tpu.memory_space<vmem>> -> memref<128xi32, #tpu.memory_space<vmem>>
        %dma_start3A_86 = arith.constant 0 : i32
        %dma_start3A_87 = tpu.memref_slice %arg11[%dma_start3A_86] : memref<10112xf32, #tpu.memory_space<vmem_shared>> -> memref<10112xf32, #tpu.memory_space<vmem_shared>>
        tpu.enqueue_indirect_dma source(%arg9 : memref<128xf32, #tpu.memory_space<vmem>>) target(%dma_start3A_87 : memref<10112xf32, #tpu.memory_space<vmem_shared>>) offsets(%dma_start3A_85 : memref<128xi32, #tpu.memory_space<vmem>>) semaphore(%arg12 : memref<!tpu.dma_semaphore, #tpu.memory_space<semaphore_mem>>) {add = true}
        %mul3A_88 = arith.constant 8 : i32
        %mul3A_89 = arith.muli %scan3A_26, %mul3A_88 : i32
        %add3A_90 = arith.constant 7 : i32
        %add3A_91 = arith.addi %mul3A_89, %add3A_90 : i32
        %dma_start3A_92 = arith.constant 0 : i32
        %dma_start3A_93 = tpu.memref_slice %arg8[%add3A_91, %dma_start3A_92] : memref<160x128xi32, #tpu.memory_space<vmem>> -> memref<1x128xi32, #tpu.memory_space<vmem>>
        %dma_start3A_94 = tpu.memref_squeeze %dma_start3A_93 : memref<1x128xi32, #tpu.memory_space<vmem>> -> memref<128xi32, #tpu.memory_space<vmem>>
        %dma_start3A_95 = arith.constant 0 : i32
        %dma_start3A_96 = tpu.memref_slice %arg11[%dma_start3A_95] : memref<10112xf32, #tpu.memory_space<vmem_shared>> -> memref<10112xf32, #tpu.memory_space<vmem_shared>>
        tpu.enqueue_indirect_dma source(%arg9 : memref<128xf32, #tpu.memory_space<vmem>>) target(%dma_start3A_96 : memref<10112xf32, #tpu.memory_space<vmem_shared>>) offsets(%dma_start3A_94 : memref<128xi32, #tpu.memory_space<vmem>>) semaphore(%arg12 : memref<!tpu.dma_semaphore, #tpu.memory_space<semaphore_mem>>) {add = true}
        %mul3A_97 = arith.constant 8 : i32
        %mul3A_98 = arith.muli %scan3A_26, %mul3A_97 : i32
        %add3A_99 = arith.constant 0 : i32
        %add3A_100 = arith.addi %mul3A_98, %add3A_99 : i32
        %dma_wait3A = arith.constant 0 : i32
        %dma_wait3A_101 = tpu.memref_slice %arg8[%add3A_100, %dma_wait3A] : memref<160x128xi32, #tpu.memory_space<vmem>> -> memref<1x128xi32, #tpu.memory_space<vmem>>
        %dma_wait3A_102 = tpu.memref_squeeze %dma_wait3A_101 : memref<1x128xi32, #tpu.memory_space<vmem>> -> memref<128xi32, #tpu.memory_space<vmem>>
        %dma_wait3A_103 = arith.constant 0 : i32
        %dma_wait3A_104 = tpu.memref_slice %arg11[%dma_wait3A_103] : memref<10112xf32, #tpu.memory_space<vmem_shared>> -> memref<10112xf32, #tpu.memory_space<vmem_shared>>
        tpu.wait_indirect_dma semaphore(%arg12 : memref<!tpu.dma_semaphore, #tpu.memory_space<semaphore_mem>>) src(%arg9 : memref<128xf32, #tpu.memory_space<vmem>>) dst(%dma_wait3A_104 : memref<10112xf32, #tpu.memory_space<vmem_shared>>)
        %mul3A_105 = arith.constant 8 : i32
        %mul3A_106 = arith.muli %scan3A_26, %mul3A_105 : i32
        %add3A_107 = arith.constant 1 : i32
        %add3A_108 = arith.addi %mul3A_106, %add3A_107 : i32
        %dma_wait3A_109 = arith.constant 0 : i32
        %dma_wait3A_110 = tpu.memref_slice %arg8[%add3A_108, %dma_wait3A_109] : memref<160x128xi32, #tpu.memory_space<vmem>> -> memref<1x128xi32, #tpu.memory_space<vmem>>
        %dma_wait3A_111 = tpu.memref_squeeze %dma_wait3A_110 : memref<1x128xi32, #tpu.memory_space<vmem>> -> memref<128xi32, #tpu.memory_space<vmem>>
        %dma_wait3A_112 = arith.constant 0 : i32
        %dma_wait3A_113 = tpu.memref_slice %arg11[%dma_wait3A_112] : memref<10112xf32, #tpu.memory_space<vmem_shared>> -> memref<10112xf32, #tpu.memory_space<vmem_shared>>
        tpu.wait_indirect_dma semaphore(%arg12 : memref<!tpu.dma_semaphore, #tpu.memory_space<semaphore_mem>>) src(%arg9 : memref<128xf32, #tpu.memory_space<vmem>>) dst(%dma_wait3A_113 : memref<10112xf32, #tpu.memory_space<vmem_shared>>)
        %mul3A_114 = arith.constant 8 : i32
        %mul3A_115 = arith.muli %scan3A_26, %mul3A_114 : i32
        %add3A_116 = arith.constant 2 : i32
        %add3A_117 = arith.addi %mul3A_115, %add3A_116 : i32
        %dma_wait3A_118 = arith.constant 0 : i32
        %dma_wait3A_119 = tpu.memref_slice %arg8[%add3A_117, %dma_wait3A_118] : memref<160x128xi32, #tpu.memory_space<vmem>> -> memref<1x128xi32, #tpu.memory_space<vmem>>
        %dma_wait3A_120 = tpu.memref_squeeze %dma_wait3A_119 : memref<1x128xi32, #tpu.memory_space<vmem>> -> memref<128xi32, #tpu.memory_space<vmem>>
        %dma_wait3A_121 = arith.constant 0 : i32
        %dma_wait3A_122 = tpu.memref_slice %arg11[%dma_wait3A_121] : memref<10112xf32, #tpu.memory_space<vmem_shared>> -> memref<10112xf32, #tpu.memory_space<vmem_shared>>
        tpu.wait_indirect_dma semaphore(%arg12 : memref<!tpu.dma_semaphore, #tpu.memory_space<semaphore_mem>>) src(%arg9 : memref<128xf32, #tpu.memory_space<vmem>>) dst(%dma_wait3A_122 : memref<10112xf32, #tpu.memory_space<vmem_shared>>)
        %mul3A_123 = arith.constant 8 : i32
        %mul3A_124 = arith.muli %scan3A_26, %mul3A_123 : i32
        %add3A_125 = arith.constant 3 : i32
        %add3A_126 = arith.addi %mul3A_124, %add3A_125 : i32
        %dma_wait3A_127 = arith.constant 0 : i32
        %dma_wait3A_128 = tpu.memref_slice %arg8[%add3A_126, %dma_wait3A_127] : memref<160x128xi32, #tpu.memory_space<vmem>> -> memref<1x128xi32, #tpu.memory_space<vmem>>
        %dma_wait3A_129 = tpu.memref_squeeze %dma_wait3A_128 : memref<1x128xi32, #tpu.memory_space<vmem>> -> memref<128xi32, #tpu.memory_space<vmem>>
        %dma_wait3A_130 = arith.constant 0 : i32
        %dma_wait3A_131 = tpu.memref_slice %arg11[%dma_wait3A_130] : memref<10112xf32, #tpu.memory_space<vmem_shared>> -> memref<10112xf32, #tpu.memory_space<vmem_shared>>
        tpu.wait_indirect_dma semaphore(%arg12 : memref<!tpu.dma_semaphore, #tpu.memory_space<semaphore_mem>>) src(%arg9 : memref<128xf32, #tpu.memory_space<vmem>>) dst(%dma_wait3A_131 : memref<10112xf32, #tpu.memory_space<vmem_shared>>)
        %mul3A_132 = arith.constant 8 : i32
        %mul3A_133 = arith.muli %scan3A_26, %mul3A_132 : i32
        %add3A_134 = arith.constant 4 : i32
        %add3A_135 = arith.addi %mul3A_133, %add3A_134 : i32
        %dma_wait3A_136 = arith.constant 0 : i32
        %dma_wait3A_137 = tpu.memref_slice %arg8[%add3A_135, %dma_wait3A_136] : memref<160x128xi32, #tpu.memory_space<vmem>> -> memref<1x128xi32, #tpu.memory_space<vmem>>
        %dma_wait3A_138 = tpu.memref_squeeze %dma_wait3A_137 : memref<1x128xi32, #tpu.memory_space<vmem>> -> memref<128xi32, #tpu.memory_space<vmem>>
        %dma_wait3A_139 = arith.constant 0 : i32
        %dma_wait3A_140 = tpu.memref_slice %arg11[%dma_wait3A_139] : memref<10112xf32, #tpu.memory_space<vmem_shared>> -> memref<10112xf32, #tpu.memory_space<vmem_shared>>
        tpu.wait_indirect_dma semaphore(%arg12 : memref<!tpu.dma_semaphore, #tpu.memory_space<semaphore_mem>>) src(%arg9 : memref<128xf32, #tpu.memory_space<vmem>>) dst(%dma_wait3A_140 : memref<10112xf32, #tpu.memory_space<vmem_shared>>)
        %mul3A_141 = arith.constant 8 : i32
        %mul3A_142 = arith.muli %scan3A_26, %mul3A_141 : i32
        %add3A_143 = arith.constant 5 : i32
        %add3A_144 = arith.addi %mul3A_142, %add3A_143 : i32
        %dma_wait3A_145 = arith.constant 0 : i32
        %dma_wait3A_146 = tpu.memref_slice %arg8[%add3A_144, %dma_wait3A_145] : memref<160x128xi32, #tpu.memory_space<vmem>> -> memref<1x128xi32, #tpu.memory_space<vmem>>
        %dma_wait3A_147 = tpu.memref_squeeze %dma_wait3A_146 : memref<1x128xi32, #tpu.memory_space<vmem>> -> memref<128xi32, #tpu.memory_space<vmem>>
        %dma_wait3A_148 = arith.constant 0 : i32
        %dma_wait3A_149 = tpu.memref_slice %arg11[%dma_wait3A_148] : memref<10112xf32, #tpu.memory_space<vmem_shared>> -> memref<10112xf32, #tpu.memory_space<vmem_shared>>
        tpu.wait_indirect_dma semaphore(%arg12 : memref<!tpu.dma_semaphore, #tpu.memory_space<semaphore_mem>>) src(%arg9 : memref<128xf32, #tpu.memory_space<vmem>>) dst(%dma_wait3A_149 : memref<10112xf32, #tpu.memory_space<vmem_shared>>)
        %mul3A_150 = arith.constant 8 : i32
        %mul3A_151 = arith.muli %scan3A_26, %mul3A_150 : i32
        %add3A_152 = arith.constant 6 : i32
        %add3A_153 = arith.addi %mul3A_151, %add3A_152 : i32
        %dma_wait3A_154 = arith.constant 0 : i32
        %dma_wait3A_155 = tpu.memref_slice %arg8[%add3A_153, %dma_wait3A_154] : memref<160x128xi32, #tpu.memory_space<vmem>> -> memref<1x128xi32, #tpu.memory_space<vmem>>
        %dma_wait3A_156 = tpu.memref_squeeze %dma_wait3A_155 : memref<1x128xi32, #tpu.memory_space<vmem>> -> memref<128xi32, #tpu.memory_space<vmem>>
        %dma_wait3A_157 = arith.constant 0 : i32
        %dma_wait3A_158 = tpu.memref_slice %arg11[%dma_wait3A_157] : memref<10112xf32, #tpu.memory_space<vmem_shared>> -> memref<10112xf32, #tpu.memory_space<vmem_shared>>
        tpu.wait_indirect_dma semaphore(%arg12 : memref<!tpu.dma_semaphore, #tpu.memory_space<semaphore_mem>>) src(%arg9 : memref<128xf32, #tpu.memory_space<vmem>>) dst(%dma_wait3A_158 : memref<10112xf32, #tpu.memory_space<vmem_shared>>)
        %mul3A_159 = arith.constant 8 : i32
        %mul3A_160 = arith.muli %scan3A_26, %mul3A_159 : i32
        %add3A_161 = arith.constant 7 : i32
        %add3A_162 = arith.addi %mul3A_160, %add3A_161 : i32
        %dma_wait3A_163 = arith.constant 0 : i32
        %dma_wait3A_164 = tpu.memref_slice %arg8[%add3A_162, %dma_wait3A_163] : memref<160x128xi32, #tpu.memory_space<vmem>> -> memref<1x128xi32, #tpu.memory_space<vmem>>
        %dma_wait3A_165 = tpu.memref_squeeze %dma_wait3A_164 : memref<1x128xi32, #tpu.memory_space<vmem>> -> memref<128xi32, #tpu.memory_space<vmem>>
        %dma_wait3A_166 = arith.constant 0 : i32
        %dma_wait3A_167 = tpu.memref_slice %arg11[%dma_wait3A_166] : memref<10112xf32, #tpu.memory_space<vmem_shared>> -> memref<10112xf32, #tpu.memory_space<vmem_shared>>
        tpu.wait_indirect_dma semaphore(%arg12 : memref<!tpu.dma_semaphore, #tpu.memory_space<semaphore_mem>>) src(%arg9 : memref<128xf32, #tpu.memory_space<vmem>>) dst(%dma_wait3A_167 : memref<10112xf32, #tpu.memory_space<vmem_shared>>)
      }
      %scan3A_25 = arith.constant 20 : i32
    } else {
    }
    %eq3A_3 = arith.constant 1 : i32
    %eq3A_4 = arith.cmpi eq, %arg0, %eq3A_3 : i32
    %convert_element_type3A_5 = arith.extui %eq3A_4 : i1 to i32
    %cond3A_6 = arith.constant 0 : i32
    %cond3A_7 = arith.cmpi ne, %convert_element_type3A_5, %cond3A_6 : i32
    scf.if %cond3A_7 {
      %mul3A_19 = arith.constant 160 : i32
      %mul3A_20 = arith.muli %arg1, %mul3A_19 : i32
      "tpu.region"() ({
        %run_scoped3A = tpu.sem_alloc : memref<!tpu.dma_semaphore, #tpu.memory_space<semaphore_mem>>
        %dma_start3A = arith.constant 0 : i32
        %dma_start3A_26 = tpu.memref_slice %arg3[%mul3A_20, %dma_start3A] : memref<2560x128xi32, #tpu.memory_space<hbm>> -> memref<160x128xi32, #tpu.memory_space<hbm>>
        %dma_start3A_27 = arith.constant 0 : i32
        %dma_start3A_28 = tpu.memref_slice %arg3[%mul3A_20, %dma_start3A_27] : memref<2560x128xi32, #tpu.memory_space<hbm>> -> memref<160x128xi32, #tpu.memory_space<hbm>>
        tpu.enqueue_dma source(%dma_start3A_28 : memref<160x128xi32, #tpu.memory_space<hbm>>) target(%arg8 : memref<160x128xi32, #tpu.memory_space<vmem>>) target_semaphore(%run_scoped3A : memref<!tpu.dma_semaphore, #tpu.memory_space<semaphore_mem>>)
        %dma_wait3A = arith.constant 0 : i32
        %dma_wait3A_29 = tpu.memref_slice %arg3[%mul3A_20, %dma_wait3A] : memref<2560x128xi32, #tpu.memory_space<hbm>> -> memref<160x128xi32, #tpu.memory_space<hbm>>
        %dma_wait3A_30 = arith.constant 0 : i32
        %dma_wait3A_31 = tpu.memref_slice %arg3[%mul3A_20, %dma_wait3A_30] : memref<2560x128xi32, #tpu.memory_space<hbm>> -> memref<160x128xi32, #tpu.memory_space<hbm>>
        tpu.wait_dma2 semaphore(%run_scoped3A : memref<!tpu.dma_semaphore, #tpu.memory_space<semaphore_mem>>) src(%dma_wait3A_31 : memref<160x128xi32, #tpu.memory_space<hbm>>) dst(%arg8 : memref<160x128xi32, #tpu.memory_space<vmem>>)
        tpu.yield
      }) : () -> ()
      %scan3A = arith.constant 0 : i32
      %scan3A_21 = arith.constant 0 : i32
      %scan3A_22 = arith.constant 20 : i32
      %scan3A_23 = arith.addi %scan3A_21, %scan3A_22 : i32
      %scan3A_24 = arith.constant 1 : i32
      scf.for %scan3A_26 = %scan3A_21 to %scan3A_23 step %scan3A_24  : i32 {
        %mul3A_27 = arith.constant 8 : i32
        %mul3A_28 = arith.muli %scan3A_26, %mul3A_27 : i32
        %add3A = arith.constant 0 : i32
        %add3A_29 = arith.addi %mul3A_28, %add3A : i32
        %dma_start3A = arith.constant 0 : i32
        %dma_start3A_30 = tpu.memref_slice %arg8[%add3A_29, %dma_start3A] : memref<160x128xi32, #tpu.memory_space<vmem>> -> memref<1x128xi32, #tpu.memory_space<vmem>>
        %dma_start3A_31 = tpu.memref_squeeze %dma_start3A_30 : memref<1x128xi32, #tpu.memory_space<vmem>> -> memref<128xi32, #tpu.memory_space<vmem>>
        %dma_start3A_32 = arith.constant 0 : i32
        %dma_start3A_33 = tpu.memref_slice %arg11[%dma_start3A_32] : memref<10112xf32, #tpu.memory_space<vmem_shared>> -> memref<10112xf32, #tpu.memory_space<vmem_shared>>
        tpu.enqueue_indirect_dma source(%arg9 : memref<128xf32, #tpu.memory_space<vmem>>) target(%dma_start3A_33 : memref<10112xf32, #tpu.memory_space<vmem_shared>>) offsets(%dma_start3A_31 : memref<128xi32, #tpu.memory_space<vmem>>) semaphore(%arg12 : memref<!tpu.dma_semaphore, #tpu.memory_space<semaphore_mem>>) {add = true}
        %mul3A_34 = arith.constant 8 : i32
        %mul3A_35 = arith.muli %scan3A_26, %mul3A_34 : i32
        %add3A_36 = arith.constant 1 : i32
        %add3A_37 = arith.addi %mul3A_35, %add3A_36 : i32
        %dma_start3A_38 = arith.constant 0 : i32
        %dma_start3A_39 = tpu.memref_slice %arg8[%add3A_37, %dma_start3A_38] : memref<160x128xi32, #tpu.memory_space<vmem>> -> memref<1x128xi32, #tpu.memory_space<vmem>>
        %dma_start3A_40 = tpu.memref_squeeze %dma_start3A_39 : memref<1x128xi32, #tpu.memory_space<vmem>> -> memref<128xi32, #tpu.memory_space<vmem>>
        %dma_start3A_41 = arith.constant 0 : i32
        %dma_start3A_42 = tpu.memref_slice %arg11[%dma_start3A_41] : memref<10112xf32, #tpu.memory_space<vmem_shared>> -> memref<10112xf32, #tpu.memory_space<vmem_shared>>
        tpu.enqueue_indirect_dma source(%arg9 : memref<128xf32, #tpu.memory_space<vmem>>) target(%dma_start3A_42 : memref<10112xf32, #tpu.memory_space<vmem_shared>>) offsets(%dma_start3A_40 : memref<128xi32, #tpu.memory_space<vmem>>) semaphore(%arg12 : memref<!tpu.dma_semaphore, #tpu.memory_space<semaphore_mem>>) {add = true}
        %mul3A_43 = arith.constant 8 : i32
        %mul3A_44 = arith.muli %scan3A_26, %mul3A_43 : i32
        %add3A_45 = arith.constant 2 : i32
        %add3A_46 = arith.addi %mul3A_44, %add3A_45 : i32
        %dma_start3A_47 = arith.constant 0 : i32
        %dma_start3A_48 = tpu.memref_slice %arg8[%add3A_46, %dma_start3A_47] : memref<160x128xi32, #tpu.memory_space<vmem>> -> memref<1x128xi32, #tpu.memory_space<vmem>>
        %dma_start3A_49 = tpu.memref_squeeze %dma_start3A_48 : memref<1x128xi32, #tpu.memory_space<vmem>> -> memref<128xi32, #tpu.memory_space<vmem>>
        %dma_start3A_50 = arith.constant 0 : i32
        %dma_start3A_51 = tpu.memref_slice %arg11[%dma_start3A_50] : memref<10112xf32, #tpu.memory_space<vmem_shared>> -> memref<10112xf32, #tpu.memory_space<vmem_shared>>
        tpu.enqueue_indirect_dma source(%arg9 : memref<128xf32, #tpu.memory_space<vmem>>) target(%dma_start3A_51 : memref<10112xf32, #tpu.memory_space<vmem_shared>>) offsets(%dma_start3A_49 : memref<128xi32, #tpu.memory_space<vmem>>) semaphore(%arg12 : memref<!tpu.dma_semaphore, #tpu.memory_space<semaphore_mem>>) {add = true}
        %mul3A_52 = arith.constant 8 : i32
        %mul3A_53 = arith.muli %scan3A_26, %mul3A_52 : i32
        %add3A_54 = arith.constant 3 : i32
        %add3A_55 = arith.addi %mul3A_53, %add3A_54 : i32
        %dma_start3A_56 = arith.constant 0 : i32
        %dma_start3A_57 = tpu.memref_slice %arg8[%add3A_55, %dma_start3A_56] : memref<160x128xi32, #tpu.memory_space<vmem>> -> memref<1x128xi32, #tpu.memory_space<vmem>>
        %dma_start3A_58 = tpu.memref_squeeze %dma_start3A_57 : memref<1x128xi32, #tpu.memory_space<vmem>> -> memref<128xi32, #tpu.memory_space<vmem>>
        %dma_start3A_59 = arith.constant 0 : i32
        %dma_start3A_60 = tpu.memref_slice %arg11[%dma_start3A_59] : memref<10112xf32, #tpu.memory_space<vmem_shared>> -> memref<10112xf32, #tpu.memory_space<vmem_shared>>
        tpu.enqueue_indirect_dma source(%arg9 : memref<128xf32, #tpu.memory_space<vmem>>) target(%dma_start3A_60 : memref<10112xf32, #tpu.memory_space<vmem_shared>>) offsets(%dma_start3A_58 : memref<128xi32, #tpu.memory_space<vmem>>) semaphore(%arg12 : memref<!tpu.dma_semaphore, #tpu.memory_space<semaphore_mem>>) {add = true}
        %mul3A_61 = arith.constant 8 : i32
        %mul3A_62 = arith.muli %scan3A_26, %mul3A_61 : i32
        %add3A_63 = arith.constant 4 : i32
        %add3A_64 = arith.addi %mul3A_62, %add3A_63 : i32
        %dma_start3A_65 = arith.constant 0 : i32
        %dma_start3A_66 = tpu.memref_slice %arg8[%add3A_64, %dma_start3A_65] : memref<160x128xi32, #tpu.memory_space<vmem>> -> memref<1x128xi32, #tpu.memory_space<vmem>>
        %dma_start3A_67 = tpu.memref_squeeze %dma_start3A_66 : memref<1x128xi32, #tpu.memory_space<vmem>> -> memref<128xi32, #tpu.memory_space<vmem>>
        %dma_start3A_68 = arith.constant 0 : i32
        %dma_start3A_69 = tpu.memref_slice %arg11[%dma_start3A_68] : memref<10112xf32, #tpu.memory_space<vmem_shared>> -> memref<10112xf32, #tpu.memory_space<vmem_shared>>
        tpu.enqueue_indirect_dma source(%arg9 : memref<128xf32, #tpu.memory_space<vmem>>) target(%dma_start3A_69 : memref<10112xf32, #tpu.memory_space<vmem_shared>>) offsets(%dma_start3A_67 : memref<128xi32, #tpu.memory_space<vmem>>) semaphore(%arg12 : memref<!tpu.dma_semaphore, #tpu.memory_space<semaphore_mem>>) {add = true}
        %mul3A_70 = arith.constant 8 : i32
        %mul3A_71 = arith.muli %scan3A_26, %mul3A_70 : i32
        %add3A_72 = arith.constant 5 : i32
        %add3A_73 = arith.addi %mul3A_71, %add3A_72 : i32
        %dma_start3A_74 = arith.constant 0 : i32
        %dma_start3A_75 = tpu.memref_slice %arg8[%add3A_73, %dma_start3A_74] : memref<160x128xi32, #tpu.memory_space<vmem>> -> memref<1x128xi32, #tpu.memory_space<vmem>>
        %dma_start3A_76 = tpu.memref_squeeze %dma_start3A_75 : memref<1x128xi32, #tpu.memory_space<vmem>> -> memref<128xi32, #tpu.memory_space<vmem>>
        %dma_start3A_77 = arith.constant 0 : i32
        %dma_start3A_78 = tpu.memref_slice %arg11[%dma_start3A_77] : memref<10112xf32, #tpu.memory_space<vmem_shared>> -> memref<10112xf32, #tpu.memory_space<vmem_shared>>
        tpu.enqueue_indirect_dma source(%arg9 : memref<128xf32, #tpu.memory_space<vmem>>) target(%dma_start3A_78 : memref<10112xf32, #tpu.memory_space<vmem_shared>>) offsets(%dma_start3A_76 : memref<128xi32, #tpu.memory_space<vmem>>) semaphore(%arg12 : memref<!tpu.dma_semaphore, #tpu.memory_space<semaphore_mem>>) {add = true}
        %mul3A_79 = arith.constant 8 : i32
        %mul3A_80 = arith.muli %scan3A_26, %mul3A_79 : i32
        %add3A_81 = arith.constant 6 : i32
        %add3A_82 = arith.addi %mul3A_80, %add3A_81 : i32
        %dma_start3A_83 = arith.constant 0 : i32
        %dma_start3A_84 = tpu.memref_slice %arg8[%add3A_82, %dma_start3A_83] : memref<160x128xi32, #tpu.memory_space<vmem>> -> memref<1x128xi32, #tpu.memory_space<vmem>>
        %dma_start3A_85 = tpu.memref_squeeze %dma_start3A_84 : memref<1x128xi32, #tpu.memory_space<vmem>> -> memref<128xi32, #tpu.memory_space<vmem>>
        %dma_start3A_86 = arith.constant 0 : i32
        %dma_start3A_87 = tpu.memref_slice %arg11[%dma_start3A_86] : memref<10112xf32, #tpu.memory_space<vmem_shared>> -> memref<10112xf32, #tpu.memory_space<vmem_shared>>
        tpu.enqueue_indirect_dma source(%arg9 : memref<128xf32, #tpu.memory_space<vmem>>) target(%dma_start3A_87 : memref<10112xf32, #tpu.memory_space<vmem_shared>>) offsets(%dma_start3A_85 : memref<128xi32, #tpu.memory_space<vmem>>) semaphore(%arg12 : memref<!tpu.dma_semaphore, #tpu.memory_space<semaphore_mem>>) {add = true}
        %mul3A_88 = arith.constant 8 : i32
        %mul3A_89 = arith.muli %scan3A_26, %mul3A_88 : i32
        %add3A_90 = arith.constant 7 : i32
        %add3A_91 = arith.addi %mul3A_89, %add3A_90 : i32
        %dma_start3A_92 = arith.constant 0 : i32
        %dma_start3A_93 = tpu.memref_slice %arg8[%add3A_91, %dma_start3A_92] : memref<160x128xi32, #tpu.memory_space<vmem>> -> memref<1x128xi32, #tpu.memory_space<vmem>>
        %dma_start3A_94 = tpu.memref_squeeze %dma_start3A_93 : memref<1x128xi32, #tpu.memory_space<vmem>> -> memref<128xi32, #tpu.memory_space<vmem>>
        %dma_start3A_95 = arith.constant 0 : i32
        %dma_start3A_96 = tpu.memref_slice %arg11[%dma_start3A_95] : memref<10112xf32, #tpu.memory_space<vmem_shared>> -> memref<10112xf32, #tpu.memory_space<vmem_shared>>
        tpu.enqueue_indirect_dma source(%arg9 : memref<128xf32, #tpu.memory_space<vmem>>) target(%dma_start3A_96 : memref<10112xf32, #tpu.memory_space<vmem_shared>>) offsets(%dma_start3A_94 : memref<128xi32, #tpu.memory_space<vmem>>) semaphore(%arg12 : memref<!tpu.dma_semaphore, #tpu.memory_space<semaphore_mem>>) {add = true}
        %mul3A_97 = arith.constant 8 : i32
        %mul3A_98 = arith.muli %scan3A_26, %mul3A_97 : i32
        %add3A_99 = arith.constant 0 : i32
        %add3A_100 = arith.addi %mul3A_98, %add3A_99 : i32
        %dma_wait3A = arith.constant 0 : i32
        %dma_wait3A_101 = tpu.memref_slice %arg8[%add3A_100, %dma_wait3A] : memref<160x128xi32, #tpu.memory_space<vmem>> -> memref<1x128xi32, #tpu.memory_space<vmem>>
        %dma_wait3A_102 = tpu.memref_squeeze %dma_wait3A_101 : memref<1x128xi32, #tpu.memory_space<vmem>> -> memref<128xi32, #tpu.memory_space<vmem>>
        %dma_wait3A_103 = arith.constant 0 : i32
        %dma_wait3A_104 = tpu.memref_slice %arg11[%dma_wait3A_103] : memref<10112xf32, #tpu.memory_space<vmem_shared>> -> memref<10112xf32, #tpu.memory_space<vmem_shared>>
        tpu.wait_indirect_dma semaphore(%arg12 : memref<!tpu.dma_semaphore, #tpu.memory_space<semaphore_mem>>) src(%arg9 : memref<128xf32, #tpu.memory_space<vmem>>) dst(%dma_wait3A_104 : memref<10112xf32, #tpu.memory_space<vmem_shared>>)
        %mul3A_105 = arith.constant 8 : i32
        %mul3A_106 = arith.muli %scan3A_26, %mul3A_105 : i32
        %add3A_107 = arith.constant 1 : i32
        %add3A_108 = arith.addi %mul3A_106, %add3A_107 : i32
        %dma_wait3A_109 = arith.constant 0 : i32
        %dma_wait3A_110 = tpu.memref_slice %arg8[%add3A_108, %dma_wait3A_109] : memref<160x128xi32, #tpu.memory_space<vmem>> -> memref<1x128xi32, #tpu.memory_space<vmem>>
        %dma_wait3A_111 = tpu.memref_squeeze %dma_wait3A_110 : memref<1x128xi32, #tpu.memory_space<vmem>> -> memref<128xi32, #tpu.memory_space<vmem>>
        %dma_wait3A_112 = arith.constant 0 : i32
        %dma_wait3A_113 = tpu.memref_slice %arg11[%dma_wait3A_112] : memref<10112xf32, #tpu.memory_space<vmem_shared>> -> memref<10112xf32, #tpu.memory_space<vmem_shared>>
        tpu.wait_indirect_dma semaphore(%arg12 : memref<!tpu.dma_semaphore, #tpu.memory_space<semaphore_mem>>) src(%arg9 : memref<128xf32, #tpu.memory_space<vmem>>) dst(%dma_wait3A_113 : memref<10112xf32, #tpu.memory_space<vmem_shared>>)
        %mul3A_114 = arith.constant 8 : i32
        %mul3A_115 = arith.muli %scan3A_26, %mul3A_114 : i32
        %add3A_116 = arith.constant 2 : i32
        %add3A_117 = arith.addi %mul3A_115, %add3A_116 : i32
        %dma_wait3A_118 = arith.constant 0 : i32
        %dma_wait3A_119 = tpu.memref_slice %arg8[%add3A_117, %dma_wait3A_118] : memref<160x128xi32, #tpu.memory_space<vmem>> -> memref<1x128xi32, #tpu.memory_space<vmem>>
        %dma_wait3A_120 = tpu.memref_squeeze %dma_wait3A_119 : memref<1x128xi32, #tpu.memory_space<vmem>> -> memref<128xi32, #tpu.memory_space<vmem>>
        %dma_wait3A_121 = arith.constant 0 : i32
        %dma_wait3A_122 = tpu.memref_slice %arg11[%dma_wait3A_121] : memref<10112xf32, #tpu.memory_space<vmem_shared>> -> memref<10112xf32, #tpu.memory_space<vmem_shared>>
        tpu.wait_indirect_dma semaphore(%arg12 : memref<!tpu.dma_semaphore, #tpu.memory_space<semaphore_mem>>) src(%arg9 : memref<128xf32, #tpu.memory_space<vmem>>) dst(%dma_wait3A_122 : memref<10112xf32, #tpu.memory_space<vmem_shared>>)
        %mul3A_123 = arith.constant 8 : i32
        %mul3A_124 = arith.muli %scan3A_26, %mul3A_123 : i32
        %add3A_125 = arith.constant 3 : i32
        %add3A_126 = arith.addi %mul3A_124, %add3A_125 : i32
        %dma_wait3A_127 = arith.constant 0 : i32
        %dma_wait3A_128 = tpu.memref_slice %arg8[%add3A_126, %dma_wait3A_127] : memref<160x128xi32, #tpu.memory_space<vmem>> -> memref<1x128xi32, #tpu.memory_space<vmem>>
        %dma_wait3A_129 = tpu.memref_squeeze %dma_wait3A_128 : memref<1x128xi32, #tpu.memory_space<vmem>> -> memref<128xi32, #tpu.memory_space<vmem>>
        %dma_wait3A_130 = arith.constant 0 : i32
        %dma_wait3A_131 = tpu.memref_slice %arg11[%dma_wait3A_130] : memref<10112xf32, #tpu.memory_space<vmem_shared>> -> memref<10112xf32, #tpu.memory_space<vmem_shared>>
        tpu.wait_indirect_dma semaphore(%arg12 : memref<!tpu.dma_semaphore, #tpu.memory_space<semaphore_mem>>) src(%arg9 : memref<128xf32, #tpu.memory_space<vmem>>) dst(%dma_wait3A_131 : memref<10112xf32, #tpu.memory_space<vmem_shared>>)
        %mul3A_132 = arith.constant 8 : i32
        %mul3A_133 = arith.muli %scan3A_26, %mul3A_132 : i32
        %add3A_134 = arith.constant 4 : i32
        %add3A_135 = arith.addi %mul3A_133, %add3A_134 : i32
        %dma_wait3A_136 = arith.constant 0 : i32
        %dma_wait3A_137 = tpu.memref_slice %arg8[%add3A_135, %dma_wait3A_136] : memref<160x128xi32, #tpu.memory_space<vmem>> -> memref<1x128xi32, #tpu.memory_space<vmem>>
        %dma_wait3A_138 = tpu.memref_squeeze %dma_wait3A_137 : memref<1x128xi32, #tpu.memory_space<vmem>> -> memref<128xi32, #tpu.memory_space<vmem>>
        %dma_wait3A_139 = arith.constant 0 : i32
        %dma_wait3A_140 = tpu.memref_slice %arg11[%dma_wait3A_139] : memref<10112xf32, #tpu.memory_space<vmem_shared>> -> memref<10112xf32, #tpu.memory_space<vmem_shared>>
        tpu.wait_indirect_dma semaphore(%arg12 : memref<!tpu.dma_semaphore, #tpu.memory_space<semaphore_mem>>) src(%arg9 : memref<128xf32, #tpu.memory_space<vmem>>) dst(%dma_wait3A_140 : memref<10112xf32, #tpu.memory_space<vmem_shared>>)
        %mul3A_141 = arith.constant 8 : i32
        %mul3A_142 = arith.muli %scan3A_26, %mul3A_141 : i32
        %add3A_143 = arith.constant 5 : i32
        %add3A_144 = arith.addi %mul3A_142, %add3A_143 : i32
        %dma_wait3A_145 = arith.constant 0 : i32
        %dma_wait3A_146 = tpu.memref_slice %arg8[%add3A_144, %dma_wait3A_145] : memref<160x128xi32, #tpu.memory_space<vmem>> -> memref<1x128xi32, #tpu.memory_space<vmem>>
        %dma_wait3A_147 = tpu.memref_squeeze %dma_wait3A_146 : memref<1x128xi32, #tpu.memory_space<vmem>> -> memref<128xi32, #tpu.memory_space<vmem>>
        %dma_wait3A_148 = arith.constant 0 : i32
        %dma_wait3A_149 = tpu.memref_slice %arg11[%dma_wait3A_148] : memref<10112xf32, #tpu.memory_space<vmem_shared>> -> memref<10112xf32, #tpu.memory_space<vmem_shared>>
        tpu.wait_indirect_dma semaphore(%arg12 : memref<!tpu.dma_semaphore, #tpu.memory_space<semaphore_mem>>) src(%arg9 : memref<128xf32, #tpu.memory_space<vmem>>) dst(%dma_wait3A_149 : memref<10112xf32, #tpu.memory_space<vmem_shared>>)
        %mul3A_150 = arith.constant 8 : i32
        %mul3A_151 = arith.muli %scan3A_26, %mul3A_150 : i32
        %add3A_152 = arith.constant 6 : i32
        %add3A_153 = arith.addi %mul3A_151, %add3A_152 : i32
        %dma_wait3A_154 = arith.constant 0 : i32
        %dma_wait3A_155 = tpu.memref_slice %arg8[%add3A_153, %dma_wait3A_154] : memref<160x128xi32, #tpu.memory_space<vmem>> -> memref<1x128xi32, #tpu.memory_space<vmem>>
        %dma_wait3A_156 = tpu.memref_squeeze %dma_wait3A_155 : memref<1x128xi32, #tpu.memory_space<vmem>> -> memref<128xi32, #tpu.memory_space<vmem>>
        %dma_wait3A_157 = arith.constant 0 : i32
        %dma_wait3A_158 = tpu.memref_slice %arg11[%dma_wait3A_157] : memref<10112xf32, #tpu.memory_space<vmem_shared>> -> memref<10112xf32, #tpu.memory_space<vmem_shared>>
        tpu.wait_indirect_dma semaphore(%arg12 : memref<!tpu.dma_semaphore, #tpu.memory_space<semaphore_mem>>) src(%arg9 : memref<128xf32, #tpu.memory_space<vmem>>) dst(%dma_wait3A_158 : memref<10112xf32, #tpu.memory_space<vmem_shared>>)
        %mul3A_159 = arith.constant 8 : i32
        %mul3A_160 = arith.muli %scan3A_26, %mul3A_159 : i32
        %add3A_161 = arith.constant 7 : i32
        %add3A_162 = arith.addi %mul3A_160, %add3A_161 : i32
        %dma_wait3A_163 = arith.constant 0 : i32
        %dma_wait3A_164 = tpu.memref_slice %arg8[%add3A_162, %dma_wait3A_163] : memref<160x128xi32, #tpu.memory_space<vmem>> -> memref<1x128xi32, #tpu.memory_space<vmem>>
        %dma_wait3A_165 = tpu.memref_squeeze %dma_wait3A_164 : memref<1x128xi32, #tpu.memory_space<vmem>> -> memref<128xi32, #tpu.memory_space<vmem>>
        %dma_wait3A_166 = arith.constant 0 : i32
        %dma_wait3A_167 = tpu.memref_slice %arg11[%dma_wait3A_166] : memref<10112xf32, #tpu.memory_space<vmem_shared>> -> memref<10112xf32, #tpu.memory_space<vmem_shared>>
        tpu.wait_indirect_dma semaphore(%arg12 : memref<!tpu.dma_semaphore, #tpu.memory_space<semaphore_mem>>) src(%arg9 : memref<128xf32, #tpu.memory_space<vmem>>) dst(%dma_wait3A_167 : memref<10112xf32, #tpu.memory_space<vmem_shared>>)
      }
      %scan3A_25 = arith.constant 20 : i32
    } else {
    }
    %barrier3A_8 = arith.constant 0 : index
    tpu.barrier barrier_id(%barrier3A_8)
    "tpu.region"() ({
      %run_scoped3A = tpu.sem_alloc : memref<!tpu.dma_semaphore, #tpu.memory_space<semaphore_mem>>
      %dma_start3A = tpu.memref_slice %arg11[%mul3A_0] : memref<10112xf32, #tpu.memory_space<vmem_shared>> -> memref<632xf32, #tpu.memory_space<vmem_shared>>
      %dma_start3A_19 = tpu.memref_slice %arg11[%mul3A_0] : memref<10112xf32, #tpu.memory_space<vmem_shared>> -> memref<632xf32, #tpu.memory_space<vmem_shared>>
      tpu.enqueue_dma source(%dma_start3A_19 : memref<632xf32, #tpu.memory_space<vmem_shared>>) target(%arg10 : memref<632xf32, #tpu.memory_space<vmem>>) target_semaphore(%run_scoped3A : memref<!tpu.dma_semaphore, #tpu.memory_space<semaphore_mem>>)
      %dma_wait3A = tpu.memref_slice %arg11[%mul3A_0] : memref<10112xf32, #tpu.memory_space<vmem_shared>> -> memref<632xf32, #tpu.memory_space<vmem_shared>>
      %dma_wait3A_20 = tpu.memref_slice %arg11[%mul3A_0] : memref<10112xf32, #tpu.memory_space<vmem_shared>> -> memref<632xf32, #tpu.memory_space<vmem_shared>>
      tpu.wait_dma2 semaphore(%run_scoped3A : memref<!tpu.dma_semaphore, #tpu.memory_space<semaphore_mem>>) src(%dma_wait3A_20 : memref<632xf32, #tpu.memory_space<vmem_shared>>) dst(%arg10 : memref<632xf32, #tpu.memory_space<vmem>>)
      tpu.yield
    }) : () -> ()
    %eq3A_9 = arith.constant 0 : i32
    %eq3A_10 = arith.cmpi eq, %arg0, %eq3A_9 : i32
    %convert_element_type3A_11 = arith.extui %eq3A_10 : i1 to i32
    %cond3A_12 = arith.constant 0 : i32
    %cond3A_13 = arith.cmpi ne, %convert_element_type3A_11, %cond3A_12 : i32
    scf.if %cond3A_13 {
      "tpu.region"() ({
        %run_scoped3A = tpu.sem_alloc : memref<!tpu.dma_semaphore, #tpu.memory_space<semaphore_mem>>
        %dma_start3A = tpu.memref_slice %arg6[%mul3A_0] : memref<10112xf32, #tpu.memory_space<hbm>> -> memref<632xf32, #tpu.memory_space<hbm>>
        %dma_start3A_19 = tpu.memref_slice %arg6[%mul3A_0] : memref<10112xf32, #tpu.memory_space<hbm>> -> memref<632xf32, #tpu.memory_space<hbm>>
        tpu.enqueue_dma source(%arg10 : memref<632xf32, #tpu.memory_space<vmem>>) target(%dma_start3A_19 : memref<632xf32, #tpu.memory_space<hbm>>) target_semaphore(%run_scoped3A : memref<!tpu.dma_semaphore, #tpu.memory_space<semaphore_mem>>)
        %dma_wait3A = tpu.memref_slice %arg6[%mul3A_0] : memref<10112xf32, #tpu.memory_space<hbm>> -> memref<632xf32, #tpu.memory_space<hbm>>
        %dma_wait3A_20 = tpu.memref_slice %arg6[%mul3A_0] : memref<10112xf32, #tpu.memory_space<hbm>> -> memref<632xf32, #tpu.memory_space<hbm>>
        tpu.wait_dma2 semaphore(%run_scoped3A : memref<!tpu.dma_semaphore, #tpu.memory_space<semaphore_mem>>) src(%arg10 : memref<632xf32, #tpu.memory_space<vmem>>) dst(%dma_wait3A_20 : memref<632xf32, #tpu.memory_space<hbm>>)
        tpu.yield
      }) : () -> ()
    } else {
    }
    %eq3A_14 = arith.constant 1 : i32
    %eq3A_15 = arith.cmpi eq, %arg0, %eq3A_14 : i32
    %convert_element_type3A_16 = arith.extui %eq3A_15 : i1 to i32
    %cond3A_17 = arith.constant 0 : i32
    %cond3A_18 = arith.cmpi ne, %convert_element_type3A_16, %cond3A_17 : i32
    scf.if %cond3A_18 {
      "tpu.region"() ({
        %run_scoped3A = tpu.sem_alloc : memref<!tpu.dma_semaphore, #tpu.memory_space<semaphore_mem>>
        %dma_start3A = tpu.memref_slice %arg7[%mul3A_0] : memref<10112xf32, #tpu.memory_space<hbm>> -> memref<632xf32, #tpu.memory_space<hbm>>
        %dma_start3A_19 = tpu.memref_slice %arg7[%mul3A_0] : memref<10112xf32, #tpu.memory_space<hbm>> -> memref<632xf32, #tpu.memory_space<hbm>>
        tpu.enqueue_dma source(%arg10 : memref<632xf32, #tpu.memory_space<vmem>>) target(%dma_start3A_19 : memref<632xf32, #tpu.memory_space<hbm>>) target_semaphore(%run_scoped3A : memref<!tpu.dma_semaphore, #tpu.memory_space<semaphore_mem>>)
        %dma_wait3A = tpu.memref_slice %arg7[%mul3A_0] : memref<10112xf32, #tpu.memory_space<hbm>> -> memref<632xf32, #tpu.memory_space<hbm>>
        %dma_wait3A_20 = tpu.memref_slice %arg7[%mul3A_0] : memref<10112xf32, #tpu.memory_space<hbm>> -> memref<632xf32, #tpu.memory_space<hbm>>
        tpu.wait_dma2 semaphore(%run_scoped3A : memref<!tpu.dma_semaphore, #tpu.memory_space<semaphore_mem>>) src(%arg10 : memref<632xf32, #tpu.memory_space<vmem>>) dst(%dma_wait3A_20 : memref<632xf32, #tpu.memory_space<hbm>>)
        tpu.yield
      }) : () -> ()
    } else {
    }
    return
  }
}

#map = affine_map<(d0, d1) -> (0, 0)>
#map1 = affine_map<(d0, d1) -> (0)>
module attributes {stable_mosaic.version = 14 : i64} {
  func.func @agg_kernel(%arg0: i32, %arg1: i32, %arg2: memref<10112x128xf32, #tpu.memory_space<hbm>>, %arg3: memref<322560xi32, #tpu.memory_space<hbm>>, %arg4: memref<322560xi32, #tpu.memory_space<hbm>>, %arg5: memref<10112x128xf32, #tpu.memory_space<hbm>>, %arg6: memref<322560xi32, #tpu.memory_space<hbm>>, %arg7: memref<322560xi32, #tpu.memory_space<hbm>>, %arg8: memref<632x128xf32, #tpu.memory_space<hbm>>, %arg9: memref<10112x128xf32, #tpu.memory_space<hbm>>, %arg10: memref<10112x128xf32, #tpu.memory_space<hbm>>, %arg11: memref<120xi32, #tpu.memory_space<vmem>>, %arg12: memref<120xi32, #tpu.memory_space<vmem>>, %arg13: memref<120xi32, #tpu.memory_space<vmem>>, %arg14: memref<120xi32, #tpu.memory_space<vmem>>, %arg15: memref<120xi32, #tpu.memory_space<vmem>>, %arg16: memref<120xi32, #tpu.memory_space<vmem>>, %arg17: memref<120xi32, #tpu.memory_space<vmem>>, %arg18: memref<120xi32, #tpu.memory_space<vmem>>, %arg19: memref<120xi32, #tpu.memory_space<vmem>>, %arg20: memref<120xi32, #tpu.memory_space<vmem>>, %arg21: memref<120xi32, #tpu.memory_space<vmem>>, %arg22: memref<120xi32, #tpu.memory_space<vmem>>, %arg23: memref<120x128xf32, #tpu.memory_space<vmem>>, %arg24: memref<120x128xf32, #tpu.memory_space<vmem>>, %arg25: memref<120x128xf32, #tpu.memory_space<vmem>>, %arg26: memref<10112x128xf32, #tpu.memory_space<vmem_shared>>, %arg27: memref<!tpu.dma_semaphore, #tpu.memory_space<semaphore_mem>>, %arg28: memref<!tpu.dma_semaphore, #tpu.memory_space<semaphore_mem>>, %arg29: memref<!tpu.dma_semaphore, #tpu.memory_space<semaphore_mem>>, %arg30: memref<!tpu.dma_semaphore, #tpu.memory_space<semaphore_mem>>, %arg31: memref<!tpu.dma_semaphore, #tpu.memory_space<semaphore_mem>>, %arg32: memref<!tpu.dma_semaphore, #tpu.memory_space<semaphore_mem>>, %arg33: memref<!tpu.dma_semaphore, #tpu.memory_space<semaphore_mem>>, %arg34: memref<!tpu.dma_semaphore, #tpu.memory_space<semaphore_mem>>, %arg35: memref<!tpu.dma_semaphore, #tpu.memory_space<semaphore_mem>>, %arg36: memref<!tpu.dma_semaphore, #tpu.memory_space<semaphore_mem>>, %arg37: memref<!tpu.dma_semaphore, #tpu.memory_space<semaphore_mem>>, %arg38: memref<!tpu.dma_semaphore, #tpu.memory_space<semaphore_mem>>) attributes {dimension_semantics = [#tpu.dimension_semantics<core_parallel>, #tpu.dimension_semantics<subcore_parallel>], iteration_bounds = array<i64: 2, 16>, scalar_prefetch = 0 : i64, scratch_operands = 28 : i64, tpu.core_type = #tpu.core_type<sc_vector_subcore>, window_params = [{transform_indices = #map}, {transform_indices = #map1}, {transform_indices = #map1}, {transform_indices = #map}, {transform_indices = #map1}, {transform_indices = #map1}, {transform_indices = #map}, {transform_indices = #map}, {transform_indices = #map}]} {
    %mul3A = arith.constant 632 : i32
    %mul3A_0 = arith.muli %arg1, %mul3A : i32
    "tpu.region"() ({
      %run_scoped3A = tpu.sem_alloc : memref<!tpu.dma_semaphore, #tpu.memory_space<semaphore_mem>>
      %dma_start3A = arith.constant 0 : i32
      %dma_start3A_19 = tpu.memref_slice %arg26[%mul3A_0, %dma_start3A] : memref<10112x128xf32, #tpu.memory_space<vmem_shared>> -> memref<632x128xf32, #tpu.memory_space<vmem_shared>>
      tpu.enqueue_dma source(%arg8 : memref<632x128xf32, #tpu.memory_space<hbm>>) target(%dma_start3A_19 : memref<632x128xf32, #tpu.memory_space<vmem_shared>>) target_semaphore(%run_scoped3A : memref<!tpu.dma_semaphore, #tpu.memory_space<semaphore_mem>>)
      %dma_wait3A = arith.constant 0 : i32
      %dma_wait3A_20 = tpu.memref_slice %arg26[%mul3A_0, %dma_wait3A] : memref<10112x128xf32, #tpu.memory_space<vmem_shared>> -> memref<632x128xf32, #tpu.memory_space<vmem_shared>>
      tpu.wait_dma2 semaphore(%run_scoped3A : memref<!tpu.dma_semaphore, #tpu.memory_space<semaphore_mem>>) src(%arg8 : memref<632x128xf32, #tpu.memory_space<hbm>>) dst(%dma_wait3A_20 : memref<632x128xf32, #tpu.memory_space<vmem_shared>>)
      tpu.yield
    }) : () -> ()
    %barrier3A = arith.constant 0 : index
    tpu.barrier barrier_id(%barrier3A)
    %eq3A = arith.constant 0 : i32
    %eq3A_1 = arith.cmpi eq, %arg0, %eq3A : i32
    %convert_element_type3A = arith.extui %eq3A_1 : i1 to i32
    %cond3A = arith.constant 0 : i32
    %cond3A_2 = arith.cmpi ne, %convert_element_type3A, %cond3A : i32
    scf.if %cond3A_2 {
      %mul3A_19 = arith.constant 168 : i32
      %mul3A_20 = arith.muli %arg1, %mul3A_19 : i32
      %mul3A_21 = arith.constant 120 : i32
      %mul3A_22 = arith.muli %mul3A_20, %mul3A_21 : i32
      %add3A = arith.constant 0 : i32
      %add3A_23 = arith.addi %mul3A_22, %add3A : i32
      %multiple_of3A = tpu.assume_multiple %add3A_23, 8 : i32
      %dma_start3A = tpu.memref_slice %arg3[%multiple_of3A] : memref<322560xi32, #tpu.memory_space<hbm>> -> memref<120xi32, #tpu.memory_space<hbm>>
      %dma_start3A_24 = tpu.memref_slice %arg3[%multiple_of3A] : memref<322560xi32, #tpu.memory_space<hbm>> -> memref<120xi32, #tpu.memory_space<hbm>>
      tpu.enqueue_dma source(%dma_start3A_24 : memref<120xi32, #tpu.memory_space<hbm>>) target(%arg11 : memref<120xi32, #tpu.memory_space<vmem>>) target_semaphore(%arg33 : memref<!tpu.dma_semaphore, #tpu.memory_space<semaphore_mem>>)
      %dma_start3A_25 = tpu.memref_slice %arg4[%multiple_of3A] : memref<322560xi32, #tpu.memory_space<hbm>> -> memref<120xi32, #tpu.memory_space<hbm>>
      %dma_start3A_26 = tpu.memref_slice %arg4[%multiple_of3A] : memref<322560xi32, #tpu.memory_space<hbm>> -> memref<120xi32, #tpu.memory_space<hbm>>
      tpu.enqueue_dma source(%dma_start3A_26 : memref<120xi32, #tpu.memory_space<hbm>>) target(%arg17 : memref<120xi32, #tpu.memory_space<vmem>>) target_semaphore(%arg33 : memref<!tpu.dma_semaphore, #tpu.memory_space<semaphore_mem>>)
      %add3A_27 = arith.constant 120 : i32
      %add3A_28 = arith.addi %mul3A_22, %add3A_27 : i32
      %multiple_of3A_29 = tpu.assume_multiple %add3A_28, 8 : i32
      %dma_start3A_30 = tpu.memref_slice %arg3[%multiple_of3A_29] : memref<322560xi32, #tpu.memory_space<hbm>> -> memref<120xi32, #tpu.memory_space<hbm>>
      %dma_start3A_31 = tpu.memref_slice %arg3[%multiple_of3A_29] : memref<322560xi32, #tpu.memory_space<hbm>> -> memref<120xi32, #tpu.memory_space<hbm>>
      tpu.enqueue_dma source(%dma_start3A_31 : memref<120xi32, #tpu.memory_space<hbm>>) target(%arg12 : memref<120xi32, #tpu.memory_space<vmem>>) target_semaphore(%arg34 : memref<!tpu.dma_semaphore, #tpu.memory_space<semaphore_mem>>)
      %dma_start3A_32 = tpu.memref_slice %arg4[%multiple_of3A_29] : memref<322560xi32, #tpu.memory_space<hbm>> -> memref<120xi32, #tpu.memory_space<hbm>>
      %dma_start3A_33 = tpu.memref_slice %arg4[%multiple_of3A_29] : memref<322560xi32, #tpu.memory_space<hbm>> -> memref<120xi32, #tpu.memory_space<hbm>>
      tpu.enqueue_dma source(%dma_start3A_33 : memref<120xi32, #tpu.memory_space<hbm>>) target(%arg18 : memref<120xi32, #tpu.memory_space<vmem>>) target_semaphore(%arg34 : memref<!tpu.dma_semaphore, #tpu.memory_space<semaphore_mem>>)
      %add3A_34 = arith.constant 240 : i32
      %add3A_35 = arith.addi %mul3A_22, %add3A_34 : i32
      %multiple_of3A_36 = tpu.assume_multiple %add3A_35, 8 : i32
      %dma_start3A_37 = tpu.memref_slice %arg3[%multiple_of3A_36] : memref<322560xi32, #tpu.memory_space<hbm>> -> memref<120xi32, #tpu.memory_space<hbm>>
      %dma_start3A_38 = tpu.memref_slice %arg3[%multiple_of3A_36] : memref<322560xi32, #tpu.memory_space<hbm>> -> memref<120xi32, #tpu.memory_space<hbm>>
      tpu.enqueue_dma source(%dma_start3A_38 : memref<120xi32, #tpu.memory_space<hbm>>) target(%arg13 : memref<120xi32, #tpu.memory_space<vmem>>) target_semaphore(%arg35 : memref<!tpu.dma_semaphore, #tpu.memory_space<semaphore_mem>>)
      %dma_start3A_39 = tpu.memref_slice %arg4[%multiple_of3A_36] : memref<322560xi32, #tpu.memory_space<hbm>> -> memref<120xi32, #tpu.memory_space<hbm>>
      %dma_start3A_40 = tpu.memref_slice %arg4[%multiple_of3A_36] : memref<322560xi32, #tpu.memory_space<hbm>> -> memref<120xi32, #tpu.memory_space<hbm>>
      tpu.enqueue_dma source(%dma_start3A_40 : memref<120xi32, #tpu.memory_space<hbm>>) target(%arg19 : memref<120xi32, #tpu.memory_space<vmem>>) target_semaphore(%arg35 : memref<!tpu.dma_semaphore, #tpu.memory_space<semaphore_mem>>)
      %add3A_41 = arith.constant 360 : i32
      %add3A_42 = arith.addi %mul3A_22, %add3A_41 : i32
      %multiple_of3A_43 = tpu.assume_multiple %add3A_42, 8 : i32
      %dma_start3A_44 = tpu.memref_slice %arg3[%multiple_of3A_43] : memref<322560xi32, #tpu.memory_space<hbm>> -> memref<120xi32, #tpu.memory_space<hbm>>
      %dma_start3A_45 = tpu.memref_slice %arg3[%multiple_of3A_43] : memref<322560xi32, #tpu.memory_space<hbm>> -> memref<120xi32, #tpu.memory_space<hbm>>
      tpu.enqueue_dma source(%dma_start3A_45 : memref<120xi32, #tpu.memory_space<hbm>>) target(%arg14 : memref<120xi32, #tpu.memory_space<vmem>>) target_semaphore(%arg36 : memref<!tpu.dma_semaphore, #tpu.memory_space<semaphore_mem>>)
      %dma_start3A_46 = tpu.memref_slice %arg4[%multiple_of3A_43] : memref<322560xi32, #tpu.memory_space<hbm>> -> memref<120xi32, #tpu.memory_space<hbm>>
      %dma_start3A_47 = tpu.memref_slice %arg4[%multiple_of3A_43] : memref<322560xi32, #tpu.memory_space<hbm>> -> memref<120xi32, #tpu.memory_space<hbm>>
      tpu.enqueue_dma source(%dma_start3A_47 : memref<120xi32, #tpu.memory_space<hbm>>) target(%arg20 : memref<120xi32, #tpu.memory_space<vmem>>) target_semaphore(%arg36 : memref<!tpu.dma_semaphore, #tpu.memory_space<semaphore_mem>>)
      %dma_wait3A = tpu.memref_slice %arg3[%mul3A_22] : memref<322560xi32, #tpu.memory_space<hbm>> -> memref<120xi32, #tpu.memory_space<hbm>>
      %dma_wait3A_48 = tpu.memref_slice %arg3[%mul3A_22] : memref<322560xi32, #tpu.memory_space<hbm>> -> memref<120xi32, #tpu.memory_space<hbm>>
      tpu.wait_dma2 semaphore(%arg33 : memref<!tpu.dma_semaphore, #tpu.memory_space<semaphore_mem>>) src(%dma_wait3A_48 : memref<120xi32, #tpu.memory_space<hbm>>) dst(%arg11 : memref<120xi32, #tpu.memory_space<vmem>>)
      %dma_wait3A_49 = tpu.memref_slice %arg4[%mul3A_22] : memref<322560xi32, #tpu.memory_space<hbm>> -> memref<120xi32, #tpu.memory_space<hbm>>
      %dma_wait3A_50 = tpu.memref_slice %arg4[%mul3A_22] : memref<322560xi32, #tpu.memory_space<hbm>> -> memref<120xi32, #tpu.memory_space<hbm>>
      tpu.wait_dma2 semaphore(%arg33 : memref<!tpu.dma_semaphore, #tpu.memory_space<semaphore_mem>>) src(%dma_wait3A_50 : memref<120xi32, #tpu.memory_space<hbm>>) dst(%arg17 : memref<120xi32, #tpu.memory_space<vmem>>)
      %dma_start3A_51 = arith.constant 0 : i32
      %dma_start3A_52 = arith.constant 0 : i32
      %dma_start3A_53 = tpu.memref_slice %arg2[%dma_start3A_51, %dma_start3A_52] : memref<10112x128xf32, #tpu.memory_space<hbm>> -> memref<10112x128xf32, #tpu.memory_space<hbm>>
      tpu.enqueue_indirect_dma source(%dma_start3A_53 : memref<10112x128xf32, #tpu.memory_space<hbm>>) target(%arg23 : memref<120x128xf32, #tpu.memory_space<vmem>>) offsets(%arg11 : memref<120xi32, #tpu.memory_space<vmem>>) semaphore(%arg27 : memref<!tpu.dma_semaphore, #tpu.memory_space<semaphore_mem>>)
      %dma_wait3A_54 = tpu.memref_slice %arg3[%mul3A_22] : memref<322560xi32, #tpu.memory_space<hbm>> -> memref<120xi32, #tpu.memory_space<hbm>>
      %dma_wait3A_55 = tpu.memref_slice %arg3[%mul3A_22] : memref<322560xi32, #tpu.memory_space<hbm>> -> memref<120xi32, #tpu.memory_space<hbm>>
      tpu.wait_dma2 semaphore(%arg34 : memref<!tpu.dma_semaphore, #tpu.memory_space<semaphore_mem>>) src(%dma_wait3A_55 : memref<120xi32, #tpu.memory_space<hbm>>) dst(%arg12 : memref<120xi32, #tpu.memory_space<vmem>>)
      %dma_wait3A_56 = tpu.memref_slice %arg4[%mul3A_22] : memref<322560xi32, #tpu.memory_space<hbm>> -> memref<120xi32, #tpu.memory_space<hbm>>
      %dma_wait3A_57 = tpu.memref_slice %arg4[%mul3A_22] : memref<322560xi32, #tpu.memory_space<hbm>> -> memref<120xi32, #tpu.memory_space<hbm>>
      tpu.wait_dma2 semaphore(%arg34 : memref<!tpu.dma_semaphore, #tpu.memory_space<semaphore_mem>>) src(%dma_wait3A_57 : memref<120xi32, #tpu.memory_space<hbm>>) dst(%arg18 : memref<120xi32, #tpu.memory_space<vmem>>)
      %dma_start3A_58 = arith.constant 0 : i32
      %dma_start3A_59 = arith.constant 0 : i32
      %dma_start3A_60 = tpu.memref_slice %arg2[%dma_start3A_58, %dma_start3A_59] : memref<10112x128xf32, #tpu.memory_space<hbm>> -> memref<10112x128xf32, #tpu.memory_space<hbm>>
      tpu.enqueue_indirect_dma source(%dma_start3A_60 : memref<10112x128xf32, #tpu.memory_space<hbm>>) target(%arg24 : memref<120x128xf32, #tpu.memory_space<vmem>>) offsets(%arg12 : memref<120xi32, #tpu.memory_space<vmem>>) semaphore(%arg28 : memref<!tpu.dma_semaphore, #tpu.memory_space<semaphore_mem>>)
      %scan3A = arith.constant 0 : i32
      %scan3A_61 = arith.constant 0 : i32
      %scan3A_62 = arith.constant 28 : i32
      %scan3A_63 = arith.addi %scan3A_61, %scan3A_62 : i32
      %scan3A_64 = arith.constant 1 : i32
      scf.for %scan3A_69 = %scan3A_61 to %scan3A_63 step %scan3A_64  : i32 {
        %mul3A_70 = arith.constant 6 : i32
        %mul3A_71 = arith.muli %mul3A_70, %scan3A_69 : i32
        %add3A_72 = arith.constant 0 : i32
        %add3A_73 = arith.addi %mul3A_71, %add3A_72 : i32
        %gt3A = arith.constant 0 : i32
        %gt3A_74 = arith.cmpi sgt, %mul3A_71, %gt3A : i32
        %convert_element_type3A_75 = arith.extui %gt3A_74 : i1 to i32
        %cond3A_76 = arith.constant 0 : i32
        %cond3A_77 = arith.cmpi ne, %convert_element_type3A_75, %cond3A_76 : i32
        scf.if %cond3A_77 {
          %dma_wait3A_222 = arith.constant 0 : i32
          %dma_wait3A_223 = arith.constant 0 : i32
          %dma_wait3A_224 = tpu.memref_slice %arg26[%dma_wait3A_222, %dma_wait3A_223] : memref<10112x128xf32, #tpu.memory_space<vmem_shared>> -> memref<10112x128xf32, #tpu.memory_space<vmem_shared>>
          tpu.wait_indirect_dma semaphore(%arg32 : memref<!tpu.dma_semaphore, #tpu.memory_space<semaphore_mem>>) src(%arg25 : memref<120x128xf32, #tpu.memory_space<vmem>>) dst(%dma_wait3A_224 : memref<10112x128xf32, #tpu.memory_space<vmem_shared>>)
        } else {
        }
        %add3A_78 = arith.constant 4 : i32
        %add3A_79 = arith.addi %add3A_73, %add3A_78 : i32
        %lt3A = arith.constant 168 : i32
        %lt3A_80 = arith.cmpi slt, %add3A_79, %lt3A : i32
        %convert_element_type3A_81 = arith.extui %lt3A_80 : i1 to i32
        %cond3A_82 = arith.constant 0 : i32
        %cond3A_83 = arith.cmpi ne, %convert_element_type3A_81, %cond3A_82 : i32
        scf.if %cond3A_83 {
          %add3A_222 = arith.constant 4 : i32
          %add3A_223 = arith.addi %add3A_73, %add3A_222 : i32
          %mul3A_224 = arith.constant 120 : i32
          %mul3A_225 = arith.muli %add3A_223, %mul3A_224 : i32
          %add3A_226 = arith.addi %mul3A_22, %mul3A_225 : i32
          %multiple_of3A_227 = tpu.assume_multiple %add3A_226, 8 : i32
          %dma_start3A_228 = tpu.memref_slice %arg3[%multiple_of3A_227] : memref<322560xi32, #tpu.memory_space<hbm>> -> memref<120xi32, #tpu.memory_space<hbm>>
          %dma_start3A_229 = tpu.memref_slice %arg3[%multiple_of3A_227] : memref<322560xi32, #tpu.memory_space<hbm>> -> memref<120xi32, #tpu.memory_space<hbm>>
          tpu.enqueue_dma source(%dma_start3A_229 : memref<120xi32, #tpu.memory_space<hbm>>) target(%arg15 : memref<120xi32, #tpu.memory_space<vmem>>) target_semaphore(%arg37 : memref<!tpu.dma_semaphore, #tpu.memory_space<semaphore_mem>>)
          %dma_start3A_230 = tpu.memref_slice %arg4[%multiple_of3A_227] : memref<322560xi32, #tpu.memory_space<hbm>> -> memref<120xi32, #tpu.memory_space<hbm>>
          %dma_start3A_231 = tpu.memref_slice %arg4[%multiple_of3A_227] : memref<322560xi32, #tpu.memory_space<hbm>> -> memref<120xi32, #tpu.memory_space<hbm>>
          tpu.enqueue_dma source(%dma_start3A_231 : memref<120xi32, #tpu.memory_space<hbm>>) target(%arg21 : memref<120xi32, #tpu.memory_space<vmem>>) target_semaphore(%arg37 : memref<!tpu.dma_semaphore, #tpu.memory_space<semaphore_mem>>)
        } else {
        }
        %add3A_84 = arith.constant 2 : i32
        %add3A_85 = arith.addi %add3A_73, %add3A_84 : i32
        %lt3A_86 = arith.constant 168 : i32
        %lt3A_87 = arith.cmpi slt, %add3A_85, %lt3A_86 : i32
        %convert_element_type3A_88 = arith.extui %lt3A_87 : i1 to i32
        %cond3A_89 = arith.constant 0 : i32
        %cond3A_90 = arith.cmpi ne, %convert_element_type3A_88, %cond3A_89 : i32
        scf.if %cond3A_90 {
          %dma_wait3A_222 = tpu.memref_slice %arg3[%mul3A_22] : memref<322560xi32, #tpu.memory_space<hbm>> -> memref<120xi32, #tpu.memory_space<hbm>>
          %dma_wait3A_223 = tpu.memref_slice %arg3[%mul3A_22] : memref<322560xi32, #tpu.memory_space<hbm>> -> memref<120xi32, #tpu.memory_space<hbm>>
          tpu.wait_dma2 semaphore(%arg35 : memref<!tpu.dma_semaphore, #tpu.memory_space<semaphore_mem>>) src(%dma_wait3A_223 : memref<120xi32, #tpu.memory_space<hbm>>) dst(%arg13 : memref<120xi32, #tpu.memory_space<vmem>>)
          %dma_wait3A_224 = tpu.memref_slice %arg4[%mul3A_22] : memref<322560xi32, #tpu.memory_space<hbm>> -> memref<120xi32, #tpu.memory_space<hbm>>
          %dma_wait3A_225 = tpu.memref_slice %arg4[%mul3A_22] : memref<322560xi32, #tpu.memory_space<hbm>> -> memref<120xi32, #tpu.memory_space<hbm>>
          tpu.wait_dma2 semaphore(%arg35 : memref<!tpu.dma_semaphore, #tpu.memory_space<semaphore_mem>>) src(%dma_wait3A_225 : memref<120xi32, #tpu.memory_space<hbm>>) dst(%arg19 : memref<120xi32, #tpu.memory_space<vmem>>)
          %dma_start3A_226 = arith.constant 0 : i32
          %dma_start3A_227 = arith.constant 0 : i32
          %dma_start3A_228 = tpu.memref_slice %arg2[%dma_start3A_226, %dma_start3A_227] : memref<10112x128xf32, #tpu.memory_space<hbm>> -> memref<10112x128xf32, #tpu.memory_space<hbm>>
          tpu.enqueue_indirect_dma source(%dma_start3A_228 : memref<10112x128xf32, #tpu.memory_space<hbm>>) target(%arg25 : memref<120x128xf32, #tpu.memory_space<vmem>>) offsets(%arg13 : memref<120xi32, #tpu.memory_space<vmem>>) semaphore(%arg29 : memref<!tpu.dma_semaphore, #tpu.memory_space<semaphore_mem>>)
        } else {
        }
        %dma_wait3A_91 = arith.constant 0 : i32
        %dma_wait3A_92 = arith.constant 0 : i32
        %dma_wait3A_93 = tpu.memref_slice %arg2[%dma_wait3A_91, %dma_wait3A_92] : memref<10112x128xf32, #tpu.memory_space<hbm>> -> memref<10112x128xf32, #tpu.memory_space<hbm>>
        tpu.wait_indirect_dma semaphore(%arg27 : memref<!tpu.dma_semaphore, #tpu.memory_space<semaphore_mem>>) src(%dma_wait3A_93 : memref<10112x128xf32, #tpu.memory_space<hbm>>) dst(%arg23 : memref<120x128xf32, #tpu.memory_space<vmem>>)
        %dma_start3A_94 = arith.constant 0 : i32
        %dma_start3A_95 = arith.constant 0 : i32
        %dma_start3A_96 = tpu.memref_slice %arg26[%dma_start3A_94, %dma_start3A_95] : memref<10112x128xf32, #tpu.memory_space<vmem_shared>> -> memref<10112x128xf32, #tpu.memory_space<vmem_shared>>
        tpu.enqueue_indirect_dma source(%arg23 : memref<120x128xf32, #tpu.memory_space<vmem>>) target(%dma_start3A_96 : memref<10112x128xf32, #tpu.memory_space<vmem_shared>>) offsets(%arg17 : memref<120xi32, #tpu.memory_space<vmem>>) semaphore(%arg30 : memref<!tpu.dma_semaphore, #tpu.memory_space<semaphore_mem>>) {add = true}
        %add3A_97 = arith.constant 1 : i32
        %add3A_98 = arith.addi %mul3A_71, %add3A_97 : i32
        %dma_wait3A_99 = arith.constant 0 : i32
        %dma_wait3A_100 = arith.constant 0 : i32
        %dma_wait3A_101 = tpu.memref_slice %arg26[%dma_wait3A_99, %dma_wait3A_100] : memref<10112x128xf32, #tpu.memory_space<vmem_shared>> -> memref<10112x128xf32, #tpu.memory_space<vmem_shared>>
        tpu.wait_indirect_dma semaphore(%arg30 : memref<!tpu.dma_semaphore, #tpu.memory_space<semaphore_mem>>) src(%arg23 : memref<120x128xf32, #tpu.memory_space<vmem>>) dst(%dma_wait3A_101 : memref<10112x128xf32, #tpu.memory_space<vmem_shared>>)
        %add3A_102 = arith.constant 4 : i32
        %add3A_103 = arith.addi %add3A_98, %add3A_102 : i32
        %lt3A_104 = arith.constant 168 : i32
        %lt3A_105 = arith.cmpi slt, %add3A_103, %lt3A_104 : i32
        %convert_element_type3A_106 = arith.extui %lt3A_105 : i1 to i32
        %cond3A_107 = arith.constant 0 : i32
        %cond3A_108 = arith.cmpi ne, %convert_element_type3A_106, %cond3A_107 : i32
        scf.if %cond3A_108 {
          %add3A_222 = arith.constant 4 : i32
          %add3A_223 = arith.addi %add3A_98, %add3A_222 : i32
          %mul3A_224 = arith.constant 120 : i32
          %mul3A_225 = arith.muli %add3A_223, %mul3A_224 : i32
          %add3A_226 = arith.addi %mul3A_22, %mul3A_225 : i32
          %multiple_of3A_227 = tpu.assume_multiple %add3A_226, 8 : i32
          %dma_start3A_228 = tpu.memref_slice %arg3[%multiple_of3A_227] : memref<322560xi32, #tpu.memory_space<hbm>> -> memref<120xi32, #tpu.memory_space<hbm>>
          %dma_start3A_229 = tpu.memref_slice %arg3[%multiple_of3A_227] : memref<322560xi32, #tpu.memory_space<hbm>> -> memref<120xi32, #tpu.memory_space<hbm>>
          tpu.enqueue_dma source(%dma_start3A_229 : memref<120xi32, #tpu.memory_space<hbm>>) target(%arg16 : memref<120xi32, #tpu.memory_space<vmem>>) target_semaphore(%arg38 : memref<!tpu.dma_semaphore, #tpu.memory_space<semaphore_mem>>)
          %dma_start3A_230 = tpu.memref_slice %arg4[%multiple_of3A_227] : memref<322560xi32, #tpu.memory_space<hbm>> -> memref<120xi32, #tpu.memory_space<hbm>>
          %dma_start3A_231 = tpu.memref_slice %arg4[%multiple_of3A_227] : memref<322560xi32, #tpu.memory_space<hbm>> -> memref<120xi32, #tpu.memory_space<hbm>>
          tpu.enqueue_dma source(%dma_start3A_231 : memref<120xi32, #tpu.memory_space<hbm>>) target(%arg22 : memref<120xi32, #tpu.memory_space<vmem>>) target_semaphore(%arg38 : memref<!tpu.dma_semaphore, #tpu.memory_space<semaphore_mem>>)
        } else {
        }
        %add3A_109 = arith.constant 2 : i32
        %add3A_110 = arith.addi %add3A_98, %add3A_109 : i32
        %lt3A_111 = arith.constant 168 : i32
        %lt3A_112 = arith.cmpi slt, %add3A_110, %lt3A_111 : i32
        %convert_element_type3A_113 = arith.extui %lt3A_112 : i1 to i32
        %cond3A_114 = arith.constant 0 : i32
        %cond3A_115 = arith.cmpi ne, %convert_element_type3A_113, %cond3A_114 : i32
        scf.if %cond3A_115 {
          %dma_wait3A_222 = tpu.memref_slice %arg3[%mul3A_22] : memref<322560xi32, #tpu.memory_space<hbm>> -> memref<120xi32, #tpu.memory_space<hbm>>
          %dma_wait3A_223 = tpu.memref_slice %arg3[%mul3A_22] : memref<322560xi32, #tpu.memory_space<hbm>> -> memref<120xi32, #tpu.memory_space<hbm>>
          tpu.wait_dma2 semaphore(%arg36 : memref<!tpu.dma_semaphore, #tpu.memory_space<semaphore_mem>>) src(%dma_wait3A_223 : memref<120xi32, #tpu.memory_space<hbm>>) dst(%arg14 : memref<120xi32, #tpu.memory_space<vmem>>)
          %dma_wait3A_224 = tpu.memref_slice %arg4[%mul3A_22] : memref<322560xi32, #tpu.memory_space<hbm>> -> memref<120xi32, #tpu.memory_space<hbm>>
          %dma_wait3A_225 = tpu.memref_slice %arg4[%mul3A_22] : memref<322560xi32, #tpu.memory_space<hbm>> -> memref<120xi32, #tpu.memory_space<hbm>>
          tpu.wait_dma2 semaphore(%arg36 : memref<!tpu.dma_semaphore, #tpu.memory_space<semaphore_mem>>) src(%dma_wait3A_225 : memref<120xi32, #tpu.memory_space<hbm>>) dst(%arg20 : memref<120xi32, #tpu.memory_space<vmem>>)
          %dma_start3A_226 = arith.constant 0 : i32
          %dma_start3A_227 = arith.constant 0 : i32
          %dma_start3A_228 = tpu.memref_slice %arg2[%dma_start3A_226, %dma_start3A_227] : memref<10112x128xf32, #tpu.memory_space<hbm>> -> memref<10112x128xf32, #tpu.memory_space<hbm>>
          tpu.enqueue_indirect_dma source(%dma_start3A_228 : memref<10112x128xf32, #tpu.memory_space<hbm>>) target(%arg23 : memref<120x128xf32, #tpu.memory_space<vmem>>) offsets(%arg14 : memref<120xi32, #tpu.memory_space<vmem>>) semaphore(%arg27 : memref<!tpu.dma_semaphore, #tpu.memory_space<semaphore_mem>>)
        } else {
        }
        %dma_wait3A_116 = arith.constant 0 : i32
        %dma_wait3A_117 = arith.constant 0 : i32
        %dma_wait3A_118 = tpu.memref_slice %arg2[%dma_wait3A_116, %dma_wait3A_117] : memref<10112x128xf32, #tpu.memory_space<hbm>> -> memref<10112x128xf32, #tpu.memory_space<hbm>>
        tpu.wait_indirect_dma semaphore(%arg28 : memref<!tpu.dma_semaphore, #tpu.memory_space<semaphore_mem>>) src(%dma_wait3A_118 : memref<10112x128xf32, #tpu.memory_space<hbm>>) dst(%arg24 : memref<120x128xf32, #tpu.memory_space<vmem>>)
        %dma_start3A_119 = arith.constant 0 : i32
        %dma_start3A_120 = arith.constant 0 : i32
        %dma_start3A_121 = tpu.memref_slice %arg26[%dma_start3A_119, %dma_start3A_120] : memref<10112x128xf32, #tpu.memory_space<vmem_shared>> -> memref<10112x128xf32, #tpu.memory_space<vmem_shared>>
        tpu.enqueue_indirect_dma source(%arg24 : memref<120x128xf32, #tpu.memory_space<vmem>>) target(%dma_start3A_121 : memref<10112x128xf32, #tpu.memory_space<vmem_shared>>) offsets(%arg18 : memref<120xi32, #tpu.memory_space<vmem>>) semaphore(%arg31 : memref<!tpu.dma_semaphore, #tpu.memory_space<semaphore_mem>>) {add = true}
        %add3A_122 = arith.constant 2 : i32
        %add3A_123 = arith.addi %mul3A_71, %add3A_122 : i32
        %dma_wait3A_124 = arith.constant 0 : i32
        %dma_wait3A_125 = arith.constant 0 : i32
        %dma_wait3A_126 = tpu.memref_slice %arg26[%dma_wait3A_124, %dma_wait3A_125] : memref<10112x128xf32, #tpu.memory_space<vmem_shared>> -> memref<10112x128xf32, #tpu.memory_space<vmem_shared>>
        tpu.wait_indirect_dma semaphore(%arg31 : memref<!tpu.dma_semaphore, #tpu.memory_space<semaphore_mem>>) src(%arg24 : memref<120x128xf32, #tpu.memory_space<vmem>>) dst(%dma_wait3A_126 : memref<10112x128xf32, #tpu.memory_space<vmem_shared>>)
        %add3A_127 = arith.constant 4 : i32
        %add3A_128 = arith.addi %add3A_123, %add3A_127 : i32
        %lt3A_129 = arith.constant 168 : i32
        %lt3A_130 = arith.cmpi slt, %add3A_128, %lt3A_129 : i32
        %convert_element_type3A_131 = arith.extui %lt3A_130 : i1 to i32
        %cond3A_132 = arith.constant 0 : i32
        %cond3A_133 = arith.cmpi ne, %convert_element_type3A_131, %cond3A_132 : i32
        scf.if %cond3A_133 {
          %add3A_222 = arith.constant 4 : i32
          %add3A_223 = arith.addi %add3A_123, %add3A_222 : i32
          %mul3A_224 = arith.constant 120 : i32
          %mul3A_225 = arith.muli %add3A_223, %mul3A_224 : i32
          %add3A_226 = arith.addi %mul3A_22, %mul3A_225 : i32
          %multiple_of3A_227 = tpu.assume_multiple %add3A_226, 8 : i32
          %dma_start3A_228 = tpu.memref_slice %arg3[%multiple_of3A_227] : memref<322560xi32, #tpu.memory_space<hbm>> -> memref<120xi32, #tpu.memory_space<hbm>>
          %dma_start3A_229 = tpu.memref_slice %arg3[%multiple_of3A_227] : memref<322560xi32, #tpu.memory_space<hbm>> -> memref<120xi32, #tpu.memory_space<hbm>>
          tpu.enqueue_dma source(%dma_start3A_229 : memref<120xi32, #tpu.memory_space<hbm>>) target(%arg11 : memref<120xi32, #tpu.memory_space<vmem>>) target_semaphore(%arg33 : memref<!tpu.dma_semaphore, #tpu.memory_space<semaphore_mem>>)
          %dma_start3A_230 = tpu.memref_slice %arg4[%multiple_of3A_227] : memref<322560xi32, #tpu.memory_space<hbm>> -> memref<120xi32, #tpu.memory_space<hbm>>
          %dma_start3A_231 = tpu.memref_slice %arg4[%multiple_of3A_227] : memref<322560xi32, #tpu.memory_space<hbm>> -> memref<120xi32, #tpu.memory_space<hbm>>
          tpu.enqueue_dma source(%dma_start3A_231 : memref<120xi32, #tpu.memory_space<hbm>>) target(%arg17 : memref<120xi32, #tpu.memory_space<vmem>>) target_semaphore(%arg33 : memref<!tpu.dma_semaphore, #tpu.memory_space<semaphore_mem>>)
        } else {
        }
        %add3A_134 = arith.constant 2 : i32
        %add3A_135 = arith.addi %add3A_123, %add3A_134 : i32
        %lt3A_136 = arith.constant 168 : i32
        %lt3A_137 = arith.cmpi slt, %add3A_135, %lt3A_136 : i32
        %convert_element_type3A_138 = arith.extui %lt3A_137 : i1 to i32
        %cond3A_139 = arith.constant 0 : i32
        %cond3A_140 = arith.cmpi ne, %convert_element_type3A_138, %cond3A_139 : i32
        scf.if %cond3A_140 {
          %dma_wait3A_222 = tpu.memref_slice %arg3[%mul3A_22] : memref<322560xi32, #tpu.memory_space<hbm>> -> memref<120xi32, #tpu.memory_space<hbm>>
          %dma_wait3A_223 = tpu.memref_slice %arg3[%mul3A_22] : memref<322560xi32, #tpu.memory_space<hbm>> -> memref<120xi32, #tpu.memory_space<hbm>>
          tpu.wait_dma2 semaphore(%arg37 : memref<!tpu.dma_semaphore, #tpu.memory_space<semaphore_mem>>) src(%dma_wait3A_223 : memref<120xi32, #tpu.memory_space<hbm>>) dst(%arg15 : memref<120xi32, #tpu.memory_space<vmem>>)
          %dma_wait3A_224 = tpu.memref_slice %arg4[%mul3A_22] : memref<322560xi32, #tpu.memory_space<hbm>> -> memref<120xi32, #tpu.memory_space<hbm>>
          %dma_wait3A_225 = tpu.memref_slice %arg4[%mul3A_22] : memref<322560xi32, #tpu.memory_space<hbm>> -> memref<120xi32, #tpu.memory_space<hbm>>
          tpu.wait_dma2 semaphore(%arg37 : memref<!tpu.dma_semaphore, #tpu.memory_space<semaphore_mem>>) src(%dma_wait3A_225 : memref<120xi32, #tpu.memory_space<hbm>>) dst(%arg21 : memref<120xi32, #tpu.memory_space<vmem>>)
          %dma_start3A_226 = arith.constant 0 : i32
          %dma_start3A_227 = arith.constant 0 : i32
          %dma_start3A_228 = tpu.memref_slice %arg2[%dma_start3A_226, %dma_start3A_227] : memref<10112x128xf32, #tpu.memory_space<hbm>> -> memref<10112x128xf32, #tpu.memory_space<hbm>>
          tpu.enqueue_indirect_dma source(%dma_start3A_228 : memref<10112x128xf32, #tpu.memory_space<hbm>>) target(%arg24 : memref<120x128xf32, #tpu.memory_space<vmem>>) offsets(%arg15 : memref<120xi32, #tpu.memory_space<vmem>>) semaphore(%arg28 : memref<!tpu.dma_semaphore, #tpu.memory_space<semaphore_mem>>)
        } else {
        }
        %dma_wait3A_141 = arith.constant 0 : i32
        %dma_wait3A_142 = arith.constant 0 : i32
        %dma_wait3A_143 = tpu.memref_slice %arg2[%dma_wait3A_141, %dma_wait3A_142] : memref<10112x128xf32, #tpu.memory_space<hbm>> -> memref<10112x128xf32, #tpu.memory_space<hbm>>
        tpu.wait_indirect_dma semaphore(%arg29 : memref<!tpu.dma_semaphore, #tpu.memory_space<semaphore_mem>>) src(%dma_wait3A_143 : memref<10112x128xf32, #tpu.memory_space<hbm>>) dst(%arg25 : memref<120x128xf32, #tpu.memory_space<vmem>>)
        %dma_start3A_144 = arith.constant 0 : i32
        %dma_start3A_145 = arith.constant 0 : i32
        %dma_start3A_146 = tpu.memref_slice %arg26[%dma_start3A_144, %dma_start3A_145] : memref<10112x128xf32, #tpu.memory_space<vmem_shared>> -> memref<10112x128xf32, #tpu.memory_space<vmem_shared>>
        tpu.enqueue_indirect_dma source(%arg25 : memref<120x128xf32, #tpu.memory_space<vmem>>) target(%dma_start3A_146 : memref<10112x128xf32, #tpu.memory_space<vmem_shared>>) offsets(%arg19 : memref<120xi32, #tpu.memory_space<vmem>>) semaphore(%arg32 : memref<!tpu.dma_semaphore, #tpu.memory_space<semaphore_mem>>) {add = true}
        %add3A_147 = arith.constant 3 : i32
        %add3A_148 = arith.addi %mul3A_71, %add3A_147 : i32
        %dma_wait3A_149 = arith.constant 0 : i32
        %dma_wait3A_150 = arith.constant 0 : i32
        %dma_wait3A_151 = tpu.memref_slice %arg26[%dma_wait3A_149, %dma_wait3A_150] : memref<10112x128xf32, #tpu.memory_space<vmem_shared>> -> memref<10112x128xf32, #tpu.memory_space<vmem_shared>>
        tpu.wait_indirect_dma semaphore(%arg32 : memref<!tpu.dma_semaphore, #tpu.memory_space<semaphore_mem>>) src(%arg25 : memref<120x128xf32, #tpu.memory_space<vmem>>) dst(%dma_wait3A_151 : memref<10112x128xf32, #tpu.memory_space<vmem_shared>>)
        %add3A_152 = arith.constant 4 : i32
        %add3A_153 = arith.addi %add3A_148, %add3A_152 : i32
        %lt3A_154 = arith.constant 168 : i32
        %lt3A_155 = arith.cmpi slt, %add3A_153, %lt3A_154 : i32
        %convert_element_type3A_156 = arith.extui %lt3A_155 : i1 to i32
        %cond3A_157 = arith.constant 0 : i32
        %cond3A_158 = arith.cmpi ne, %convert_element_type3A_156, %cond3A_157 : i32
        scf.if %cond3A_158 {
          %add3A_222 = arith.constant 4 : i32
          %add3A_223 = arith.addi %add3A_148, %add3A_222 : i32
          %mul3A_224 = arith.constant 120 : i32
          %mul3A_225 = arith.muli %add3A_223, %mul3A_224 : i32
          %add3A_226 = arith.addi %mul3A_22, %mul3A_225 : i32
          %multiple_of3A_227 = tpu.assume_multiple %add3A_226, 8 : i32
          %dma_start3A_228 = tpu.memref_slice %arg3[%multiple_of3A_227] : memref<322560xi32, #tpu.memory_space<hbm>> -> memref<120xi32, #tpu.memory_space<hbm>>
          %dma_start3A_229 = tpu.memref_slice %arg3[%multiple_of3A_227] : memref<322560xi32, #tpu.memory_space<hbm>> -> memref<120xi32, #tpu.memory_space<hbm>>
          tpu.enqueue_dma source(%dma_start3A_229 : memref<120xi32, #tpu.memory_space<hbm>>) target(%arg12 : memref<120xi32, #tpu.memory_space<vmem>>) target_semaphore(%arg34 : memref<!tpu.dma_semaphore, #tpu.memory_space<semaphore_mem>>)
          %dma_start3A_230 = tpu.memref_slice %arg4[%multiple_of3A_227] : memref<322560xi32, #tpu.memory_space<hbm>> -> memref<120xi32, #tpu.memory_space<hbm>>
          %dma_start3A_231 = tpu.memref_slice %arg4[%multiple_of3A_227] : memref<322560xi32, #tpu.memory_space<hbm>> -> memref<120xi32, #tpu.memory_space<hbm>>
          tpu.enqueue_dma source(%dma_start3A_231 : memref<120xi32, #tpu.memory_space<hbm>>) target(%arg18 : memref<120xi32, #tpu.memory_space<vmem>>) target_semaphore(%arg34 : memref<!tpu.dma_semaphore, #tpu.memory_space<semaphore_mem>>)
        } else {
        }
        %add3A_159 = arith.constant 2 : i32
        %add3A_160 = arith.addi %add3A_148, %add3A_159 : i32
        %lt3A_161 = arith.constant 168 : i32
        %lt3A_162 = arith.cmpi slt, %add3A_160, %lt3A_161 : i32
        %convert_element_type3A_163 = arith.extui %lt3A_162 : i1 to i32
        %cond3A_164 = arith.constant 0 : i32
        %cond3A_165 = arith.cmpi ne, %convert_element_type3A_163, %cond3A_164 : i32
        scf.if %cond3A_165 {
          %dma_wait3A_222 = tpu.memref_slice %arg3[%mul3A_22] : memref<322560xi32, #tpu.memory_space<hbm>> -> memref<120xi32, #tpu.memory_space<hbm>>
          %dma_wait3A_223 = tpu.memref_slice %arg3[%mul3A_22] : memref<322560xi32, #tpu.memory_space<hbm>> -> memref<120xi32, #tpu.memory_space<hbm>>
          tpu.wait_dma2 semaphore(%arg38 : memref<!tpu.dma_semaphore, #tpu.memory_space<semaphore_mem>>) src(%dma_wait3A_223 : memref<120xi32, #tpu.memory_space<hbm>>) dst(%arg16 : memref<120xi32, #tpu.memory_space<vmem>>)
          %dma_wait3A_224 = tpu.memref_slice %arg4[%mul3A_22] : memref<322560xi32, #tpu.memory_space<hbm>> -> memref<120xi32, #tpu.memory_space<hbm>>
          %dma_wait3A_225 = tpu.memref_slice %arg4[%mul3A_22] : memref<322560xi32, #tpu.memory_space<hbm>> -> memref<120xi32, #tpu.memory_space<hbm>>
          tpu.wait_dma2 semaphore(%arg38 : memref<!tpu.dma_semaphore, #tpu.memory_space<semaphore_mem>>) src(%dma_wait3A_225 : memref<120xi32, #tpu.memory_space<hbm>>) dst(%arg22 : memref<120xi32, #tpu.memory_space<vmem>>)
          %dma_start3A_226 = arith.constant 0 : i32
          %dma_start3A_227 = arith.constant 0 : i32
          %dma_start3A_228 = tpu.memref_slice %arg2[%dma_start3A_226, %dma_start3A_227] : memref<10112x128xf32, #tpu.memory_space<hbm>> -> memref<10112x128xf32, #tpu.memory_space<hbm>>
          tpu.enqueue_indirect_dma source(%dma_start3A_228 : memref<10112x128xf32, #tpu.memory_space<hbm>>) target(%arg25 : memref<120x128xf32, #tpu.memory_space<vmem>>) offsets(%arg16 : memref<120xi32, #tpu.memory_space<vmem>>) semaphore(%arg29 : memref<!tpu.dma_semaphore, #tpu.memory_space<semaphore_mem>>)
        } else {
        }
        %dma_wait3A_166 = arith.constant 0 : i32
        %dma_wait3A_167 = arith.constant 0 : i32
        %dma_wait3A_168 = tpu.memref_slice %arg2[%dma_wait3A_166, %dma_wait3A_167] : memref<10112x128xf32, #tpu.memory_space<hbm>> -> memref<10112x128xf32, #tpu.memory_space<hbm>>
        tpu.wait_indirect_dma semaphore(%arg27 : memref<!tpu.dma_semaphore, #tpu.memory_space<semaphore_mem>>) src(%dma_wait3A_168 : memref<10112x128xf32, #tpu.memory_space<hbm>>) dst(%arg23 : memref<120x128xf32, #tpu.memory_space<vmem>>)
        %dma_start3A_169 = arith.constant 0 : i32
        %dma_start3A_170 = arith.constant 0 : i32
        %dma_start3A_171 = tpu.memref_slice %arg26[%dma_start3A_169, %dma_start3A_170] : memref<10112x128xf32, #tpu.memory_space<vmem_shared>> -> memref<10112x128xf32, #tpu.memory_space<vmem_shared>>
        tpu.enqueue_indirect_dma source(%arg23 : memref<120x128xf32, #tpu.memory_space<vmem>>) target(%dma_start3A_171 : memref<10112x128xf32, #tpu.memory_space<vmem_shared>>) offsets(%arg20 : memref<120xi32, #tpu.memory_space<vmem>>) semaphore(%arg30 : memref<!tpu.dma_semaphore, #tpu.memory_space<semaphore_mem>>) {add = true}
        %add3A_172 = arith.constant 4 : i32
        %add3A_173 = arith.addi %mul3A_71, %add3A_172 : i32
        %dma_wait3A_174 = arith.constant 0 : i32
        %dma_wait3A_175 = arith.constant 0 : i32
        %dma_wait3A_176 = tpu.memref_slice %arg26[%dma_wait3A_174, %dma_wait3A_175] : memref<10112x128xf32, #tpu.memory_space<vmem_shared>> -> memref<10112x128xf32, #tpu.memory_space<vmem_shared>>
        tpu.wait_indirect_dma semaphore(%arg30 : memref<!tpu.dma_semaphore, #tpu.memory_space<semaphore_mem>>) src(%arg23 : memref<120x128xf32, #tpu.memory_space<vmem>>) dst(%dma_wait3A_176 : memref<10112x128xf32, #tpu.memory_space<vmem_shared>>)
        %add3A_177 = arith.constant 4 : i32
        %add3A_178 = arith.addi %add3A_173, %add3A_177 : i32
        %lt3A_179 = arith.constant 168 : i32
        %lt3A_180 = arith.cmpi slt, %add3A_178, %lt3A_179 : i32
        %convert_element_type3A_181 = arith.extui %lt3A_180 : i1 to i32
        %cond3A_182 = arith.constant 0 : i32
        %cond3A_183 = arith.cmpi ne, %convert_element_type3A_181, %cond3A_182 : i32
        scf.if %cond3A_183 {
          %add3A_222 = arith.constant 4 : i32
          %add3A_223 = arith.addi %add3A_173, %add3A_222 : i32
          %mul3A_224 = arith.constant 120 : i32
          %mul3A_225 = arith.muli %add3A_223, %mul3A_224 : i32
          %add3A_226 = arith.addi %mul3A_22, %mul3A_225 : i32
          %multiple_of3A_227 = tpu.assume_multiple %add3A_226, 8 : i32
          %dma_start3A_228 = tpu.memref_slice %arg3[%multiple_of3A_227] : memref<322560xi32, #tpu.memory_space<hbm>> -> memref<120xi32, #tpu.memory_space<hbm>>
          %dma_start3A_229 = tpu.memref_slice %arg3[%multiple_of3A_227] : memref<322560xi32, #tpu.memory_space<hbm>> -> memref<120xi32, #tpu.memory_space<hbm>>
          tpu.enqueue_dma source(%dma_start3A_229 : memref<120xi32, #tpu.memory_space<hbm>>) target(%arg13 : memref<120xi32, #tpu.memory_space<vmem>>) target_semaphore(%arg35 : memref<!tpu.dma_semaphore, #tpu.memory_space<semaphore_mem>>)
          %dma_start3A_230 = tpu.memref_slice %arg4[%multiple_of3A_227] : memref<322560xi32, #tpu.memory_space<hbm>> -> memref<120xi32, #tpu.memory_space<hbm>>
          %dma_start3A_231 = tpu.memref_slice %arg4[%multiple_of3A_227] : memref<322560xi32, #tpu.memory_space<hbm>> -> memref<120xi32, #tpu.memory_space<hbm>>
          tpu.enqueue_dma source(%dma_start3A_231 : memref<120xi32, #tpu.memory_space<hbm>>) target(%arg19 : memref<120xi32, #tpu.memory_space<vmem>>) target_semaphore(%arg35 : memref<!tpu.dma_semaphore, #tpu.memory_space<semaphore_mem>>)
        } else {
        }
        %add3A_184 = arith.constant 2 : i32
        %add3A_185 = arith.addi %add3A_173, %add3A_184 : i32
        %lt3A_186 = arith.constant 168 : i32
        %lt3A_187 = arith.cmpi slt, %add3A_185, %lt3A_186 : i32
        %convert_element_type3A_188 = arith.extui %lt3A_187 : i1 to i32
        %cond3A_189 = arith.constant 0 : i32
        %cond3A_190 = arith.cmpi ne, %convert_element_type3A_188, %cond3A_189 : i32
        scf.if %cond3A_190 {
          %dma_wait3A_222 = tpu.memref_slice %arg3[%mul3A_22] : memref<322560xi32, #tpu.memory_space<hbm>> -> memref<120xi32, #tpu.memory_space<hbm>>
          %dma_wait3A_223 = tpu.memref_slice %arg3[%mul3A_22] : memref<322560xi32, #tpu.memory_space<hbm>> -> memref<120xi32, #tpu.memory_space<hbm>>
          tpu.wait_dma2 semaphore(%arg33 : memref<!tpu.dma_semaphore, #tpu.memory_space<semaphore_mem>>) src(%dma_wait3A_223 : memref<120xi32, #tpu.memory_space<hbm>>) dst(%arg11 : memref<120xi32, #tpu.memory_space<vmem>>)
          %dma_wait3A_224 = tpu.memref_slice %arg4[%mul3A_22] : memref<322560xi32, #tpu.memory_space<hbm>> -> memref<120xi32, #tpu.memory_space<hbm>>
          %dma_wait3A_225 = tpu.memref_slice %arg4[%mul3A_22] : memref<322560xi32, #tpu.memory_space<hbm>> -> memref<120xi32, #tpu.memory_space<hbm>>
          tpu.wait_dma2 semaphore(%arg33 : memref<!tpu.dma_semaphore, #tpu.memory_space<semaphore_mem>>) src(%dma_wait3A_225 : memref<120xi32, #tpu.memory_space<hbm>>) dst(%arg17 : memref<120xi32, #tpu.memory_space<vmem>>)
          %dma_start3A_226 = arith.constant 0 : i32
          %dma_start3A_227 = arith.constant 0 : i32
          %dma_start3A_228 = tpu.memref_slice %arg2[%dma_start3A_226, %dma_start3A_227] : memref<10112x128xf32, #tpu.memory_space<hbm>> -> memref<10112x128xf32, #tpu.memory_space<hbm>>
          tpu.enqueue_indirect_dma source(%dma_start3A_228 : memref<10112x128xf32, #tpu.memory_space<hbm>>) target(%arg23 : memref<120x128xf32, #tpu.memory_space<vmem>>) offsets(%arg11 : memref<120xi32, #tpu.memory_space<vmem>>) semaphore(%arg27 : memref<!tpu.dma_semaphore, #tpu.memory_space<semaphore_mem>>)
        } else {
        }
        %dma_wait3A_191 = arith.constant 0 : i32
        %dma_wait3A_192 = arith.constant 0 : i32
        %dma_wait3A_193 = tpu.memref_slice %arg2[%dma_wait3A_191, %dma_wait3A_192] : memref<10112x128xf32, #tpu.memory_space<hbm>> -> memref<10112x128xf32, #tpu.memory_space<hbm>>
        tpu.wait_indirect_dma semaphore(%arg28 : memref<!tpu.dma_semaphore, #tpu.memory_space<semaphore_mem>>) src(%dma_wait3A_193 : memref<10112x128xf32, #tpu.memory_space<hbm>>) dst(%arg24 : memref<120x128xf32, #tpu.memory_space<vmem>>)
        %dma_start3A_194 = arith.constant 0 : i32
        %dma_start3A_195 = arith.constant 0 : i32
        %dma_start3A_196 = tpu.memref_slice %arg26[%dma_start3A_194, %dma_start3A_195] : memref<10112x128xf32, #tpu.memory_space<vmem_shared>> -> memref<10112x128xf32, #tpu.memory_space<vmem_shared>>
        tpu.enqueue_indirect_dma source(%arg24 : memref<120x128xf32, #tpu.memory_space<vmem>>) target(%dma_start3A_196 : memref<10112x128xf32, #tpu.memory_space<vmem_shared>>) offsets(%arg21 : memref<120xi32, #tpu.memory_space<vmem>>) semaphore(%arg31 : memref<!tpu.dma_semaphore, #tpu.memory_space<semaphore_mem>>) {add = true}
        %add3A_197 = arith.constant 5 : i32
        %add3A_198 = arith.addi %mul3A_71, %add3A_197 : i32
        %dma_wait3A_199 = arith.constant 0 : i32
        %dma_wait3A_200 = arith.constant 0 : i32
        %dma_wait3A_201 = tpu.memref_slice %arg26[%dma_wait3A_199, %dma_wait3A_200] : memref<10112x128xf32, #tpu.memory_space<vmem_shared>> -> memref<10112x128xf32, #tpu.memory_space<vmem_shared>>
        tpu.wait_indirect_dma semaphore(%arg31 : memref<!tpu.dma_semaphore, #tpu.memory_space<semaphore_mem>>) src(%arg24 : memref<120x128xf32, #tpu.memory_space<vmem>>) dst(%dma_wait3A_201 : memref<10112x128xf32, #tpu.memory_space<vmem_shared>>)
        %add3A_202 = arith.constant 4 : i32
        %add3A_203 = arith.addi %add3A_198, %add3A_202 : i32
        %lt3A_204 = arith.constant 168 : i32
        %lt3A_205 = arith.cmpi slt, %add3A_203, %lt3A_204 : i32
        %convert_element_type3A_206 = arith.extui %lt3A_205 : i1 to i32
        %cond3A_207 = arith.constant 0 : i32
        %cond3A_208 = arith.cmpi ne, %convert_element_type3A_206, %cond3A_207 : i32
        scf.if %cond3A_208 {
          %add3A_222 = arith.constant 4 : i32
          %add3A_223 = arith.addi %add3A_198, %add3A_222 : i32
          %mul3A_224 = arith.constant 120 : i32
          %mul3A_225 = arith.muli %add3A_223, %mul3A_224 : i32
          %add3A_226 = arith.addi %mul3A_22, %mul3A_225 : i32
          %multiple_of3A_227 = tpu.assume_multiple %add3A_226, 8 : i32
          %dma_start3A_228 = tpu.memref_slice %arg3[%multiple_of3A_227] : memref<322560xi32, #tpu.memory_space<hbm>> -> memref<120xi32, #tpu.memory_space<hbm>>
          %dma_start3A_229 = tpu.memref_slice %arg3[%multiple_of3A_227] : memref<322560xi32, #tpu.memory_space<hbm>> -> memref<120xi32, #tpu.memory_space<hbm>>
          tpu.enqueue_dma source(%dma_start3A_229 : memref<120xi32, #tpu.memory_space<hbm>>) target(%arg14 : memref<120xi32, #tpu.memory_space<vmem>>) target_semaphore(%arg36 : memref<!tpu.dma_semaphore, #tpu.memory_space<semaphore_mem>>)
          %dma_start3A_230 = tpu.memref_slice %arg4[%multiple_of3A_227] : memref<322560xi32, #tpu.memory_space<hbm>> -> memref<120xi32, #tpu.memory_space<hbm>>
          %dma_start3A_231 = tpu.memref_slice %arg4[%multiple_of3A_227] : memref<322560xi32, #tpu.memory_space<hbm>> -> memref<120xi32, #tpu.memory_space<hbm>>
          tpu.enqueue_dma source(%dma_start3A_231 : memref<120xi32, #tpu.memory_space<hbm>>) target(%arg20 : memref<120xi32, #tpu.memory_space<vmem>>) target_semaphore(%arg36 : memref<!tpu.dma_semaphore, #tpu.memory_space<semaphore_mem>>)
        } else {
        }
        %add3A_209 = arith.constant 2 : i32
        %add3A_210 = arith.addi %add3A_198, %add3A_209 : i32
        %lt3A_211 = arith.constant 168 : i32
        %lt3A_212 = arith.cmpi slt, %add3A_210, %lt3A_211 : i32
        %convert_element_type3A_213 = arith.extui %lt3A_212 : i1 to i32
        %cond3A_214 = arith.constant 0 : i32
        %cond3A_215 = arith.cmpi ne, %convert_element_type3A_213, %cond3A_214 : i32
        scf.if %cond3A_215 {
          %dma_wait3A_222 = tpu.memref_slice %arg3[%mul3A_22] : memref<322560xi32, #tpu.memory_space<hbm>> -> memref<120xi32, #tpu.memory_space<hbm>>
          %dma_wait3A_223 = tpu.memref_slice %arg3[%mul3A_22] : memref<322560xi32, #tpu.memory_space<hbm>> -> memref<120xi32, #tpu.memory_space<hbm>>
          tpu.wait_dma2 semaphore(%arg34 : memref<!tpu.dma_semaphore, #tpu.memory_space<semaphore_mem>>) src(%dma_wait3A_223 : memref<120xi32, #tpu.memory_space<hbm>>) dst(%arg12 : memref<120xi32, #tpu.memory_space<vmem>>)
          %dma_wait3A_224 = tpu.memref_slice %arg4[%mul3A_22] : memref<322560xi32, #tpu.memory_space<hbm>> -> memref<120xi32, #tpu.memory_space<hbm>>
          %dma_wait3A_225 = tpu.memref_slice %arg4[%mul3A_22] : memref<322560xi32, #tpu.memory_space<hbm>> -> memref<120xi32, #tpu.memory_space<hbm>>
          tpu.wait_dma2 semaphore(%arg34 : memref<!tpu.dma_semaphore, #tpu.memory_space<semaphore_mem>>) src(%dma_wait3A_225 : memref<120xi32, #tpu.memory_space<hbm>>) dst(%arg18 : memref<120xi32, #tpu.memory_space<vmem>>)
          %dma_start3A_226 = arith.constant 0 : i32
          %dma_start3A_227 = arith.constant 0 : i32
          %dma_start3A_228 = tpu.memref_slice %arg2[%dma_start3A_226, %dma_start3A_227] : memref<10112x128xf32, #tpu.memory_space<hbm>> -> memref<10112x128xf32, #tpu.memory_space<hbm>>
          tpu.enqueue_indirect_dma source(%dma_start3A_228 : memref<10112x128xf32, #tpu.memory_space<hbm>>) target(%arg24 : memref<120x128xf32, #tpu.memory_space<vmem>>) offsets(%arg12 : memref<120xi32, #tpu.memory_space<vmem>>) semaphore(%arg28 : memref<!tpu.dma_semaphore, #tpu.memory_space<semaphore_mem>>)
        } else {
        }
        %dma_wait3A_216 = arith.constant 0 : i32
        %dma_wait3A_217 = arith.constant 0 : i32
        %dma_wait3A_218 = tpu.memref_slice %arg2[%dma_wait3A_216, %dma_wait3A_217] : memref<10112x128xf32, #tpu.memory_space<hbm>> -> memref<10112x128xf32, #tpu.memory_space<hbm>>
        tpu.wait_indirect_dma semaphore(%arg29 : memref<!tpu.dma_semaphore, #tpu.memory_space<semaphore_mem>>) src(%dma_wait3A_218 : memref<10112x128xf32, #tpu.memory_space<hbm>>) dst(%arg25 : memref<120x128xf32, #tpu.memory_space<vmem>>)
        %dma_start3A_219 = arith.constant 0 : i32
        %dma_start3A_220 = arith.constant 0 : i32
        %dma_start3A_221 = tpu.memref_slice %arg26[%dma_start3A_219, %dma_start3A_220] : memref<10112x128xf32, #tpu.memory_space<vmem_shared>> -> memref<10112x128xf32, #tpu.memory_space<vmem_shared>>
        tpu.enqueue_indirect_dma source(%arg25 : memref<120x128xf32, #tpu.memory_space<vmem>>) target(%dma_start3A_221 : memref<10112x128xf32, #tpu.memory_space<vmem_shared>>) offsets(%arg22 : memref<120xi32, #tpu.memory_space<vmem>>) semaphore(%arg32 : memref<!tpu.dma_semaphore, #tpu.memory_space<semaphore_mem>>) {add = true}
      }
      %scan3A_65 = arith.constant 28 : i32
      %dma_wait3A_66 = arith.constant 0 : i32
      %dma_wait3A_67 = arith.constant 0 : i32
      %dma_wait3A_68 = tpu.memref_slice %arg26[%dma_wait3A_66, %dma_wait3A_67] : memref<10112x128xf32, #tpu.memory_space<vmem_shared>> -> memref<10112x128xf32, #tpu.memory_space<vmem_shared>>
      tpu.wait_indirect_dma semaphore(%arg32 : memref<!tpu.dma_semaphore, #tpu.memory_space<semaphore_mem>>) src(%arg25 : memref<120x128xf32, #tpu.memory_space<vmem>>) dst(%dma_wait3A_68 : memref<10112x128xf32, #tpu.memory_space<vmem_shared>>)
    } else {
    }
    %eq3A_3 = arith.constant 1 : i32
    %eq3A_4 = arith.cmpi eq, %arg0, %eq3A_3 : i32
    %convert_element_type3A_5 = arith.extui %eq3A_4 : i1 to i32
    %cond3A_6 = arith.constant 0 : i32
    %cond3A_7 = arith.cmpi ne, %convert_element_type3A_5, %cond3A_6 : i32
    scf.if %cond3A_7 {
      %mul3A_19 = arith.constant 168 : i32
      %mul3A_20 = arith.muli %arg1, %mul3A_19 : i32
      %mul3A_21 = arith.constant 120 : i32
      %mul3A_22 = arith.muli %mul3A_20, %mul3A_21 : i32
      %add3A = arith.constant 0 : i32
      %add3A_23 = arith.addi %mul3A_22, %add3A : i32
      %multiple_of3A = tpu.assume_multiple %add3A_23, 8 : i32
      %dma_start3A = tpu.memref_slice %arg6[%multiple_of3A] : memref<322560xi32, #tpu.memory_space<hbm>> -> memref<120xi32, #tpu.memory_space<hbm>>
      %dma_start3A_24 = tpu.memref_slice %arg6[%multiple_of3A] : memref<322560xi32, #tpu.memory_space<hbm>> -> memref<120xi32, #tpu.memory_space<hbm>>
      tpu.enqueue_dma source(%dma_start3A_24 : memref<120xi32, #tpu.memory_space<hbm>>) target(%arg11 : memref<120xi32, #tpu.memory_space<vmem>>) target_semaphore(%arg33 : memref<!tpu.dma_semaphore, #tpu.memory_space<semaphore_mem>>)
      %dma_start3A_25 = tpu.memref_slice %arg7[%multiple_of3A] : memref<322560xi32, #tpu.memory_space<hbm>> -> memref<120xi32, #tpu.memory_space<hbm>>
      %dma_start3A_26 = tpu.memref_slice %arg7[%multiple_of3A] : memref<322560xi32, #tpu.memory_space<hbm>> -> memref<120xi32, #tpu.memory_space<hbm>>
      tpu.enqueue_dma source(%dma_start3A_26 : memref<120xi32, #tpu.memory_space<hbm>>) target(%arg17 : memref<120xi32, #tpu.memory_space<vmem>>) target_semaphore(%arg33 : memref<!tpu.dma_semaphore, #tpu.memory_space<semaphore_mem>>)
      %add3A_27 = arith.constant 120 : i32
      %add3A_28 = arith.addi %mul3A_22, %add3A_27 : i32
      %multiple_of3A_29 = tpu.assume_multiple %add3A_28, 8 : i32
      %dma_start3A_30 = tpu.memref_slice %arg6[%multiple_of3A_29] : memref<322560xi32, #tpu.memory_space<hbm>> -> memref<120xi32, #tpu.memory_space<hbm>>
      %dma_start3A_31 = tpu.memref_slice %arg6[%multiple_of3A_29] : memref<322560xi32, #tpu.memory_space<hbm>> -> memref<120xi32, #tpu.memory_space<hbm>>
      tpu.enqueue_dma source(%dma_start3A_31 : memref<120xi32, #tpu.memory_space<hbm>>) target(%arg12 : memref<120xi32, #tpu.memory_space<vmem>>) target_semaphore(%arg34 : memref<!tpu.dma_semaphore, #tpu.memory_space<semaphore_mem>>)
      %dma_start3A_32 = tpu.memref_slice %arg7[%multiple_of3A_29] : memref<322560xi32, #tpu.memory_space<hbm>> -> memref<120xi32, #tpu.memory_space<hbm>>
      %dma_start3A_33 = tpu.memref_slice %arg7[%multiple_of3A_29] : memref<322560xi32, #tpu.memory_space<hbm>> -> memref<120xi32, #tpu.memory_space<hbm>>
      tpu.enqueue_dma source(%dma_start3A_33 : memref<120xi32, #tpu.memory_space<hbm>>) target(%arg18 : memref<120xi32, #tpu.memory_space<vmem>>) target_semaphore(%arg34 : memref<!tpu.dma_semaphore, #tpu.memory_space<semaphore_mem>>)
      %add3A_34 = arith.constant 240 : i32
      %add3A_35 = arith.addi %mul3A_22, %add3A_34 : i32
      %multiple_of3A_36 = tpu.assume_multiple %add3A_35, 8 : i32
      %dma_start3A_37 = tpu.memref_slice %arg6[%multiple_of3A_36] : memref<322560xi32, #tpu.memory_space<hbm>> -> memref<120xi32, #tpu.memory_space<hbm>>
      %dma_start3A_38 = tpu.memref_slice %arg6[%multiple_of3A_36] : memref<322560xi32, #tpu.memory_space<hbm>> -> memref<120xi32, #tpu.memory_space<hbm>>
      tpu.enqueue_dma source(%dma_start3A_38 : memref<120xi32, #tpu.memory_space<hbm>>) target(%arg13 : memref<120xi32, #tpu.memory_space<vmem>>) target_semaphore(%arg35 : memref<!tpu.dma_semaphore, #tpu.memory_space<semaphore_mem>>)
      %dma_start3A_39 = tpu.memref_slice %arg7[%multiple_of3A_36] : memref<322560xi32, #tpu.memory_space<hbm>> -> memref<120xi32, #tpu.memory_space<hbm>>
      %dma_start3A_40 = tpu.memref_slice %arg7[%multiple_of3A_36] : memref<322560xi32, #tpu.memory_space<hbm>> -> memref<120xi32, #tpu.memory_space<hbm>>
      tpu.enqueue_dma source(%dma_start3A_40 : memref<120xi32, #tpu.memory_space<hbm>>) target(%arg19 : memref<120xi32, #tpu.memory_space<vmem>>) target_semaphore(%arg35 : memref<!tpu.dma_semaphore, #tpu.memory_space<semaphore_mem>>)
      %add3A_41 = arith.constant 360 : i32
      %add3A_42 = arith.addi %mul3A_22, %add3A_41 : i32
      %multiple_of3A_43 = tpu.assume_multiple %add3A_42, 8 : i32
      %dma_start3A_44 = tpu.memref_slice %arg6[%multiple_of3A_43] : memref<322560xi32, #tpu.memory_space<hbm>> -> memref<120xi32, #tpu.memory_space<hbm>>
      %dma_start3A_45 = tpu.memref_slice %arg6[%multiple_of3A_43] : memref<322560xi32, #tpu.memory_space<hbm>> -> memref<120xi32, #tpu.memory_space<hbm>>
      tpu.enqueue_dma source(%dma_start3A_45 : memref<120xi32, #tpu.memory_space<hbm>>) target(%arg14 : memref<120xi32, #tpu.memory_space<vmem>>) target_semaphore(%arg36 : memref<!tpu.dma_semaphore, #tpu.memory_space<semaphore_mem>>)
      %dma_start3A_46 = tpu.memref_slice %arg7[%multiple_of3A_43] : memref<322560xi32, #tpu.memory_space<hbm>> -> memref<120xi32, #tpu.memory_space<hbm>>
      %dma_start3A_47 = tpu.memref_slice %arg7[%multiple_of3A_43] : memref<322560xi32, #tpu.memory_space<hbm>> -> memref<120xi32, #tpu.memory_space<hbm>>
      tpu.enqueue_dma source(%dma_start3A_47 : memref<120xi32, #tpu.memory_space<hbm>>) target(%arg20 : memref<120xi32, #tpu.memory_space<vmem>>) target_semaphore(%arg36 : memref<!tpu.dma_semaphore, #tpu.memory_space<semaphore_mem>>)
      %dma_wait3A = tpu.memref_slice %arg6[%mul3A_22] : memref<322560xi32, #tpu.memory_space<hbm>> -> memref<120xi32, #tpu.memory_space<hbm>>
      %dma_wait3A_48 = tpu.memref_slice %arg6[%mul3A_22] : memref<322560xi32, #tpu.memory_space<hbm>> -> memref<120xi32, #tpu.memory_space<hbm>>
      tpu.wait_dma2 semaphore(%arg33 : memref<!tpu.dma_semaphore, #tpu.memory_space<semaphore_mem>>) src(%dma_wait3A_48 : memref<120xi32, #tpu.memory_space<hbm>>) dst(%arg11 : memref<120xi32, #tpu.memory_space<vmem>>)
      %dma_wait3A_49 = tpu.memref_slice %arg7[%mul3A_22] : memref<322560xi32, #tpu.memory_space<hbm>> -> memref<120xi32, #tpu.memory_space<hbm>>
      %dma_wait3A_50 = tpu.memref_slice %arg7[%mul3A_22] : memref<322560xi32, #tpu.memory_space<hbm>> -> memref<120xi32, #tpu.memory_space<hbm>>
      tpu.wait_dma2 semaphore(%arg33 : memref<!tpu.dma_semaphore, #tpu.memory_space<semaphore_mem>>) src(%dma_wait3A_50 : memref<120xi32, #tpu.memory_space<hbm>>) dst(%arg17 : memref<120xi32, #tpu.memory_space<vmem>>)
      %dma_start3A_51 = arith.constant 0 : i32
      %dma_start3A_52 = arith.constant 0 : i32
      %dma_start3A_53 = tpu.memref_slice %arg5[%dma_start3A_51, %dma_start3A_52] : memref<10112x128xf32, #tpu.memory_space<hbm>> -> memref<10112x128xf32, #tpu.memory_space<hbm>>
      tpu.enqueue_indirect_dma source(%dma_start3A_53 : memref<10112x128xf32, #tpu.memory_space<hbm>>) target(%arg23 : memref<120x128xf32, #tpu.memory_space<vmem>>) offsets(%arg11 : memref<120xi32, #tpu.memory_space<vmem>>) semaphore(%arg27 : memref<!tpu.dma_semaphore, #tpu.memory_space<semaphore_mem>>)
      %dma_wait3A_54 = tpu.memref_slice %arg6[%mul3A_22] : memref<322560xi32, #tpu.memory_space<hbm>> -> memref<120xi32, #tpu.memory_space<hbm>>
      %dma_wait3A_55 = tpu.memref_slice %arg6[%mul3A_22] : memref<322560xi32, #tpu.memory_space<hbm>> -> memref<120xi32, #tpu.memory_space<hbm>>
      tpu.wait_dma2 semaphore(%arg34 : memref<!tpu.dma_semaphore, #tpu.memory_space<semaphore_mem>>) src(%dma_wait3A_55 : memref<120xi32, #tpu.memory_space<hbm>>) dst(%arg12 : memref<120xi32, #tpu.memory_space<vmem>>)
      %dma_wait3A_56 = tpu.memref_slice %arg7[%mul3A_22] : memref<322560xi32, #tpu.memory_space<hbm>> -> memref<120xi32, #tpu.memory_space<hbm>>
      %dma_wait3A_57 = tpu.memref_slice %arg7[%mul3A_22] : memref<322560xi32, #tpu.memory_space<hbm>> -> memref<120xi32, #tpu.memory_space<hbm>>
      tpu.wait_dma2 semaphore(%arg34 : memref<!tpu.dma_semaphore, #tpu.memory_space<semaphore_mem>>) src(%dma_wait3A_57 : memref<120xi32, #tpu.memory_space<hbm>>) dst(%arg18 : memref<120xi32, #tpu.memory_space<vmem>>)
      %dma_start3A_58 = arith.constant 0 : i32
      %dma_start3A_59 = arith.constant 0 : i32
      %dma_start3A_60 = tpu.memref_slice %arg5[%dma_start3A_58, %dma_start3A_59] : memref<10112x128xf32, #tpu.memory_space<hbm>> -> memref<10112x128xf32, #tpu.memory_space<hbm>>
      tpu.enqueue_indirect_dma source(%dma_start3A_60 : memref<10112x128xf32, #tpu.memory_space<hbm>>) target(%arg24 : memref<120x128xf32, #tpu.memory_space<vmem>>) offsets(%arg12 : memref<120xi32, #tpu.memory_space<vmem>>) semaphore(%arg28 : memref<!tpu.dma_semaphore, #tpu.memory_space<semaphore_mem>>)
      %scan3A = arith.constant 0 : i32
      %scan3A_61 = arith.constant 0 : i32
      %scan3A_62 = arith.constant 28 : i32
      %scan3A_63 = arith.addi %scan3A_61, %scan3A_62 : i32
      %scan3A_64 = arith.constant 1 : i32
      scf.for %scan3A_69 = %scan3A_61 to %scan3A_63 step %scan3A_64  : i32 {
        %mul3A_70 = arith.constant 6 : i32
        %mul3A_71 = arith.muli %mul3A_70, %scan3A_69 : i32
        %add3A_72 = arith.constant 0 : i32
        %add3A_73 = arith.addi %mul3A_71, %add3A_72 : i32
        %gt3A = arith.constant 0 : i32
        %gt3A_74 = arith.cmpi sgt, %mul3A_71, %gt3A : i32
        %convert_element_type3A_75 = arith.extui %gt3A_74 : i1 to i32
        %cond3A_76 = arith.constant 0 : i32
        %cond3A_77 = arith.cmpi ne, %convert_element_type3A_75, %cond3A_76 : i32
        scf.if %cond3A_77 {
          %dma_wait3A_222 = arith.constant 0 : i32
          %dma_wait3A_223 = arith.constant 0 : i32
          %dma_wait3A_224 = tpu.memref_slice %arg26[%dma_wait3A_222, %dma_wait3A_223] : memref<10112x128xf32, #tpu.memory_space<vmem_shared>> -> memref<10112x128xf32, #tpu.memory_space<vmem_shared>>
          tpu.wait_indirect_dma semaphore(%arg32 : memref<!tpu.dma_semaphore, #tpu.memory_space<semaphore_mem>>) src(%arg25 : memref<120x128xf32, #tpu.memory_space<vmem>>) dst(%dma_wait3A_224 : memref<10112x128xf32, #tpu.memory_space<vmem_shared>>)
        } else {
        }
        %add3A_78 = arith.constant 4 : i32
        %add3A_79 = arith.addi %add3A_73, %add3A_78 : i32
        %lt3A = arith.constant 168 : i32
        %lt3A_80 = arith.cmpi slt, %add3A_79, %lt3A : i32
        %convert_element_type3A_81 = arith.extui %lt3A_80 : i1 to i32
        %cond3A_82 = arith.constant 0 : i32
        %cond3A_83 = arith.cmpi ne, %convert_element_type3A_81, %cond3A_82 : i32
        scf.if %cond3A_83 {
          %add3A_222 = arith.constant 4 : i32
          %add3A_223 = arith.addi %add3A_73, %add3A_222 : i32
          %mul3A_224 = arith.constant 120 : i32
          %mul3A_225 = arith.muli %add3A_223, %mul3A_224 : i32
          %add3A_226 = arith.addi %mul3A_22, %mul3A_225 : i32
          %multiple_of3A_227 = tpu.assume_multiple %add3A_226, 8 : i32
          %dma_start3A_228 = tpu.memref_slice %arg6[%multiple_of3A_227] : memref<322560xi32, #tpu.memory_space<hbm>> -> memref<120xi32, #tpu.memory_space<hbm>>
          %dma_start3A_229 = tpu.memref_slice %arg6[%multiple_of3A_227] : memref<322560xi32, #tpu.memory_space<hbm>> -> memref<120xi32, #tpu.memory_space<hbm>>
          tpu.enqueue_dma source(%dma_start3A_229 : memref<120xi32, #tpu.memory_space<hbm>>) target(%arg15 : memref<120xi32, #tpu.memory_space<vmem>>) target_semaphore(%arg37 : memref<!tpu.dma_semaphore, #tpu.memory_space<semaphore_mem>>)
          %dma_start3A_230 = tpu.memref_slice %arg7[%multiple_of3A_227] : memref<322560xi32, #tpu.memory_space<hbm>> -> memref<120xi32, #tpu.memory_space<hbm>>
          %dma_start3A_231 = tpu.memref_slice %arg7[%multiple_of3A_227] : memref<322560xi32, #tpu.memory_space<hbm>> -> memref<120xi32, #tpu.memory_space<hbm>>
          tpu.enqueue_dma source(%dma_start3A_231 : memref<120xi32, #tpu.memory_space<hbm>>) target(%arg21 : memref<120xi32, #tpu.memory_space<vmem>>) target_semaphore(%arg37 : memref<!tpu.dma_semaphore, #tpu.memory_space<semaphore_mem>>)
        } else {
        }
        %add3A_84 = arith.constant 2 : i32
        %add3A_85 = arith.addi %add3A_73, %add3A_84 : i32
        %lt3A_86 = arith.constant 168 : i32
        %lt3A_87 = arith.cmpi slt, %add3A_85, %lt3A_86 : i32
        %convert_element_type3A_88 = arith.extui %lt3A_87 : i1 to i32
        %cond3A_89 = arith.constant 0 : i32
        %cond3A_90 = arith.cmpi ne, %convert_element_type3A_88, %cond3A_89 : i32
        scf.if %cond3A_90 {
          %dma_wait3A_222 = tpu.memref_slice %arg6[%mul3A_22] : memref<322560xi32, #tpu.memory_space<hbm>> -> memref<120xi32, #tpu.memory_space<hbm>>
          %dma_wait3A_223 = tpu.memref_slice %arg6[%mul3A_22] : memref<322560xi32, #tpu.memory_space<hbm>> -> memref<120xi32, #tpu.memory_space<hbm>>
          tpu.wait_dma2 semaphore(%arg35 : memref<!tpu.dma_semaphore, #tpu.memory_space<semaphore_mem>>) src(%dma_wait3A_223 : memref<120xi32, #tpu.memory_space<hbm>>) dst(%arg13 : memref<120xi32, #tpu.memory_space<vmem>>)
          %dma_wait3A_224 = tpu.memref_slice %arg7[%mul3A_22] : memref<322560xi32, #tpu.memory_space<hbm>> -> memref<120xi32, #tpu.memory_space<hbm>>
          %dma_wait3A_225 = tpu.memref_slice %arg7[%mul3A_22] : memref<322560xi32, #tpu.memory_space<hbm>> -> memref<120xi32, #tpu.memory_space<hbm>>
          tpu.wait_dma2 semaphore(%arg35 : memref<!tpu.dma_semaphore, #tpu.memory_space<semaphore_mem>>) src(%dma_wait3A_225 : memref<120xi32, #tpu.memory_space<hbm>>) dst(%arg19 : memref<120xi32, #tpu.memory_space<vmem>>)
          %dma_start3A_226 = arith.constant 0 : i32
          %dma_start3A_227 = arith.constant 0 : i32
          %dma_start3A_228 = tpu.memref_slice %arg5[%dma_start3A_226, %dma_start3A_227] : memref<10112x128xf32, #tpu.memory_space<hbm>> -> memref<10112x128xf32, #tpu.memory_space<hbm>>
          tpu.enqueue_indirect_dma source(%dma_start3A_228 : memref<10112x128xf32, #tpu.memory_space<hbm>>) target(%arg25 : memref<120x128xf32, #tpu.memory_space<vmem>>) offsets(%arg13 : memref<120xi32, #tpu.memory_space<vmem>>) semaphore(%arg29 : memref<!tpu.dma_semaphore, #tpu.memory_space<semaphore_mem>>)
        } else {
        }
        %dma_wait3A_91 = arith.constant 0 : i32
        %dma_wait3A_92 = arith.constant 0 : i32
        %dma_wait3A_93 = tpu.memref_slice %arg5[%dma_wait3A_91, %dma_wait3A_92] : memref<10112x128xf32, #tpu.memory_space<hbm>> -> memref<10112x128xf32, #tpu.memory_space<hbm>>
        tpu.wait_indirect_dma semaphore(%arg27 : memref<!tpu.dma_semaphore, #tpu.memory_space<semaphore_mem>>) src(%dma_wait3A_93 : memref<10112x128xf32, #tpu.memory_space<hbm>>) dst(%arg23 : memref<120x128xf32, #tpu.memory_space<vmem>>)
        %dma_start3A_94 = arith.constant 0 : i32
        %dma_start3A_95 = arith.constant 0 : i32
        %dma_start3A_96 = tpu.memref_slice %arg26[%dma_start3A_94, %dma_start3A_95] : memref<10112x128xf32, #tpu.memory_space<vmem_shared>> -> memref<10112x128xf32, #tpu.memory_space<vmem_shared>>
        tpu.enqueue_indirect_dma source(%arg23 : memref<120x128xf32, #tpu.memory_space<vmem>>) target(%dma_start3A_96 : memref<10112x128xf32, #tpu.memory_space<vmem_shared>>) offsets(%arg17 : memref<120xi32, #tpu.memory_space<vmem>>) semaphore(%arg30 : memref<!tpu.dma_semaphore, #tpu.memory_space<semaphore_mem>>) {add = true}
        %add3A_97 = arith.constant 1 : i32
        %add3A_98 = arith.addi %mul3A_71, %add3A_97 : i32
        %dma_wait3A_99 = arith.constant 0 : i32
        %dma_wait3A_100 = arith.constant 0 : i32
        %dma_wait3A_101 = tpu.memref_slice %arg26[%dma_wait3A_99, %dma_wait3A_100] : memref<10112x128xf32, #tpu.memory_space<vmem_shared>> -> memref<10112x128xf32, #tpu.memory_space<vmem_shared>>
        tpu.wait_indirect_dma semaphore(%arg30 : memref<!tpu.dma_semaphore, #tpu.memory_space<semaphore_mem>>) src(%arg23 : memref<120x128xf32, #tpu.memory_space<vmem>>) dst(%dma_wait3A_101 : memref<10112x128xf32, #tpu.memory_space<vmem_shared>>)
        %add3A_102 = arith.constant 4 : i32
        %add3A_103 = arith.addi %add3A_98, %add3A_102 : i32
        %lt3A_104 = arith.constant 168 : i32
        %lt3A_105 = arith.cmpi slt, %add3A_103, %lt3A_104 : i32
        %convert_element_type3A_106 = arith.extui %lt3A_105 : i1 to i32
        %cond3A_107 = arith.constant 0 : i32
        %cond3A_108 = arith.cmpi ne, %convert_element_type3A_106, %cond3A_107 : i32
        scf.if %cond3A_108 {
          %add3A_222 = arith.constant 4 : i32
          %add3A_223 = arith.addi %add3A_98, %add3A_222 : i32
          %mul3A_224 = arith.constant 120 : i32
          %mul3A_225 = arith.muli %add3A_223, %mul3A_224 : i32
          %add3A_226 = arith.addi %mul3A_22, %mul3A_225 : i32
          %multiple_of3A_227 = tpu.assume_multiple %add3A_226, 8 : i32
          %dma_start3A_228 = tpu.memref_slice %arg6[%multiple_of3A_227] : memref<322560xi32, #tpu.memory_space<hbm>> -> memref<120xi32, #tpu.memory_space<hbm>>
          %dma_start3A_229 = tpu.memref_slice %arg6[%multiple_of3A_227] : memref<322560xi32, #tpu.memory_space<hbm>> -> memref<120xi32, #tpu.memory_space<hbm>>
          tpu.enqueue_dma source(%dma_start3A_229 : memref<120xi32, #tpu.memory_space<hbm>>) target(%arg16 : memref<120xi32, #tpu.memory_space<vmem>>) target_semaphore(%arg38 : memref<!tpu.dma_semaphore, #tpu.memory_space<semaphore_mem>>)
          %dma_start3A_230 = tpu.memref_slice %arg7[%multiple_of3A_227] : memref<322560xi32, #tpu.memory_space<hbm>> -> memref<120xi32, #tpu.memory_space<hbm>>
          %dma_start3A_231 = tpu.memref_slice %arg7[%multiple_of3A_227] : memref<322560xi32, #tpu.memory_space<hbm>> -> memref<120xi32, #tpu.memory_space<hbm>>
          tpu.enqueue_dma source(%dma_start3A_231 : memref<120xi32, #tpu.memory_space<hbm>>) target(%arg22 : memref<120xi32, #tpu.memory_space<vmem>>) target_semaphore(%arg38 : memref<!tpu.dma_semaphore, #tpu.memory_space<semaphore_mem>>)
        } else {
        }
        %add3A_109 = arith.constant 2 : i32
        %add3A_110 = arith.addi %add3A_98, %add3A_109 : i32
        %lt3A_111 = arith.constant 168 : i32
        %lt3A_112 = arith.cmpi slt, %add3A_110, %lt3A_111 : i32
        %convert_element_type3A_113 = arith.extui %lt3A_112 : i1 to i32
        %cond3A_114 = arith.constant 0 : i32
        %cond3A_115 = arith.cmpi ne, %convert_element_type3A_113, %cond3A_114 : i32
        scf.if %cond3A_115 {
          %dma_wait3A_222 = tpu.memref_slice %arg6[%mul3A_22] : memref<322560xi32, #tpu.memory_space<hbm>> -> memref<120xi32, #tpu.memory_space<hbm>>
          %dma_wait3A_223 = tpu.memref_slice %arg6[%mul3A_22] : memref<322560xi32, #tpu.memory_space<hbm>> -> memref<120xi32, #tpu.memory_space<hbm>>
          tpu.wait_dma2 semaphore(%arg36 : memref<!tpu.dma_semaphore, #tpu.memory_space<semaphore_mem>>) src(%dma_wait3A_223 : memref<120xi32, #tpu.memory_space<hbm>>) dst(%arg14 : memref<120xi32, #tpu.memory_space<vmem>>)
          %dma_wait3A_224 = tpu.memref_slice %arg7[%mul3A_22] : memref<322560xi32, #tpu.memory_space<hbm>> -> memref<120xi32, #tpu.memory_space<hbm>>
          %dma_wait3A_225 = tpu.memref_slice %arg7[%mul3A_22] : memref<322560xi32, #tpu.memory_space<hbm>> -> memref<120xi32, #tpu.memory_space<hbm>>
          tpu.wait_dma2 semaphore(%arg36 : memref<!tpu.dma_semaphore, #tpu.memory_space<semaphore_mem>>) src(%dma_wait3A_225 : memref<120xi32, #tpu.memory_space<hbm>>) dst(%arg20 : memref<120xi32, #tpu.memory_space<vmem>>)
          %dma_start3A_226 = arith.constant 0 : i32
          %dma_start3A_227 = arith.constant 0 : i32
          %dma_start3A_228 = tpu.memref_slice %arg5[%dma_start3A_226, %dma_start3A_227] : memref<10112x128xf32, #tpu.memory_space<hbm>> -> memref<10112x128xf32, #tpu.memory_space<hbm>>
          tpu.enqueue_indirect_dma source(%dma_start3A_228 : memref<10112x128xf32, #tpu.memory_space<hbm>>) target(%arg23 : memref<120x128xf32, #tpu.memory_space<vmem>>) offsets(%arg14 : memref<120xi32, #tpu.memory_space<vmem>>) semaphore(%arg27 : memref<!tpu.dma_semaphore, #tpu.memory_space<semaphore_mem>>)
        } else {
        }
        %dma_wait3A_116 = arith.constant 0 : i32
        %dma_wait3A_117 = arith.constant 0 : i32
        %dma_wait3A_118 = tpu.memref_slice %arg5[%dma_wait3A_116, %dma_wait3A_117] : memref<10112x128xf32, #tpu.memory_space<hbm>> -> memref<10112x128xf32, #tpu.memory_space<hbm>>
        tpu.wait_indirect_dma semaphore(%arg28 : memref<!tpu.dma_semaphore, #tpu.memory_space<semaphore_mem>>) src(%dma_wait3A_118 : memref<10112x128xf32, #tpu.memory_space<hbm>>) dst(%arg24 : memref<120x128xf32, #tpu.memory_space<vmem>>)
        %dma_start3A_119 = arith.constant 0 : i32
        %dma_start3A_120 = arith.constant 0 : i32
        %dma_start3A_121 = tpu.memref_slice %arg26[%dma_start3A_119, %dma_start3A_120] : memref<10112x128xf32, #tpu.memory_space<vmem_shared>> -> memref<10112x128xf32, #tpu.memory_space<vmem_shared>>
        tpu.enqueue_indirect_dma source(%arg24 : memref<120x128xf32, #tpu.memory_space<vmem>>) target(%dma_start3A_121 : memref<10112x128xf32, #tpu.memory_space<vmem_shared>>) offsets(%arg18 : memref<120xi32, #tpu.memory_space<vmem>>) semaphore(%arg31 : memref<!tpu.dma_semaphore, #tpu.memory_space<semaphore_mem>>) {add = true}
        %add3A_122 = arith.constant 2 : i32
        %add3A_123 = arith.addi %mul3A_71, %add3A_122 : i32
        %dma_wait3A_124 = arith.constant 0 : i32
        %dma_wait3A_125 = arith.constant 0 : i32
        %dma_wait3A_126 = tpu.memref_slice %arg26[%dma_wait3A_124, %dma_wait3A_125] : memref<10112x128xf32, #tpu.memory_space<vmem_shared>> -> memref<10112x128xf32, #tpu.memory_space<vmem_shared>>
        tpu.wait_indirect_dma semaphore(%arg31 : memref<!tpu.dma_semaphore, #tpu.memory_space<semaphore_mem>>) src(%arg24 : memref<120x128xf32, #tpu.memory_space<vmem>>) dst(%dma_wait3A_126 : memref<10112x128xf32, #tpu.memory_space<vmem_shared>>)
        %add3A_127 = arith.constant 4 : i32
        %add3A_128 = arith.addi %add3A_123, %add3A_127 : i32
        %lt3A_129 = arith.constant 168 : i32
        %lt3A_130 = arith.cmpi slt, %add3A_128, %lt3A_129 : i32
        %convert_element_type3A_131 = arith.extui %lt3A_130 : i1 to i32
        %cond3A_132 = arith.constant 0 : i32
        %cond3A_133 = arith.cmpi ne, %convert_element_type3A_131, %cond3A_132 : i32
        scf.if %cond3A_133 {
          %add3A_222 = arith.constant 4 : i32
          %add3A_223 = arith.addi %add3A_123, %add3A_222 : i32
          %mul3A_224 = arith.constant 120 : i32
          %mul3A_225 = arith.muli %add3A_223, %mul3A_224 : i32
          %add3A_226 = arith.addi %mul3A_22, %mul3A_225 : i32
          %multiple_of3A_227 = tpu.assume_multiple %add3A_226, 8 : i32
          %dma_start3A_228 = tpu.memref_slice %arg6[%multiple_of3A_227] : memref<322560xi32, #tpu.memory_space<hbm>> -> memref<120xi32, #tpu.memory_space<hbm>>
          %dma_start3A_229 = tpu.memref_slice %arg6[%multiple_of3A_227] : memref<322560xi32, #tpu.memory_space<hbm>> -> memref<120xi32, #tpu.memory_space<hbm>>
          tpu.enqueue_dma source(%dma_start3A_229 : memref<120xi32, #tpu.memory_space<hbm>>) target(%arg11 : memref<120xi32, #tpu.memory_space<vmem>>) target_semaphore(%arg33 : memref<!tpu.dma_semaphore, #tpu.memory_space<semaphore_mem>>)
          %dma_start3A_230 = tpu.memref_slice %arg7[%multiple_of3A_227] : memref<322560xi32, #tpu.memory_space<hbm>> -> memref<120xi32, #tpu.memory_space<hbm>>
          %dma_start3A_231 = tpu.memref_slice %arg7[%multiple_of3A_227] : memref<322560xi32, #tpu.memory_space<hbm>> -> memref<120xi32, #tpu.memory_space<hbm>>
          tpu.enqueue_dma source(%dma_start3A_231 : memref<120xi32, #tpu.memory_space<hbm>>) target(%arg17 : memref<120xi32, #tpu.memory_space<vmem>>) target_semaphore(%arg33 : memref<!tpu.dma_semaphore, #tpu.memory_space<semaphore_mem>>)
        } else {
        }
        %add3A_134 = arith.constant 2 : i32
        %add3A_135 = arith.addi %add3A_123, %add3A_134 : i32
        %lt3A_136 = arith.constant 168 : i32
        %lt3A_137 = arith.cmpi slt, %add3A_135, %lt3A_136 : i32
        %convert_element_type3A_138 = arith.extui %lt3A_137 : i1 to i32
        %cond3A_139 = arith.constant 0 : i32
        %cond3A_140 = arith.cmpi ne, %convert_element_type3A_138, %cond3A_139 : i32
        scf.if %cond3A_140 {
          %dma_wait3A_222 = tpu.memref_slice %arg6[%mul3A_22] : memref<322560xi32, #tpu.memory_space<hbm>> -> memref<120xi32, #tpu.memory_space<hbm>>
          %dma_wait3A_223 = tpu.memref_slice %arg6[%mul3A_22] : memref<322560xi32, #tpu.memory_space<hbm>> -> memref<120xi32, #tpu.memory_space<hbm>>
          tpu.wait_dma2 semaphore(%arg37 : memref<!tpu.dma_semaphore, #tpu.memory_space<semaphore_mem>>) src(%dma_wait3A_223 : memref<120xi32, #tpu.memory_space<hbm>>) dst(%arg15 : memref<120xi32, #tpu.memory_space<vmem>>)
          %dma_wait3A_224 = tpu.memref_slice %arg7[%mul3A_22] : memref<322560xi32, #tpu.memory_space<hbm>> -> memref<120xi32, #tpu.memory_space<hbm>>
          %dma_wait3A_225 = tpu.memref_slice %arg7[%mul3A_22] : memref<322560xi32, #tpu.memory_space<hbm>> -> memref<120xi32, #tpu.memory_space<hbm>>
          tpu.wait_dma2 semaphore(%arg37 : memref<!tpu.dma_semaphore, #tpu.memory_space<semaphore_mem>>) src(%dma_wait3A_225 : memref<120xi32, #tpu.memory_space<hbm>>) dst(%arg21 : memref<120xi32, #tpu.memory_space<vmem>>)
          %dma_start3A_226 = arith.constant 0 : i32
          %dma_start3A_227 = arith.constant 0 : i32
          %dma_start3A_228 = tpu.memref_slice %arg5[%dma_start3A_226, %dma_start3A_227] : memref<10112x128xf32, #tpu.memory_space<hbm>> -> memref<10112x128xf32, #tpu.memory_space<hbm>>
          tpu.enqueue_indirect_dma source(%dma_start3A_228 : memref<10112x128xf32, #tpu.memory_space<hbm>>) target(%arg24 : memref<120x128xf32, #tpu.memory_space<vmem>>) offsets(%arg15 : memref<120xi32, #tpu.memory_space<vmem>>) semaphore(%arg28 : memref<!tpu.dma_semaphore, #tpu.memory_space<semaphore_mem>>)
        } else {
        }
        %dma_wait3A_141 = arith.constant 0 : i32
        %dma_wait3A_142 = arith.constant 0 : i32
        %dma_wait3A_143 = tpu.memref_slice %arg5[%dma_wait3A_141, %dma_wait3A_142] : memref<10112x128xf32, #tpu.memory_space<hbm>> -> memref<10112x128xf32, #tpu.memory_space<hbm>>
        tpu.wait_indirect_dma semaphore(%arg29 : memref<!tpu.dma_semaphore, #tpu.memory_space<semaphore_mem>>) src(%dma_wait3A_143 : memref<10112x128xf32, #tpu.memory_space<hbm>>) dst(%arg25 : memref<120x128xf32, #tpu.memory_space<vmem>>)
        %dma_start3A_144 = arith.constant 0 : i32
        %dma_start3A_145 = arith.constant 0 : i32
        %dma_start3A_146 = tpu.memref_slice %arg26[%dma_start3A_144, %dma_start3A_145] : memref<10112x128xf32, #tpu.memory_space<vmem_shared>> -> memref<10112x128xf32, #tpu.memory_space<vmem_shared>>
        tpu.enqueue_indirect_dma source(%arg25 : memref<120x128xf32, #tpu.memory_space<vmem>>) target(%dma_start3A_146 : memref<10112x128xf32, #tpu.memory_space<vmem_shared>>) offsets(%arg19 : memref<120xi32, #tpu.memory_space<vmem>>) semaphore(%arg32 : memref<!tpu.dma_semaphore, #tpu.memory_space<semaphore_mem>>) {add = true}
        %add3A_147 = arith.constant 3 : i32
        %add3A_148 = arith.addi %mul3A_71, %add3A_147 : i32
        %dma_wait3A_149 = arith.constant 0 : i32
        %dma_wait3A_150 = arith.constant 0 : i32
        %dma_wait3A_151 = tpu.memref_slice %arg26[%dma_wait3A_149, %dma_wait3A_150] : memref<10112x128xf32, #tpu.memory_space<vmem_shared>> -> memref<10112x128xf32, #tpu.memory_space<vmem_shared>>
        tpu.wait_indirect_dma semaphore(%arg32 : memref<!tpu.dma_semaphore, #tpu.memory_space<semaphore_mem>>) src(%arg25 : memref<120x128xf32, #tpu.memory_space<vmem>>) dst(%dma_wait3A_151 : memref<10112x128xf32, #tpu.memory_space<vmem_shared>>)
        %add3A_152 = arith.constant 4 : i32
        %add3A_153 = arith.addi %add3A_148, %add3A_152 : i32
        %lt3A_154 = arith.constant 168 : i32
        %lt3A_155 = arith.cmpi slt, %add3A_153, %lt3A_154 : i32
        %convert_element_type3A_156 = arith.extui %lt3A_155 : i1 to i32
        %cond3A_157 = arith.constant 0 : i32
        %cond3A_158 = arith.cmpi ne, %convert_element_type3A_156, %cond3A_157 : i32
        scf.if %cond3A_158 {
          %add3A_222 = arith.constant 4 : i32
          %add3A_223 = arith.addi %add3A_148, %add3A_222 : i32
          %mul3A_224 = arith.constant 120 : i32
          %mul3A_225 = arith.muli %add3A_223, %mul3A_224 : i32
          %add3A_226 = arith.addi %mul3A_22, %mul3A_225 : i32
          %multiple_of3A_227 = tpu.assume_multiple %add3A_226, 8 : i32
          %dma_start3A_228 = tpu.memref_slice %arg6[%multiple_of3A_227] : memref<322560xi32, #tpu.memory_space<hbm>> -> memref<120xi32, #tpu.memory_space<hbm>>
          %dma_start3A_229 = tpu.memref_slice %arg6[%multiple_of3A_227] : memref<322560xi32, #tpu.memory_space<hbm>> -> memref<120xi32, #tpu.memory_space<hbm>>
          tpu.enqueue_dma source(%dma_start3A_229 : memref<120xi32, #tpu.memory_space<hbm>>) target(%arg12 : memref<120xi32, #tpu.memory_space<vmem>>) target_semaphore(%arg34 : memref<!tpu.dma_semaphore, #tpu.memory_space<semaphore_mem>>)
          %dma_start3A_230 = tpu.memref_slice %arg7[%multiple_of3A_227] : memref<322560xi32, #tpu.memory_space<hbm>> -> memref<120xi32, #tpu.memory_space<hbm>>
          %dma_start3A_231 = tpu.memref_slice %arg7[%multiple_of3A_227] : memref<322560xi32, #tpu.memory_space<hbm>> -> memref<120xi32, #tpu.memory_space<hbm>>
          tpu.enqueue_dma source(%dma_start3A_231 : memref<120xi32, #tpu.memory_space<hbm>>) target(%arg18 : memref<120xi32, #tpu.memory_space<vmem>>) target_semaphore(%arg34 : memref<!tpu.dma_semaphore, #tpu.memory_space<semaphore_mem>>)
        } else {
        }
        %add3A_159 = arith.constant 2 : i32
        %add3A_160 = arith.addi %add3A_148, %add3A_159 : i32
        %lt3A_161 = arith.constant 168 : i32
        %lt3A_162 = arith.cmpi slt, %add3A_160, %lt3A_161 : i32
        %convert_element_type3A_163 = arith.extui %lt3A_162 : i1 to i32
        %cond3A_164 = arith.constant 0 : i32
        %cond3A_165 = arith.cmpi ne, %convert_element_type3A_163, %cond3A_164 : i32
        scf.if %cond3A_165 {
          %dma_wait3A_222 = tpu.memref_slice %arg6[%mul3A_22] : memref<322560xi32, #tpu.memory_space<hbm>> -> memref<120xi32, #tpu.memory_space<hbm>>
          %dma_wait3A_223 = tpu.memref_slice %arg6[%mul3A_22] : memref<322560xi32, #tpu.memory_space<hbm>> -> memref<120xi32, #tpu.memory_space<hbm>>
          tpu.wait_dma2 semaphore(%arg38 : memref<!tpu.dma_semaphore, #tpu.memory_space<semaphore_mem>>) src(%dma_wait3A_223 : memref<120xi32, #tpu.memory_space<hbm>>) dst(%arg16 : memref<120xi32, #tpu.memory_space<vmem>>)
          %dma_wait3A_224 = tpu.memref_slice %arg7[%mul3A_22] : memref<322560xi32, #tpu.memory_space<hbm>> -> memref<120xi32, #tpu.memory_space<hbm>>
          %dma_wait3A_225 = tpu.memref_slice %arg7[%mul3A_22] : memref<322560xi32, #tpu.memory_space<hbm>> -> memref<120xi32, #tpu.memory_space<hbm>>
          tpu.wait_dma2 semaphore(%arg38 : memref<!tpu.dma_semaphore, #tpu.memory_space<semaphore_mem>>) src(%dma_wait3A_225 : memref<120xi32, #tpu.memory_space<hbm>>) dst(%arg22 : memref<120xi32, #tpu.memory_space<vmem>>)
          %dma_start3A_226 = arith.constant 0 : i32
          %dma_start3A_227 = arith.constant 0 : i32
          %dma_start3A_228 = tpu.memref_slice %arg5[%dma_start3A_226, %dma_start3A_227] : memref<10112x128xf32, #tpu.memory_space<hbm>> -> memref<10112x128xf32, #tpu.memory_space<hbm>>
          tpu.enqueue_indirect_dma source(%dma_start3A_228 : memref<10112x128xf32, #tpu.memory_space<hbm>>) target(%arg25 : memref<120x128xf32, #tpu.memory_space<vmem>>) offsets(%arg16 : memref<120xi32, #tpu.memory_space<vmem>>) semaphore(%arg29 : memref<!tpu.dma_semaphore, #tpu.memory_space<semaphore_mem>>)
        } else {
        }
        %dma_wait3A_166 = arith.constant 0 : i32
        %dma_wait3A_167 = arith.constant 0 : i32
        %dma_wait3A_168 = tpu.memref_slice %arg5[%dma_wait3A_166, %dma_wait3A_167] : memref<10112x128xf32, #tpu.memory_space<hbm>> -> memref<10112x128xf32, #tpu.memory_space<hbm>>
        tpu.wait_indirect_dma semaphore(%arg27 : memref<!tpu.dma_semaphore, #tpu.memory_space<semaphore_mem>>) src(%dma_wait3A_168 : memref<10112x128xf32, #tpu.memory_space<hbm>>) dst(%arg23 : memref<120x128xf32, #tpu.memory_space<vmem>>)
        %dma_start3A_169 = arith.constant 0 : i32
        %dma_start3A_170 = arith.constant 0 : i32
        %dma_start3A_171 = tpu.memref_slice %arg26[%dma_start3A_169, %dma_start3A_170] : memref<10112x128xf32, #tpu.memory_space<vmem_shared>> -> memref<10112x128xf32, #tpu.memory_space<vmem_shared>>
        tpu.enqueue_indirect_dma source(%arg23 : memref<120x128xf32, #tpu.memory_space<vmem>>) target(%dma_start3A_171 : memref<10112x128xf32, #tpu.memory_space<vmem_shared>>) offsets(%arg20 : memref<120xi32, #tpu.memory_space<vmem>>) semaphore(%arg30 : memref<!tpu.dma_semaphore, #tpu.memory_space<semaphore_mem>>) {add = true}
        %add3A_172 = arith.constant 4 : i32
        %add3A_173 = arith.addi %mul3A_71, %add3A_172 : i32
        %dma_wait3A_174 = arith.constant 0 : i32
        %dma_wait3A_175 = arith.constant 0 : i32
        %dma_wait3A_176 = tpu.memref_slice %arg26[%dma_wait3A_174, %dma_wait3A_175] : memref<10112x128xf32, #tpu.memory_space<vmem_shared>> -> memref<10112x128xf32, #tpu.memory_space<vmem_shared>>
        tpu.wait_indirect_dma semaphore(%arg30 : memref<!tpu.dma_semaphore, #tpu.memory_space<semaphore_mem>>) src(%arg23 : memref<120x128xf32, #tpu.memory_space<vmem>>) dst(%dma_wait3A_176 : memref<10112x128xf32, #tpu.memory_space<vmem_shared>>)
        %add3A_177 = arith.constant 4 : i32
        %add3A_178 = arith.addi %add3A_173, %add3A_177 : i32
        %lt3A_179 = arith.constant 168 : i32
        %lt3A_180 = arith.cmpi slt, %add3A_178, %lt3A_179 : i32
        %convert_element_type3A_181 = arith.extui %lt3A_180 : i1 to i32
        %cond3A_182 = arith.constant 0 : i32
        %cond3A_183 = arith.cmpi ne, %convert_element_type3A_181, %cond3A_182 : i32
        scf.if %cond3A_183 {
          %add3A_222 = arith.constant 4 : i32
          %add3A_223 = arith.addi %add3A_173, %add3A_222 : i32
          %mul3A_224 = arith.constant 120 : i32
          %mul3A_225 = arith.muli %add3A_223, %mul3A_224 : i32
          %add3A_226 = arith.addi %mul3A_22, %mul3A_225 : i32
          %multiple_of3A_227 = tpu.assume_multiple %add3A_226, 8 : i32
          %dma_start3A_228 = tpu.memref_slice %arg6[%multiple_of3A_227] : memref<322560xi32, #tpu.memory_space<hbm>> -> memref<120xi32, #tpu.memory_space<hbm>>
          %dma_start3A_229 = tpu.memref_slice %arg6[%multiple_of3A_227] : memref<322560xi32, #tpu.memory_space<hbm>> -> memref<120xi32, #tpu.memory_space<hbm>>
          tpu.enqueue_dma source(%dma_start3A_229 : memref<120xi32, #tpu.memory_space<hbm>>) target(%arg13 : memref<120xi32, #tpu.memory_space<vmem>>) target_semaphore(%arg35 : memref<!tpu.dma_semaphore, #tpu.memory_space<semaphore_mem>>)
          %dma_start3A_230 = tpu.memref_slice %arg7[%multiple_of3A_227] : memref<322560xi32, #tpu.memory_space<hbm>> -> memref<120xi32, #tpu.memory_space<hbm>>
          %dma_start3A_231 = tpu.memref_slice %arg7[%multiple_of3A_227] : memref<322560xi32, #tpu.memory_space<hbm>> -> memref<120xi32, #tpu.memory_space<hbm>>
          tpu.enqueue_dma source(%dma_start3A_231 : memref<120xi32, #tpu.memory_space<hbm>>) target(%arg19 : memref<120xi32, #tpu.memory_space<vmem>>) target_semaphore(%arg35 : memref<!tpu.dma_semaphore, #tpu.memory_space<semaphore_mem>>)
        } else {
        }
        %add3A_184 = arith.constant 2 : i32
        %add3A_185 = arith.addi %add3A_173, %add3A_184 : i32
        %lt3A_186 = arith.constant 168 : i32
        %lt3A_187 = arith.cmpi slt, %add3A_185, %lt3A_186 : i32
        %convert_element_type3A_188 = arith.extui %lt3A_187 : i1 to i32
        %cond3A_189 = arith.constant 0 : i32
        %cond3A_190 = arith.cmpi ne, %convert_element_type3A_188, %cond3A_189 : i32
        scf.if %cond3A_190 {
          %dma_wait3A_222 = tpu.memref_slice %arg6[%mul3A_22] : memref<322560xi32, #tpu.memory_space<hbm>> -> memref<120xi32, #tpu.memory_space<hbm>>
          %dma_wait3A_223 = tpu.memref_slice %arg6[%mul3A_22] : memref<322560xi32, #tpu.memory_space<hbm>> -> memref<120xi32, #tpu.memory_space<hbm>>
          tpu.wait_dma2 semaphore(%arg33 : memref<!tpu.dma_semaphore, #tpu.memory_space<semaphore_mem>>) src(%dma_wait3A_223 : memref<120xi32, #tpu.memory_space<hbm>>) dst(%arg11 : memref<120xi32, #tpu.memory_space<vmem>>)
          %dma_wait3A_224 = tpu.memref_slice %arg7[%mul3A_22] : memref<322560xi32, #tpu.memory_space<hbm>> -> memref<120xi32, #tpu.memory_space<hbm>>
          %dma_wait3A_225 = tpu.memref_slice %arg7[%mul3A_22] : memref<322560xi32, #tpu.memory_space<hbm>> -> memref<120xi32, #tpu.memory_space<hbm>>
          tpu.wait_dma2 semaphore(%arg33 : memref<!tpu.dma_semaphore, #tpu.memory_space<semaphore_mem>>) src(%dma_wait3A_225 : memref<120xi32, #tpu.memory_space<hbm>>) dst(%arg17 : memref<120xi32, #tpu.memory_space<vmem>>)
          %dma_start3A_226 = arith.constant 0 : i32
          %dma_start3A_227 = arith.constant 0 : i32
          %dma_start3A_228 = tpu.memref_slice %arg5[%dma_start3A_226, %dma_start3A_227] : memref<10112x128xf32, #tpu.memory_space<hbm>> -> memref<10112x128xf32, #tpu.memory_space<hbm>>
          tpu.enqueue_indirect_dma source(%dma_start3A_228 : memref<10112x128xf32, #tpu.memory_space<hbm>>) target(%arg23 : memref<120x128xf32, #tpu.memory_space<vmem>>) offsets(%arg11 : memref<120xi32, #tpu.memory_space<vmem>>) semaphore(%arg27 : memref<!tpu.dma_semaphore, #tpu.memory_space<semaphore_mem>>)
        } else {
        }
        %dma_wait3A_191 = arith.constant 0 : i32
        %dma_wait3A_192 = arith.constant 0 : i32
        %dma_wait3A_193 = tpu.memref_slice %arg5[%dma_wait3A_191, %dma_wait3A_192] : memref<10112x128xf32, #tpu.memory_space<hbm>> -> memref<10112x128xf32, #tpu.memory_space<hbm>>
        tpu.wait_indirect_dma semaphore(%arg28 : memref<!tpu.dma_semaphore, #tpu.memory_space<semaphore_mem>>) src(%dma_wait3A_193 : memref<10112x128xf32, #tpu.memory_space<hbm>>) dst(%arg24 : memref<120x128xf32, #tpu.memory_space<vmem>>)
        %dma_start3A_194 = arith.constant 0 : i32
        %dma_start3A_195 = arith.constant 0 : i32
        %dma_start3A_196 = tpu.memref_slice %arg26[%dma_start3A_194, %dma_start3A_195] : memref<10112x128xf32, #tpu.memory_space<vmem_shared>> -> memref<10112x128xf32, #tpu.memory_space<vmem_shared>>
        tpu.enqueue_indirect_dma source(%arg24 : memref<120x128xf32, #tpu.memory_space<vmem>>) target(%dma_start3A_196 : memref<10112x128xf32, #tpu.memory_space<vmem_shared>>) offsets(%arg21 : memref<120xi32, #tpu.memory_space<vmem>>) semaphore(%arg31 : memref<!tpu.dma_semaphore, #tpu.memory_space<semaphore_mem>>) {add = true}
        %add3A_197 = arith.constant 5 : i32
        %add3A_198 = arith.addi %mul3A_71, %add3A_197 : i32
        %dma_wait3A_199 = arith.constant 0 : i32
        %dma_wait3A_200 = arith.constant 0 : i32
        %dma_wait3A_201 = tpu.memref_slice %arg26[%dma_wait3A_199, %dma_wait3A_200] : memref<10112x128xf32, #tpu.memory_space<vmem_shared>> -> memref<10112x128xf32, #tpu.memory_space<vmem_shared>>
        tpu.wait_indirect_dma semaphore(%arg31 : memref<!tpu.dma_semaphore, #tpu.memory_space<semaphore_mem>>) src(%arg24 : memref<120x128xf32, #tpu.memory_space<vmem>>) dst(%dma_wait3A_201 : memref<10112x128xf32, #tpu.memory_space<vmem_shared>>)
        %add3A_202 = arith.constant 4 : i32
        %add3A_203 = arith.addi %add3A_198, %add3A_202 : i32
        %lt3A_204 = arith.constant 168 : i32
        %lt3A_205 = arith.cmpi slt, %add3A_203, %lt3A_204 : i32
        %convert_element_type3A_206 = arith.extui %lt3A_205 : i1 to i32
        %cond3A_207 = arith.constant 0 : i32
        %cond3A_208 = arith.cmpi ne, %convert_element_type3A_206, %cond3A_207 : i32
        scf.if %cond3A_208 {
          %add3A_222 = arith.constant 4 : i32
          %add3A_223 = arith.addi %add3A_198, %add3A_222 : i32
          %mul3A_224 = arith.constant 120 : i32
          %mul3A_225 = arith.muli %add3A_223, %mul3A_224 : i32
          %add3A_226 = arith.addi %mul3A_22, %mul3A_225 : i32
          %multiple_of3A_227 = tpu.assume_multiple %add3A_226, 8 : i32
          %dma_start3A_228 = tpu.memref_slice %arg6[%multiple_of3A_227] : memref<322560xi32, #tpu.memory_space<hbm>> -> memref<120xi32, #tpu.memory_space<hbm>>
          %dma_start3A_229 = tpu.memref_slice %arg6[%multiple_of3A_227] : memref<322560xi32, #tpu.memory_space<hbm>> -> memref<120xi32, #tpu.memory_space<hbm>>
          tpu.enqueue_dma source(%dma_start3A_229 : memref<120xi32, #tpu.memory_space<hbm>>) target(%arg14 : memref<120xi32, #tpu.memory_space<vmem>>) target_semaphore(%arg36 : memref<!tpu.dma_semaphore, #tpu.memory_space<semaphore_mem>>)
          %dma_start3A_230 = tpu.memref_slice %arg7[%multiple_of3A_227] : memref<322560xi32, #tpu.memory_space<hbm>> -> memref<120xi32, #tpu.memory_space<hbm>>
          %dma_start3A_231 = tpu.memref_slice %arg7[%multiple_of3A_227] : memref<322560xi32, #tpu.memory_space<hbm>> -> memref<120xi32, #tpu.memory_space<hbm>>
          tpu.enqueue_dma source(%dma_start3A_231 : memref<120xi32, #tpu.memory_space<hbm>>) target(%arg20 : memref<120xi32, #tpu.memory_space<vmem>>) target_semaphore(%arg36 : memref<!tpu.dma_semaphore, #tpu.memory_space<semaphore_mem>>)
        } else {
        }
        %add3A_209 = arith.constant 2 : i32
        %add3A_210 = arith.addi %add3A_198, %add3A_209 : i32
        %lt3A_211 = arith.constant 168 : i32
        %lt3A_212 = arith.cmpi slt, %add3A_210, %lt3A_211 : i32
        %convert_element_type3A_213 = arith.extui %lt3A_212 : i1 to i32
        %cond3A_214 = arith.constant 0 : i32
        %cond3A_215 = arith.cmpi ne, %convert_element_type3A_213, %cond3A_214 : i32
        scf.if %cond3A_215 {
          %dma_wait3A_222 = tpu.memref_slice %arg6[%mul3A_22] : memref<322560xi32, #tpu.memory_space<hbm>> -> memref<120xi32, #tpu.memory_space<hbm>>
          %dma_wait3A_223 = tpu.memref_slice %arg6[%mul3A_22] : memref<322560xi32, #tpu.memory_space<hbm>> -> memref<120xi32, #tpu.memory_space<hbm>>
          tpu.wait_dma2 semaphore(%arg34 : memref<!tpu.dma_semaphore, #tpu.memory_space<semaphore_mem>>) src(%dma_wait3A_223 : memref<120xi32, #tpu.memory_space<hbm>>) dst(%arg12 : memref<120xi32, #tpu.memory_space<vmem>>)
          %dma_wait3A_224 = tpu.memref_slice %arg7[%mul3A_22] : memref<322560xi32, #tpu.memory_space<hbm>> -> memref<120xi32, #tpu.memory_space<hbm>>
          %dma_wait3A_225 = tpu.memref_slice %arg7[%mul3A_22] : memref<322560xi32, #tpu.memory_space<hbm>> -> memref<120xi32, #tpu.memory_space<hbm>>
          tpu.wait_dma2 semaphore(%arg34 : memref<!tpu.dma_semaphore, #tpu.memory_space<semaphore_mem>>) src(%dma_wait3A_225 : memref<120xi32, #tpu.memory_space<hbm>>) dst(%arg18 : memref<120xi32, #tpu.memory_space<vmem>>)
          %dma_start3A_226 = arith.constant 0 : i32
          %dma_start3A_227 = arith.constant 0 : i32
          %dma_start3A_228 = tpu.memref_slice %arg5[%dma_start3A_226, %dma_start3A_227] : memref<10112x128xf32, #tpu.memory_space<hbm>> -> memref<10112x128xf32, #tpu.memory_space<hbm>>
          tpu.enqueue_indirect_dma source(%dma_start3A_228 : memref<10112x128xf32, #tpu.memory_space<hbm>>) target(%arg24 : memref<120x128xf32, #tpu.memory_space<vmem>>) offsets(%arg12 : memref<120xi32, #tpu.memory_space<vmem>>) semaphore(%arg28 : memref<!tpu.dma_semaphore, #tpu.memory_space<semaphore_mem>>)
        } else {
        }
        %dma_wait3A_216 = arith.constant 0 : i32
        %dma_wait3A_217 = arith.constant 0 : i32
        %dma_wait3A_218 = tpu.memref_slice %arg5[%dma_wait3A_216, %dma_wait3A_217] : memref<10112x128xf32, #tpu.memory_space<hbm>> -> memref<10112x128xf32, #tpu.memory_space<hbm>>
        tpu.wait_indirect_dma semaphore(%arg29 : memref<!tpu.dma_semaphore, #tpu.memory_space<semaphore_mem>>) src(%dma_wait3A_218 : memref<10112x128xf32, #tpu.memory_space<hbm>>) dst(%arg25 : memref<120x128xf32, #tpu.memory_space<vmem>>)
        %dma_start3A_219 = arith.constant 0 : i32
        %dma_start3A_220 = arith.constant 0 : i32
        %dma_start3A_221 = tpu.memref_slice %arg26[%dma_start3A_219, %dma_start3A_220] : memref<10112x128xf32, #tpu.memory_space<vmem_shared>> -> memref<10112x128xf32, #tpu.memory_space<vmem_shared>>
        tpu.enqueue_indirect_dma source(%arg25 : memref<120x128xf32, #tpu.memory_space<vmem>>) target(%dma_start3A_221 : memref<10112x128xf32, #tpu.memory_space<vmem_shared>>) offsets(%arg22 : memref<120xi32, #tpu.memory_space<vmem>>) semaphore(%arg32 : memref<!tpu.dma_semaphore, #tpu.memory_space<semaphore_mem>>) {add = true}
      }
      %scan3A_65 = arith.constant 28 : i32
      %dma_wait3A_66 = arith.constant 0 : i32
      %dma_wait3A_67 = arith.constant 0 : i32
      %dma_wait3A_68 = tpu.memref_slice %arg26[%dma_wait3A_66, %dma_wait3A_67] : memref<10112x128xf32, #tpu.memory_space<vmem_shared>> -> memref<10112x128xf32, #tpu.memory_space<vmem_shared>>
      tpu.wait_indirect_dma semaphore(%arg32 : memref<!tpu.dma_semaphore, #tpu.memory_space<semaphore_mem>>) src(%arg25 : memref<120x128xf32, #tpu.memory_space<vmem>>) dst(%dma_wait3A_68 : memref<10112x128xf32, #tpu.memory_space<vmem_shared>>)
    } else {
    }
    %barrier3A_8 = arith.constant 0 : index
    tpu.barrier barrier_id(%barrier3A_8)
    %eq3A_9 = arith.constant 0 : i32
    %eq3A_10 = arith.cmpi eq, %arg0, %eq3A_9 : i32
    %convert_element_type3A_11 = arith.extui %eq3A_10 : i1 to i32
    %cond3A_12 = arith.constant 0 : i32
    %cond3A_13 = arith.cmpi ne, %convert_element_type3A_11, %cond3A_12 : i32
    scf.if %cond3A_13 {
      "tpu.region"() ({
        %run_scoped3A = tpu.sem_alloc : memref<!tpu.dma_semaphore, #tpu.memory_space<semaphore_mem>>
        %dma_start3A = arith.constant 0 : i32
        %dma_start3A_19 = tpu.memref_slice %arg9[%mul3A_0, %dma_start3A] : memref<10112x128xf32, #tpu.memory_space<hbm>> -> memref<632x128xf32, #tpu.memory_space<hbm>>
        %dma_start3A_20 = arith.constant 0 : i32
        %dma_start3A_21 = tpu.memref_slice %arg26[%mul3A_0, %dma_start3A_20] : memref<10112x128xf32, #tpu.memory_space<vmem_shared>> -> memref<632x128xf32, #tpu.memory_space<vmem_shared>>
        tpu.enqueue_dma source(%dma_start3A_21 : memref<632x128xf32, #tpu.memory_space<vmem_shared>>) target(%dma_start3A_19 : memref<632x128xf32, #tpu.memory_space<hbm>>) target_semaphore(%run_scoped3A : memref<!tpu.dma_semaphore, #tpu.memory_space<semaphore_mem>>)
        %dma_wait3A = arith.constant 0 : i32
        %dma_wait3A_22 = tpu.memref_slice %arg9[%mul3A_0, %dma_wait3A] : memref<10112x128xf32, #tpu.memory_space<hbm>> -> memref<632x128xf32, #tpu.memory_space<hbm>>
        %dma_wait3A_23 = arith.constant 0 : i32
        %dma_wait3A_24 = tpu.memref_slice %arg26[%mul3A_0, %dma_wait3A_23] : memref<10112x128xf32, #tpu.memory_space<vmem_shared>> -> memref<632x128xf32, #tpu.memory_space<vmem_shared>>
        tpu.wait_dma2 semaphore(%run_scoped3A : memref<!tpu.dma_semaphore, #tpu.memory_space<semaphore_mem>>) src(%dma_wait3A_24 : memref<632x128xf32, #tpu.memory_space<vmem_shared>>) dst(%dma_wait3A_22 : memref<632x128xf32, #tpu.memory_space<hbm>>)
        tpu.yield
      }) : () -> ()
    } else {
    }
    %eq3A_14 = arith.constant 1 : i32
    %eq3A_15 = arith.cmpi eq, %arg0, %eq3A_14 : i32
    %convert_element_type3A_16 = arith.extui %eq3A_15 : i1 to i32
    %cond3A_17 = arith.constant 0 : i32
    %cond3A_18 = arith.cmpi ne, %convert_element_type3A_16, %cond3A_17 : i32
    scf.if %cond3A_18 {
      "tpu.region"() ({
        %run_scoped3A = tpu.sem_alloc : memref<!tpu.dma_semaphore, #tpu.memory_space<semaphore_mem>>
        %dma_start3A = arith.constant 0 : i32
        %dma_start3A_19 = tpu.memref_slice %arg10[%mul3A_0, %dma_start3A] : memref<10112x128xf32, #tpu.memory_space<hbm>> -> memref<632x128xf32, #tpu.memory_space<hbm>>
        %dma_start3A_20 = arith.constant 0 : i32
        %dma_start3A_21 = tpu.memref_slice %arg26[%mul3A_0, %dma_start3A_20] : memref<10112x128xf32, #tpu.memory_space<vmem_shared>> -> memref<632x128xf32, #tpu.memory_space<vmem_shared>>
        tpu.enqueue_dma source(%dma_start3A_21 : memref<632x128xf32, #tpu.memory_space<vmem_shared>>) target(%dma_start3A_19 : memref<632x128xf32, #tpu.memory_space<hbm>>) target_semaphore(%run_scoped3A : memref<!tpu.dma_semaphore, #tpu.memory_space<semaphore_mem>>)
        %dma_wait3A = arith.constant 0 : i32
        %dma_wait3A_22 = tpu.memref_slice %arg10[%mul3A_0, %dma_wait3A] : memref<10112x128xf32, #tpu.memory_space<hbm>> -> memref<632x128xf32, #tpu.memory_space<hbm>>
        %dma_wait3A_23 = arith.constant 0 : i32
        %dma_wait3A_24 = tpu.memref_slice %arg26[%mul3A_0, %dma_wait3A_23] : memref<10112x128xf32, #tpu.memory_space<vmem_shared>> -> memref<632x128xf32, #tpu.memory_space<vmem_shared>>
        tpu.wait_dma2 semaphore(%run_scoped3A : memref<!tpu.dma_semaphore, #tpu.memory_space<semaphore_mem>>) src(%dma_wait3A_24 : memref<632x128xf32, #tpu.memory_space<vmem_shared>>) dst(%dma_wait3A_22 : memref<632x128xf32, #tpu.memory_space<hbm>>)
        tpu.yield
      }) : () -> ()
    } else {
    }
    return
  }
}

module attributes {stable_mosaic.version = 14 : i64} {
  func.func @_tc1_body(%arg0: i32, %arg1: memref<1264x128xf32, #tpu.memory_space<vmem>>, %arg2: memref<1264x1xf32, #tpu.memory_space<vmem>>, %arg3: memref<1264x1xf32, #tpu.memory_space<vmem>>, %arg4: memref<128x128xf32, #tpu.memory_space<vmem>>, %arg5: memref<128x128xf32, #tpu.memory_space<vmem>>, %arg6: memref<1264x128xf32, #tpu.memory_space<vmem>>, %arg7: memref<1264x128xf32, #tpu.memory_space<vmem>>, %arg8: memref<1264x1xf32, #tpu.memory_space<vmem>>, %arg9: memref<1264x1xf32, #tpu.memory_space<vmem>>) attributes {dimension_semantics = [#tpu.dimension_semantics<arbitrary>], iteration_bounds = array<i64: 8>, scalar_prefetch = 0 : i64, scratch_operands = 0 : i64, tpu.core_type = #tpu.core_type<tc>, window_params = [{transform_indices = @transform_0, window_bounds = array<i64: 1264, 128>}, {transform_indices = @transform_1, window_bounds = array<i64: 1264, 1>}, {transform_indices = @transform_2, window_bounds = array<i64: 1264, 1>}, {pipeline_mode = #tpu.pipeline_mode<synchronous>, transform_indices = @transform_3, window_bounds = array<i64: 128, 128>}, {pipeline_mode = #tpu.pipeline_mode<synchronous>, transform_indices = @transform_4, window_bounds = array<i64: 128, 128>}, {transform_indices = @transform_5, window_bounds = array<i64: 1264, 128>}, {transform_indices = @transform_6, window_bounds = array<i64: 1264, 128>}, {transform_indices = @transform_7, window_bounds = array<i64: 1264, 1>}, {transform_indices = @transform_8, window_bounds = array<i64: 1264, 1>}]} {
    %get3A = arith.constant 0 : index
    %get3A_0 = arith.constant 0 : index
    %get3A_1 = vector.load %arg2[%get3A, %get3A_0] : memref<1264x1xf32, #tpu.memory_space<vmem>>, vector<1264x1xf32>
    %add3A = arith.constant 1.000000e+00 : f32
    %add3A_2 = vector.broadcast %add3A : f32 to vector<1264x1xf32>
    %add3A_3 = arith.addf %get3A_1, %add3A_2 : vector<1264x1xf32>
    %rsqrt3A = math.rsqrt %add3A_3 : vector<1264x1xf32>
    %get3A_4 = arith.constant 0 : index
    %get3A_5 = arith.constant 0 : index
    %get3A_6 = vector.load %arg3[%get3A_4, %get3A_5] : memref<1264x1xf32, #tpu.memory_space<vmem>>, vector<1264x1xf32>
    %add3A_7 = arith.constant 1.000000e+00 : f32
    %add3A_8 = vector.broadcast %add3A_7 : f32 to vector<1264x1xf32>
    %add3A_9 = arith.addf %get3A_6, %add3A_8 : vector<1264x1xf32>
    %rsqrt3A_10 = math.rsqrt %add3A_9 : vector<1264x1xf32>
    %get3A_11 = arith.constant 0 : index
    %get3A_12 = arith.constant 0 : index
    %get3A_13 = vector.load %arg1[%get3A_11, %get3A_12] : memref<1264x128xf32, #tpu.memory_space<vmem>>, vector<1264x128xf32>
    %get3A_14 = arith.constant 0 : index
    %get3A_15 = arith.constant 0 : index
    %get3A_16 = vector.load %arg4[%get3A_14, %get3A_15] : memref<128x128xf32, #tpu.memory_space<vmem>>, vector<128x128xf32>
    %dot_general3A = arith.constant dense<0.000000e+00> : vector<1264x128xf32>
    %dot_general3A_17 = tpu.matmul %get3A_13, %get3A_16, %dot_general3A {dimension_numbers = #tpu.dot_dimension_numbers<[1], [0], [0], [1], [0, 0, 1, 1], [], []>, precision = #tpu.contract_precision<fp32>, transpose_lhs_hint = false} : vector<1264x128xf32>, vector<128x128xf32>, vector<1264x128xf32> -> vector<1264x128xf32>
    %mul3A = vector.broadcast %rsqrt3A : vector<1264x1xf32> to vector<1264x128xf32>
    %mul3A_18 = arith.mulf %mul3A, %dot_general3A_17 : vector<1264x128xf32>
    %swap3A = arith.constant 0 : index
    %swap3A_19 = arith.constant 0 : index
    %swap3A_20 = vector.load %arg6[%swap3A, %swap3A_19] : memref<1264x128xf32, #tpu.memory_space<vmem>>, vector<1264x128xf32>
    tpu.vector_store %arg6[%swap3A, %swap3A_19], %mul3A_18 {strides = array<i32>} : memref<1264x128xf32, #tpu.memory_space<vmem>>, vector<1264x128xf32>,
    %get3A_21 = arith.constant 0 : index
    %get3A_22 = arith.constant 0 : index
    %get3A_23 = vector.load %arg5[%get3A_21, %get3A_22] : memref<128x128xf32, #tpu.memory_space<vmem>>, vector<128x128xf32>
    %dot_general3A_24 = arith.constant dense<0.000000e+00> : vector<1264x128xf32>
    %dot_general3A_25 = tpu.matmul %get3A_13, %get3A_23, %dot_general3A_24 {dimension_numbers = #tpu.dot_dimension_numbers<[1], [0], [0], [1], [0, 0, 1, 1], [], []>, precision = #tpu.contract_precision<fp32>, transpose_lhs_hint = false} : vector<1264x128xf32>, vector<128x128xf32>, vector<1264x128xf32> -> vector<1264x128xf32>
    %mul3A_26 = vector.broadcast %rsqrt3A_10 : vector<1264x1xf32> to vector<1264x128xf32>
    %mul3A_27 = arith.mulf %mul3A_26, %dot_general3A_25 : vector<1264x128xf32>
    %swap3A_28 = arith.constant 0 : index
    %swap3A_29 = arith.constant 0 : index
    %swap3A_30 = vector.load %arg7[%swap3A_28, %swap3A_29] : memref<1264x128xf32, #tpu.memory_space<vmem>>, vector<1264x128xf32>
    tpu.vector_store %arg7[%swap3A_28, %swap3A_29], %mul3A_27 {strides = array<i32>} : memref<1264x128xf32, #tpu.memory_space<vmem>>, vector<1264x128xf32>,
    %swap3A_31 = arith.constant 0 : index
    %swap3A_32 = arith.constant 0 : index
    %swap3A_33 = vector.load %arg8[%swap3A_31, %swap3A_32] : memref<1264x1xf32, #tpu.memory_space<vmem>>, vector<1264x1xf32>
    tpu.vector_store %arg8[%swap3A_31, %swap3A_32], %rsqrt3A {strides = array<i32>} : memref<1264x1xf32, #tpu.memory_space<vmem>>, vector<1264x1xf32>,
    %swap3A_34 = arith.constant 0 : index
    %swap3A_35 = arith.constant 0 : index
    %swap3A_36 = vector.load %arg9[%swap3A_34, %swap3A_35] : memref<1264x1xf32, #tpu.memory_space<vmem>>, vector<1264x1xf32>
    tpu.vector_store %arg9[%swap3A_34, %swap3A_35], %rsqrt3A_10 {strides = array<i32>} : memref<1264x1xf32, #tpu.memory_space<vmem>>, vector<1264x1xf32>,
    return
  }
  func.func @transform_0(%arg0: i32) -> (i32, i32) {
    %c0_i32 = arith.constant 0 : i32
    %c0_i32_0 = arith.constant 0 : i32
    return %arg0, %c0_i32 : i32, i32
  }
  func.func @transform_1(%arg0: i32) -> (i32, i32) {
    %c0_i32 = arith.constant 0 : i32
    %c0_i32_0 = arith.constant 0 : i32
    return %arg0, %c0_i32 : i32, i32
  }
  func.func @transform_2(%arg0: i32) -> (i32, i32) {
    %c0_i32 = arith.constant 0 : i32
    %c0_i32_0 = arith.constant 0 : i32
    return %arg0, %c0_i32 : i32, i32
  }
  func.func @transform_3(%arg0: i32) -> (i32, i32) {
    %c0_i32 = arith.constant 0 : i32
    %c0_i32_0 = arith.constant 0 : i32
    %c0_i32_1 = arith.constant 0 : i32
    return %c0_i32, %c0_i32_0 : i32, i32
  }
  func.func @transform_4(%arg0: i32) -> (i32, i32) {
    %c0_i32 = arith.constant 0 : i32
    %c0_i32_0 = arith.constant 0 : i32
    %c0_i32_1 = arith.constant 0 : i32
    return %c0_i32, %c0_i32_0 : i32, i32
  }
  func.func @transform_5(%arg0: i32) -> (i32, i32) {
    %c0_i32 = arith.constant 0 : i32
    %c0_i32_0 = arith.constant 0 : i32
    return %arg0, %c0_i32 : i32, i32
  }
  func.func @transform_6(%arg0: i32) -> (i32, i32) {
    %c0_i32 = arith.constant 0 : i32
    %c0_i32_0 = arith.constant 0 : i32
    return %arg0, %c0_i32 : i32, i32
  }
  func.func @transform_7(%arg0: i32) -> (i32, i32) {
    %c0_i32 = arith.constant 0 : i32
    %c0_i32_0 = arith.constant 0 : i32
    return %arg0, %c0_i32 : i32, i32
  }
  func.func @transform_8(%arg0: i32) -> (i32, i32) {
    %c0_i32 = arith.constant 0 : i32
    %c0_i32_0 = arith.constant 0 : i32
    return %arg0, %c0_i32 : i32, i32
  }
}

module attributes {stable_mosaic.version = 14 : i64} {
  func.func @_tc2_body(%arg0: i32, %arg1: memref<1264x128xf32, #tpu.memory_space<vmem>>, %arg2: memref<1264x128xf32, #tpu.memory_space<vmem>>, %arg3: memref<1264x1xf32, #tpu.memory_space<vmem>>, %arg4: memref<1x128xf32, #tpu.memory_space<vmem>>, %arg5: memref<128x128xf32, #tpu.memory_space<vmem>>, %arg6: memref<1264x128xf32, #tpu.memory_space<vmem>>, %arg7: memref<1264x128xf32, #tpu.memory_space<vmem>>, %arg8: memref<1264x1xf32, #tpu.memory_space<vmem>>, %arg9: memref<1x128xf32, #tpu.memory_space<vmem>>, %arg10: memref<128x128xf32, #tpu.memory_space<vmem>>, %arg11: memref<1264x128xf32, #tpu.memory_space<vmem>>, %arg12: memref<1264x128xf32, #tpu.memory_space<vmem>>) attributes {dimension_semantics = [#tpu.dimension_semantics<arbitrary>], iteration_bounds = array<i64: 8>, scalar_prefetch = 0 : i64, scratch_operands = 0 : i64, tpu.core_type = #tpu.core_type<tc>, window_params = [{transform_indices = @transform_0, window_bounds = array<i64: 1264, 128>}, {transform_indices = @transform_1, window_bounds = array<i64: 1264, 128>}, {transform_indices = @transform_2, window_bounds = array<i64: 1264, 1>}, {pipeline_mode = #tpu.pipeline_mode<synchronous>, transform_indices = @transform_3, window_bounds = array<i64: 1, 128>}, {pipeline_mode = #tpu.pipeline_mode<synchronous>, transform_indices = @transform_4, window_bounds = array<i64: 128, 128>}, {transform_indices = @transform_5, window_bounds = array<i64: 1264, 128>}, {transform_indices = @transform_6, window_bounds = array<i64: 1264, 128>}, {transform_indices = @transform_7, window_bounds = array<i64: 1264, 1>}, {pipeline_mode = #tpu.pipeline_mode<synchronous>, transform_indices = @transform_8, window_bounds = array<i64: 1, 128>}, {pipeline_mode = #tpu.pipeline_mode<synchronous>, transform_indices = @transform_9, window_bounds = array<i64: 128, 128>}, {transform_indices = @transform_10, window_bounds = array<i64: 1264, 128>}, {transform_indices = @transform_11, window_bounds = array<i64: 1264, 128>}]} {
    %get3A = arith.constant 0 : index
    %get3A_0 = arith.constant 0 : index
    %get3A_1 = vector.load %arg3[%get3A, %get3A_0] : memref<1264x1xf32, #tpu.memory_space<vmem>>, vector<1264x1xf32>
    %get3A_2 = arith.constant 0 : index
    %get3A_3 = arith.constant 0 : index
    %get3A_4 = vector.load %arg8[%get3A_2, %get3A_3] : memref<1264x1xf32, #tpu.memory_space<vmem>>, vector<1264x1xf32>
    %get3A_5 = arith.constant 0 : index
    %get3A_6 = arith.constant 0 : index
    %get3A_7 = vector.load %arg1[%get3A_5, %get3A_6] : memref<1264x128xf32, #tpu.memory_space<vmem>>, vector<1264x128xf32>
    %get3A_8 = arith.constant 0 : index
    %get3A_9 = arith.constant 0 : index
    %get3A_10 = vector.load %arg2[%get3A_8, %get3A_9] : memref<1264x128xf32, #tpu.memory_space<vmem>>, vector<1264x128xf32>
    %add3A = arith.addf %get3A_7, %get3A_10 : vector<1264x128xf32>
    %mul3A = vector.broadcast %get3A_1 : vector<1264x1xf32> to vector<1264x128xf32>
    %mul3A_11 = arith.mulf %mul3A, %add3A : vector<1264x128xf32>
    %get3A_12 = arith.constant 0 : index
    %get3A_13 = arith.constant 0 : index
    %get3A_14 = vector.load %arg4[%get3A_12, %get3A_13] : memref<1x128xf32, #tpu.memory_space<vmem>>, vector<1x128xf32>
    %add3A_15 = vector.broadcast %get3A_14 : vector<1x128xf32> to vector<1264x128xf32>
    %add3A_16 = arith.addf %mul3A_11, %add3A_15 : vector<1264x128xf32>
    %gt3A = arith.constant 0.000000e+00 : f32
    %gt3A_17 = vector.broadcast %gt3A : f32 to vector<1264x128xf32>
    %gt3A_18 = arith.cmpf ogt, %add3A_16, %gt3A_17 : vector<1264x128xf32>
    %min3A = arith.constant 0.000000e+00 : f32
    %min3A_19 = vector.broadcast %min3A : f32 to vector<1264x128xf32>
    %min3A_20 = arith.minimumf %add3A_16, %min3A_19 : vector<1264x128xf32>
    %exp3A = math.exp %min3A_20 : vector<1264x128xf32>
    %sub3A = arith.constant 1.000000e+00 : f32
    %sub3A_21 = vector.broadcast %sub3A : f32 to vector<1264x128xf32>
    %sub3A_22 = arith.subf %exp3A, %sub3A_21 : vector<1264x128xf32>
    %select_n3A = arith.select %gt3A_18, %add3A_16, %sub3A_22 : vector<1264x128xi1>, vector<1264x128xf32>
    %get3A_23 = arith.constant 0 : index
    %get3A_24 = arith.constant 0 : index
    %get3A_25 = vector.load %arg6[%get3A_23, %get3A_24] : memref<1264x128xf32, #tpu.memory_space<vmem>>, vector<1264x128xf32>
    %get3A_26 = arith.constant 0 : index
    %get3A_27 = arith.constant 0 : index
    %get3A_28 = vector.load %arg7[%get3A_26, %get3A_27] : memref<1264x128xf32, #tpu.memory_space<vmem>>, vector<1264x128xf32>
    %add3A_29 = arith.addf %get3A_25, %get3A_28 : vector<1264x128xf32>
    %mul3A_30 = vector.broadcast %get3A_4 : vector<1264x1xf32> to vector<1264x128xf32>
    %mul3A_31 = arith.mulf %mul3A_30, %add3A_29 : vector<1264x128xf32>
    %get3A_32 = arith.constant 0 : index
    %get3A_33 = arith.constant 0 : index
    %get3A_34 = vector.load %arg9[%get3A_32, %get3A_33] : memref<1x128xf32, #tpu.memory_space<vmem>>, vector<1x128xf32>
    %add3A_35 = vector.broadcast %get3A_34 : vector<1x128xf32> to vector<1264x128xf32>
    %add3A_36 = arith.addf %mul3A_31, %add3A_35 : vector<1264x128xf32>
    %gt3A_37 = arith.constant 0.000000e+00 : f32
    %gt3A_38 = vector.broadcast %gt3A_37 : f32 to vector<1264x128xf32>
    %gt3A_39 = arith.cmpf ogt, %add3A_36, %gt3A_38 : vector<1264x128xf32>
    %min3A_40 = arith.constant 0.000000e+00 : f32
    %min3A_41 = vector.broadcast %min3A_40 : f32 to vector<1264x128xf32>
    %min3A_42 = arith.minimumf %add3A_36, %min3A_41 : vector<1264x128xf32>
    %exp3A_43 = math.exp %min3A_42 : vector<1264x128xf32>
    %sub3A_44 = arith.constant 1.000000e+00 : f32
    %sub3A_45 = vector.broadcast %sub3A_44 : f32 to vector<1264x128xf32>
    %sub3A_46 = arith.subf %exp3A_43, %sub3A_45 : vector<1264x128xf32>
    %select_n3A_47 = arith.select %gt3A_39, %add3A_36, %sub3A_46 : vector<1264x128xi1>, vector<1264x128xf32>
    %get3A_48 = arith.constant 0 : index
    %get3A_49 = arith.constant 0 : index
    %get3A_50 = vector.load %arg5[%get3A_48, %get3A_49] : memref<128x128xf32, #tpu.memory_space<vmem>>, vector<128x128xf32>
    %dot_general3A = arith.constant dense<0.000000e+00> : vector<1264x128xf32>
    %dot_general3A_51 = tpu.matmul %select_n3A, %get3A_50, %dot_general3A {dimension_numbers = #tpu.dot_dimension_numbers<[1], [0], [0], [1], [0, 0, 1, 1], [], []>, precision = #tpu.contract_precision<fp32>, transpose_lhs_hint = false} : vector<1264x128xf32>, vector<128x128xf32>, vector<1264x128xf32> -> vector<1264x128xf32>
    %mul3A_52 = vector.broadcast %get3A_1 : vector<1264x1xf32> to vector<1264x128xf32>
    %mul3A_53 = arith.mulf %mul3A_52, %dot_general3A_51 : vector<1264x128xf32>
    %swap3A = arith.constant 0 : index
    %swap3A_54 = arith.constant 0 : index
    %swap3A_55 = vector.load %arg11[%swap3A, %swap3A_54] : memref<1264x128xf32, #tpu.memory_space<vmem>>, vector<1264x128xf32>
    tpu.vector_store %arg11[%swap3A, %swap3A_54], %mul3A_53 {strides = array<i32>} : memref<1264x128xf32, #tpu.memory_space<vmem>>, vector<1264x128xf32>,
    %get3A_56 = arith.constant 0 : index
    %get3A_57 = arith.constant 0 : index
    %get3A_58 = vector.load %arg10[%get3A_56, %get3A_57] : memref<128x128xf32, #tpu.memory_space<vmem>>, vector<128x128xf32>
    %dot_general3A_59 = arith.constant dense<0.000000e+00> : vector<1264x128xf32>
    %dot_general3A_60 = tpu.matmul %select_n3A_47, %get3A_58, %dot_general3A_59 {dimension_numbers = #tpu.dot_dimension_numbers<[1], [0], [0], [1], [0, 0, 1, 1], [], []>, precision = #tpu.contract_precision<fp32>, transpose_lhs_hint = false} : vector<1264x128xf32>, vector<128x128xf32>, vector<1264x128xf32> -> vector<1264x128xf32>
    %mul3A_61 = vector.broadcast %get3A_4 : vector<1264x1xf32> to vector<1264x128xf32>
    %mul3A_62 = arith.mulf %mul3A_61, %dot_general3A_60 : vector<1264x128xf32>
    %swap3A_63 = arith.constant 0 : index
    %swap3A_64 = arith.constant 0 : index
    %swap3A_65 = vector.load %arg12[%swap3A_63, %swap3A_64] : memref<1264x128xf32, #tpu.memory_space<vmem>>, vector<1264x128xf32>
    tpu.vector_store %arg12[%swap3A_63, %swap3A_64], %mul3A_62 {strides = array<i32>} : memref<1264x128xf32, #tpu.memory_space<vmem>>, vector<1264x128xf32>,
    return
  }
  func.func @transform_0(%arg0: i32) -> (i32, i32) {
    %c0_i32 = arith.constant 0 : i32
    %c0_i32_0 = arith.constant 0 : i32
    return %arg0, %c0_i32 : i32, i32
  }
  func.func @transform_1(%arg0: i32) -> (i32, i32) {
    %c0_i32 = arith.constant 0 : i32
    %c0_i32_0 = arith.constant 0 : i32
    return %arg0, %c0_i32 : i32, i32
  }
  func.func @transform_2(%arg0: i32) -> (i32, i32) {
    %c0_i32 = arith.constant 0 : i32
    %c0_i32_0 = arith.constant 0 : i32
    return %arg0, %c0_i32 : i32, i32
  }
  func.func @transform_3(%arg0: i32) -> (i32, i32) {
    %c0_i32 = arith.constant 0 : i32
    %c0_i32_0 = arith.constant 0 : i32
    %c0_i32_1 = arith.constant 0 : i32
    return %c0_i32, %c0_i32_0 : i32, i32
  }
  func.func @transform_4(%arg0: i32) -> (i32, i32) {
    %c0_i32 = arith.constant 0 : i32
    %c0_i32_0 = arith.constant 0 : i32
    %c0_i32_1 = arith.constant 0 : i32
    return %c0_i32, %c0_i32_0 : i32, i32
  }
  func.func @transform_5(%arg0: i32) -> (i32, i32) {
    %c0_i32 = arith.constant 0 : i32
    %c0_i32_0 = arith.constant 0 : i32
    return %arg0, %c0_i32 : i32, i32
  }
  func.func @transform_6(%arg0: i32) -> (i32, i32) {
    %c0_i32 = arith.constant 0 : i32
    %c0_i32_0 = arith.constant 0 : i32
    return %arg0, %c0_i32 : i32, i32
  }
  func.func @transform_7(%arg0: i32) -> (i32, i32) {
    %c0_i32 = arith.constant 0 : i32
    %c0_i32_0 = arith.constant 0 : i32
    return %arg0, %c0_i32 : i32, i32
  }
  func.func @transform_8(%arg0: i32) -> (i32, i32) {
    %c0_i32 = arith.constant 0 : i32
    %c0_i32_0 = arith.constant 0 : i32
    %c0_i32_1 = arith.constant 0 : i32
    return %c0_i32, %c0_i32_0 : i32, i32
  }
  func.func @transform_9(%arg0: i32) -> (i32, i32) {
    %c0_i32 = arith.constant 0 : i32
    %c0_i32_0 = arith.constant 0 : i32
    %c0_i32_1 = arith.constant 0 : i32
    return %c0_i32, %c0_i32_0 : i32, i32
  }
  func.func @transform_10(%arg0: i32) -> (i32, i32) {
    %c0_i32 = arith.constant 0 : i32
    %c0_i32_0 = arith.constant 0 : i32
    return %arg0, %c0_i32 : i32, i32
  }
  func.func @transform_11(%arg0: i32) -> (i32, i32) {
    %c0_i32 = arith.constant 0 : i32
    %c0_i32_0 = arith.constant 0 : i32
    return %arg0, %c0_i32 : i32, i32
  }
}

module attributes {stable_mosaic.version = 14 : i64} {
  func.func @_tc3_body(%arg0: i32, %arg1: memref<1264x128xf32, #tpu.memory_space<vmem>>, %arg2: memref<1264x128xf32, #tpu.memory_space<vmem>>, %arg3: memref<1264x1xf32, #tpu.memory_space<vmem>>, %arg4: memref<1x128xf32, #tpu.memory_space<vmem>>, %arg5: memref<1264x128xf32, #tpu.memory_space<vmem>>, %arg6: memref<1264x128xf32, #tpu.memory_space<vmem>>, %arg7: memref<1264x1xf32, #tpu.memory_space<vmem>>, %arg8: memref<1x128xf32, #tpu.memory_space<vmem>>, %arg9: memref<1x1x1264xi32, #tpu.memory_space<vmem>>, %arg10: memref<256x4xf32, #tpu.memory_space<vmem>>, %arg11: memref<1x4xf32, #tpu.memory_space<vmem>>, %arg12: memref<64x4xf32, #tpu.memory_space<vmem>>, %arg13: memref<64x128xf32, #tpu.memory_space<vmem>>, %arg14: memref<64x128xf32, #tpu.memory_space<vmem>>, %arg15: memref<64x1xf32, #tpu.memory_space<vmem>>) attributes {dimension_semantics = [#tpu.dimension_semantics<arbitrary>], iteration_bounds = array<i64: 8>, scalar_prefetch = 0 : i64, scratch_operands = 3 : i64, tpu.core_type = #tpu.core_type<tc>, window_params = [{transform_indices = @transform_0, window_bounds = array<i64: 1264, 128>}, {transform_indices = @transform_1, window_bounds = array<i64: 1264, 128>}, {transform_indices = @transform_2, window_bounds = array<i64: 1264, 1>}, {pipeline_mode = #tpu.pipeline_mode<synchronous>, transform_indices = @transform_3, window_bounds = array<i64: 1, 128>}, {transform_indices = @transform_4, window_bounds = array<i64: 1264, 128>}, {transform_indices = @transform_5, window_bounds = array<i64: 1264, 128>}, {transform_indices = @transform_6, window_bounds = array<i64: 1264, 1>}, {pipeline_mode = #tpu.pipeline_mode<synchronous>, transform_indices = @transform_7, window_bounds = array<i64: 1, 128>}, {transform_indices = @transform_8, window_bounds = array<i64: 1, 1, 1264>}, {pipeline_mode = #tpu.pipeline_mode<synchronous>, transform_indices = @transform_9, window_bounds = array<i64: 256, 4>}, {pipeline_mode = #tpu.pipeline_mode<synchronous>, transform_indices = @transform_10, window_bounds = array<i64: 1, 4>}, {pipeline_mode = #tpu.pipeline_mode<synchronous>, transform_indices = @transform_11, window_bounds = array<i64: 64, 4>}]} {
    %eq3A = arith.constant 0 : i32
    %eq3A_0 = arith.cmpi eq, %arg0, %eq3A : i32
    %convert_element_type3A = arith.extui %eq3A_0 : i1 to i32
    %cond3A = arith.constant 0 : i32
    %cond3A_1 = arith.cmpi ne, %convert_element_type3A, %cond3A : i32
    scf.if %cond3A_1 {
      %broadcast_in_dim3A_88 = arith.constant 0.000000e+00 : f32
      %broadcast_in_dim3A_89 = vector.broadcast %broadcast_in_dim3A_88 : f32 to vector<64x128xf32>
      %swap3A_90 = arith.constant 0 : index
      %swap3A_91 = arith.constant 0 : index
      %swap3A_92 = vector.load %arg13[%swap3A_90, %swap3A_91] : memref<64x128xf32, #tpu.memory_space<vmem>>, vector<64x128xf32>
      tpu.vector_store %arg13[%swap3A_90, %swap3A_91], %broadcast_in_dim3A_89 {strides = array<i32>} : memref<64x128xf32, #tpu.memory_space<vmem>>, vector<64x128xf32>,
      %broadcast_in_dim3A_93 = arith.constant 0.000000e+00 : f32
      %broadcast_in_dim3A_94 = vector.broadcast %broadcast_in_dim3A_93 : f32 to vector<64x128xf32>
      %swap3A_95 = arith.constant 0 : index
      %swap3A_96 = arith.constant 0 : index
      %swap3A_97 = vector.load %arg14[%swap3A_95, %swap3A_96] : memref<64x128xf32, #tpu.memory_space<vmem>>, vector<64x128xf32>
      tpu.vector_store %arg14[%swap3A_95, %swap3A_96], %broadcast_in_dim3A_94 {strides = array<i32>} : memref<64x128xf32, #tpu.memory_space<vmem>>, vector<64x128xf32>,
      %broadcast_in_dim3A_98 = arith.constant 0.000000e+00 : f32
      %broadcast_in_dim3A_99 = vector.broadcast %broadcast_in_dim3A_98 : f32 to vector<64x1xf32>
      %swap3A_100 = arith.constant 0 : index
      %swap3A_101 = arith.constant 0 : index
      %swap3A_102 = vector.load %arg15[%swap3A_100, %swap3A_101] : memref<64x1xf32, #tpu.memory_space<vmem>>, vector<64x1xf32>
      tpu.vector_store %arg15[%swap3A_100, %swap3A_101], %broadcast_in_dim3A_99 {strides = array<i32>} : memref<64x1xf32, #tpu.memory_space<vmem>>, vector<64x1xf32>,
    } else {
    }
    %get3A = arith.constant 0 : index
    %get3A_2 = arith.constant 0 : index
    %get3A_3 = vector.load %arg3[%get3A, %get3A_2] : memref<1264x1xf32, #tpu.memory_space<vmem>>, vector<1264x1xf32>
    %get3A_4 = arith.constant 0 : index
    %get3A_5 = arith.constant 0 : index
    %get3A_6 = vector.load %arg1[%get3A_4, %get3A_5] : memref<1264x128xf32, #tpu.memory_space<vmem>>, vector<1264x128xf32>
    %get3A_7 = arith.constant 0 : index
    %get3A_8 = arith.constant 0 : index
    %get3A_9 = vector.load %arg2[%get3A_7, %get3A_8] : memref<1264x128xf32, #tpu.memory_space<vmem>>, vector<1264x128xf32>
    %add3A = arith.addf %get3A_6, %get3A_9 : vector<1264x128xf32>
    %mul3A = vector.broadcast %get3A_3 : vector<1264x1xf32> to vector<1264x128xf32>
    %mul3A_10 = arith.mulf %mul3A, %add3A : vector<1264x128xf32>
    %get3A_11 = arith.constant 0 : index
    %get3A_12 = arith.constant 0 : index
    %get3A_13 = vector.load %arg4[%get3A_11, %get3A_12] : memref<1x128xf32, #tpu.memory_space<vmem>>, vector<1x128xf32>
    %add3A_14 = vector.broadcast %get3A_13 : vector<1x128xf32> to vector<1264x128xf32>
    %add3A_15 = arith.addf %mul3A_10, %add3A_14 : vector<1264x128xf32>
    %gt3A = arith.constant 0.000000e+00 : f32
    %gt3A_16 = vector.broadcast %gt3A : f32 to vector<1264x128xf32>
    %gt3A_17 = arith.cmpf ogt, %add3A_15, %gt3A_16 : vector<1264x128xf32>
    %min3A = arith.constant 0.000000e+00 : f32
    %min3A_18 = vector.broadcast %min3A : f32 to vector<1264x128xf32>
    %min3A_19 = arith.minimumf %add3A_15, %min3A_18 : vector<1264x128xf32>
    %exp3A = math.exp %min3A_19 : vector<1264x128xf32>
    %sub3A = arith.constant 1.000000e+00 : f32
    %sub3A_20 = vector.broadcast %sub3A : f32 to vector<1264x128xf32>
    %sub3A_21 = arith.subf %exp3A, %sub3A_20 : vector<1264x128xf32>
    %select_n3A = arith.select %gt3A_17, %add3A_15, %sub3A_21 : vector<1264x128xi1>, vector<1264x128xf32>
    %get3A_22 = arith.constant 0 : index
    %get3A_23 = arith.constant 0 : index
    %get3A_24 = vector.load %arg7[%get3A_22, %get3A_23] : memref<1264x1xf32, #tpu.memory_space<vmem>>, vector<1264x1xf32>
    %get3A_25 = arith.constant 0 : index
    %get3A_26 = arith.constant 0 : index
    %get3A_27 = vector.load %arg5[%get3A_25, %get3A_26] : memref<1264x128xf32, #tpu.memory_space<vmem>>, vector<1264x128xf32>
    %get3A_28 = arith.constant 0 : index
    %get3A_29 = arith.constant 0 : index
    %get3A_30 = vector.load %arg6[%get3A_28, %get3A_29] : memref<1264x128xf32, #tpu.memory_space<vmem>>, vector<1264x128xf32>
    %add3A_31 = arith.addf %get3A_27, %get3A_30 : vector<1264x128xf32>
    %mul3A_32 = vector.broadcast %get3A_24 : vector<1264x1xf32> to vector<1264x128xf32>
    %mul3A_33 = arith.mulf %mul3A_32, %add3A_31 : vector<1264x128xf32>
    %get3A_34 = arith.constant 0 : index
    %get3A_35 = arith.constant 0 : index
    %get3A_36 = vector.load %arg8[%get3A_34, %get3A_35] : memref<1x128xf32, #tpu.memory_space<vmem>>, vector<1x128xf32>
    %add3A_37 = vector.broadcast %get3A_36 : vector<1x128xf32> to vector<1264x128xf32>
    %add3A_38 = arith.addf %mul3A_33, %add3A_37 : vector<1264x128xf32>
    %gt3A_39 = arith.constant 0.000000e+00 : f32
    %gt3A_40 = vector.broadcast %gt3A_39 : f32 to vector<1264x128xf32>
    %gt3A_41 = arith.cmpf ogt, %add3A_38, %gt3A_40 : vector<1264x128xf32>
    %min3A_42 = arith.constant 0.000000e+00 : f32
    %min3A_43 = vector.broadcast %min3A_42 : f32 to vector<1264x128xf32>
    %min3A_44 = arith.minimumf %add3A_38, %min3A_43 : vector<1264x128xf32>
    %exp3A_45 = math.exp %min3A_44 : vector<1264x128xf32>
    %sub3A_46 = arith.constant 1.000000e+00 : f32
    %sub3A_47 = vector.broadcast %sub3A_46 : f32 to vector<1264x128xf32>
    %sub3A_48 = arith.subf %exp3A_45, %sub3A_47 : vector<1264x128xf32>
    %select_n3A_49 = arith.select %gt3A_41, %add3A_38, %sub3A_48 : vector<1264x128xi1>, vector<1264x128xf32>
    %get3A_50 = arith.constant 0 : index
    %get3A_51 = arith.constant 0 : index
    %get3A_52 = arith.constant 0 : index
    %get3A_53 = vector.load %arg9[%get3A_50, %get3A_51, %get3A_52] : memref<1x1x1264xi32, #tpu.memory_space<vmem>>, vector<1x1x1264xi32>
    %get3A_54 = vector.shape_cast %get3A_53 : vector<1x1x1264xi32> to vector<1x1264xi32>
    %iota3A = tpu.iota {dimensions = array<i32: 0>} : vector<64x1264xi32>
    %eq3A_55 = vector.broadcast %get3A_54 : vector<1x1264xi32> to vector<64x1264xi32>
    %eq3A_56 = arith.cmpi eq, %iota3A, %eq3A_55 : vector<64x1264xi32>
    %convert_element_type3A_57 = arith.extui %eq3A_56 : vector<64x1264xi1> to vector<64x1264xi32>
    %convert_element_type3A_58 = arith.sitofp %convert_element_type3A_57 : vector<64x1264xi32> to vector<64x1264xf32>
    %get3A_59 = arith.constant 0 : index
    %get3A_60 = arith.constant 0 : index
    %get3A_61 = vector.load %arg13[%get3A_59, %get3A_60] : memref<64x128xf32, #tpu.memory_space<vmem>>, vector<64x128xf32>
    %dot_general3A = arith.constant dense<0.000000e+00> : vector<64x128xf32>
    %dot_general3A_62 = tpu.matmul %convert_element_type3A_58, %select_n3A, %dot_general3A {dimension_numbers = #tpu.dot_dimension_numbers<[1], [0], [0], [1], [0, 0, 1, 1], [], []>, precision = #tpu.contract_precision<fp32>, transpose_lhs_hint = false} : vector<64x1264xf32>, vector<1264x128xf32>, vector<64x128xf32> -> vector<64x128xf32>
    %add3A_63 = arith.addf %get3A_61, %dot_general3A_62 : vector<64x128xf32>
    %swap3A = arith.constant 0 : index
    %swap3A_64 = arith.constant 0 : index
    %swap3A_65 = vector.load %arg13[%swap3A, %swap3A_64] : memref<64x128xf32, #tpu.memory_space<vmem>>, vector<64x128xf32>
    tpu.vector_store %arg13[%swap3A, %swap3A_64], %add3A_63 {strides = array<i32>} : memref<64x128xf32, #tpu.memory_space<vmem>>, vector<64x128xf32>,
    %get3A_66 = arith.constant 0 : index
    %get3A_67 = arith.constant 0 : index
    %get3A_68 = vector.load %arg14[%get3A_66, %get3A_67] : memref<64x128xf32, #tpu.memory_space<vmem>>, vector<64x128xf32>
    %dot_general3A_69 = arith.constant dense<0.000000e+00> : vector<64x128xf32>
    %dot_general3A_70 = tpu.matmul %convert_element_type3A_58, %select_n3A_49, %dot_general3A_69 {dimension_numbers = #tpu.dot_dimension_numbers<[1], [0], [0], [1], [0, 0, 1, 1], [], []>, precision = #tpu.contract_precision<fp32>, transpose_lhs_hint = false} : vector<64x1264xf32>, vector<1264x128xf32>, vector<64x128xf32> -> vector<64x128xf32>
    %add3A_71 = arith.addf %get3A_68, %dot_general3A_70 : vector<64x128xf32>
    %swap3A_72 = arith.constant 0 : index
    %swap3A_73 = arith.constant 0 : index
    %swap3A_74 = vector.load %arg14[%swap3A_72, %swap3A_73] : memref<64x128xf32, #tpu.memory_space<vmem>>, vector<64x128xf32>
    tpu.vector_store %arg14[%swap3A_72, %swap3A_73], %add3A_71 {strides = array<i32>} : memref<64x128xf32, #tpu.memory_space<vmem>>, vector<64x128xf32>,
    %get3A_75 = arith.constant 0 : index
    %get3A_76 = arith.constant 0 : index
    %get3A_77 = vector.load %arg15[%get3A_75, %get3A_76] : memref<64x1xf32, #tpu.memory_space<vmem>>, vector<64x1xf32>
    %reduce_sum3A = arith.constant dense<0.000000e+00> : vector<64xf32>
    %reduce_sum3A_78 = vector.multi_reduction <add>, %convert_element_type3A_58, %reduce_sum3A [1] : vector<64x1264xf32> to vector<64xf32>
    %broadcast_in_dim3A = vector.shape_cast %reduce_sum3A_78 : vector<64xf32> to vector<64x1xf32>
    %add3A_79 = arith.addf %get3A_77, %broadcast_in_dim3A : vector<64x1xf32>
    %swap3A_80 = arith.constant 0 : index
    %swap3A_81 = arith.constant 0 : index
    %swap3A_82 = vector.load %arg15[%swap3A_80, %swap3A_81] : memref<64x1xf32, #tpu.memory_space<vmem>>, vector<64x1xf32>
    tpu.vector_store %arg15[%swap3A_80, %swap3A_81], %add3A_79 {strides = array<i32>} : memref<64x1xf32, #tpu.memory_space<vmem>>, vector<64x1xf32>,
    %eq3A_83 = arith.constant 7 : i32
    %eq3A_84 = arith.cmpi eq, %arg0, %eq3A_83 : i32
    %convert_element_type3A_85 = arith.extui %eq3A_84 : i1 to i32
    %cond3A_86 = arith.constant 0 : i32
    %cond3A_87 = arith.cmpi ne, %convert_element_type3A_85, %cond3A_86 : i32
    scf.if %cond3A_87 {
      %get3A_88 = arith.constant 0 : index
      %get3A_89 = arith.constant 0 : index
      %get3A_90 = vector.load %arg15[%get3A_88, %get3A_89] : memref<64x1xf32, #tpu.memory_space<vmem>>, vector<64x1xf32>
      %max3A = arith.constant 1.000000e+00 : f32
      %max3A_91 = vector.broadcast %max3A : f32 to vector<64x1xf32>
      %max3A_92 = arith.maximumf %get3A_90, %max3A_91 : vector<64x1xf32>
      %div3A = arith.constant 1.000000e+00 : f32
      %div3A_93 = vector.broadcast %div3A : f32 to vector<64x1xf32>
      %div3A_94 = arith.divf %div3A_93, %max3A_92 : vector<64x1xf32>
      %get3A_95 = arith.constant 0 : index
      %get3A_96 = arith.constant 0 : index
      %get3A_97 = vector.load %arg13[%get3A_95, %get3A_96] : memref<64x128xf32, #tpu.memory_space<vmem>>, vector<64x128xf32>
      %mul3A_98 = vector.broadcast %div3A_94 : vector<64x1xf32> to vector<64x128xf32>
      %mul3A_99 = arith.mulf %get3A_97, %mul3A_98 : vector<64x128xf32>
      %get3A_100 = arith.constant 0 : index
      %get3A_101 = arith.constant 0 : index
      %get3A_102 = vector.load %arg14[%get3A_100, %get3A_101] : memref<64x128xf32, #tpu.memory_space<vmem>>, vector<64x128xf32>
      %mul3A_103 = vector.broadcast %div3A_94 : vector<64x1xf32> to vector<64x128xf32>
      %mul3A_104 = arith.mulf %get3A_102, %mul3A_103 : vector<64x128xf32>
      %concatenate3A = tpu.concatenate %mul3A_99, %mul3A_104 in 1 : vector<64x128xf32>, vector<64x128xf32> -> vector<64x256xf32>
      %get3A_105 = arith.constant 0 : index
      %get3A_106 = arith.constant 0 : index
      %get3A_107 = vector.load %arg10[%get3A_105, %get3A_106] : memref<256x4xf32, #tpu.memory_space<vmem>>, vector<256x4xf32>
      %dot_general3A_108 = arith.constant dense<0.000000e+00> : vector<64x4xf32>
      %dot_general3A_109 = tpu.matmul %concatenate3A, %get3A_107, %dot_general3A_108 {dimension_numbers = #tpu.dot_dimension_numbers<[1], [0], [0], [1], [0, 0, 1, 1], [], []>, precision = #tpu.contract_precision<fp32>, transpose_lhs_hint = false} : vector<64x256xf32>, vector<256x4xf32>, vector<64x4xf32> -> vector<64x4xf32>
      %get3A_110 = arith.constant 0 : index
      %get3A_111 = arith.constant 0 : index
      %get3A_112 = vector.load %arg11[%get3A_110, %get3A_111] : memref<1x4xf32, #tpu.memory_space<vmem>>, vector<1x4xf32>
      %add3A_113 = vector.broadcast %get3A_112 : vector<1x4xf32> to vector<64x4xf32>
      %add3A_114 = arith.addf %dot_general3A_109, %add3A_113 : vector<64x4xf32>
      %reduce_max3A = arith.constant dense<0xFF800000> : vector<64xf32>
      %reduce_max3A_115 = vector.multi_reduction <maximumf>, %add3A_114, %reduce_max3A [1] : vector<64x4xf32> to vector<64xf32>
      %broadcast_in_dim3A_116 = vector.shape_cast %reduce_max3A_115 : vector<64xf32> to vector<64x1xf32>
      %sub3A_117 = vector.broadcast %broadcast_in_dim3A_116 : vector<64x1xf32> to vector<64x4xf32>
      %sub3A_118 = arith.subf %add3A_114, %sub3A_117 : vector<64x4xf32>
      %exp3A_119 = math.exp %sub3A_118 : vector<64x4xf32>
      %reduce_sum3A_120 = arith.constant dense<0.000000e+00> : vector<64xf32>
      %reduce_sum3A_121 = vector.multi_reduction <add>, %exp3A_119, %reduce_sum3A_120 [1] : vector<64x4xf32> to vector<64xf32>
      %broadcast_in_dim3A_122 = vector.shape_cast %reduce_sum3A_121 : vector<64xf32> to vector<64x1xf32>
      %log3A = math.log %broadcast_in_dim3A_122 : vector<64x1xf32>
      %sub3A_123 = vector.broadcast %broadcast_in_dim3A_116 : vector<64x1xf32> to vector<64x4xf32>
      %sub3A_124 = arith.subf %add3A_114, %sub3A_123 : vector<64x4xf32>
      %sub3A_125 = vector.broadcast %log3A : vector<64x1xf32> to vector<64x4xf32>
      %sub3A_126 = arith.subf %sub3A_124, %sub3A_125 : vector<64x4xf32>
      %swap3A_127 = arith.constant 0 : index
      %swap3A_128 = arith.constant 0 : index
      %swap3A_129 = vector.load %arg12[%swap3A_127, %swap3A_128] : memref<64x4xf32, #tpu.memory_space<vmem>>, vector<64x4xf32>
      tpu.vector_store %arg12[%swap3A_127, %swap3A_128], %sub3A_126 {strides = array<i32>} : memref<64x4xf32, #tpu.memory_space<vmem>>, vector<64x4xf32>,
    } else {
    }
    return
  }
  func.func @transform_0(%arg0: i32) -> (i32, i32) {
    %c0_i32 = arith.constant 0 : i32
    %c0_i32_0 = arith.constant 0 : i32
    return %arg0, %c0_i32 : i32, i32
  }
  func.func @transform_1(%arg0: i32) -> (i32, i32) {
    %c0_i32 = arith.constant 0 : i32
    %c0_i32_0 = arith.constant 0 : i32
    return %arg0, %c0_i32 : i32, i32
  }
  func.func @transform_2(%arg0: i32) -> (i32, i32) {
    %c0_i32 = arith.constant 0 : i32
    %c0_i32_0 = arith.constant 0 : i32
    return %arg0, %c0_i32 : i32, i32
  }
  func.func @transform_3(%arg0: i32) -> (i32, i32) {
    %c0_i32 = arith.constant 0 : i32
    %c0_i32_0 = arith.constant 0 : i32
    %c0_i32_1 = arith.constant 0 : i32
    return %c0_i32, %c0_i32_0 : i32, i32
  }
  func.func @transform_4(%arg0: i32) -> (i32, i32) {
    %c0_i32 = arith.constant 0 : i32
    %c0_i32_0 = arith.constant 0 : i32
    return %arg0, %c0_i32 : i32, i32
  }
  func.func @transform_5(%arg0: i32) -> (i32, i32) {
    %c0_i32 = arith.constant 0 : i32
    %c0_i32_0 = arith.constant 0 : i32
    return %arg0, %c0_i32 : i32, i32
  }
  func.func @transform_6(%arg0: i32) -> (i32, i32) {
    %c0_i32 = arith.constant 0 : i32
    %c0_i32_0 = arith.constant 0 : i32
    return %arg0, %c0_i32 : i32, i32
  }
  func.func @transform_7(%arg0: i32) -> (i32, i32) {
    %c0_i32 = arith.constant 0 : i32
    %c0_i32_0 = arith.constant 0 : i32
    %c0_i32_1 = arith.constant 0 : i32
    return %c0_i32, %c0_i32_0 : i32, i32
  }
  func.func @transform_8(%arg0: i32) -> (i32, i32, i32) {
    %c0_i32 = arith.constant 0 : i32
    %c0_i32_0 = arith.constant 0 : i32
    %c0_i32_1 = arith.constant 0 : i32
    return %arg0, %c0_i32, %c0_i32_0 : i32, i32, i32
  }
  func.func @transform_9(%arg0: i32) -> (i32, i32) {
    %c0_i32 = arith.constant 0 : i32
    %c0_i32_0 = arith.constant 0 : i32
    %c0_i32_1 = arith.constant 0 : i32
    return %c0_i32, %c0_i32_0 : i32, i32
  }
  func.func @transform_10(%arg0: i32) -> (i32, i32) {
    %c0_i32 = arith.constant 0 : i32
    %c0_i32_0 = arith.constant 0 : i32
    %c0_i32_1 = arith.constant 0 : i32
    return %c0_i32, %c0_i32_0 : i32, i32
  }
  func.func @transform_11(%arg0: i32) -> (i32, i32) {
    %c0_i32 = arith.constant 0 : i32
    %c0_i32_0 = arith.constant 0 : i32
    %c0_i32_1 = arith.constant 0 : i32
    return %c0_i32, %c0_i32_0 : i32, i32
  }
}

</mosaic_0001>

<sc_bundles>
// kernel: kernel.11.cloned.1.call-start
scs
__scs_entry_jumppad:
0x0: {  	(pc) =	sbr.rel $0x88, $3  }
0x1: {  	(tag) =	ssettag $0x0;
	lr =	simm.s32 $0x1  }
0x2: {  	[smem:$0x3F93] =	sst lr;
	_ =	strace $0xD0000000  }
0x3: {  	_ = 	snop  }
0x4: {  	_ = 	snop  }
0x5: {  	_ = 	snop  }
0x6: {  	_ = 	snop  }
0x7: {  	_ = 	snop  }
__scs_overlays_trampoline_lowered:
0x8: {  	[smem:$0x3FA2] =	sst s0  }
0x9: {  	[smem:$0x3FA3] =	sst s1  }
0xa: {  	[smem:$0x3FA4] =	sst s2  }
0xb: {  	[smem:$0x3FA5] =	sst s3  }
0xc: {  	[smem:$0x3FA6] =	sst s4  }
0xd: {  	[smem:$0x3FA7] =	sst s5  }
0xe: {  	[smem:$0x3FA8] =	sst s6  }
0xf: {  	[smem:$0x3FA9] =	sst s7  }
0x10: {  	[smem:$0x3FAA] =	sst s8  }
0x11: {  	[smem:$0x3FAB] =	sst s9;
	s0 =	simm.s32 @!p0 $0x0  }
0x12: {  	s1 =	sld [smem:$0x3F91];
	s0 =	simm.s32 @p0 $0x1  }
0x13: {  	[smem:$0x3FAC] =	sst s0;
	s0 =	simm.s32 @!p1 $0x0  }
0x14: {  	s2 =	sld [smem:$0x3F90];
	s0 =	simm.s32 @p1 $0x1  }
0x15: {  	[smem:$0x3FAD] =	sst s0;
	s0 =	simm.s32 @!p2 $0x0  }
0x16: {  	s3 =	sld [smem:$0x3FDB];
	s0 =	simm.s32 @p2 $0x1  }
0x17: {  	s4 =	simm.s32 $0x1BF5;
	[smem:$0x3FAF] =	sst s0  }
0x18: {  	s0 =	sld [smem:$0x3F92];
	_ =	swait.ge [sflag:s4], $0x0  }
0x19: {  	s7 =	sld [smem:$0x3F93]  }
0x1a: {  	s8 =	sadd.s32 $0xFFFFE003, lr  }
0x1b: {  	s9 =	sadd.s32 $0xFFFFFEF7, lr;
	s5 =	simm.s32 $0xFFFFFFFF;
	p2 =	slt.u32 s8, $0xFFFFF086  }
0x1c: {  	p1 =	slt.u32 s9, $0xF7A;
	s5 =	simm.s32 @!p2 $0x0  }
0x1d: {  	s5 =	simm.s32 @p1 $0x1;
	p0 =	seq.s32 s7, s2  }
0x1e: {  	s7 =	smul.u32 @!p0 $0xF7A, s2;
	p2 =	seq.s32 @!p0 s5, $0x0  }
0x1f: {  	s9 =	smul.u32 $0xF7A, s1;
	s8 =	simm.s32 @!p0 $0x1BF5;
	p2 =	por !p2, p0  }
0x20: {  	[sflag:s8] =	ssyncset.s32 @!p0 $0xFFFFF086;
	s6 =	sadd.s32 @!p0 s3, s7;
	s7 =	simm.s32 @!p0 $0x108  }
0x21: {  	s3 =	sadd.s32 s3, s9;
	s6 =	sadd.s32 @!p0 $0x88, s6;
	s7 =	simm.s32 @p2 $0x1082  }
0x22: {  	[simem:s7], [sflag:s8] =	dma.local @!p0 [hbm:s6], $0xF7A  }
0x23: {  	s9 =	sor.u32 $0xD0000000, s2;
	s6 =	simm.s32 $0x108;
	_ =	swait.ge @!p0 [sflag:s8], $0x0  }
0x24: {  	s3 =	sadd.s32 $0x88, s3;
	s6 =	simm.s32 @!p1 $0x1082;
	[sflag:s4] =	ssyncset.s32 $0xFFFFF086  }
0x25: {  	[simem:s6], [sflag:s4] =	dma.local [hbm:s3], $0xF7A  }
0x26: {  	[smem:$0x3F93] =	sst s1;
	(tag) =	ssettag s2;
	_ =	strace s9  }
0x27: {  	s1 =	sld [smem:$0x3FA3]  }
0x28: {  	s2 =	sld [smem:$0x3FA4]  }
0x29: {  	s4 =	sld [smem:$0x3FA6]  }
0x2a: {  	p0 =	seq.s32 s5, $0x0;
	s5 =	sld [smem:$0x3FA7]  }
0x2b: {  	s6 =	sld [smem:$0x3FA8]  }
0x2c: {  	s7 =	sld [smem:$0x3FA9]  }
0x2d: {  	s3 =	simm.s32 $0x108;
	s8 =	sld [smem:$0x3FAA]  }
0x2e: {  	s3 =	simm.s32 @!p0 $0x1082;
	s9 =	sld [smem:$0x3FAB]  }
0x2f: {  	lr =	sadd.s32 s0, s3;
	s0 =	sld [smem:$0x3FA2]  }
0x30: {  	s3 =	sld [smem:$0x3FA5]  }
0x31: {  	[smem:$0x3FAE] =	sst s10  }
0x32: {  	s10 =	sld [smem:$0x3FAC];
	_ =	sdelay $0x3  }
0x33: {  	p0 =	seq.s32 s10, $0x1;
	s10 =	sld [smem:$0x3FAE];
	_ =	sdelay $0x3  }
0x34: {  	[smem:$0x3FAE] =	sst s10  }
0x35: {  	s10 =	sld [smem:$0x3FAD];
	_ =	sdelay $0x3  }
0x36: {  	p1 =	seq.s32 s10, $0x1;
	s10 =	sld [smem:$0x3FAE];
	_ =	sdelay $0x3  }
0x37: {  	[smem:$0x3FAE] =	sst s10  }
0x38: {  	s10 =	sld [smem:$0x3FAF]  }
0x39: {  	_ = 	snop;
	(pc) =	sbr.ind lr, $3  }
0x3a: {  	_ = 	snop  }
0x3b: {  	_ = 	snop  }
0x3c: {  	p2 =	seq.s32 s10, $0x1;
	s10 =	sld [smem:$0x3FAE]  }
0x3d: {  	_ =	shalt  }
0x3e: {  	_ =	shalt  }
0x3f: {  	_ =	shalt  }
0x40: {  	_ =	shalt  }
0x41: {  	_ =	shalt  }
0x42: {  	_ =	shalt  }
0x43: {  	_ =	shalt  }
0x44: {  	_ =	shalt  }
0x45: {  	_ =	shalt  }
0x46: {  	_ =	shalt  }
0x47: {  	_ =	shalt  }
0x48: {  	_ =	shalt  }
0x49: {  	_ =	shalt  }
0x4a: {  	_ =	shalt  }
0x4b: {  	_ =	shalt  }
0x4c: {  	_ =	shalt  }
0x4d: {  	_ =	shalt  }
0x4e: {  	_ =	shalt  }
0x4f: {  	_ =	shalt  }
0x50: {  	_ =	shalt  }
0x51: {  	_ =	shalt  }
0x52: {  	_ =	shalt  }
0x53: {  	_ =	shalt  }
0x54: {  	_ =	shalt  }
0x55: {  	_ =	shalt  }
0x56: {  	_ =	shalt  }
0x57: {  	_ =	shalt  }
0x58: {  	_ =	shalt  }
0x59: {  	_ =	shalt  }
0x5a: {  	_ =	shalt  }
0x5b: {  	_ =	shalt  }
0x5c: {  	_ =	shalt  }
0x5d: {  	_ =	shalt  }
0x5e: {  	_ =	shalt  }
0x5f: {  	_ =	shalt  }
0x60: {  	_ =	shalt  }
0x61: {  	_ =	shalt  }
0x62: {  	_ =	shalt  }
0x63: {  	_ =	shalt  }
0x64: {  	_ =	shalt  }
0x65: {  	_ =	shalt  }
0x66: {  	_ =	shalt  }
0x67: {  	_ =	shalt  }
0x68: {  	_ =	shalt  }
0x69: {  	_ =	shalt  }
0x6a: {  	_ =	shalt  }
0x6b: {  	_ =	shalt  }
0x6c: {  	_ =	shalt  }
0x6d: {  	_ =	shalt  }
0x6e: {  	_ =	shalt  }
0x6f: {  	_ =	shalt  }
0x70: {  	_ =	shalt  }
0x71: {  	_ =	shalt  }
0x72: {  	_ =	shalt  }
0x73: {  	_ =	shalt  }
0x74: {  	_ =	shalt  }
0x75: {  	_ =	shalt  }
0x76: {  	_ =	shalt  }
0x77: {  	_ =	shalt  }
0x78: {  	_ =	shalt  }
0x79: {  	_ =	shalt  }
0x7a: {  	_ =	shalt  }
0x7b: {  	_ =	shalt  }
0x7c: {  	_ =	shalt  }
0x7d: {  	_ =	shalt  }
0x7e: {  	_ =	shalt  }
0x7f: {  	_ =	shalt  }
0x80: {  	_ =	shalt  }
0x81: {  	_ =	shalt  }
0x82: {  	_ =	shalt  }
0x83: {  	_ =	shalt  }
0x84: {  	_ =	shalt  }
0x85: {  	_ =	shalt  }
0x86: {  	_ =	shalt  }
0x87: {  	_ =	shalt  }
.Lfunc_end0:
.L_simem_size_0:
called_computation.1_lowered:
.L_overlay_start_0:
0x88: {  	s2 =	sld [smem:$0x3FD9]  }
0x89: {  	s3 =	sld [smem:$0x3FFE];
	_ =	sdelay $0x1  }
0x8a: {  	s1 =	srdreg.scid  }
0x8b: {  	s0 =	sand.u32 $0x1, s1  }
0x8c: {  	s16 =	sshll.u32 s0, $0xA;
	s2 =	sadd.s32 s3, s2  }
0x8d: {  	s2 =	sadd.s32 s2, s16  }
0x8e: {  	[smem:$0x3FBA] =	sst s2  }
0x8f: {  	_ = 	snop  }
0x90: {  	(tm) =	ssettm $0x1  }
0x91: {  	s17 =	sld [smem:$0x3FFB];
	_ =	sdelay $0x3  }
0x92: {  	_ =	strace s17  }
0x93: {  	s2 =	sld [smem:$0x3FFC];
	_ =	sdelay $0x3  }
0x94: {  	_ =	strace s2  }
0x95: {  	s2 =	sld [smem:$0x3FFD];
	_ =	sdelay $0x3  }
0x96: {  	_ =	strace s2  }
0x97: {  	_ =	strace $0x8FFFFFFF  }
0x98: {  	s18 =	sld [smem:$0x3FDB];
	_ =	sdelay $0x1  }
0x99: {  	s19 =	simm.s32 $_scs_section_size  }
0x9a: {  	s4 =	simm.s32 $_size__tile_overlayer_lowered;
	s5 =	simm.s32 $_tile_overlayer_lowered  }
0x9b: {  	s22 =	simm.s32 $0x1BFF;
	s21 =	sshll.u32 s5, $0x1;
	s2 =	sadd.s32 s19, s18  }
0x9c: {  	s6 =	simm.s32 $0x0;
	s20 =	sshll.u32 s4, $0x1;
	s4 =	sadd.s32 s21, s2  }
0x9d: {  	[timem:s6], [sflag:s22] =	dma.local [hbm:s4], s20  }
0x9e: {  	_ =	swait.ge [sflag:s22], s20  }
0x9f: {  	s3 =	ssub.s32 $0x0, s20;
	[sflag:s22] =	ssyncset.done $0x0  }
0xa0: {  	[sflag:s22] =	ssyncadd.s32 s3;
	_ =	sdelay $0x1  }
0xa1: {  	s23 =	simm.s32 $0x1B8B  }
0xa2: {  	_ =	swait.ge [sflag:s23], $0x1  }
0xa3: {  	[sflag:s23] =	ssyncset.done $0x0  }
0xa4: {  	s25 =	simm.s32 $0x1B8E;
	s24 =	sld [smem:$0x3FFE];
	[sflag:s23] =	ssyncadd.s32 $0xFFFFFFFF  }
0xa5: {  	s26 =	simm.s32 $execute0_lowered;
	[smem:$0x3FD2] =	sst s25  }
0xa6: {  	s4 =	sshll.u32 s26, $0x1;
	_ =	strace $0x80000049;
	[dreg:$0x1] =	wrdreg $0xFFFFFFFF  }
0xa7: {  	s28 =	simm.s32 $_size_execute0_lowered;
	s2 =	sadd.s32 s2, s4;
	[dreg:$0x0] =	wrdreg $0x0  }
0xa8: {  	s4 =	sshll.u32 s28, $0x1;
	[dreg:$0x2] =	wrdreg s2  }
0xa9: {  	[dreg:$0x3] =	wrdreg s4  }
0xaa: {  	[dreg:$0x4] =	wrdreg $0xC0  }
0xab: {  	_ =	task [dreg:s6], $0x5FFFF  }
0xac: {  	[dreg:$0x1] =	wrdreg $0xFFFFFFFF  }
0xad: {  	[dreg:$0x0] =	wrdreg $0x60  }
0xae: {  	[dreg:$0x2] =	wrdreg s24  }
0xaf: {  	[dreg:$0x3] =	wrdreg $0xBA000  }
0xb0: {  	[dreg:$0x4] =	wrdreg $0x9  }
0xb1: {  	_ =	task.clear_ibuf [dreg:s6], $0x5FFFF;
	_ =	strace $0x90000049  }
0xb2: {  	s29 =	simm.s32 $0x9;
	_ =	strace $0x8000004B  }
0xb3: {  	_ =	swait.ge [sflag:s29], $0x1  }
0xb4: {  	[sflag:s29] =	ssyncadd.s32 $0xFFFFFFFF  }
0xb5: {  	_ =	strace $0x9000004B  }
0xb6: {  	_ =	sfence  }
0xb7: {  	s30 =	sld [smem:$0x0];
	_ =	sdelay $0x2  }
0xb8: {  	s31 =	sshll.u32 s1, $0xD;
	s1 =	sshrl.u32 s1, $0x2  }
0xb9: {  	s3 =	sand.u32 $0x4000, s31;
	s1 =	sadd.s32 s1, s30  }
0xba: {  	s0 =	sor.u32 s3, s0;
	s1 =	sshll.u32 s1, $0x11  }
0xbb: {  	s0 =	sor.u32 s1, s0  }
0xbc: {  	s0 =	sadd.s32 $0x8F2B, s0  }
0xbd: {  	[sflag:s0] =	ssyncadd.remote.s32 $0x1  }
0xbe: {  	_ =	sfence.sel $0xFFFF  }
0xbf: {  	[dreg:$0x0] =	wrdreg $0xFFFFFFFF;
	(pc) =	sbr.abs _section_cstart, $3  }
0xc0: {  	[dreg:$0x1] =	wrdreg $0xFFFFFFFF  }
0xc1: {  	_ =	task.clear_ibuf [dreg:s6], $0x2FFFF;
	_ =	strace $0x9FFFFFFF  }
0xc2: {  	(tm) =	ssettm $0x7FFFFFFF  }
0xc3: {  	_ =	shalt  }
tec
execute0_lowered:
.L_overlay_start_1:
0x0: {  	(tag) =	ssettag $0x1  }
0x1: {  	s0 =	rddreg [dreg:$0x0]  }
0x2: {  	s1 =	rddreg [dreg:$0x1];
	s3 =	srdreg.scid  }
0x3: {  	s12 =	stileid.u32;
	s28 =	simm.s32 $0x7E00;
	s29 =	simm.s32 $0x1  }
0x4: {  	s31 =	simm.s32 $0x5;
	s30 =	simm.s32 $0x0;
	s5 =	smul.u32 $0x4EC0, s12  }
0x5: {  	s2 =	sadd.s32 $0x55A00, s0;
	s4 =	sadd.s32 $0x1A600, s0;
	s3 =	sand.u32 $0x1, s3  }
0x6: {  	s6 =	sadd.s32 $0x5F800, s0;
	s7 =	sadd.s32 $0x24400, s0;
	s10 =	sshrl.u32 s5, $0x3  }
0x7: {  	s24 =	smul.u32 $0x9D8, s12;
	s8 =	ssub.s32 $0x2, s3;
	s13 =	sadd.s32 s6, s10  }
0x8: {  	s11 =	sadd.s32 $0x78, s5;
	s15 =	sadd.s32 s7, s10;
	[dreg:$0x7] =	wrdreg s13  }
0x9: {  	s14 =	sshrl.u32 s11, $0x3;
	s22 =	sadd.s32 s2, s10;
	[dreg:$0x8] =	wrdreg s15  }
0xa: {  	s18 =	sadd.s32 $0x1E, s10;
	s10 =	sadd.s32 s4, s10;
	[dreg:$0xf] =	wrdreg s22  }
0xb: {  	p0 =	sne.s32 s3, $0x0;
	s16 =	sadd.s32 s6, s14;
	[dreg:$0x10] =	wrdreg s10  }
0xc: {  	s3 =	simm.s32 $0xC;
	s17 =	sadd.s32 s7, s14;
	[dreg:$0x9] =	wrdreg s16  }
0xd: {  	s5 =	sadd.s32 $0x168, s5;
	s13 =	sadd.s32 s6, s18;
	[dreg:$0xa] =	wrdreg s17  }
0xe: {  	s5 =	sshrl.u32 s5, $0x3;
	s19 =	sadd.s32 s7, s18;
	[dreg:$0xb] =	wrdreg s13  }
0xf: {  	s9 =	sshrl.u32 s8, $0x1;
	s20 =	sadd.s32 s6, s5;
	[dreg:$0xc] =	wrdreg s19  }
0x10: {  	s8 =	ssub.s32 s8, s9;
	s21 =	sadd.s32 s7, s5;
	[dreg:$0xd] =	wrdreg s20  }
0x11: {  	s23 =	sadd.s32 s2, s14;
	s9 =	sadd.s32 s4, s14;
	[dreg:$0xe] =	wrdreg s21  }
0x12: {  	s25 =	sadd.s32 s2, s18;
	s26 =	sadd.s32 s4, s18;
	[dreg:$0x11] =	wrdreg s23  }
0x13: {  	s11 =	sadd.s32 s2, s5;
	s5 =	sadd.s32 s4, s5;
	[dreg:$0x12] =	wrdreg s9  }
0x14: {  	s22 =	simm.s32 $0x0;
	s14 =	sadd.s32 $0x5800, s0;
	[dreg:$0x13] =	wrdreg s25  }
0x15: {  	s15 =	sadd.s32 $0xDFE00, s0;
	s18 =	smax.u32 s8, $0x1;
	[dreg:$0x14] =	wrdreg s26  }
0x16: {  	s8 =	simm.s32 $0x300;
	s10 =	simm.s32 $0x3;
	[dreg:$0x15] =	wrdreg s11  }
0x17: {  	[dreg:$0x16] =	wrdreg s5;
	s19 =	sadd.s32 s24, s7;
	s20 =	sadd.s32 s24, s6  }
0x18: {  	s21 =	sadd.s32 s24, s4;
	s23 =	sadd.s32 s24, s2;
	[smem:$0x7FF] =	sst s22  }
0x19: {  	s24 =	sadd.s32 $0x2E200, s0;
	s13 =	smul.u32 $0x4F000, s12;
	s25 =	sadd.s32 $0x69600, s0  }
0x1a: {  	s0 =	sadd.s32 $0x107600, s0;
	_ =	strace $0x8000004A;
	[dreg:$0x17] =	wrdreg s14  }
0x1b: {  	s17 =	sshll.u32 s12, $0x6;
	s26 =	smul.u32 $0x2780, s12;
	[dreg:$0x18] =	wrdreg s15  }
0x1c: {  	s7 =	simm.s32 $0xD;
	s9 =	simm.s32 $0x380;
	[dreg:$0x19] =	wrdreg s0  }
0x1d: {  	s11 =	simm.s32 $0x78;
	s12 =	simm.s32 $0x600;
	[dreg:$0x1c] =	wrdreg s18  }
0x1e: {  	s4 =	simm.s32 $0x4;
	s2 =	simm.s32 $0xB;
	[dreg:$0x3] =	wrdreg s19  }
0x1f: {  	s6 =	sor.u32 $0x1C0D, s17;
	s14 =	simm.s32 $0x100;
	[dreg:$0x4] =	wrdreg s20  }
.Ltmp0:
0x20: {  	s17 =	simm.s32 $0x180;
	[dreg:$0x5] =	wrdreg s21;
	(pc) =	sbr.rel .LBB2_1-.Ltmp0, $4  }
0x21: {  	s18 =	simm.s32 $0x9;
	s15 =	simm.s32 $0xA;
	[dreg:$0x6] =	wrdreg s23  }
0x22: {  	s16 =	sshrl.u32 s13, $0x2;
	[dreg:$0x1d] =	wrdreg s26;
	s26 =	simm.s32 $0x200  }
0x23: {  	s13 =	simm.s32 $0x6;
	[dreg:$0x1b] =	wrdreg s6;
	s0 =	sadd.s32 s16, s1  }
0x24: {  	s16 =	simm.s32 $0x400;
	[dreg:$0x1a] =	wrdreg s0;
	s0 =	simm.s32 $0x2  }
.LBB2_7:
0x25: {  	s6 =	simm.s32 @!p2 $0x6;
	[sflag:s10] =	ssyncadd.s32 $0xFFFFC400;
	s17 =	simm.s32 $0x580  }
0x26: {  	[spmem:s1] =	stream.indirect.scatter.add.f32 [tilespmem:s28], [sflag:$0x6], $0x80, s17, s11, $0xb8;
	[tilespmem:$0x1F600] =	vst v63  }
0x27: {  	_ =	swait.ge @!p2 [sflag:s6], $0x3C00  }
0x28: {  	s7 =	sadd.s32 s5, s20;
	[sflag:s6] =	ssyncset.done @!p2 $0x0  }
0x29: {  	s8 =	sadd.s32 s5, s19;
	s14 =	sadd.s32 $0x3C, s7;
	[sflag:s6] =	ssyncadd.s32 @!p2 $0xFFFFC400  }
0x2a: {  	[tilespmem:s26], [sflag:$0xB] =	stream.linear.gather [hbm4b:s14+s22], $0x78, $0x38;
	[tilespmem:$0x1F600] =	vst v63  }
0x2b: {  	s9 =	simm.s32 $0x500;
	s16 =	sadd.s32 $0x3C, s8  }
0x2c: {  	[tilespmem:s9], [sflag:$0xB] =	stream.linear.gather [hbm4b:s16+s22], $0x78, $0x38;
	[tilespmem:$0x1F600] =	vst v63  }
0x2d: {  	_ =	swait.ge [sflag:s18], $0x78  }
0x2e: {  	[sflag:s18] =	ssyncset.done $0x0  }
0x2f: {  	[sflag:s18] =	ssyncadd.s32 $0xFFFFFF88  }
0x30: {  	_ =	swait.ge [sflag:s18], $0x78  }
0x31: {  	[sflag:s18] =	ssyncset.done $0x0  }
0x32: {  	s14 =	simm.s32 $0x100;
	[sflag:s18] =	ssyncadd.s32 $0xFFFFFF88  }
0x33: {  	[tilespmem:s28], [sflag:$0x3] =	stream.indirect.gather [hbm4b:s25+s11], $0x80, s14, s11, $0xb8;
	[tilespmem:$0x1F600] =	vst v63  }
0x34: {  	_ =	swait.ge [sflag:s29], $0x3C00  }
0x35: {  	[sflag:s29] =	ssyncset.done $0x0  }
0x36: {  	s16 =	simm.s32 $0x300;
	[sflag:s29] =	ssyncadd.s32 $0xFFFFC400  }
0x37: {  	[spmem:s1] =	stream.indirect.scatter.add.f32 [tilespmem:s12], [sflag:$0x4], $0x80, s16, s11, $0xb8;
	[tilespmem:$0x1F600] =	vst v63  }
0x38: {  	_ =	swait.ge [sflag:s4], $0x3C00  }
0x39: {  	[sflag:s4] =	ssyncset.done $0x0  }
0x3a: {  	s7 =	sadd.s32 $0x4B, s7;
	[sflag:s4] =	ssyncadd.s32 $0xFFFFC400  }
0x3b: {  	[tilespmem:s30], [sflag:$0xC] =	stream.linear.gather [hbm4b:s7+s22], $0x78, $0x38;
	[tilespmem:$0x1F600] =	vst v63  }
0x3c: {  	s9 =	sadd.s32 $0x4B, s8  }
0x3d: {  	[tilespmem:s17], [sflag:$0xC] =	stream.linear.gather [hbm4b:s9+s22], $0x78, $0x38;
	[tilespmem:$0x1F600] =	vst v63  }
0x3e: {  	_ =	swait.ge [sflag:s15], $0x78  }
0x3f: {  	[sflag:s15] =	ssyncset.done $0x0  }
0x40: {  	[sflag:s15] =	ssyncadd.s32 $0xFFFFFF88  }
0x41: {  	_ =	swait.ge [sflag:s15], $0x78  }
0x42: {  	[sflag:s15] =	ssyncset.done $0x0  }
0x43: {  	s14 =	simm.s32 $0x180;
	[sflag:s15] =	ssyncadd.s32 $0xFFFFFF88  }
0x44: {  	[tilespmem:s12], [sflag:$0x1] =	stream.indirect.gather [hbm4b:s25+s11], $0x80, s14, s11, $0xb8;
	[tilespmem:$0x1F600] =	vst v63  }
0x45: {  	_ =	swait.ge [sflag:s0], $0x3C00  }
0x46: {  	[sflag:s0] =	ssyncset.done $0x0  }
0x47: {  	s16 =	simm.s32 $0x380;
	[sflag:s0] =	ssyncadd.s32 $0xFFFFC400  }
0x48: {  	[spmem:s1] =	stream.indirect.scatter.add.f32 [tilespmem:s23], [sflag:$0x5], $0x80, s16, s11, $0xb8;
	[tilespmem:$0x1F600] =	vst v63  }
0x49: {  	p1 =	seq.s32 s5, $0x97E;
	_ =	swait.ge [sflag:s31], $0x3C00  }
0x4a: {  	s6 =	simm.s32 @!p1 $0x0;
	s7 =	sadd.s32 @!p1 s5, s20;
	[sflag:s31] =	ssyncset.done $0x0  }
0x4b: {  	s5 =	sadd.s32 @!p1 s5, s19;
	s8 =	sadd.s32 @!p1 $0x5A, s7;
	[sflag:s31] =	ssyncadd.s32 $0xFFFFC400  }
0x4c: {  	[tilespmem:s6], [sflag:$0x7] =	stream.linear.gather @!p1 [hbm4b:s8+s6], $0x78, $0x38;
	[tilespmem:$0x1F600] =	vst v63  }
0x4d: {  	s9 =	simm.s32 @!p1 $0x300;
	s8 =	sadd.s32 @!p1 $0x5A, s5  }
0x4e: {  	[tilespmem:s9], [sflag:$0x7] =	stream.linear.gather @!p1 [hbm4b:s8+s6], $0x78, $0x38;
	[tilespmem:$0x1F600] =	vst v63  }
0x4f: {  	_ =	swait.ge [sflag:s2], $0x78  }
0x50: {  	[sflag:s2] =	ssyncset.done $0x0  }
0x51: {  	[sflag:s2] =	ssyncadd.s32 $0xFFFFFF88  }
0x52: {  	_ =	swait.ge [sflag:s2], $0x78  }
0x53: {  	[sflag:s2] =	ssyncset.done $0x0  }
0x54: {  	[sflag:s2] =	ssyncadd.s32 $0xFFFFFF88  }
0x55: {  	[tilespmem:s23], [sflag:$0x2] =	stream.indirect.gather [hbm4b:s25+s11], $0x80, s26, s11, $0xb8;
	[tilespmem:$0x1F600] =	vst v63  }
0x56: {  	_ =	swait.ge [sflag:s10], $0x3C00  }
0x57: {  	[sflag:s10] =	ssyncset.done $0x0  }
0x58: {  	s23 =	simm.s32 $0x400;
	[sflag:s10] =	ssyncadd.s32 $0xFFFFC400  }
0x59: {  	[spmem:s1] =	stream.indirect.scatter.add.f32 [tilespmem:s28], [sflag:$0x6], $0x80, s23, s11, $0xb8;
	[tilespmem:$0x1F600] =	vst v63  }
0x5a: {  	_ =	swait.ge [sflag:s13], $0x3C00  }
0x5b: {  	[sflag:s13] =	ssyncset.done $0x0  }
0x5c: {  	s9 =	sadd.s32 @!p1 $0x69, s7;
	s8 =	simm.s32 @!p1 $0x80;
	[sflag:s13] =	ssyncadd.s32 $0xFFFFC400  }
0x5d: {  	[tilespmem:s8], [sflag:$0x8] =	stream.linear.gather @!p1 [hbm4b:s9+s6], $0x78, $0x38;
	[tilespmem:$0x1F600] =	vst v63  }
0x5e: {  	s14 =	simm.s32 @!p1 $0x380;
	s9 =	sadd.s32 @!p1 $0x69, s5  }
0x5f: {  	[tilespmem:s14], [sflag:$0x8] =	stream.linear.gather @!p1 [hbm4b:s9+s6], $0x78, $0x38;
	[tilespmem:$0x1F600] =	vst v63  }
0x60: {  	_ =	swait.ge [sflag:s3], $0x78  }
0x61: {  	[sflag:s3] =	ssyncset.done $0x0  }
0x62: {  	[sflag:s3] =	ssyncadd.s32 $0xFFFFFF88  }
0x63: {  	_ =	swait.ge [sflag:s3], $0x78  }
0x64: {  	[sflag:s3] =	ssyncset.done $0x0  }
0x65: {  	[sflag:s3] =	ssyncadd.s32 $0xFFFFFF88  }
0x66: {  	[tilespmem:s28], [sflag:$0x3] =	stream.indirect.gather [hbm4b:s25+s11], $0x80, s30, s11, $0xb8;
	[tilespmem:$0x1F600] =	vst v63  }
0x67: {  	_ =	swait.ge [sflag:s29], $0x3C00  }
0x68: {  	[sflag:s29] =	ssyncset.done $0x0  }
0x69: {  	[sflag:s29] =	ssyncadd.s32 $0xFFFFC400  }
0x6a: {  	[spmem:s1] =	stream.indirect.scatter.add.f32 [tilespmem:s12], [sflag:$0x4], $0x80, s21, s11, $0xb8;
	[tilespmem:$0x1F600] =	vst v63  }
0x6b: {  	_ =	swait.ge [sflag:s4], $0x3C00  }
0x6c: {  	[sflag:s4] =	ssyncset.done $0x0  }
0x6d: {  	s9 =	simm.s32 @p1 $0x2;
	[sflag:s4] =	ssyncadd.s32 $0xFFFFC400  }
0x6e: {  	_ =	swait.ge @p1 [sflag:s9], $0x3C00  }
0x6f: {  	s16 =	simm.s32 @p1 $0x500;
	[sflag:s9] =	ssyncset.done @p1 $0x0  }
0x70: {  	s14 =	simm.s32 @p1 $0x4200;
	[sflag:s9] =	ssyncadd.s32 @p1 $0xFFFFC400;
	s9 =	simm.s32 @p1 $0x78  }
0x71: {  	[spmem:s1] =	stream.indirect.scatter.add.f32 @p1 [tilespmem:s14], [sflag:$0x5], $0x80, s16, s9, $0xb8;
	[tilespmem:$0x1F600] =	vst v63  }
0x72: {  	s9 =	simm.s32 @p1 $0x5  }
0x73: {  	_ =	swait.ge @p1 [sflag:s9], $0x3C00  }
0x74: {  	[sflag:s9] =	ssyncset.done @p1 $0x0  }
0x75: {  	s14 =	sadd.s32 @!p1 $0x78, s7;
	[sflag:s9] =	ssyncadd.s32 @p1 $0xFFFFC400;
	s9 =	simm.s32 @!p1 $0x100  }
0x76: {  	[tilespmem:s9], [sflag:$0x9] =	stream.linear.gather @!p1 [hbm4b:s14+s6], $0x78, $0x38;
	[tilespmem:$0x1F600] =	vst v63  }
0x77: {  	s16 =	simm.s32 @!p1 $0x7;
	s9 =	sadd.s32 @!p1 $0x78, s5;
	s14 =	simm.s32 @!p1 $0x400  }
0x78: {  	[tilespmem:s14], [sflag:$0x9] =	stream.linear.gather @!p1 [hbm4b:s9+s6], $0x78, $0x38;
	[tilespmem:$0x1F600] =	vst v63  }
0x79: {  	_ =	swait.ge @!p1 [sflag:s16], $0x78  }
0x7a: {  	[sflag:s16] =	ssyncset.done @!p1 $0x0  }
0x7b: {  	[sflag:s16] =	ssyncadd.s32 @!p1 $0xFFFFFF88  }
0x7c: {  	_ =	swait.ge @!p1 [sflag:s16], $0x78  }
0x7d: {  	s9 =	simm.s32 @!p1 $0x2;
	[sflag:s16] =	ssyncset.done @!p1 $0x0  }
0x7e: {  	s14 =	simm.s32 @!p1 $0x78;
	[sflag:s16] =	ssyncadd.s32 @!p1 $0xFFFFFF88;
	s16 =	simm.s32 @!p1 $0x600  }
0x7f: {  	[tilespmem:s16], [sflag:$0x1] =	stream.indirect.gather @!p1 [hbm4b:s25+s14], $0x80, s6, s14, $0xb8;
	[tilespmem:$0x1F600] =	vst v63  }
0x80: {  	_ =	swait.ge @!p1 [sflag:s9], $0x3C00  }
0x81: {  	[sflag:s9] =	ssyncset.done @!p1 $0x0  }
0x82: {  	s16 =	simm.s32 @!p1 $0x4200;
	[sflag:s9] =	ssyncadd.s32 @!p1 $0xFFFFC400;
	s9 =	simm.s32 @!p1 $0x500  }
0x83: {  	[spmem:s1] =	stream.indirect.scatter.add.f32 @!p1 [tilespmem:s16], [sflag:$0x5], $0x80, s9, s14, $0xb8;
	[tilespmem:$0x1F600] =	vst v63  }
0x84: {  	s9 =	simm.s32 @!p1 $0x5  }
0x85: {  	_ =	swait.ge @!p1 [sflag:s9], $0x3C00  }
0x86: {  	[sflag:s9] =	ssyncset.done @!p1 $0x0  }
0x87: {  	s7 =	sadd.s32 @!p1 $0x87, s7;
	[sflag:s9] =	ssyncadd.s32 @!p1 $0xFFFFC400;
	s9 =	simm.s32 @!p1 $0x180  }
0x88: {  	[tilespmem:s9], [sflag:$0xA] =	stream.linear.gather @!p1 [hbm4b:s7+s6], $0x78, $0x38;
	[tilespmem:$0x1F600] =	vst v63  }
0x89: {  	s5 =	sadd.s32 @!p1 $0x87, s5;
	s7 =	simm.s32 @!p1 $0x480  }
0x8a: {  	[tilespmem:s7], [sflag:$0xA] =	stream.linear.gather @!p1 [hbm4b:s5+s6], $0x78, $0x38;
	[tilespmem:$0x1F600] =	vst v63  }
0x8b: {  	s5 =	simm.s32 @!p1 $0x8  }
0x8c: {  	_ =	swait.ge @!p1 [sflag:s5], $0x78  }
0x8d: {  	[sflag:s5] =	ssyncset.done @!p1 $0x0  }
0x8e: {  	[sflag:s5] =	ssyncadd.s32 @!p1 $0xFFFFFF88  }
0x8f: {  	_ =	swait.ge @!p1 [sflag:s5], $0x78  }
0x90: {  	[sflag:s5] =	ssyncset.done @!p1 $0x0  }
0x91: {  	[sflag:s5] =	ssyncadd.s32 @!p1 $0xFFFFFF88  }
0x92: {  	[tilespmem:s16], [sflag:$0x2] =	stream.indirect.gather @!p1 [hbm4b:s25+s14], $0x80, s8, s14, $0xb8;
	[tilespmem:$0x1F600] =	vst v63  }
0x93: {  	_ =	swait.ge [sflag:s10], $0x3C00  }
0x94: {  	s9 =	simm.s32 $0x380;
	s5 =	rddreg [dreg:$0x19]  }
0x95: {  	s8 =	simm.s32 $0x300;
	[sflag:s10] =	ssyncset.done $0x0;
	s21 =	rddreg [dreg:$0x5]  }
0x96: {  	s14 =	simm.s32 $0x100;
	s23 =	rddreg [dreg:$0x6];
	[sflag:s10] =	ssyncadd.s32 $0xFFFFC400  }
0x97: {  	[spmem:s1] =	stream.indirect.scatter.add.f32 [tilespmem:s28], [sflag:$0x6], $0x80, s17, s11, $0xb8;
	[tilespmem:$0x1F600] =	vst v63  }
0x98: {  	s16 =	simm.s32 $0x400;
	s30 =	rddreg [dreg:$0x1e];
	s17 =	simm.s32 $0x180  }
.LBB2_8:
0x99: {  	_ =	swait.ge [sflag:s13], $0x3C00  }
0x9a: {  	[sflag:s13] =	ssyncset.done $0x0  }
0x9b: {  	[sflag:s13] =	ssyncadd.s32 $0xFFFFC400  }
0x9c: {  	s6 =	rddreg [dreg:$0x1d];
	[bflag:$0x0] =	sbarrier.arrive $0xFFFF  }
0x9d: {  	s5 =	sadd.s32 s5, s6;
	s6 =	rddreg [dreg:$0x1b]  }
0x9e: {  	s7 =	rddreg [dreg:$0x1f]  }
0x9f: {  	[hbm:s5], [sflag:s6] =	dma.local [spmem:s7], $0x2780  }
0xa0: {  	s7 =	simm.s32 $0xD  }
0xa1: {  	_ =	swait.ge [sflag:s7], $0x2780  }
0xa2: {  	s30 =	sadd.s32 $0x1, s30;
	s5 =	rddreg [dreg:$0x1c]  }
0xa3: {  	p1 =	sne.s32 s30, s5  }
.Ltmp1:
0xa4: {  	_ = 	snop;
	(pc) =	sbr.rel @!p1 .LBB2_9-.Ltmp1, $3  }
0xa5: {  	_ =	sdelay $0x1  }
0xa6: {  	[sflag:s7] =	ssyncset.done $0x0  }
0xa7: {  	[sflag:s7] =	ssyncadd.s32 $0xFFFFD880  }
.LBB2_1:
0xa8: {  	[dreg:$0x1e] =	wrdreg s30  }
0xa9: {  	s5 =	rddreg [dreg:$0x1a]  }
0xaa: {  	s30 =	sshrl.u32 s5, $0x3;
	s5 =	rddreg [dreg:$0x17]  }
0xab: {  	[dreg:$0x1f] =	wrdreg s30  }
0xac: {  	[spmem:s30], [sflag:s6] =	dma.local [hbm:s5], $0x2780  }
.Ltmp2:
0xad: {  	_ =	swait.ge [sflag:s7], $0x2780;
	(pc) =	sbr.rel @p0 .LBB2_5-.Ltmp2, $4  }
0xae: {  	[sflag:s7] =	ssyncset.done $0x0  }
0xaf: {  	[sflag:s7] =	ssyncadd.s32 $0xFFFFD880  }
0xb0: {  	[bflag:$0x0] =	sbarrier.arrive $0xFFFF  }
0xb1: {  	s5 =	simm.s32 $0x0  }
0xb2: {  	s6 =	rddreg [dreg:$0xf]  }
0xb3: {  	[tilespmem:s5], [sflag:$0x7] =	stream.linear.gather [hbm4b:s6+s5], $0x78, $0x38;
	[tilespmem:$0x1F600] =	vst v63  }
0xb4: {  	s7 =	rddreg [dreg:$0x10]  }
0xb5: {  	[tilespmem:s8], [sflag:$0x7] =	stream.linear.gather [hbm4b:s7+s5], $0x78, $0x38;
	[tilespmem:$0x1F600] =	vst v63  }
0xb6: {  	s19 =	rddreg [dreg:$0x11];
	s7 =	simm.s32 $0x80  }
0xb7: {  	[tilespmem:s7], [sflag:$0x8] =	stream.linear.gather [hbm4b:s19+s5], $0x78, $0x38;
	[tilespmem:$0x1F600] =	vst v63  }
0xb8: {  	s20 =	rddreg [dreg:$0x12]  }
0xb9: {  	[tilespmem:s9], [sflag:$0x8] =	stream.linear.gather [hbm4b:s20+s5], $0x78, $0x38;
	[tilespmem:$0x1F600] =	vst v63  }
0xba: {  	s26 =	rddreg [dreg:$0x13]  }
0xbb: {  	[tilespmem:s14], [sflag:$0x9] =	stream.linear.gather [hbm4b:s26+s5], $0x78, $0x38;
	[tilespmem:$0x1F600] =	vst v63  }
0xbc: {  	s19 =	rddreg [dreg:$0x14]  }
0xbd: {  	[tilespmem:s16], [sflag:$0x9] =	stream.linear.gather [hbm4b:s19+s5], $0x78, $0x38;
	[tilespmem:$0x1F600] =	vst v63  }
0xbe: {  	s20 =	rddreg [dreg:$0x15]  }
0xbf: {  	[tilespmem:s17], [sflag:$0xA] =	stream.linear.gather [hbm4b:s20+s5], $0x78, $0x38;
	[tilespmem:$0x1F600] =	vst v63  }
0xc0: {  	s26 =	rddreg [dreg:$0x16];
	s19 =	simm.s32 $0x480;
	s20 =	simm.s32 $0x7  }
0xc1: {  	[tilespmem:s19], [sflag:$0xA] =	stream.linear.gather [hbm4b:s26+s5], $0x78, $0x38;
	[tilespmem:$0x1F600] =	vst v63  }
0xc2: {  	_ =	swait.ge [sflag:s20], $0x78  }
0xc3: {  	[sflag:s20] =	ssyncset.done $0x0  }
0xc4: {  	[sflag:s20] =	ssyncadd.s32 $0xFFFFFF88  }
0xc5: {  	_ =	swait.ge [sflag:s20], $0x78  }
0xc6: {  	[sflag:s20] =	ssyncset.done $0x0  }
0xc7: {  	s26 =	simm.s32 $0x8;
	[sflag:s20] =	ssyncadd.s32 $0xFFFFFF88  }
0xc8: {  	[tilespmem:s12], [sflag:$0x1] =	stream.indirect.gather [hbm4b:s24+s11], $0x80, s5, s11, $0xb8;
	[tilespmem:$0x1F600] =	vst v63  }
0xc9: {  	_ =	swait.ge [sflag:s26], $0x78  }
0xca: {  	[sflag:s26] =	ssyncset.done $0x0  }
0xcb: {  	[sflag:s26] =	ssyncadd.s32 $0xFFFFFF88  }
0xcc: {  	_ =	swait.ge [sflag:s26], $0x78  }
0xcd: {  	p1 =	por $0x1, $0x1;
	[sflag:s26] =	ssyncset.done $0x0  }
0xce: {  	s5 =	simm.s32 @!p1 $0x6;
	[sflag:s26] =	ssyncadd.s32 $0xFFFFFF88;
	s26 =	simm.s32 $0x4200  }
0xcf: {  	[tilespmem:s26], [sflag:$0x2] =	stream.indirect.gather [hbm4b:s24+s11], $0x80, s7, s11, $0xb8;
	[tilespmem:$0x1F600] =	vst v63  }
0xd0: {  	_ =	swait.ge @!p1 [sflag:s5], $0x3C00  }
0xd1: {  	s30 =	simm.s32 $0x200;
	s6 =	sadd.s32 $0x0, s23;
	[sflag:s5] =	ssyncset.done @!p1 $0x0  }
0xd2: {  	s7 =	sadd.s32 $0x0, s21;
	[sflag:s5] =	ssyncadd.s32 @!p1 $0xFFFFC400;
	s5 =	sadd.s32 $0x3C, s6  }
0xd3: {  	[tilespmem:s30], [sflag:$0xB] =	stream.linear.gather [hbm4b:s5+s22], $0x78, $0x38;
	[tilespmem:$0x1F600] =	vst v63  }
0xd4: {  	s20 =	simm.s32 $0x500;
	s5 =	sadd.s32 $0x3C, s7  }
0xd5: {  	[tilespmem:s20], [sflag:$0xB] =	stream.linear.gather [hbm4b:s5+s22], $0x78, $0x38;
	[tilespmem:$0x1F600] =	vst v63  }
0xd6: {  	_ =	swait.ge [sflag:s18], $0x78  }
0xd7: {  	[sflag:s18] =	ssyncset.done $0x0  }
0xd8: {  	[sflag:s18] =	ssyncadd.s32 $0xFFFFFF88  }
0xd9: {  	_ =	swait.ge [sflag:s18], $0x78  }
0xda: {  	[sflag:s18] =	ssyncset.done $0x0  }
0xdb: {  	[sflag:s18] =	ssyncadd.s32 $0xFFFFFF88  }
0xdc: {  	[tilespmem:s28], [sflag:$0x3] =	stream.indirect.gather [hbm4b:s24+s11], $0x80, s14, s11, $0xb8;
	[tilespmem:$0x1F600] =	vst v63  }
0xdd: {  	_ =	swait.ge [sflag:s29], $0x3C00  }
0xde: {  	[sflag:s29] =	ssyncset.done $0x0  }
0xdf: {  	[sflag:s29] =	ssyncadd.s32 $0xFFFFC400  }
0xe0: {  	[spmem:s1] =	stream.indirect.scatter.add.f32 [tilespmem:s12], [sflag:$0x4], $0x80, s8, s11, $0xb8;
	[tilespmem:$0x1F600] =	vst v63  }
0xe1: {  	_ =	swait.ge [sflag:s4], $0x3C00  }
0xe2: {  	[sflag:s4] =	ssyncset.done $0x0  }
0xe3: {  	s6 =	sadd.s32 $0x4B, s6;
	s20 =	simm.s32 $0x280;
	[sflag:s4] =	ssyncadd.s32 $0xFFFFC400  }
0xe4: {  	[tilespmem:s20], [sflag:$0xC] =	stream.linear.gather [hbm4b:s6+s22], $0x78, $0x38;
	[tilespmem:$0x1F600] =	vst v63  }
0xe5: {  	s14 =	simm.s32 $0x580;
	s8 =	sadd.s32 $0x4B, s7  }
0xe6: {  	[tilespmem:s14], [sflag:$0xC] =	stream.linear.gather [hbm4b:s8+s22], $0x78, $0x38;
	[tilespmem:$0x1F600] =	vst v63  }
0xe7: {  	_ =	swait.ge [sflag:s15], $0x78  }
0xe8: {  	[sflag:s15] =	ssyncset.done $0x0  }
0xe9: {  	[sflag:s15] =	ssyncadd.s32 $0xFFFFFF88  }
0xea: {  	_ =	swait.ge [sflag:s15], $0x78  }
0xeb: {  	[sflag:s15] =	ssyncset.done $0x0  }
0xec: {  	[sflag:s15] =	ssyncadd.s32 $0xFFFFFF88  }
0xed: {  	[tilespmem:s12], [sflag:$0x1] =	stream.indirect.gather [hbm4b:s24+s11], $0x80, s17, s11, $0xb8;
	[tilespmem:$0x1F600] =	vst v63  }
0xee: {  	_ =	swait.ge [sflag:s0], $0x3C00  }
0xef: {  	[sflag:s0] =	ssyncset.done $0x0  }
0xf0: {  	[sflag:s0] =	ssyncadd.s32 $0xFFFFC400  }
0xf1: {  	[spmem:s1] =	stream.indirect.scatter.add.f32 [tilespmem:s26], [sflag:$0x5], $0x80, s9, s11, $0xb8;
	[tilespmem:$0x1F600] =	vst v63  }
0xf2: {  	p1 =	por $0x0, $0x0;
	_ =	swait.ge [sflag:s31], $0x3C00  }
0xf3: {  	s5 =	sadd.s32 @!p1 $0x0, s21;
	s7 =	sadd.s32 @!p1 $0x0, s23;
	[sflag:s31] =	ssyncset.done $0x0  }
0xf4: {  	s6 =	simm.s32 @!p1 $0x0;
	s8 =	sadd.s32 @!p1 $0x5A, s7;
	[sflag:s31] =	ssyncadd.s32 $0xFFFFC400  }
0xf5: {  	[tilespmem:s6], [sflag:$0x7] =	stream.linear.gather @!p1 [hbm4b:s8+s6], $0x78, $0x38;
	[tilespmem:$0x1F600] =	vst v63  }
0xf6: {  	s9 =	simm.s32 @!p1 $0x300;
	s8 =	sadd.s32 @!p1 $0x5A, s5  }
0xf7: {  	[tilespmem:s9], [sflag:$0x7] =	stream.linear.gather @!p1 [hbm4b:s8+s6], $0x78, $0x38;
	[tilespmem:$0x1F600] =	vst v63  }
0xf8: {  	_ =	swait.ge [sflag:s2], $0x78  }
0xf9: {  	[sflag:s2] =	ssyncset.done $0x0  }
0xfa: {  	[sflag:s2] =	ssyncadd.s32 $0xFFFFFF88  }
0xfb: {  	_ =	swait.ge [sflag:s2], $0x78  }
0xfc: {  	[sflag:s2] =	ssyncset.done $0x0  }
0xfd: {  	[sflag:s2] =	ssyncadd.s32 $0xFFFFFF88  }
0xfe: {  	[tilespmem:s26], [sflag:$0x2] =	stream.indirect.gather [hbm4b:s24+s11], $0x80, s30, s11, $0xb8;
	[tilespmem:$0x1F600] =	vst v63  }
0xff: {  	_ =	swait.ge [sflag:s10], $0x3C00  }
0x100: {  	[sflag:s10] =	ssyncset.done $0x0  }
0x101: {  	[sflag:s10] =	ssyncadd.s32 $0xFFFFC400  }
0x102: {  	[spmem:s1] =	stream.indirect.scatter.add.f32 [tilespmem:s28], [sflag:$0x6], $0x80, s16, s11, $0xb8;
	[tilespmem:$0x1F600] =	vst v63  }
0x103: {  	_ =	swait.ge [sflag:s13], $0x3C00  }
0x104: {  	[sflag:s13] =	ssyncset.done $0x0  }
0x105: {  	s9 =	sadd.s32 @!p1 $0x69, s7;
	s8 =	simm.s32 @!p1 $0x80;
	[sflag:s13] =	ssyncadd.s32 $0xFFFFC400  }
0x106: {  	[tilespmem:s8], [sflag:$0x8] =	stream.linear.gather @!p1 [hbm4b:s9+s6], $0x78, $0x38;
	[tilespmem:$0x1F600] =	vst v63  }
0x107: {  	s17 =	simm.s32 @!p1 $0x380;
	s9 =	sadd.s32 @!p1 $0x69, s5  }
0x108: {  	[tilespmem:s17], [sflag:$0x8] =	stream.linear.gather @!p1 [hbm4b:s9+s6], $0x78, $0x38;
	[tilespmem:$0x1F600] =	vst v63  }
0x109: {  	_ =	swait.ge [sflag:s3], $0x78  }
0x10a: {  	[sflag:s3] =	ssyncset.done $0x0  }
0x10b: {  	[sflag:s3] =	ssyncadd.s32 $0xFFFFFF88  }
0x10c: {  	_ =	swait.ge [sflag:s3], $0x78  }
0x10d: {  	[sflag:s3] =	ssyncset.done $0x0  }
0x10e: {  	[sflag:s3] =	ssyncadd.s32 $0xFFFFFF88  }
0x10f: {  	[tilespmem:s28], [sflag:$0x3] =	stream.indirect.gather [hbm4b:s24+s11], $0x80, s20, s11, $0xb8;
	[tilespmem:$0x1F600] =	vst v63  }
0x110: {  	_ =	swait.ge [sflag:s29], $0x3C00  }
0x111: {  	[sflag:s29] =	ssyncset.done $0x0  }
0x112: {  	[sflag:s29] =	ssyncadd.s32 $0xFFFFC400  }
0x113: {  	[spmem:s1] =	stream.indirect.scatter.add.f32 [tilespmem:s12], [sflag:$0x4], $0x80, s19, s11, $0xb8;
	[tilespmem:$0x1F600] =	vst v63  }
0x114: {  	_ =	swait.ge [sflag:s4], $0x3C00  }
0x115: {  	[sflag:s4] =	ssyncset.done $0x0  }
0x116: {  	s9 =	simm.s32 @p1 $0x2;
	[sflag:s4] =	ssyncadd.s32 $0xFFFFC400  }
0x117: {  	_ =	swait.ge @p1 [sflag:s9], $0x3C00  }
0x118: {  	s17 =	simm.s32 @p1 $0x4200;
	[sflag:s9] =	ssyncset.done @p1 $0x0  }
0x119: {  	s19 =	simm.s32 @p1 $0x500;
	[sflag:s9] =	ssyncadd.s32 @p1 $0xFFFFC400;
	s9 =	simm.s32 @p1 $0x78  }
0x11a: {  	[spmem:s1] =	stream.indirect.scatter.add.f32 @p1 [tilespmem:s17], [sflag:$0x5], $0x80, s19, s9, $0xb8;
	[tilespmem:$0x1F600] =	vst v63  }
0x11b: {  	s9 =	simm.s32 @p1 $0x5  }
0x11c: {  	_ =	swait.ge @p1 [sflag:s9], $0x3C00  }
0x11d: {  	[sflag:s9] =	ssyncset.done @p1 $0x0  }
0x11e: {  	s17 =	sadd.s32 @!p1 $0x78, s7;
	[sflag:s9] =	ssyncadd.s32 @p1 $0xFFFFC400;
	s9 =	simm.s32 @!p1 $0x100  }
0x11f: {  	[tilespmem:s9], [sflag:$0x9] =	stream.linear.gather @!p1 [hbm4b:s17+s6], $0x78, $0x38;
	[tilespmem:$0x1F600] =	vst v63  }
0x120: {  	s19 =	simm.s32 @!p1 $0x7;
	s9 =	sadd.s32 @!p1 $0x78, s5;
	s17 =	simm.s32 @!p1 $0x400  }
0x121: {  	[tilespmem:s17], [sflag:$0x9] =	stream.linear.gather @!p1 [hbm4b:s9+s6], $0x78, $0x38;
	[tilespmem:$0x1F600] =	vst v63  }
0x122: {  	_ =	swait.ge @!p1 [sflag:s19], $0x78  }
0x123: {  	[sflag:s19] =	ssyncset.done @!p1 $0x0  }
0x124: {  	[sflag:s19] =	ssyncadd.s32 @!p1 $0xFFFFFF88  }
0x125: {  	_ =	swait.ge @!p1 [sflag:s19], $0x78  }
0x126: {  	s9 =	simm.s32 @!p1 $0x2;
	[sflag:s19] =	ssyncset.done @!p1 $0x0  }
0x127: {  	s17 =	simm.s32 @!p1 $0x78;
	[sflag:s19] =	ssyncadd.s32 @!p1 $0xFFFFFF88;
	s19 =	simm.s32 @!p1 $0x600  }
0x128: {  	[tilespmem:s19], [sflag:$0x1] =	stream.indirect.gather @!p1 [hbm4b:s24+s17], $0x80, s6, s17, $0xb8;
	[tilespmem:$0x1F600] =	vst v63  }
0x129: {  	_ =	swait.ge @!p1 [sflag:s9], $0x3C00  }
0x12a: {  	[sflag:s9] =	ssyncset.done @!p1 $0x0  }
0x12b: {  	s19 =	simm.s32 @!p1 $0x4200;
	[sflag:s9] =	ssyncadd.s32 @!p1 $0xFFFFC400;
	s9 =	simm.s32 @!p1 $0x500  }
0x12c: {  	[spmem:s1] =	stream.indirect.scatter.add.f32 @!p1 [tilespmem:s19], [sflag:$0x5], $0x80, s9, s17, $0xb8;
	[tilespmem:$0x1F600] =	vst v63  }
0x12d: {  	s9 =	simm.s32 @!p1 $0x5  }
0x12e: {  	_ =	swait.ge @!p1 [sflag:s9], $0x3C00  }
0x12f: {  	[sflag:s9] =	ssyncset.done @!p1 $0x0  }
0x130: {  	s7 =	sadd.s32 @!p1 $0x87, s7;
	[sflag:s9] =	ssyncadd.s32 @!p1 $0xFFFFC400;
	s9 =	simm.s32 @!p1 $0x180  }
0x131: {  	[tilespmem:s9], [sflag:$0xA] =	stream.linear.gather @!p1 [hbm4b:s7+s6], $0x78, $0x38;
	[tilespmem:$0x1F600] =	vst v63  }
0x132: {  	s5 =	sadd.s32 @!p1 $0x87, s5;
	s7 =	simm.s32 @!p1 $0x480  }
0x133: {  	[tilespmem:s7], [sflag:$0xA] =	stream.linear.gather @!p1 [hbm4b:s5+s6], $0x78, $0x38;
	[tilespmem:$0x1F600] =	vst v63  }
0x134: {  	s5 =	simm.s32 @!p1 $0x8  }
0x135: {  	_ =	swait.ge @!p1 [sflag:s5], $0x78  }
0x136: {  	[sflag:s5] =	ssyncset.done @!p1 $0x0  }
0x137: {  	[sflag:s5] =	ssyncadd.s32 @!p1 $0xFFFFFF88  }
0x138: {  	_ =	swait.ge @!p1 [sflag:s5], $0x78  }
0x139: {  	[sflag:s5] =	ssyncset.done @!p1 $0x0  }
0x13a: {  	[sflag:s5] =	ssyncadd.s32 @!p1 $0xFFFFFF88  }
0x13b: {  	[tilespmem:s19], [sflag:$0x2] =	stream.indirect.gather @!p1 [hbm4b:s24+s17], $0x80, s8, s17, $0xb8;
	[tilespmem:$0x1F600] =	vst v63  }
0x13c: {  	p2 =	por $0x0, $0x0;
	_ =	swait.ge [sflag:s10], $0x3C00  }
0x13d: {  	s6 =	simm.s32 $0xB4;
	s5 =	simm.s32 $0x5A;
	[sflag:s10] =	ssyncset.done $0x0  }
.LBB2_3:
0x13e: {  	s7 =	simm.s32 @!p2 $0x6;
	[sflag:s10] =	ssyncadd.s32 $0xFFFFC400  }
0x13f: {  	[spmem:s1] =	stream.indirect.scatter.add.f32 [tilespmem:s28], [sflag:$0x6], $0x80, s14, s11, $0xb8;
	[tilespmem:$0x1F600] =	vst v63  }
0x140: {  	_ =	swait.ge @!p2 [sflag:s7], $0x3C00  }
0x141: {  	s8 =	sadd.s32 s5, s23;
	[sflag:s7] =	ssyncset.done @!p2 $0x0  }
0x142: {  	s9 =	sadd.s32 s5, s21;
	s16 =	sadd.s32 $0x3C, s8;
	[sflag:s7] =	ssyncadd.s32 @!p2 $0xFFFFC400  }
0x143: {  	[tilespmem:s30], [sflag:$0xB] =	stream.linear.gather [hbm4b:s16+s22], $0x78, $0x38;
	[tilespmem:$0x1F600] =	vst v63  }
0x144: {  	s19 =	sadd.s32 $0x3C, s9;
	s16 =	simm.s32 $0x500  }
0x145: {  	[tilespmem:s16], [sflag:$0xB] =	stream.linear.gather [hbm4b:s19+s22], $0x78, $0x38;
	[tilespmem:$0x1F600] =	vst v63  }
0x146: {  	_ =	swait.ge [sflag:s18], $0x78  }
0x147: {  	[sflag:s18] =	ssyncset.done $0x0  }
0x148: {  	[sflag:s18] =	ssyncadd.s32 $0xFFFFFF88  }
0x149: {  	_ =	swait.ge [sflag:s18], $0x78  }
0x14a: {  	[sflag:s18] =	ssyncset.done $0x0  }
0x14b: {  	s16 =	simm.s32 $0x100;
	[sflag:s18] =	ssyncadd.s32 $0xFFFFFF88  }
0x14c: {  	[tilespmem:s28], [sflag:$0x3] =	stream.indirect.gather [hbm4b:s24+s11], $0x80, s16, s11, $0xb8;
	[tilespmem:$0x1F600] =	vst v63  }
0x14d: {  	_ =	swait.ge [sflag:s29], $0x3C00  }
0x14e: {  	[sflag:s29] =	ssyncset.done $0x0  }
0x14f: {  	s19 =	simm.s32 $0x300;
	[sflag:s29] =	ssyncadd.s32 $0xFFFFC400  }
0x150: {  	[spmem:s1] =	stream.indirect.scatter.add.f32 [tilespmem:s12], [sflag:$0x4], $0x80, s19, s11, $0xb8;
	[tilespmem:$0x1F600] =	vst v63  }
0x151: {  	_ =	swait.ge [sflag:s4], $0x3C00  }
0x152: {  	[sflag:s4] =	ssyncset.done $0x0  }
0x153: {  	s8 =	sadd.s32 $0x4B, s8;
	[sflag:s4] =	ssyncadd.s32 $0xFFFFC400  }
0x154: {  	[tilespmem:s20], [sflag:$0xC] =	stream.linear.gather [hbm4b:s8+s22], $0x78, $0x38;
	[tilespmem:$0x1F600] =	vst v63  }
0x155: {  	s9 =	sadd.s32 $0x4B, s9  }
0x156: {  	[tilespmem:s14], [sflag:$0xC] =	stream.linear.gather [hbm4b:s9+s22], $0x78, $0x38;
	[tilespmem:$0x1F600] =	vst v63  }
0x157: {  	_ =	swait.ge [sflag:s15], $0x78  }
0x158: {  	[sflag:s15] =	ssyncset.done $0x0  }
0x159: {  	[sflag:s15] =	ssyncadd.s32 $0xFFFFFF88  }
0x15a: {  	_ =	swait.ge [sflag:s15], $0x78  }
0x15b: {  	[sflag:s15] =	ssyncset.done $0x0  }
0x15c: {  	s14 =	simm.s32 $0x180;
	[sflag:s15] =	ssyncadd.s32 $0xFFFFFF88  }
0x15d: {  	[tilespmem:s12], [sflag:$0x1] =	stream.indirect.gather [hbm4b:s24+s11], $0x80, s14, s11, $0xb8;
	[tilespmem:$0x1F600] =	vst v63  }
0x15e: {  	_ =	swait.ge [sflag:s0], $0x3C00  }
0x15f: {  	[sflag:s0] =	ssyncset.done $0x0  }
0x160: {  	s16 =	simm.s32 $0x380;
	[sflag:s0] =	ssyncadd.s32 $0xFFFFC400  }
0x161: {  	[spmem:s1] =	stream.indirect.scatter.add.f32 [tilespmem:s26], [sflag:$0x5], $0x80, s16, s11, $0xb8;
	[tilespmem:$0x1F600] =	vst v63  }
0x162: {  	p2 =	seq.s32 s5, $0x97E;
	_ =	swait.ge [sflag:s31], $0x3C00  }
0x163: {  	s7 =	simm.s32 @!p2 $0x0;
	s8 =	sadd.s32 @!p2 s5, s23;
	[sflag:s31] =	ssyncset.done $0x0  }
0x164: {  	s5 =	sadd.s32 @!p2 s5, s21;
	s9 =	sadd.s32 @!p2 $0x5A, s8;
	[sflag:s31] =	ssyncadd.s32 $0xFFFFC400  }
0x165: {  	[tilespmem:s7], [sflag:$0x7] =	stream.linear.gather @!p2 [hbm4b:s9+s7], $0x78, $0x38;
	[tilespmem:$0x1F600] =	vst v63  }
0x166: {  	s19 =	simm.s32 @!p2 $0x300;
	s9 =	sadd.s32 @!p2 $0x5A, s5  }
0x167: {  	[tilespmem:s19], [sflag:$0x7] =	stream.linear.gather @!p2 [hbm4b:s9+s7], $0x78, $0x38;
	[tilespmem:$0x1F600] =	vst v63  }
0x168: {  	_ =	swait.ge [sflag:s2], $0x78  }
0x169: {  	[sflag:s2] =	ssyncset.done $0x0  }
0x16a: {  	[sflag:s2] =	ssyncadd.s32 $0xFFFFFF88  }
0x16b: {  	_ =	swait.ge [sflag:s2], $0x78  }
0x16c: {  	s17 =	smov.u32 s6;
	[sflag:s2] =	ssyncset.done $0x0  }
0x16d: {  	s21 =	sadd.s32 @!p2 $0x69, s8;
	s23 =	sadd.s32 @!p2 $0x69, s5;
	[sflag:s2] =	ssyncadd.s32 $0xFFFFFF88  }
0x16e: {  	[tilespmem:s26], [sflag:$0x2] =	stream.indirect.gather [hbm4b:s24+s11], $0x80, s30, s11, $0xb8;
	[tilespmem:$0x1F600] =	vst v63  }
0x16f: {  	s20 =	sadd.s32 @!p2 $0x78, s8;
	s19 =	sadd.s32 @!p2 $0x78, s5;
	_ =	swait.ge [sflag:s10], $0x3C00  }
0x170: {  	s9 =	sadd.s32 @!p2 $0x87, s8;
	s8 =	sadd.s32 @!p2 $0x87, s5;
	[sflag:s10] =	ssyncset.done $0x0  }
0x171: {  	s5 =	smov.u32 s17;
	s17 =	simm.s32 $0x400;
	[sflag:s10] =	ssyncadd.s32 $0xFFFFC400  }
0x172: {  	[spmem:s1] =	stream.indirect.scatter.add.f32 [tilespmem:s28], [sflag:$0x6], $0x80, s17, s11, $0xb8;
	[tilespmem:$0x1F600] =	vst v63  }
0x173: {  	_ =	swait.ge [sflag:s13], $0x3C00  }
0x174: {  	[sflag:s13] =	ssyncset.done $0x0  }
0x175: {  	s17 =	simm.s32 @!p2 $0x80;
	[sflag:s13] =	ssyncadd.s32 $0xFFFFC400  }
0x176: {  	[tilespmem:s17], [sflag:$0x8] =	stream.linear.gather @!p2 [hbm4b:s21+s7], $0x78, $0x38;
	[tilespmem:$0x1F600] =	vst v63  }
0x177: {  	s21 =	simm.s32 @!p2 $0x380  }
0x178: {  	[tilespmem:s21], [sflag:$0x8] =	stream.linear.gather @!p2 [hbm4b:s23+s7], $0x78, $0x38;
	[tilespmem:$0x1F600] =	vst v63  }
0x179: {  	_ =	swait.ge [sflag:s3], $0x78  }
0x17a: {  	[sflag:s3] =	ssyncset.done $0x0  }
0x17b: {  	[sflag:s3] =	ssyncadd.s32 $0xFFFFFF88  }
0x17c: {  	_ =	swait.ge [sflag:s3], $0x78  }
0x17d: {  	[sflag:s3] =	ssyncset.done $0x0  }
0x17e: {  	s14 =	simm.s32 $0x280;
	[sflag:s3] =	ssyncadd.s32 $0xFFFFFF88  }
0x17f: {  	[tilespmem:s28], [sflag:$0x3] =	stream.indirect.gather [hbm4b:s24+s11], $0x80, s14, s11, $0xb8;
	[tilespmem:$0x1F600] =	vst v63  }
0x180: {  	_ =	swait.ge [sflag:s29], $0x3C00  }
0x181: {  	[sflag:s29] =	ssyncset.done $0x0  }
0x182: {  	s23 =	simm.s32 $0x480;
	[sflag:s29] =	ssyncadd.s32 $0xFFFFC400  }
0x183: {  	[spmem:s1] =	stream.indirect.scatter.add.f32 [tilespmem:s12], [sflag:$0x4], $0x80, s23, s11, $0xb8;
	[tilespmem:$0x1F600] =	vst v63  }
0x184: {  	_ =	swait.ge [sflag:s4], $0x3C00  }
0x185: {  	[sflag:s4] =	ssyncset.done $0x0  }
0x186: {  	s21 =	simm.s32 @p2 $0x2;
	[sflag:s4] =	ssyncadd.s32 $0xFFFFC400  }
0x187: {  	_ =	swait.ge @p2 [sflag:s21], $0x3C00  }
0x188: {  	s16 =	simm.s32 @p2 $0x500;
	[sflag:s21] =	ssyncset.done @p2 $0x0  }
0x189: {  	s23 =	simm.s32 @p2 $0x4200;
	[sflag:s21] =	ssyncadd.s32 @p2 $0xFFFFC400;
	s21 =	simm.s32 @p2 $0x78  }
0x18a: {  	[spmem:s1] =	stream.indirect.scatter.add.f32 @p2 [tilespmem:s23], [sflag:$0x5], $0x80, s16, s21, $0xb8;
	[tilespmem:$0x1F600] =	vst v63  }
0x18b: {  	s14 =	simm.s32 @p2 $0x5;
	s23 =	rddreg [dreg:$0x6]  }
0x18c: {  	s21 =	rddreg [dreg:$0x5];
	_ =	swait.ge @p2 [sflag:s14], $0x3C00  }
0x18d: {  	[sflag:s14] =	ssyncset.done @p2 $0x0  }
0x18e: {  	[sflag:s14] =	ssyncadd.s32 @p2 $0xFFFFC400;
	s14 =	simm.s32 @!p2 $0x100  }
0x18f: {  	[tilespmem:s14], [sflag:$0x9] =	stream.linear.gather @!p2 [hbm4b:s20+s7], $0x78, $0x38;
	[tilespmem:$0x1F600] =	vst v63  }
0x190: {  	s16 =	simm.s32 @!p2 $0x7;
	s14 =	simm.s32 @!p2 $0x400  }
0x191: {  	[tilespmem:s14], [sflag:$0x9] =	stream.linear.gather @!p2 [hbm4b:s19+s7], $0x78, $0x38;
	[tilespmem:$0x1F600] =	vst v63  }
0x192: {  	_ =	swait.ge @!p2 [sflag:s16], $0x78  }
0x193: {  	[sflag:s16] =	ssyncset.done @!p2 $0x0  }
0x194: {  	[sflag:s16] =	ssyncadd.s32 @!p2 $0xFFFFFF88  }
0x195: {  	_ =	swait.ge @!p2 [sflag:s16], $0x78  }
0x196: {  	s14 =	simm.s32 @!p2 $0x2;
	[sflag:s16] =	ssyncset.done @!p2 $0x0  }
0x197: {  	s19 =	simm.s32 @!p2 $0x600;
	[sflag:s16] =	ssyncadd.s32 @!p2 $0xFFFFFF88;
	s16 =	simm.s32 @!p2 $0x78  }
0x198: {  	[tilespmem:s19], [sflag:$0x1] =	stream.indirect.gather @!p2 [hbm4b:s24+s16], $0x80, s7, s16, $0xb8;
	[tilespmem:$0x1F600] =	vst v63  }
0x199: {  	_ =	swait.ge @!p2 [sflag:s14], $0x3C00  }
0x19a: {  	s20 =	simm.s32 @!p2 $0x4200;
	[sflag:s14] =	ssyncset.done @!p2 $0x0  }
0x19b: {  	s19 =	simm.s32 @!p2 $0x5;
	[sflag:s14] =	ssyncadd.s32 @!p2 $0xFFFFC400;
	s14 =	simm.s32 @!p2 $0x500  }
0x19c: {  	[spmem:s1] =	stream.indirect.scatter.add.f32 @!p2 [tilespmem:s20], [sflag:$0x5], $0x80, s14, s16, $0xb8;
	[tilespmem:$0x1F600] =	vst v63  }
0x19d: {  	_ =	swait.ge @!p2 [sflag:s19], $0x3C00  }
0x19e: {  	[sflag:s19] =	ssyncset.done @!p2 $0x0  }
0x19f: {  	s14 =	simm.s32 @!p2 $0x180;
	[sflag:s19] =	ssyncadd.s32 @!p2 $0xFFFFC400  }
0x1a0: {  	[tilespmem:s14], [sflag:$0xA] =	stream.linear.gather @!p2 [hbm4b:s9+s7], $0x78, $0x38;
	[tilespmem:$0x1F600] =	vst v63  }
0x1a1: {  	s9 =	simm.s32 @!p2 $0x480;
	s14 =	simm.s32 @!p2 $0x8  }
0x1a2: {  	[tilespmem:s9], [sflag:$0xA] =	stream.linear.gather @!p2 [hbm4b:s8+s7], $0x78, $0x38;
	[tilespmem:$0x1F600] =	vst v63  }
0x1a3: {  	_ =	swait.ge @!p2 [sflag:s14], $0x78  }
0x1a4: {  	[sflag:s14] =	ssyncset.done @!p2 $0x0  }
0x1a5: {  	s6 =	sadd.s32 $0x5A, s6;
	[sflag:s14] =	ssyncadd.s32 @!p2 $0xFFFFFF88  }
0x1a6: {  	p1 =	seq.s32 s6, $0x9D8;
	_ =	swait.ge @!p2 [sflag:s14], $0x78  }
.Ltmp3:
0x1a7: {  	[sflag:s14] =	ssyncset.done @!p2 $0x0;
	(pc) =	sbr.rel @!p1 .LBB2_3-.Ltmp3, $4  }
0x1a8: {  	[sflag:s14] =	ssyncadd.s32 @!p2 $0xFFFFFF88  }
0x1a9: {  	[tilespmem:s20], [sflag:$0x2] =	stream.indirect.gather @!p2 [hbm4b:s24+s16], $0x80, s17, s16, $0xb8;
	[tilespmem:$0x1F600] =	vst v63  }
0x1aa: {  	s14 =	simm.s32 $0x580;
	_ =	swait.ge [sflag:s10], $0x3C00  }
0x1ab: {  	s20 =	simm.s32 $0x280;
	p2 =	seq.s32 s5, $0x0;
	[sflag:s10] =	ssyncset.done $0x0  }
0x1ac: {  	s6 =	simm.s32 @!p2 $0x6;
	[sflag:s10] =	ssyncadd.s32 $0xFFFFC400  }
0x1ad: {  	[spmem:s1] =	stream.indirect.scatter.add.f32 [tilespmem:s28], [sflag:$0x6], $0x80, s14, s11, $0xb8;
	[tilespmem:$0x1F600] =	vst v63  }
0x1ae: {  	_ =	swait.ge @!p2 [sflag:s6], $0x3C00  }
0x1af: {  	s7 =	sadd.s32 s5, s23;
	[sflag:s6] =	ssyncset.done @!p2 $0x0  }
0x1b0: {  	s8 =	sadd.s32 s5, s21;
	s9 =	sadd.s32 $0x3C, s7;
	[sflag:s6] =	ssyncadd.s32 @!p2 $0xFFFFC400  }
0x1b1: {  	[tilespmem:s30], [sflag:$0xB] =	stream.linear.gather [hbm4b:s9+s22], $0x78, $0x38;
	[tilespmem:$0x1F600] =	vst v63  }
0x1b2: {  	s16 =	sadd.s32 $0x3C, s8;
	s9 =	simm.s32 $0x500  }
0x1b3: {  	[tilespmem:s9], [sflag:$0xB] =	stream.linear.gather [hbm4b:s16+s22], $0x78, $0x38;
	[tilespmem:$0x1F600] =	vst v63  }
0x1b4: {  	_ =	swait.ge [sflag:s18], $0x78  }
0x1b5: {  	[sflag:s18] =	ssyncset.done $0x0  }
0x1b6: {  	[sflag:s18] =	ssyncadd.s32 $0xFFFFFF88  }
0x1b7: {  	_ =	swait.ge [sflag:s18], $0x78  }
0x1b8: {  	[sflag:s18] =	ssyncset.done $0x0  }
0x1b9: {  	s17 =	simm.s32 $0x100;
	[sflag:s18] =	ssyncadd.s32 $0xFFFFFF88  }
0x1ba: {  	[tilespmem:s28], [sflag:$0x3] =	stream.indirect.gather [hbm4b:s24+s11], $0x80, s17, s11, $0xb8;
	[tilespmem:$0x1F600] =	vst v63  }
0x1bb: {  	_ =	swait.ge [sflag:s29], $0x3C00  }
0x1bc: {  	[sflag:s29] =	ssyncset.done $0x0  }
0x1bd: {  	s19 =	simm.s32 $0x300;
	[sflag:s29] =	ssyncadd.s32 $0xFFFFC400  }
0x1be: {  	[spmem:s1] =	stream.indirect.scatter.add.f32 [tilespmem:s12], [sflag:$0x4], $0x80, s19, s11, $0xb8;
	[tilespmem:$0x1F600] =	vst v63  }
0x1bf: {  	_ =	swait.ge [sflag:s4], $0x3C00  }
0x1c0: {  	[sflag:s4] =	ssyncset.done $0x0  }
0x1c1: {  	s7 =	sadd.s32 $0x4B, s7;
	[sflag:s4] =	ssyncadd.s32 $0xFFFFC400  }
0x1c2: {  	[tilespmem:s20], [sflag:$0xC] =	stream.linear.gather [hbm4b:s7+s22], $0x78, $0x38;
	[tilespmem:$0x1F600] =	vst v63  }
0x1c3: {  	s9 =	sadd.s32 $0x4B, s8  }
0x1c4: {  	[tilespmem:s14], [sflag:$0xC] =	stream.linear.gather [hbm4b:s9+s22], $0x78, $0x38;
	[tilespmem:$0x1F600] =	vst v63  }
0x1c5: {  	_ =	swait.ge [sflag:s15], $0x78  }
0x1c6: {  	[sflag:s15] =	ssyncset.done $0x0  }
0x1c7: {  	[sflag:s15] =	ssyncadd.s32 $0xFFFFFF88  }
0x1c8: {  	_ =	swait.ge [sflag:s15], $0x78  }
0x1c9: {  	[sflag:s15] =	ssyncset.done $0x0  }
0x1ca: {  	s16 =	simm.s32 $0x180;
	[sflag:s15] =	ssyncadd.s32 $0xFFFFFF88  }
0x1cb: {  	[tilespmem:s12], [sflag:$0x1] =	stream.indirect.gather [hbm4b:s24+s11], $0x80, s16, s11, $0xb8;
	[tilespmem:$0x1F600] =	vst v63  }
0x1cc: {  	_ =	swait.ge [sflag:s0], $0x3C00  }
0x1cd: {  	[sflag:s0] =	ssyncset.done $0x0  }
0x1ce: {  	s17 =	simm.s32 $0x380;
	[sflag:s0] =	ssyncadd.s32 $0xFFFFC400  }
0x1cf: {  	[spmem:s1] =	stream.indirect.scatter.add.f32 [tilespmem:s26], [sflag:$0x5], $0x80, s17, s11, $0xb8;
	[tilespmem:$0x1F600] =	vst v63  }
0x1d0: {  	p1 =	seq.s32 s5, $0x97E;
	_ =	swait.ge [sflag:s31], $0x3C00  }
0x1d1: {  	s6 =	simm.s32 @!p1 $0x0;
	s7 =	sadd.s32 @!p1 s5, s23;
	[sflag:s31] =	ssyncset.done $0x0  }
0x1d2: {  	s5 =	sadd.s32 @!p1 s5, s21;
	s8 =	sadd.s32 @!p1 $0x5A, s7;
	[sflag:s31] =	ssyncadd.s32 $0xFFFFC400  }
0x1d3: {  	[tilespmem:s6], [sflag:$0x7] =	stream.linear.gather @!p1 [hbm4b:s8+s6], $0x78, $0x38;
	[tilespmem:$0x1F600] =	vst v63  }
0x1d4: {  	s9 =	simm.s32 @!p1 $0x300;
	s8 =	sadd.s32 @!p1 $0x5A, s5  }
0x1d5: {  	[tilespmem:s9], [sflag:$0x7] =	stream.linear.gather @!p1 [hbm4b:s8+s6], $0x78, $0x38;
	[tilespmem:$0x1F600] =	vst v63  }
0x1d6: {  	_ =	swait.ge [sflag:s2], $0x78  }
0x1d7: {  	[sflag:s2] =	ssyncset.done $0x0  }
0x1d8: {  	[sflag:s2] =	ssyncadd.s32 $0xFFFFFF88  }
0x1d9: {  	_ =	swait.ge [sflag:s2], $0x78  }
0x1da: {  	[sflag:s2] =	ssyncset.done $0x0  }
0x1db: {  	[sflag:s2] =	ssyncadd.s32 $0xFFFFFF88  }
0x1dc: {  	[tilespmem:s26], [sflag:$0x2] =	stream.indirect.gather [hbm4b:s24+s11], $0x80, s30, s11, $0xb8;
	[tilespmem:$0x1F600] =	vst v63  }
0x1dd: {  	_ =	swait.ge [sflag:s10], $0x3C00  }
0x1de: {  	[sflag:s10] =	ssyncset.done $0x0  }
0x1df: {  	s19 =	simm.s32 $0x400;
	[sflag:s10] =	ssyncadd.s32 $0xFFFFC400  }
0x1e0: {  	[spmem:s1] =	stream.indirect.scatter.add.f32 [tilespmem:s28], [sflag:$0x6], $0x80, s19, s11, $0xb8;
	[tilespmem:$0x1F600] =	vst v63  }
0x1e1: {  	_ =	swait.ge [sflag:s13], $0x3C00  }
0x1e2: {  	[sflag:s13] =	ssyncset.done $0x0  }
0x1e3: {  	s9 =	sadd.s32 @!p1 $0x69, s7;
	s8 =	simm.s32 @!p1 $0x80;
	[sflag:s13] =	ssyncadd.s32 $0xFFFFC400  }
0x1e4: {  	[tilespmem:s8], [sflag:$0x8] =	stream.linear.gather @!p1 [hbm4b:s9+s6], $0x78, $0x38;
	[tilespmem:$0x1F600] =	vst v63  }
0x1e5: {  	s14 =	simm.s32 @!p1 $0x380;
	s9 =	sadd.s32 @!p1 $0x69, s5  }
0x1e6: {  	[tilespmem:s14], [sflag:$0x8] =	stream.linear.gather @!p1 [hbm4b:s9+s6], $0x78, $0x38;
	[tilespmem:$0x1F600] =	vst v63  }
0x1e7: {  	_ =	swait.ge [sflag:s3], $0x78  }
0x1e8: {  	[sflag:s3] =	ssyncset.done $0x0  }
0x1e9: {  	[sflag:s3] =	ssyncadd.s32 $0xFFFFFF88  }
0x1ea: {  	_ =	swait.ge [sflag:s3], $0x78  }
0x1eb: {  	[sflag:s3] =	ssyncset.done $0x0  }
0x1ec: {  	[sflag:s3] =	ssyncadd.s32 $0xFFFFFF88  }
0x1ed: {  	[tilespmem:s28], [sflag:$0x3] =	stream.indirect.gather [hbm4b:s24+s11], $0x80, s20, s11, $0xb8;
	[tilespmem:$0x1F600] =	vst v63  }
0x1ee: {  	_ =	swait.ge [sflag:s29], $0x3C00  }
0x1ef: {  	[sflag:s29] =	ssyncset.done $0x0  }
0x1f0: {  	s26 =	simm.s32 $0x480;
	[sflag:s29] =	ssyncadd.s32 $0xFFFFC400  }
0x1f1: {  	[spmem:s1] =	stream.indirect.scatter.add.f32 [tilespmem:s12], [sflag:$0x4], $0x80, s26, s11, $0xb8;
	[tilespmem:$0x1F600] =	vst v63  }
0x1f2: {  	_ =	swait.ge [sflag:s4], $0x3C00  }
0x1f3: {  	[sflag:s4] =	ssyncset.done $0x0  }
0x1f4: {  	s9 =	simm.s32 @p1 $0x2;
	[sflag:s4] =	ssyncadd.s32 $0xFFFFC400  }
0x1f5: {  	_ =	swait.ge @p1 [sflag:s9], $0x3C00  }
0x1f6: {  	s16 =	simm.s32 @p1 $0x500;
	[sflag:s9] =	ssyncset.done @p1 $0x0  }
0x1f7: {  	s14 =	simm.s32 @p1 $0x4200;
	[sflag:s9] =	ssyncadd.s32 @p1 $0xFFFFC400;
	s9 =	simm.s32 @p1 $0x78  }
0x1f8: {  	[spmem:s1] =	stream.indirect.scatter.add.f32 @p1 [tilespmem:s14], [sflag:$0x5], $0x80, s16, s9, $0xb8;
	[tilespmem:$0x1F600] =	vst v63  }
0x1f9: {  	s9 =	simm.s32 @p1 $0x5  }
0x1fa: {  	_ =	swait.ge @p1 [sflag:s9], $0x3C00  }
0x1fb: {  	[sflag:s9] =	ssyncset.done @p1 $0x0  }
0x1fc: {  	s14 =	sadd.s32 @!p1 $0x78, s7;
	[sflag:s9] =	ssyncadd.s32 @p1 $0xFFFFC400;
	s9 =	simm.s32 @!p1 $0x100  }
0x1fd: {  	[tilespmem:s9], [sflag:$0x9] =	stream.linear.gather @!p1 [hbm4b:s14+s6], $0x78, $0x38;
	[tilespmem:$0x1F600] =	vst v63  }
0x1fe: {  	s16 =	simm.s32 @!p1 $0x7;
	s9 =	sadd.s32 @!p1 $0x78, s5;
	s14 =	simm.s32 @!p1 $0x400  }
0x1ff: {  	[tilespmem:s14], [sflag:$0x9] =	stream.linear.gather @!p1 [hbm4b:s9+s6], $0x78, $0x38;
	[tilespmem:$0x1F600] =	vst v63  }
0x200: {  	_ =	swait.ge @!p1 [sflag:s16], $0x78  }
0x201: {  	[sflag:s16] =	ssyncset.done @!p1 $0x0  }
0x202: {  	[sflag:s16] =	ssyncadd.s32 @!p1 $0xFFFFFF88  }
0x203: {  	_ =	swait.ge @!p1 [sflag:s16], $0x78  }
0x204: {  	s9 =	simm.s32 @!p1 $0x2;
	[sflag:s16] =	ssyncset.done @!p1 $0x0  }
0x205: {  	s14 =	simm.s32 @!p1 $0x78;
	[sflag:s16] =	ssyncadd.s32 @!p1 $0xFFFFFF88;
	s16 =	simm.s32 @!p1 $0x600  }
0x206: {  	[tilespmem:s16], [sflag:$0x1] =	stream.indirect.gather @!p1 [hbm4b:s24+s14], $0x80, s6, s14, $0xb8;
	[tilespmem:$0x1F600] =	vst v63  }
0x207: {  	_ =	swait.ge @!p1 [sflag:s9], $0x3C00  }
0x208: {  	[sflag:s9] =	ssyncset.done @!p1 $0x0  }
0x209: {  	s16 =	simm.s32 @!p1 $0x4200;
	[sflag:s9] =	ssyncadd.s32 @!p1 $0xFFFFC400;
	s9 =	simm.s32 @!p1 $0x500  }
0x20a: {  	[spmem:s1] =	stream.indirect.scatter.add.f32 @!p1 [tilespmem:s16], [sflag:$0x5], $0x80, s9, s14, $0xb8;
	[tilespmem:$0x1F600] =	vst v63  }
0x20b: {  	s9 =	simm.s32 @!p1 $0x5  }
0x20c: {  	_ =	swait.ge @!p1 [sflag:s9], $0x3C00  }
0x20d: {  	[sflag:s9] =	ssyncset.done @!p1 $0x0  }
0x20e: {  	s7 =	sadd.s32 @!p1 $0x87, s7;
	[sflag:s9] =	ssyncadd.s32 @!p1 $0xFFFFC400;
	s9 =	simm.s32 @!p1 $0x180  }
0x20f: {  	[tilespmem:s9], [sflag:$0xA] =	stream.linear.gather @!p1 [hbm4b:s7+s6], $0x78, $0x38;
	[tilespmem:$0x1F600] =	vst v63  }
0x210: {  	s5 =	sadd.s32 @!p1 $0x87, s5;
	s7 =	simm.s32 @!p1 $0x480  }
0x211: {  	[tilespmem:s7], [sflag:$0xA] =	stream.linear.gather @!p1 [hbm4b:s5+s6], $0x78, $0x38;
	[tilespmem:$0x1F600] =	vst v63  }
0x212: {  	s5 =	simm.s32 @!p1 $0x8  }
0x213: {  	_ =	swait.ge @!p1 [sflag:s5], $0x78  }
0x214: {  	[sflag:s5] =	ssyncset.done @!p1 $0x0  }
0x215: {  	[sflag:s5] =	ssyncadd.s32 @!p1 $0xFFFFFF88  }
0x216: {  	_ =	swait.ge @!p1 [sflag:s5], $0x78  }
0x217: {  	[sflag:s5] =	ssyncset.done @!p1 $0x0  }
0x218: {  	[sflag:s5] =	ssyncadd.s32 @!p1 $0xFFFFFF88  }
0x219: {  	[tilespmem:s16], [sflag:$0x2] =	stream.indirect.gather @!p1 [hbm4b:s24+s14], $0x80, s8, s14, $0xb8;
	[tilespmem:$0x1F600] =	vst v63  }
0x21a: {  	s17 =	simm.s32 $0x580;
	s26 =	simm.s32 $0x200;
	_ =	swait.ge [sflag:s10], $0x3C00  }
.Ltmp4:
0x21b: {  	s9 =	simm.s32 $0x380;
	s5 =	rddreg [dreg:$0x18];
	(pc) =	sbr.rel .LBB2_8-.Ltmp4, $4  }
0x21c: {  	s8 =	simm.s32 $0x300;
	[sflag:s10] =	ssyncset.done $0x0;
	s19 =	rddreg [dreg:$0x3]  }
0x21d: {  	s14 =	simm.s32 $0x100;
	s20 =	rddreg [dreg:$0x4];
	[sflag:s10] =	ssyncadd.s32 $0xFFFFC400  }
0x21e: {  	[spmem:s1] =	stream.indirect.scatter.add.f32 [tilespmem:s28], [sflag:$0x6], $0x80, s17, s11, $0xb8;
	[tilespmem:$0x1F600] =	vst v63  }
0x21f: {  	s16 =	simm.s32 $0x400;
	s30 =	rddreg [dreg:$0x1e];
	s17 =	simm.s32 $0x180  }
.LBB2_5:
0x220: {  	s6 =	rddreg [dreg:$0x7]  }
0x221: {  	[tilespmem:s5], [sflag:$0x7] =	stream.linear.gather [hbm4b:s6+s5], $0x78, $0x38;
	[tilespmem:$0x1F600] =	vst v63  }
0x222: {  	s7 =	rddreg [dreg:$0x8]  }
0x223: {  	[tilespmem:s8], [sflag:$0x7] =	stream.linear.gather [hbm4b:s7+s5], $0x78, $0x38;
	[tilespmem:$0x1F600] =	vst v63  }
0x224: {  	s21 =	rddreg [dreg:$0x9];
	s7 =	simm.s32 $0x80  }
0x225: {  	[tilespmem:s7], [sflag:$0x8] =	stream.linear.gather [hbm4b:s21+s5], $0x78, $0x38;
	[tilespmem:$0x1F600] =	vst v63  }
0x226: {  	s23 =	rddreg [dreg:$0xa]  }
0x227: {  	[tilespmem:s9], [sflag:$0x8] =	stream.linear.gather [hbm4b:s23+s5], $0x78, $0x38;
	[tilespmem:$0x1F600] =	vst v63  }
0x228: {  	s21 =	rddreg [dreg:$0xb]  }
0x229: {  	[tilespmem:s14], [sflag:$0x9] =	stream.linear.gather [hbm4b:s21+s5], $0x78, $0x38;
	[tilespmem:$0x1F600] =	vst v63  }
0x22a: {  	s23 =	rddreg [dreg:$0xc]  }
0x22b: {  	[tilespmem:s16], [sflag:$0x9] =	stream.linear.gather [hbm4b:s23+s5], $0x78, $0x38;
	[tilespmem:$0x1F600] =	vst v63  }
0x22c: {  	s21 =	rddreg [dreg:$0xd]  }
0x22d: {  	[tilespmem:s17], [sflag:$0xA] =	stream.linear.gather [hbm4b:s21+s5], $0x78, $0x38;
	[tilespmem:$0x1F600] =	vst v63  }
0x22e: {  	s23 =	rddreg [dreg:$0xe];
	s21 =	simm.s32 $0x480  }
0x22f: {  	[tilespmem:s21], [sflag:$0xA] =	stream.linear.gather [hbm4b:s23+s5], $0x78, $0x38;
	[tilespmem:$0x1F600] =	vst v63  }
0x230: {  	s23 =	simm.s32 $0x7  }
0x231: {  	_ =	swait.ge [sflag:s23], $0x78  }
0x232: {  	[sflag:s23] =	ssyncset.done $0x0  }
0x233: {  	[sflag:s23] =	ssyncadd.s32 $0xFFFFFF88  }
0x234: {  	_ =	swait.ge [sflag:s23], $0x78  }
0x235: {  	[sflag:s23] =	ssyncset.done $0x0  }
0x236: {  	[sflag:s23] =	ssyncadd.s32 $0xFFFFFF88;
	s23 =	simm.s32 $0x8  }
0x237: {  	[tilespmem:s12], [sflag:$0x1] =	stream.indirect.gather [hbm4b:s25+s11], $0x80, s5, s11, $0xb8;
	[tilespmem:$0x1F600] =	vst v63  }
0x238: {  	_ =	swait.ge [sflag:s23], $0x78  }
0x239: {  	[sflag:s23] =	ssyncset.done $0x0  }
0x23a: {  	[sflag:s23] =	ssyncadd.s32 $0xFFFFFF88  }
0x23b: {  	_ =	swait.ge [sflag:s23], $0x78  }
0x23c: {  	p1 =	por $0x1, $0x1;
	[sflag:s23] =	ssyncset.done $0x0  }
0x23d: {  	s5 =	simm.s32 @!p1 $0x6;
	[sflag:s23] =	ssyncadd.s32 $0xFFFFFF88;
	s23 =	simm.s32 $0x4200  }
0x23e: {  	[tilespmem:s23], [sflag:$0x2] =	stream.indirect.gather [hbm4b:s25+s11], $0x80, s7, s11, $0xb8;
	[tilespmem:$0x1F600] =	vst v63  }
0x23f: {  	_ =	swait.ge @!p1 [sflag:s5], $0x3C00  }
0x240: {  	s6 =	sadd.s32 $0x0, s20;
	[sflag:s5] =	ssyncset.done @!p1 $0x0  }
0x241: {  	s7 =	sadd.s32 $0x0, s19;
	[sflag:s5] =	ssyncadd.s32 @!p1 $0xFFFFC400;
	s5 =	sadd.s32 $0x3C, s6  }
0x242: {  	[tilespmem:s26], [sflag:$0xB] =	stream.linear.gather [hbm4b:s5+s22], $0x78, $0x38;
	[tilespmem:$0x1F600] =	vst v63  }
0x243: {  	s30 =	simm.s32 $0x500;
	s5 =	sadd.s32 $0x3C, s7  }
0x244: {  	[tilespmem:s30], [sflag:$0xB] =	stream.linear.gather [hbm4b:s5+s22], $0x78, $0x38;
	[tilespmem:$0x1F600] =	vst v63  }
0x245: {  	_ =	swait.ge [sflag:s18], $0x78  }
0x246: {  	[sflag:s18] =	ssyncset.done $0x0  }
0x247: {  	[sflag:s18] =	ssyncadd.s32 $0xFFFFFF88  }
0x248: {  	_ =	swait.ge [sflag:s18], $0x78  }
0x249: {  	[sflag:s18] =	ssyncset.done $0x0  }
0x24a: {  	[sflag:s18] =	ssyncadd.s32 $0xFFFFFF88  }
0x24b: {  	[tilespmem:s28], [sflag:$0x3] =	stream.indirect.gather [hbm4b:s25+s11], $0x80, s14, s11, $0xb8;
	[tilespmem:$0x1F600] =	vst v63  }
0x24c: {  	_ =	swait.ge [sflag:s29], $0x3C00  }
0x24d: {  	[sflag:s29] =	ssyncset.done $0x0  }
0x24e: {  	[sflag:s29] =	ssyncadd.s32 $0xFFFFC400  }
0x24f: {  	[spmem:s1] =	stream.indirect.scatter.add.f32 [tilespmem:s12], [sflag:$0x4], $0x80, s8, s11, $0xb8;
	[tilespmem:$0x1F600] =	vst v63  }
0x250: {  	_ =	swait.ge [sflag:s4], $0x3C00  }
0x251: {  	[sflag:s4] =	ssyncset.done $0x0  }
0x252: {  	s6 =	sadd.s32 $0x4B, s6;
	s30 =	simm.s32 $0x280;
	[sflag:s4] =	ssyncadd.s32 $0xFFFFC400  }
0x253: {  	[tilespmem:s30], [sflag:$0xC] =	stream.linear.gather [hbm4b:s6+s22], $0x78, $0x38;
	[tilespmem:$0x1F600] =	vst v63  }
0x254: {  	s14 =	simm.s32 $0x580;
	s8 =	sadd.s32 $0x4B, s7  }
0x255: {  	[tilespmem:s14], [sflag:$0xC] =	stream.linear.gather [hbm4b:s8+s22], $0x78, $0x38;
	[tilespmem:$0x1F600] =	vst v63  }
0x256: {  	_ =	swait.ge [sflag:s15], $0x78  }
0x257: {  	[sflag:s15] =	ssyncset.done $0x0  }
0x258: {  	[sflag:s15] =	ssyncadd.s32 $0xFFFFFF88  }
0x259: {  	_ =	swait.ge [sflag:s15], $0x78  }
0x25a: {  	[sflag:s15] =	ssyncset.done $0x0  }
0x25b: {  	[sflag:s15] =	ssyncadd.s32 $0xFFFFFF88  }
0x25c: {  	[tilespmem:s12], [sflag:$0x1] =	stream.indirect.gather [hbm4b:s25+s11], $0x80, s17, s11, $0xb8;
	[tilespmem:$0x1F600] =	vst v63  }
0x25d: {  	_ =	swait.ge [sflag:s0], $0x3C00  }
0x25e: {  	[sflag:s0] =	ssyncset.done $0x0  }
0x25f: {  	[sflag:s0] =	ssyncadd.s32 $0xFFFFC400  }
0x260: {  	[spmem:s1] =	stream.indirect.scatter.add.f32 [tilespmem:s23], [sflag:$0x5], $0x80, s9, s11, $0xb8;
	[tilespmem:$0x1F600] =	vst v63  }
0x261: {  	p1 =	por $0x0, $0x0;
	_ =	swait.ge [sflag:s31], $0x3C00  }
0x262: {  	s5 =	sadd.s32 @!p1 $0x0, s19;
	s7 =	sadd.s32 @!p1 $0x0, s20;
	[sflag:s31] =	ssyncset.done $0x0  }
0x263: {  	s6 =	simm.s32 @!p1 $0x0;
	s8 =	sadd.s32 @!p1 $0x5A, s7;
	[sflag:s31] =	ssyncadd.s32 $0xFFFFC400  }
0x264: {  	[tilespmem:s6], [sflag:$0x7] =	stream.linear.gather @!p1 [hbm4b:s8+s6], $0x78, $0x38;
	[tilespmem:$0x1F600] =	vst v63  }
0x265: {  	s9 =	simm.s32 @!p1 $0x300;
	s8 =	sadd.s32 @!p1 $0x5A, s5  }
0x266: {  	[tilespmem:s9], [sflag:$0x7] =	stream.linear.gather @!p1 [hbm4b:s8+s6], $0x78, $0x38;
	[tilespmem:$0x1F600] =	vst v63  }
0x267: {  	_ =	swait.ge [sflag:s2], $0x78  }
0x268: {  	[sflag:s2] =	ssyncset.done $0x0  }
0x269: {  	[sflag:s2] =	ssyncadd.s32 $0xFFFFFF88  }
0x26a: {  	_ =	swait.ge [sflag:s2], $0x78  }
0x26b: {  	[sflag:s2] =	ssyncset.done $0x0  }
0x26c: {  	[sflag:s2] =	ssyncadd.s32 $0xFFFFFF88  }
0x26d: {  	[tilespmem:s23], [sflag:$0x2] =	stream.indirect.gather [hbm4b:s25+s11], $0x80, s26, s11, $0xb8;
	[tilespmem:$0x1F600] =	vst v63  }
0x26e: {  	_ =	swait.ge [sflag:s10], $0x3C00  }
0x26f: {  	[sflag:s10] =	ssyncset.done $0x0  }
0x270: {  	[sflag:s10] =	ssyncadd.s32 $0xFFFFC400  }
0x271: {  	[spmem:s1] =	stream.indirect.scatter.add.f32 [tilespmem:s28], [sflag:$0x6], $0x80, s16, s11, $0xb8;
	[tilespmem:$0x1F600] =	vst v63  }
0x272: {  	_ =	swait.ge [sflag:s13], $0x3C00  }
0x273: {  	[sflag:s13] =	ssyncset.done $0x0  }
0x274: {  	s9 =	sadd.s32 @!p1 $0x69, s7;
	s8 =	simm.s32 @!p1 $0x80;
	[sflag:s13] =	ssyncadd.s32 $0xFFFFC400  }
0x275: {  	[tilespmem:s8], [sflag:$0x8] =	stream.linear.gather @!p1 [hbm4b:s9+s6], $0x78, $0x38;
	[tilespmem:$0x1F600] =	vst v63  }
0x276: {  	s14 =	simm.s32 @!p1 $0x380;
	s9 =	sadd.s32 @!p1 $0x69, s5  }
0x277: {  	[tilespmem:s14], [sflag:$0x8] =	stream.linear.gather @!p1 [hbm4b:s9+s6], $0x78, $0x38;
	[tilespmem:$0x1F600] =	vst v63  }
0x278: {  	_ =	swait.ge [sflag:s3], $0x78  }
0x279: {  	[sflag:s3] =	ssyncset.done $0x0  }
0x27a: {  	[sflag:s3] =	ssyncadd.s32 $0xFFFFFF88  }
0x27b: {  	_ =	swait.ge [sflag:s3], $0x78  }
0x27c: {  	[sflag:s3] =	ssyncset.done $0x0  }
0x27d: {  	[sflag:s3] =	ssyncadd.s32 $0xFFFFFF88  }
0x27e: {  	[tilespmem:s28], [sflag:$0x3] =	stream.indirect.gather [hbm4b:s25+s11], $0x80, s30, s11, $0xb8;
	[tilespmem:$0x1F600] =	vst v63  }
0x27f: {  	_ =	swait.ge [sflag:s29], $0x3C00  }
0x280: {  	[sflag:s29] =	ssyncset.done $0x0  }
0x281: {  	[sflag:s29] =	ssyncadd.s32 $0xFFFFC400  }
0x282: {  	[spmem:s1] =	stream.indirect.scatter.add.f32 [tilespmem:s12], [sflag:$0x4], $0x80, s21, s11, $0xb8;
	[tilespmem:$0x1F600] =	vst v63  }
0x283: {  	_ =	swait.ge [sflag:s4], $0x3C00  }
0x284: {  	[sflag:s4] =	ssyncset.done $0x0  }
0x285: {  	s9 =	simm.s32 @p1 $0x2;
	[sflag:s4] =	ssyncadd.s32 $0xFFFFC400  }
0x286: {  	_ =	swait.ge @p1 [sflag:s9], $0x3C00  }
0x287: {  	s16 =	simm.s32 @p1 $0x500;
	[sflag:s9] =	ssyncset.done @p1 $0x0  }
0x288: {  	s14 =	simm.s32 @p1 $0x4200;
	[sflag:s9] =	ssyncadd.s32 @p1 $0xFFFFC400;
	s9 =	simm.s32 @p1 $0x78  }
0x289: {  	[spmem:s1] =	stream.indirect.scatter.add.f32 @p1 [tilespmem:s14], [sflag:$0x5], $0x80, s16, s9, $0xb8;
	[tilespmem:$0x1F600] =	vst v63  }
0x28a: {  	s9 =	simm.s32 @p1 $0x5  }
0x28b: {  	_ =	swait.ge @p1 [sflag:s9], $0x3C00  }
0x28c: {  	[sflag:s9] =	ssyncset.done @p1 $0x0  }
0x28d: {  	s14 =	sadd.s32 @!p1 $0x78, s7;
	[sflag:s9] =	ssyncadd.s32 @p1 $0xFFFFC400;
	s9 =	simm.s32 @!p1 $0x100  }
0x28e: {  	[tilespmem:s9], [sflag:$0x9] =	stream.linear.gather @!p1 [hbm4b:s14+s6], $0x78, $0x38;
	[tilespmem:$0x1F600] =	vst v63  }
0x28f: {  	s16 =	simm.s32 @!p1 $0x7;
	s9 =	sadd.s32 @!p1 $0x78, s5;
	s14 =	simm.s32 @!p1 $0x400  }
0x290: {  	[tilespmem:s14], [sflag:$0x9] =	stream.linear.gather @!p1 [hbm4b:s9+s6], $0x78, $0x38;
	[tilespmem:$0x1F600] =	vst v63  }
0x291: {  	_ =	swait.ge @!p1 [sflag:s16], $0x78  }
0x292: {  	[sflag:s16] =	ssyncset.done @!p1 $0x0  }
0x293: {  	[sflag:s16] =	ssyncadd.s32 @!p1 $0xFFFFFF88  }
0x294: {  	_ =	swait.ge @!p1 [sflag:s16], $0x78  }
0x295: {  	s9 =	simm.s32 @!p1 $0x2;
	[sflag:s16] =	ssyncset.done @!p1 $0x0  }
0x296: {  	s14 =	simm.s32 @!p1 $0x78;
	[sflag:s16] =	ssyncadd.s32 @!p1 $0xFFFFFF88;
	s16 =	simm.s32 @!p1 $0x600  }
0x297: {  	[tilespmem:s16], [sflag:$0x1] =	stream.indirect.gather @!p1 [hbm4b:s25+s14], $0x80, s6, s14, $0xb8;
	[tilespmem:$0x1F600] =	vst v63  }
0x298: {  	_ =	swait.ge @!p1 [sflag:s9], $0x3C00  }
0x299: {  	[sflag:s9] =	ssyncset.done @!p1 $0x0  }
0x29a: {  	s16 =	simm.s32 @!p1 $0x4200;
	[sflag:s9] =	ssyncadd.s32 @!p1 $0xFFFFC400;
	s9 =	simm.s32 @!p1 $0x500  }
0x29b: {  	[spmem:s1] =	stream.indirect.scatter.add.f32 @!p1 [tilespmem:s16], [sflag:$0x5], $0x80, s9, s14, $0xb8;
	[tilespmem:$0x1F600] =	vst v63  }
0x29c: {  	s9 =	simm.s32 @!p1 $0x5  }
0x29d: {  	_ =	swait.ge @!p1 [sflag:s9], $0x3C00  }
0x29e: {  	[sflag:s9] =	ssyncset.done @!p1 $0x0  }
0x29f: {  	s7 =	sadd.s32 @!p1 $0x87, s7;
	[sflag:s9] =	ssyncadd.s32 @!p1 $0xFFFFC400;
	s9 =	simm.s32 @!p1 $0x180  }
0x2a0: {  	[tilespmem:s9], [sflag:$0xA] =	stream.linear.gather @!p1 [hbm4b:s7+s6], $0x78, $0x38;
	[tilespmem:$0x1F600] =	vst v63  }
0x2a1: {  	s5 =	sadd.s32 @!p1 $0x87, s5;
	s7 =	simm.s32 @!p1 $0x480  }
0x2a2: {  	[tilespmem:s7], [sflag:$0xA] =	stream.linear.gather @!p1 [hbm4b:s5+s6], $0x78, $0x38;
	[tilespmem:$0x1F600] =	vst v63  }
0x2a3: {  	s5 =	simm.s32 @!p1 $0x8  }
0x2a4: {  	_ =	swait.ge @!p1 [sflag:s5], $0x78  }
0x2a5: {  	[sflag:s5] =	ssyncset.done @!p1 $0x0  }
0x2a6: {  	[sflag:s5] =	ssyncadd.s32 @!p1 $0xFFFFFF88  }
0x2a7: {  	_ =	swait.ge @!p1 [sflag:s5], $0x78  }
0x2a8: {  	[sflag:s5] =	ssyncset.done @!p1 $0x0  }
0x2a9: {  	[sflag:s5] =	ssyncadd.s32 @!p1 $0xFFFFFF88  }
0x2aa: {  	[tilespmem:s16], [sflag:$0x2] =	stream.indirect.gather @!p1 [hbm4b:s25+s14], $0x80, s8, s14, $0xb8;
	[tilespmem:$0x1F600] =	vst v63  }
0x2ab: {  	p2 =	por $0x0, $0x0;
	_ =	swait.ge [sflag:s10], $0x3C00  }
0x2ac: {  	s6 =	simm.s32 $0xB4;
	s5 =	simm.s32 $0x5A;
	[sflag:s10] =	ssyncset.done $0x0  }
.LBB2_6:
0x2ad: {  	s7 =	simm.s32 @!p2 $0x6;
	[sflag:s10] =	ssyncadd.s32 $0xFFFFC400;
	s14 =	simm.s32 $0x580  }
0x2ae: {  	[spmem:s1] =	stream.indirect.scatter.add.f32 [tilespmem:s28], [sflag:$0x6], $0x80, s14, s11, $0xb8;
	[tilespmem:$0x1F600] =	vst v63  }
0x2af: {  	_ =	swait.ge @!p2 [sflag:s7], $0x3C00  }
0x2b0: {  	s8 =	sadd.s32 s5, s20;
	[sflag:s7] =	ssyncset.done @!p2 $0x0  }
0x2b1: {  	s9 =	sadd.s32 s5, s19;
	s16 =	sadd.s32 $0x3C, s8;
	[sflag:s7] =	ssyncadd.s32 @!p2 $0xFFFFC400  }
0x2b2: {  	[tilespmem:s26], [sflag:$0xB] =	stream.linear.gather [hbm4b:s16+s22], $0x78, $0x38;
	[tilespmem:$0x1F600] =	vst v63  }
0x2b3: {  	s7 =	sadd.s32 $0x3C, s9;
	s16 =	simm.s32 $0x500  }
0x2b4: {  	[tilespmem:s16], [sflag:$0xB] =	stream.linear.gather [hbm4b:s7+s22], $0x78, $0x38;
	[tilespmem:$0x1F600] =	vst v63  }
0x2b5: {  	_ =	swait.ge [sflag:s18], $0x78  }
0x2b6: {  	[sflag:s18] =	ssyncset.done $0x0  }
0x2b7: {  	[sflag:s18] =	ssyncadd.s32 $0xFFFFFF88  }
0x2b8: {  	_ =	swait.ge [sflag:s18], $0x78  }
0x2b9: {  	[sflag:s18] =	ssyncset.done $0x0  }
0x2ba: {  	s16 =	simm.s32 $0x100;
	[sflag:s18] =	ssyncadd.s32 $0xFFFFFF88  }
0x2bb: {  	[tilespmem:s28], [sflag:$0x3] =	stream.indirect.gather [hbm4b:s25+s11], $0x80, s16, s11, $0xb8;
	[tilespmem:$0x1F600] =	vst v63  }
0x2bc: {  	_ =	swait.ge [sflag:s29], $0x3C00  }
0x2bd: {  	[sflag:s29] =	ssyncset.done $0x0  }
0x2be: {  	s16 =	simm.s32 $0x300;
	[sflag:s29] =	ssyncadd.s32 $0xFFFFC400  }
0x2bf: {  	[spmem:s1] =	stream.indirect.scatter.add.f32 [tilespmem:s12], [sflag:$0x4], $0x80, s16, s11, $0xb8;
	[tilespmem:$0x1F600] =	vst v63  }
0x2c0: {  	_ =	swait.ge [sflag:s4], $0x3C00  }
0x2c1: {  	[sflag:s4] =	ssyncset.done $0x0  }
0x2c2: {  	s8 =	sadd.s32 $0x4B, s8;
	[sflag:s4] =	ssyncadd.s32 $0xFFFFC400  }
0x2c3: {  	[tilespmem:s30], [sflag:$0xC] =	stream.linear.gather [hbm4b:s8+s22], $0x78, $0x38;
	[tilespmem:$0x1F600] =	vst v63  }
0x2c4: {  	s9 =	sadd.s32 $0x4B, s9  }
0x2c5: {  	[tilespmem:s14], [sflag:$0xC] =	stream.linear.gather [hbm4b:s9+s22], $0x78, $0x38;
	[tilespmem:$0x1F600] =	vst v63  }
0x2c6: {  	_ =	swait.ge [sflag:s15], $0x78  }
0x2c7: {  	[sflag:s15] =	ssyncset.done $0x0  }
0x2c8: {  	[sflag:s15] =	ssyncadd.s32 $0xFFFFFF88  }
0x2c9: {  	_ =	swait.ge [sflag:s15], $0x78  }
0x2ca: {  	[sflag:s15] =	ssyncset.done $0x0  }
0x2cb: {  	s14 =	simm.s32 $0x180;
	[sflag:s15] =	ssyncadd.s32 $0xFFFFFF88  }
0x2cc: {  	[tilespmem:s12], [sflag:$0x1] =	stream.indirect.gather [hbm4b:s25+s11], $0x80, s14, s11, $0xb8;
	[tilespmem:$0x1F600] =	vst v63  }
0x2cd: {  	_ =	swait.ge [sflag:s0], $0x3C00  }
0x2ce: {  	[sflag:s0] =	ssyncset.done $0x0  }
0x2cf: {  	s16 =	simm.s32 $0x380;
	[sflag:s0] =	ssyncadd.s32 $0xFFFFC400  }
0x2d0: {  	[spmem:s1] =	stream.indirect.scatter.add.f32 [tilespmem:s23], [sflag:$0x5], $0x80, s16, s11, $0xb8;
	[tilespmem:$0x1F600] =	vst v63  }
0x2d1: {  	p2 =	seq.s32 s5, $0x97E;
	_ =	swait.ge [sflag:s31], $0x3C00  }
0x2d2: {  	s7 =	simm.s32 @!p2 $0x0;
	s8 =	sadd.s32 @!p2 s5, s20;
	[sflag:s31] =	ssyncset.done $0x0  }
0x2d3: {  	s5 =	sadd.s32 @!p2 s5, s19;
	s9 =	sadd.s32 @!p2 $0x5A, s8;
	[sflag:s31] =	ssyncadd.s32 $0xFFFFC400  }
0x2d4: {  	[tilespmem:s7], [sflag:$0x7] =	stream.linear.gather @!p2 [hbm4b:s9+s7], $0x78, $0x38;
	[tilespmem:$0x1F600] =	vst v63  }
0x2d5: {  	s14 =	simm.s32 @!p2 $0x300;
	s9 =	sadd.s32 @!p2 $0x5A, s5  }
0x2d6: {  	[tilespmem:s14], [sflag:$0x7] =	stream.linear.gather @!p2 [hbm4b:s9+s7], $0x78, $0x38;
	[tilespmem:$0x1F600] =	vst v63  }
0x2d7: {  	_ =	swait.ge [sflag:s2], $0x78  }
0x2d8: {  	[sflag:s2] =	ssyncset.done $0x0  }
0x2d9: {  	[sflag:s2] =	ssyncadd.s32 $0xFFFFFF88  }
0x2da: {  	_ =	swait.ge [sflag:s2], $0x78  }
0x2db: {  	[sflag:s2] =	ssyncset.done $0x0  }
0x2dc: {  	[sflag:s2] =	ssyncadd.s32 $0xFFFFFF88  }
0x2dd: {  	[tilespmem:s23], [sflag:$0x2] =	stream.indirect.gather [hbm4b:s25+s11], $0x80, s26, s11, $0xb8;
	[tilespmem:$0x1F600] =	vst v63  }
0x2de: {  	_ =	swait.ge [sflag:s10], $0x3C00  }
0x2df: {  	s17 =	smov.u32 s6;
	s20 =	sadd.s32 @!p2 $0x78, s8;
	[sflag:s10] =	ssyncset.done $0x0  }
0x2e0: {  	s19 =	sadd.s32 @!p2 $0x78, s5;
	s23 =	simm.s32 $0x400;
	[sflag:s10] =	ssyncadd.s32 $0xFFFFC400  }
0x2e1: {  	[spmem:s1] =	stream.indirect.scatter.add.f32 [tilespmem:s28], [sflag:$0x6], $0x80, s23, s11, $0xb8;
	[tilespmem:$0x1F600] =	vst v63  }
0x2e2: {  	s16 =	sadd.s32 @!p2 $0x69, s8;
	s14 =	sadd.s32 @!p2 $0x69, s5;
	_ =	swait.ge [sflag:s13], $0x3C00  }
0x2e3: {  	s9 =	sadd.s32 @!p2 $0x87, s8;
	s8 =	sadd.s32 @!p2 $0x87, s5;
	[sflag:s13] =	ssyncset.done $0x0  }
0x2e4: {  	s5 =	smov.u32 s17;
	s17 =	simm.s32 @!p2 $0x80;
	[sflag:s13] =	ssyncadd.s32 $0xFFFFC400  }
0x2e5: {  	[tilespmem:s17], [sflag:$0x8] =	stream.linear.gather @!p2 [hbm4b:s16+s7], $0x78, $0x38;
	[tilespmem:$0x1F600] =	vst v63  }
0x2e6: {  	s16 =	simm.s32 @!p2 $0x380  }
0x2e7: {  	[tilespmem:s16], [sflag:$0x8] =	stream.linear.gather @!p2 [hbm4b:s14+s7], $0x78, $0x38;
	[tilespmem:$0x1F600] =	vst v63  }
0x2e8: {  	_ =	swait.ge [sflag:s3], $0x78  }
0x2e9: {  	[sflag:s3] =	ssyncset.done $0x0  }
0x2ea: {  	[sflag:s3] =	ssyncadd.s32 $0xFFFFFF88  }
0x2eb: {  	_ =	swait.ge [sflag:s3], $0x78  }
0x2ec: {  	[sflag:s3] =	ssyncset.done $0x0  }
0x2ed: {  	[sflag:s3] =	ssyncadd.s32 $0xFFFFFF88  }
0x2ee: {  	[tilespmem:s28], [sflag:$0x3] =	stream.indirect.gather [hbm4b:s25+s11], $0x80, s30, s11, $0xb8;
	[tilespmem:$0x1F600] =	vst v63  }
0x2ef: {  	_ =	swait.ge [sflag:s29], $0x3C00  }
0x2f0: {  	[sflag:s29] =	ssyncset.done $0x0  }
0x2f1: {  	[sflag:s29] =	ssyncadd.s32 $0xFFFFC400  }
0x2f2: {  	[spmem:s1] =	stream.indirect.scatter.add.f32 [tilespmem:s12], [sflag:$0x4], $0x80, s21, s11, $0xb8;
	[tilespmem:$0x1F600] =	vst v63  }
0x2f3: {  	_ =	swait.ge [sflag:s4], $0x3C00  }
0x2f4: {  	[sflag:s4] =	ssyncset.done $0x0  }
0x2f5: {  	s14 =	simm.s32 @p2 $0x2;
	[sflag:s4] =	ssyncadd.s32 $0xFFFFC400  }
0x2f6: {  	_ =	swait.ge @p2 [sflag:s14], $0x3C00  }
0x2f7: {  	s23 =	simm.s32 @p2 $0x500;
	s16 =	simm.s32 @p2 $0x4200;
	[sflag:s14] =	ssyncset.done @p2 $0x0  }
0x2f8: {  	s21 =	simm.s32 @p2 $0x5;
	[sflag:s14] =	ssyncadd.s32 @p2 $0xFFFFC400;
	s14 =	simm.s32 @p2 $0x78  }
0x2f9: {  	[spmem:s1] =	stream.indirect.scatter.add.f32 @p2 [tilespmem:s16], [sflag:$0x5], $0x80, s23, s14, $0xb8;
	[tilespmem:$0x1F600] =	vst v63  }
0x2fa: {  	_ =	swait.ge @p2 [sflag:s21], $0x3C00  }
0x2fb: {  	[sflag:s21] =	ssyncset.done @p2 $0x0  }
0x2fc: {  	s14 =	simm.s32 @!p2 $0x100;
	[sflag:s21] =	ssyncadd.s32 @p2 $0xFFFFC400  }
0x2fd: {  	[tilespmem:s14], [sflag:$0x9] =	stream.linear.gather @!p2 [hbm4b:s20+s7], $0x78, $0x38;
	[tilespmem:$0x1F600] =	vst v63  }
0x2fe: {  	s16 =	simm.s32 @!p2 $0x7;
	s14 =	simm.s32 @!p2 $0x400  }
0x2ff: {  	[tilespmem:s14], [sflag:$0x9] =	stream.linear.gather @!p2 [hbm4b:s19+s7], $0x78, $0x38;
	[tilespmem:$0x1F600] =	vst v63  }
0x300: {  	_ =	swait.ge @!p2 [sflag:s16], $0x78  }
0x301: {  	[sflag:s16] =	ssyncset.done @!p2 $0x0  }
0x302: {  	[sflag:s16] =	ssyncadd.s32 @!p2 $0xFFFFFF88  }
0x303: {  	_ =	swait.ge @!p2 [sflag:s16], $0x78  }
0x304: {  	s14 =	simm.s32 @!p2 $0x2;
	[sflag:s16] =	ssyncset.done @!p2 $0x0  }
0x305: {  	s19 =	simm.s32 @!p2 $0x600;
	[sflag:s16] =	ssyncadd.s32 @!p2 $0xFFFFFF88;
	s16 =	simm.s32 @!p2 $0x78  }
0x306: {  	[tilespmem:s19], [sflag:$0x1] =	stream.indirect.gather @!p2 [hbm4b:s25+s16], $0x80, s7, s16, $0xb8;
	[tilespmem:$0x1F600] =	vst v63  }
0x307: {  	_ =	swait.ge @!p2 [sflag:s14], $0x3C00  }
0x308: {  	s20 =	simm.s32 @!p2 $0x4200;
	[sflag:s14] =	ssyncset.done @!p2 $0x0  }
0x309: {  	s19 =	simm.s32 @!p2 $0x5;
	[sflag:s14] =	ssyncadd.s32 @!p2 $0xFFFFC400;
	s14 =	simm.s32 @!p2 $0x500  }
0x30a: {  	[spmem:s1] =	stream.indirect.scatter.add.f32 @!p2 [tilespmem:s20], [sflag:$0x5], $0x80, s14, s16, $0xb8;
	[tilespmem:$0x1F600] =	vst v63  }
0x30b: {  	_ =	swait.ge @!p2 [sflag:s19], $0x3C00  }
0x30c: {  	[sflag:s19] =	ssyncset.done @!p2 $0x0  }
0x30d: {  	s14 =	simm.s32 @!p2 $0x180;
	[sflag:s19] =	ssyncadd.s32 @!p2 $0xFFFFC400  }
0x30e: {  	[tilespmem:s14], [sflag:$0xA] =	stream.linear.gather @!p2 [hbm4b:s9+s7], $0x78, $0x38;
	[tilespmem:$0x1F600] =	vst v63  }
0x30f: {  	s9 =	simm.s32 @!p2 $0x480;
	s14 =	simm.s32 @!p2 $0x8  }
0x310: {  	[tilespmem:s9], [sflag:$0xA] =	stream.linear.gather @!p2 [hbm4b:s8+s7], $0x78, $0x38;
	[tilespmem:$0x1F600] =	vst v63  }
0x311: {  	s19 =	rddreg [dreg:$0x3];
	_ =	swait.ge @!p2 [sflag:s14], $0x78  }
0x312: {  	[sflag:s14] =	ssyncset.done @!p2 $0x0  }
0x313: {  	s6 =	sadd.s32 $0x5A, s6;
	[sflag:s14] =	ssyncadd.s32 @!p2 $0xFFFFFF88  }
0x314: {  	p1 =	sne.s32 s6, $0x9D8;
	_ =	swait.ge @!p2 [sflag:s14], $0x78  }
.Ltmp5:
0x315: {  	[sflag:s14] =	ssyncset.done @!p2 $0x0;
	(pc) =	sbr.rel @p1 .LBB2_6-.Ltmp5, $4  }
0x316: {  	[sflag:s14] =	ssyncadd.s32 @!p2 $0xFFFFFF88  }
0x317: {  	[tilespmem:s20], [sflag:$0x2] =	stream.indirect.gather @!p2 [hbm4b:s25+s16], $0x80, s17, s16, $0xb8;
	[tilespmem:$0x1F600] =	vst v63  }
0x318: {  	s23 =	simm.s32 $0x4200;
	s20 =	rddreg [dreg:$0x4];
	_ =	swait.ge [sflag:s10], $0x3C00  }
0x319: {  	s21 =	simm.s32 $0x480;
	p2 =	seq.s32 s5, $0x0;
	[sflag:s10] =	ssyncset.done $0x0  }
.Ltmp6:
0x31a: {  	_ = 	snop;
	(pc) =	sbr.rel .LBB2_7-.Ltmp6, $1  }
0x31b: {  	_ =	sdelay $0x3  }
.LBB2_9:
0x31c: {  	_ =	sfence.sel $0x180000  }
0x31d: {  	[bflag:$0x0] =	sbarrier.arrive $0xFFFF  }
0x31e: {  	_ =	strace $0x9000004A  }
0x31f: {  	s0 =	stileid.u32;
	[bflag:$0x2] =	sbarrier.arrive $0xFFFF  }
0x320: {  	p0 =	sne.s32 s0, $0x0;
	s0 =	rddreg [dreg:$0x2]  }
0x321: {  	s0 =	sadd.s32 @!p0 $0x100000, s0  }
0x322: {  	[sflag:s0] =	ssyncadd.tile.s32 @!p0 $0x1;
	_ =	shalt  }
.Lfunc_end2:
_tile_overlayer_lowered:
.L_overlay_start_2:
0x323: {  	(tag) =	ssettag $0x2  }
0x324: {  	s0 =	rddreg [dreg:$0x0];
	s2 =	stileid.u32  }
0x325: {  	s1 =	rddreg [dreg:$0x1];
	p0 =	sne.s32 s2, $0x0  }
0x326: {  	s3 =	rddreg [dreg:$0x2];
	[bflag:$0x3] =	sbarrier.arrive $0xFFFF;
	s2 =	simm.s32 @!p0 $0x1C0D  }
0x327: {  	[timem:s3], [sflag:s2] =	dma.local @!p0 [hbm:s0], s1  }
0x328: {  	s0 =	simm.s32 @!p0 $0xD  }
0x329: {  	_ =	swait.ge @!p0 [sflag:s0], s1  }
0x32a: {  	s1 =	ssub.s32 @!p0 $0x0, s1;
	[sflag:s0] =	ssyncset.done @!p0 $0x0  }
0x32b: {  	[sflag:s0] =	ssyncadd.s32 @!p0 s1  }
0x32c: {  	[bflag:$0x3] =	sbarrier.arrive $0xFFFF  }
0x32d: {  	_ =	shalt  }

// kernel: kernel.14.cloned.1.call-start
scs
__scs_entry_jumppad:
0x0: {  	(pc) =	sbr.rel $0x88, $3  }
0x1: {  	(tag) =	ssettag $0x0;
	lr =	simm.s32 $0x1  }
0x2: {  	[smem:$0x3F93] =	sst lr;
	_ =	strace $0xD0000000  }
0x3: {  	_ = 	snop  }
0x4: {  	_ = 	snop  }
0x5: {  	_ = 	snop  }
0x6: {  	_ = 	snop  }
0x7: {  	_ = 	snop  }
__scs_overlays_trampoline_lowered:
0x8: {  	[smem:$0x3FA2] =	sst s0  }
0x9: {  	[smem:$0x3FA3] =	sst s1  }
0xa: {  	[smem:$0x3FA4] =	sst s2  }
0xb: {  	[smem:$0x3FA5] =	sst s3  }
0xc: {  	[smem:$0x3FA6] =	sst s4  }
0xd: {  	[smem:$0x3FA7] =	sst s5  }
0xe: {  	[smem:$0x3FA8] =	sst s6  }
0xf: {  	[smem:$0x3FA9] =	sst s7  }
0x10: {  	[smem:$0x3FAA] =	sst s8  }
0x11: {  	[smem:$0x3FAB] =	sst s9;
	s0 =	simm.s32 @!p0 $0x0  }
0x12: {  	s1 =	sld [smem:$0x3F91];
	s0 =	simm.s32 @p0 $0x1  }
0x13: {  	[smem:$0x3FAC] =	sst s0;
	s0 =	simm.s32 @!p1 $0x0  }
0x14: {  	s2 =	sld [smem:$0x3F90];
	s0 =	simm.s32 @p1 $0x1  }
0x15: {  	[smem:$0x3FAD] =	sst s0;
	s0 =	simm.s32 @!p2 $0x0  }
0x16: {  	s3 =	sld [smem:$0x3FDB];
	s0 =	simm.s32 @p2 $0x1  }
0x17: {  	s4 =	simm.s32 $0x1BF5;
	[smem:$0x3FAF] =	sst s0  }
0x18: {  	s0 =	sld [smem:$0x3F92];
	_ =	swait.ge [sflag:s4], $0x0  }
0x19: {  	s7 =	sld [smem:$0x3F93]  }
0x1a: {  	s8 =	sadd.s32 $0xFFFFE003, lr  }
0x1b: {  	s9 =	sadd.s32 $0xFFFFFEF7, lr;
	s5 =	simm.s32 $0xFFFFFFFF;
	p2 =	slt.u32 s8, $0xFFFFF086  }
0x1c: {  	p1 =	slt.u32 s9, $0xF7A;
	s5 =	simm.s32 @!p2 $0x0  }
0x1d: {  	s5 =	simm.s32 @p1 $0x1;
	p0 =	seq.s32 s7, s2  }
0x1e: {  	s7 =	smul.u32 @!p0 $0xF7A, s2;
	p2 =	seq.s32 @!p0 s5, $0x0  }
0x1f: {  	s9 =	smul.u32 $0xF7A, s1;
	s8 =	simm.s32 @!p0 $0x1BF5;
	p2 =	por !p2, p0  }
0x20: {  	[sflag:s8] =	ssyncset.s32 @!p0 $0xFFFFF086;
	s6 =	sadd.s32 @!p0 s3, s7;
	s7 =	simm.s32 @!p0 $0x108  }
0x21: {  	s3 =	sadd.s32 s3, s9;
	s6 =	sadd.s32 @!p0 $0x88, s6;
	s7 =	simm.s32 @p2 $0x1082  }
0x22: {  	[simem:s7], [sflag:s8] =	dma.local @!p0 [hbm:s6], $0xF7A  }
0x23: {  	s9 =	sor.u32 $0xD0000000, s2;
	s6 =	simm.s32 $0x108;
	_ =	swait.ge @!p0 [sflag:s8], $0x0  }
0x24: {  	s3 =	sadd.s32 $0x88, s3;
	s6 =	simm.s32 @!p1 $0x1082;
	[sflag:s4] =	ssyncset.s32 $0xFFFFF086  }
0x25: {  	[simem:s6], [sflag:s4] =	dma.local [hbm:s3], $0xF7A  }
0x26: {  	[smem:$0x3F93] =	sst s1;
	(tag) =	ssettag s2;
	_ =	strace s9  }
0x27: {  	s1 =	sld [smem:$0x3FA3]  }
0x28: {  	s2 =	sld [smem:$0x3FA4]  }
0x29: {  	s4 =	sld [smem:$0x3FA6]  }
0x2a: {  	p0 =	seq.s32 s5, $0x0;
	s5 =	sld [smem:$0x3FA7]  }
0x2b: {  	s6 =	sld [smem:$0x3FA8]  }
0x2c: {  	s7 =	sld [smem:$0x3FA9]  }
0x2d: {  	s3 =	simm.s32 $0x108;
	s8 =	sld [smem:$0x3FAA]  }
0x2e: {  	s3 =	simm.s32 @!p0 $0x1082;
	s9 =	sld [smem:$0x3FAB]  }
0x2f: {  	lr =	sadd.s32 s0, s3;
	s0 =	sld [smem:$0x3FA2]  }
0x30: {  	s3 =	sld [smem:$0x3FA5]  }
0x31: {  	[smem:$0x3FAE] =	sst s10  }
0x32: {  	s10 =	sld [smem:$0x3FAC];
	_ =	sdelay $0x3  }
0x33: {  	p0 =	seq.s32 s10, $0x1;
	s10 =	sld [smem:$0x3FAE];
	_ =	sdelay $0x3  }
0x34: {  	[smem:$0x3FAE] =	sst s10  }
0x35: {  	s10 =	sld [smem:$0x3FAD];
	_ =	sdelay $0x3  }
0x36: {  	p1 =	seq.s32 s10, $0x1;
	s10 =	sld [smem:$0x3FAE];
	_ =	sdelay $0x3  }
0x37: {  	[smem:$0x3FAE] =	sst s10  }
0x38: {  	s10 =	sld [smem:$0x3FAF]  }
0x39: {  	_ = 	snop;
	(pc) =	sbr.ind lr, $3  }
0x3a: {  	_ = 	snop  }
0x3b: {  	_ = 	snop  }
0x3c: {  	p2 =	seq.s32 s10, $0x1;
	s10 =	sld [smem:$0x3FAE]  }
0x3d: {  	_ =	shalt  }
0x3e: {  	_ =	shalt  }
0x3f: {  	_ =	shalt  }
0x40: {  	_ =	shalt  }
0x41: {  	_ =	shalt  }
0x42: {  	_ =	shalt  }
0x43: {  	_ =	shalt  }
0x44: {  	_ =	shalt  }
0x45: {  	_ =	shalt  }
0x46: {  	_ =	shalt  }
0x47: {  	_ =	shalt  }
0x48: {  	_ =	shalt  }
0x49: {  	_ =	shalt  }
0x4a: {  	_ =	shalt  }
0x4b: {  	_ =	shalt  }
0x4c: {  	_ =	shalt  }
0x4d: {  	_ =	shalt  }
0x4e: {  	_ =	shalt  }
0x4f: {  	_ =	shalt  }
0x50: {  	_ =	shalt  }
0x51: {  	_ =	shalt  }
0x52: {  	_ =	shalt  }
0x53: {  	_ =	shalt  }
0x54: {  	_ =	shalt  }
0x55: {  	_ =	shalt  }
0x56: {  	_ =	shalt  }
0x57: {  	_ =	shalt  }
0x58: {  	_ =	shalt  }
0x59: {  	_ =	shalt  }
0x5a: {  	_ =	shalt  }
0x5b: {  	_ =	shalt  }
0x5c: {  	_ =	shalt  }
0x5d: {  	_ =	shalt  }
0x5e: {  	_ =	shalt  }
0x5f: {  	_ =	shalt  }
0x60: {  	_ =	shalt  }
0x61: {  	_ =	shalt  }
0x62: {  	_ =	shalt  }
0x63: {  	_ =	shalt  }
0x64: {  	_ =	shalt  }
0x65: {  	_ =	shalt  }
0x66: {  	_ =	shalt  }
0x67: {  	_ =	shalt  }
0x68: {  	_ =	shalt  }
0x69: {  	_ =	shalt  }
0x6a: {  	_ =	shalt  }
0x6b: {  	_ =	shalt  }
0x6c: {  	_ =	shalt  }
0x6d: {  	_ =	shalt  }
0x6e: {  	_ =	shalt  }
0x6f: {  	_ =	shalt  }
0x70: {  	_ =	shalt  }
0x71: {  	_ =	shalt  }
0x72: {  	_ =	shalt  }
0x73: {  	_ =	shalt  }
0x74: {  	_ =	shalt  }
0x75: {  	_ =	shalt  }
0x76: {  	_ =	shalt  }
0x77: {  	_ =	shalt  }
0x78: {  	_ =	shalt  }
0x79: {  	_ =	shalt  }
0x7a: {  	_ =	shalt  }
0x7b: {  	_ =	shalt  }
0x7c: {  	_ =	shalt  }
0x7d: {  	_ =	shalt  }
0x7e: {  	_ =	shalt  }
0x7f: {  	_ =	shalt  }
0x80: {  	_ =	shalt  }
0x81: {  	_ =	shalt  }
0x82: {  	_ =	shalt  }
0x83: {  	_ =	shalt  }
0x84: {  	_ =	shalt  }
0x85: {  	_ =	shalt  }
0x86: {  	_ =	shalt  }
0x87: {  	_ =	shalt  }
.Lfunc_end0:
.L_simem_size_0:
called_computation.2_lowered:
.L_overlay_start_0:
0x88: {  	s2 =	sld [smem:$0x3FD9]  }
0x89: {  	s3 =	sld [smem:$0x3FFE];
	_ =	sdelay $0x1  }
0x8a: {  	s1 =	srdreg.scid  }
0x8b: {  	s0 =	sand.u32 $0x1, s1  }
0x8c: {  	s16 =	sshll.u32 s0, $0xA;
	s2 =	sadd.s32 s3, s2  }
0x8d: {  	s2 =	sadd.s32 s2, s16  }
0x8e: {  	[smem:$0x3FBA] =	sst s2  }
0x8f: {  	_ = 	snop  }
0x90: {  	(tm) =	ssettm $0x1  }
0x91: {  	s17 =	sld [smem:$0x3FFB];
	_ =	sdelay $0x3  }
0x92: {  	_ =	strace s17  }
0x93: {  	s2 =	sld [smem:$0x3FFC];
	_ =	sdelay $0x3  }
0x94: {  	_ =	strace s2  }
0x95: {  	s2 =	sld [smem:$0x3FFD];
	_ =	sdelay $0x3  }
0x96: {  	_ =	strace s2  }
0x97: {  	_ =	strace $0x8FFFFFFF  }
0x98: {  	s18 =	sld [smem:$0x3FDB];
	_ =	sdelay $0x1  }
0x99: {  	s19 =	simm.s32 $_scs_section_size  }
0x9a: {  	s4 =	simm.s32 $_size__tile_overlayer_lowered;
	s5 =	simm.s32 $_tile_overlayer_lowered  }
0x9b: {  	s22 =	simm.s32 $0x1BFF;
	s21 =	sshll.u32 s5, $0x1;
	s2 =	sadd.s32 s19, s18  }
0x9c: {  	s6 =	simm.s32 $0x0;
	s20 =	sshll.u32 s4, $0x1;
	s4 =	sadd.s32 s21, s2  }
0x9d: {  	[timem:s6], [sflag:s22] =	dma.local [hbm:s4], s20  }
0x9e: {  	_ =	swait.ge [sflag:s22], s20  }
0x9f: {  	s3 =	ssub.s32 $0x0, s20;
	[sflag:s22] =	ssyncset.done $0x0  }
0xa0: {  	[sflag:s22] =	ssyncadd.s32 s3;
	_ =	sdelay $0x1  }
0xa1: {  	s23 =	simm.s32 $0x1B8B  }
0xa2: {  	_ =	swait.ge [sflag:s23], $0x1  }
0xa3: {  	[sflag:s23] =	ssyncset.done $0x0  }
0xa4: {  	s25 =	simm.s32 $0x1B8E;
	s24 =	sld [smem:$0x3FFE];
	[sflag:s23] =	ssyncadd.s32 $0xFFFFFFFF  }
0xa5: {  	s26 =	simm.s32 $execute0_lowered;
	[smem:$0x3FD2] =	sst s25  }
0xa6: {  	s4 =	sshll.u32 s26, $0x1;
	_ =	strace $0x8000004C;
	[dreg:$0x1] =	wrdreg $0xFFFFFFFF  }
0xa7: {  	s28 =	simm.s32 $_size_execute0_lowered;
	s2 =	sadd.s32 s2, s4;
	[dreg:$0x0] =	wrdreg $0x0  }
0xa8: {  	s4 =	sshll.u32 s28, $0x1;
	[dreg:$0x2] =	wrdreg s2  }
0xa9: {  	[dreg:$0x3] =	wrdreg s4  }
0xaa: {  	[dreg:$0x4] =	wrdreg $0xC0  }
0xab: {  	_ =	task [dreg:s6], $0x5FFFF  }
0xac: {  	[dreg:$0x1] =	wrdreg $0xFFFFFFFF  }
0xad: {  	[dreg:$0x0] =	wrdreg $0x60  }
0xae: {  	[dreg:$0x2] =	wrdreg s24  }
0xaf: {  	[dreg:$0x3] =	wrdreg $0xBA000  }
0xb0: {  	[dreg:$0x4] =	wrdreg $0x9  }
0xb1: {  	_ =	task.clear_ibuf [dreg:s6], $0x5FFFF;
	_ =	strace $0x9000004C  }
0xb2: {  	s29 =	simm.s32 $0x9;
	_ =	strace $0x8000004E  }
0xb3: {  	_ =	swait.ge [sflag:s29], $0x1  }
0xb4: {  	[sflag:s29] =	ssyncadd.s32 $0xFFFFFFFF  }
0xb5: {  	_ =	strace $0x9000004E  }
0xb6: {  	_ =	sfence  }
0xb7: {  	s30 =	sld [smem:$0x0];
	_ =	sdelay $0x2  }
0xb8: {  	s31 =	sshll.u32 s1, $0xD;
	s1 =	sshrl.u32 s1, $0x2  }
0xb9: {  	s3 =	sand.u32 $0x4000, s31;
	s1 =	sadd.s32 s1, s30  }
0xba: {  	s0 =	sor.u32 s3, s0;
	s1 =	sshll.u32 s1, $0x11  }
0xbb: {  	s0 =	sor.u32 s1, s0  }
0xbc: {  	s0 =	sadd.s32 $0x8F2B, s0  }
0xbd: {  	[sflag:s0] =	ssyncadd.remote.s32 $0x1  }
0xbe: {  	_ =	sfence.sel $0xFFFF  }
0xbf: {  	[dreg:$0x0] =	wrdreg $0xFFFFFFFF;
	(pc) =	sbr.abs _section_cstart, $3  }
0xc0: {  	[dreg:$0x1] =	wrdreg $0xFFFFFFFF  }
0xc1: {  	_ =	task.clear_ibuf [dreg:s6], $0x2FFFF;
	_ =	strace $0x9FFFFFFF  }
0xc2: {  	(tm) =	ssettm $0x7FFFFFFF  }
0xc3: {  	_ =	shalt  }
tec
execute0_lowered:
.L_overlay_start_1:
0x0: {  	(tag) =	ssettag $0x1  }
0x1: {  	s0 =	rddreg [dreg:$0x0]  }
0x2: {  	s1 =	rddreg [dreg:$0x1];
	s3 =	srdreg.scid  }
0x3: {  	s12 =	stileid.u32;
	s28 =	simm.s32 $0x7E00;
	s29 =	simm.s32 $0x1  }
0x4: {  	s31 =	simm.s32 $0x5;
	s30 =	simm.s32 $0x0;
	s5 =	smul.u32 $0x4EC0, s12  }
0x5: {  	s2 =	sadd.s32 $0x55A00, s0;
	s4 =	sadd.s32 $0x1A600, s0;
	s3 =	sand.u32 $0x1, s3  }
0x6: {  	s6 =	sadd.s32 $0x5F800, s0;
	s7 =	sadd.s32 $0x24400, s0;
	s10 =	sshrl.u32 s5, $0x3  }
0x7: {  	s24 =	smul.u32 $0x9D8, s12;
	s8 =	ssub.s32 $0x2, s3;
	s13 =	sadd.s32 s6, s10  }
0x8: {  	s11 =	sadd.s32 $0x78, s5;
	s15 =	sadd.s32 s7, s10;
	[dreg:$0x7] =	wrdreg s13  }
0x9: {  	s14 =	sshrl.u32 s11, $0x3;
	s22 =	sadd.s32 s2, s10;
	[dreg:$0x8] =	wrdreg s15  }
0xa: {  	s18 =	sadd.s32 $0x1E, s10;
	s10 =	sadd.s32 s4, s10;
	[dreg:$0xf] =	wrdreg s22  }
0xb: {  	p0 =	sne.s32 s3, $0x0;
	s16 =	sadd.s32 s6, s14;
	[dreg:$0x10] =	wrdreg s10  }
0xc: {  	s3 =	simm.s32 $0xC;
	s17 =	sadd.s32 s7, s14;
	[dreg:$0x9] =	wrdreg s16  }
0xd: {  	s5 =	sadd.s32 $0x168, s5;
	s13 =	sadd.s32 s6, s18;
	[dreg:$0xa] =	wrdreg s17  }
0xe: {  	s5 =	sshrl.u32 s5, $0x3;
	s19 =	sadd.s32 s7, s18;
	[dreg:$0xb] =	wrdreg s13  }
0xf: {  	s9 =	sshrl.u32 s8, $0x1;
	s20 =	sadd.s32 s6, s5;
	[dreg:$0xc] =	wrdreg s19  }
0x10: {  	s8 =	ssub.s32 s8, s9;
	s21 =	sadd.s32 s7, s5;
	[dreg:$0xd] =	wrdreg s20  }
0x11: {  	s23 =	sadd.s32 s2, s14;
	s9 =	sadd.s32 s4, s14;
	[dreg:$0xe] =	wrdreg s21  }
0x12: {  	s25 =	sadd.s32 s2, s18;
	s26 =	sadd.s32 s4, s18;
	[dreg:$0x11] =	wrdreg s23  }
0x13: {  	s11 =	sadd.s32 s2, s5;
	s5 =	sadd.s32 s4, s5;
	[dreg:$0x12] =	wrdreg s9  }
0x14: {  	s22 =	simm.s32 $0x0;
	s14 =	sadd.s32 $0x5800, s0;
	[dreg:$0x13] =	wrdreg s25  }
0x15: {  	s15 =	sadd.s32 $0xDFE00, s0;
	s18 =	smax.u32 s8, $0x1;
	[dreg:$0x14] =	wrdreg s26  }
0x16: {  	s8 =	simm.s32 $0x300;
	s10 =	simm.s32 $0x3;
	[dreg:$0x15] =	wrdreg s11  }
0x17: {  	[dreg:$0x16] =	wrdreg s5;
	s19 =	sadd.s32 s24, s7;
	s20 =	sadd.s32 s24, s6  }
0x18: {  	s21 =	sadd.s32 s24, s4;
	s23 =	sadd.s32 s24, s2;
	[smem:$0x7FF] =	sst s22  }
0x19: {  	s24 =	sadd.s32 $0x2E200, s0;
	s13 =	smul.u32 $0x4F000, s12;
	s25 =	sadd.s32 $0x69600, s0  }
0x1a: {  	s0 =	sadd.s32 $0x107600, s0;
	_ =	strace $0x8000004D;
	[dreg:$0x17] =	wrdreg s14  }
0x1b: {  	s17 =	sshll.u32 s12, $0x6;
	s26 =	smul.u32 $0x2780, s12;
	[dreg:$0x18] =	wrdreg s15  }
0x1c: {  	s7 =	simm.s32 $0xD;
	s9 =	simm.s32 $0x380;
	[dreg:$0x19] =	wrdreg s0  }
0x1d: {  	s11 =	simm.s32 $0x78;
	s12 =	simm.s32 $0x600;
	[dreg:$0x1c] =	wrdreg s18  }
0x1e: {  	s4 =	simm.s32 $0x4;
	s2 =	simm.s32 $0xB;
	[dreg:$0x3] =	wrdreg s19  }
0x1f: {  	s6 =	sor.u32 $0x1C0D, s17;
	s14 =	simm.s32 $0x100;
	[dreg:$0x4] =	wrdreg s20  }
.Ltmp0:
0x20: {  	s17 =	simm.s32 $0x180;
	[dreg:$0x5] =	wrdreg s21;
	(pc) =	sbr.rel .LBB2_1-.Ltmp0, $4  }
0x21: {  	s18 =	simm.s32 $0x9;
	s15 =	simm.s32 $0xA;
	[dreg:$0x6] =	wrdreg s23  }
0x22: {  	s16 =	sshrl.u32 s13, $0x2;
	[dreg:$0x1d] =	wrdreg s26;
	s26 =	simm.s32 $0x200  }
0x23: {  	s13 =	simm.s32 $0x6;
	[dreg:$0x1b] =	wrdreg s6;
	s0 =	sadd.s32 s16, s1  }
0x24: {  	s16 =	simm.s32 $0x400;
	[dreg:$0x1a] =	wrdreg s0;
	s0 =	simm.s32 $0x2  }
.LBB2_7:
0x25: {  	s6 =	simm.s32 @!p2 $0x6;
	[sflag:s10] =	ssyncadd.s32 $0xFFFFC400;
	s17 =	simm.s32 $0x580  }
0x26: {  	[spmem:s1] =	stream.indirect.scatter.add.f32 [tilespmem:s28], [sflag:$0x6], $0x80, s17, s11, $0xb8;
	[tilespmem:$0x1F600] =	vst v63  }
0x27: {  	_ =	swait.ge @!p2 [sflag:s6], $0x3C00  }
0x28: {  	s7 =	sadd.s32 s5, s20;
	[sflag:s6] =	ssyncset.done @!p2 $0x0  }
0x29: {  	s8 =	sadd.s32 s5, s19;
	s14 =	sadd.s32 $0x3C, s7;
	[sflag:s6] =	ssyncadd.s32 @!p2 $0xFFFFC400  }
0x2a: {  	[tilespmem:s26], [sflag:$0xB] =	stream.linear.gather [hbm4b:s14+s22], $0x78, $0x38;
	[tilespmem:$0x1F600] =	vst v63  }
0x2b: {  	s9 =	simm.s32 $0x500;
	s16 =	sadd.s32 $0x3C, s8  }
0x2c: {  	[tilespmem:s9], [sflag:$0xB] =	stream.linear.gather [hbm4b:s16+s22], $0x78, $0x38;
	[tilespmem:$0x1F600] =	vst v63  }
0x2d: {  	_ =	swait.ge [sflag:s18], $0x78  }
0x2e: {  	[sflag:s18] =	ssyncset.done $0x0  }
0x2f: {  	[sflag:s18] =	ssyncadd.s32 $0xFFFFFF88  }
0x30: {  	_ =	swait.ge [sflag:s18], $0x78  }
0x31: {  	[sflag:s18] =	ssyncset.done $0x0  }
0x32: {  	s14 =	simm.s32 $0x100;
	[sflag:s18] =	ssyncadd.s32 $0xFFFFFF88  }
0x33: {  	[tilespmem:s28], [sflag:$0x3] =	stream.indirect.gather [hbm4b:s25+s11], $0x80, s14, s11, $0xb8;
	[tilespmem:$0x1F600] =	vst v63  }
0x34: {  	_ =	swait.ge [sflag:s29], $0x3C00  }
0x35: {  	[sflag:s29] =	ssyncset.done $0x0  }
0x36: {  	s16 =	simm.s32 $0x300;
	[sflag:s29] =	ssyncadd.s32 $0xFFFFC400  }
0x37: {  	[spmem:s1] =	stream.indirect.scatter.add.f32 [tilespmem:s12], [sflag:$0x4], $0x80, s16, s11, $0xb8;
	[tilespmem:$0x1F600] =	vst v63  }
0x38: {  	_ =	swait.ge [sflag:s4], $0x3C00  }
0x39: {  	[sflag:s4] =	ssyncset.done $0x0  }
0x3a: {  	s7 =	sadd.s32 $0x4B, s7;
	[sflag:s4] =	ssyncadd.s32 $0xFFFFC400  }
0x3b: {  	[tilespmem:s30], [sflag:$0xC] =	stream.linear.gather [hbm4b:s7+s22], $0x78, $0x38;
	[tilespmem:$0x1F600] =	vst v63  }
0x3c: {  	s9 =	sadd.s32 $0x4B, s8  }
0x3d: {  	[tilespmem:s17], [sflag:$0xC] =	stream.linear.gather [hbm4b:s9+s22], $0x78, $0x38;
	[tilespmem:$0x1F600] =	vst v63  }
0x3e: {  	_ =	swait.ge [sflag:s15], $0x78  }
0x3f: {  	[sflag:s15] =	ssyncset.done $0x0  }
0x40: {  	[sflag:s15] =	ssyncadd.s32 $0xFFFFFF88  }
0x41: {  	_ =	swait.ge [sflag:s15], $0x78  }
0x42: {  	[sflag:s15] =	ssyncset.done $0x0  }
0x43: {  	s14 =	simm.s32 $0x180;
	[sflag:s15] =	ssyncadd.s32 $0xFFFFFF88  }
0x44: {  	[tilespmem:s12], [sflag:$0x1] =	stream.indirect.gather [hbm4b:s25+s11], $0x80, s14, s11, $0xb8;
	[tilespmem:$0x1F600] =	vst v63  }
0x45: {  	_ =	swait.ge [sflag:s0], $0x3C00  }
0x46: {  	[sflag:s0] =	ssyncset.done $0x0  }
0x47: {  	s16 =	simm.s32 $0x380;
	[sflag:s0] =	ssyncadd.s32 $0xFFFFC400  }
0x48: {  	[spmem:s1] =	stream.indirect.scatter.add.f32 [tilespmem:s23], [sflag:$0x5], $0x80, s16, s11, $0xb8;
	[tilespmem:$0x1F600] =	vst v63  }
0x49: {  	p1 =	seq.s32 s5, $0x97E;
	_ =	swait.ge [sflag:s31], $0x3C00  }
0x4a: {  	s6 =	simm.s32 @!p1 $0x0;
	s7 =	sadd.s32 @!p1 s5, s20;
	[sflag:s31] =	ssyncset.done $0x0  }
0x4b: {  	s5 =	sadd.s32 @!p1 s5, s19;
	s8 =	sadd.s32 @!p1 $0x5A, s7;
	[sflag:s31] =	ssyncadd.s32 $0xFFFFC400  }
0x4c: {  	[tilespmem:s6], [sflag:$0x7] =	stream.linear.gather @!p1 [hbm4b:s8+s6], $0x78, $0x38;
	[tilespmem:$0x1F600] =	vst v63  }
0x4d: {  	s9 =	simm.s32 @!p1 $0x300;
	s8 =	sadd.s32 @!p1 $0x5A, s5  }
0x4e: {  	[tilespmem:s9], [sflag:$0x7] =	stream.linear.gather @!p1 [hbm4b:s8+s6], $0x78, $0x38;
	[tilespmem:$0x1F600] =	vst v63  }
0x4f: {  	_ =	swait.ge [sflag:s2], $0x78  }
0x50: {  	[sflag:s2] =	ssyncset.done $0x0  }
0x51: {  	[sflag:s2] =	ssyncadd.s32 $0xFFFFFF88  }
0x52: {  	_ =	swait.ge [sflag:s2], $0x78  }
0x53: {  	[sflag:s2] =	ssyncset.done $0x0  }
0x54: {  	[sflag:s2] =	ssyncadd.s32 $0xFFFFFF88  }
0x55: {  	[tilespmem:s23], [sflag:$0x2] =	stream.indirect.gather [hbm4b:s25+s11], $0x80, s26, s11, $0xb8;
	[tilespmem:$0x1F600] =	vst v63  }
0x56: {  	_ =	swait.ge [sflag:s10], $0x3C00  }
0x57: {  	[sflag:s10] =	ssyncset.done $0x0  }
0x58: {  	s23 =	simm.s32 $0x400;
	[sflag:s10] =	ssyncadd.s32 $0xFFFFC400  }
0x59: {  	[spmem:s1] =	stream.indirect.scatter.add.f32 [tilespmem:s28], [sflag:$0x6], $0x80, s23, s11, $0xb8;
	[tilespmem:$0x1F600] =	vst v63  }
0x5a: {  	_ =	swait.ge [sflag:s13], $0x3C00  }
0x5b: {  	[sflag:s13] =	ssyncset.done $0x0  }
0x5c: {  	s9 =	sadd.s32 @!p1 $0x69, s7;
	s8 =	simm.s32 @!p1 $0x80;
	[sflag:s13] =	ssyncadd.s32 $0xFFFFC400  }
0x5d: {  	[tilespmem:s8], [sflag:$0x8] =	stream.linear.gather @!p1 [hbm4b:s9+s6], $0x78, $0x38;
	[tilespmem:$0x1F600] =	vst v63  }
0x5e: {  	s14 =	simm.s32 @!p1 $0x380;
	s9 =	sadd.s32 @!p1 $0x69, s5  }
0x5f: {  	[tilespmem:s14], [sflag:$0x8] =	stream.linear.gather @!p1 [hbm4b:s9+s6], $0x78, $0x38;
	[tilespmem:$0x1F600] =	vst v63  }
0x60: {  	_ =	swait.ge [sflag:s3], $0x78  }
0x61: {  	[sflag:s3] =	ssyncset.done $0x0  }
0x62: {  	[sflag:s3] =	ssyncadd.s32 $0xFFFFFF88  }
0x63: {  	_ =	swait.ge [sflag:s3], $0x78  }
0x64: {  	[sflag:s3] =	ssyncset.done $0x0  }
0x65: {  	[sflag:s3] =	ssyncadd.s32 $0xFFFFFF88  }
0x66: {  	[tilespmem:s28], [sflag:$0x3] =	stream.indirect.gather [hbm4b:s25+s11], $0x80, s30, s11, $0xb8;
	[tilespmem:$0x1F600] =	vst v63  }
0x67: {  	_ =	swait.ge [sflag:s29], $0x3C00  }
0x68: {  	[sflag:s29] =	ssyncset.done $0x0  }
0x69: {  	[sflag:s29] =	ssyncadd.s32 $0xFFFFC400  }
0x6a: {  	[spmem:s1] =	stream.indirect.scatter.add.f32 [tilespmem:s12], [sflag:$0x4], $0x80, s21, s11, $0xb8;
	[tilespmem:$0x1F600] =	vst v63  }
0x6b: {  	_ =	swait.ge [sflag:s4], $0x3C00  }
0x6c: {  	[sflag:s4] =	ssyncset.done $0x0  }
0x6d: {  	s9 =	simm.s32 @p1 $0x2;
	[sflag:s4] =	ssyncadd.s32 $0xFFFFC400  }
0x6e: {  	_ =	swait.ge @p1 [sflag:s9], $0x3C00  }
0x6f: {  	s16 =	simm.s32 @p1 $0x500;
	[sflag:s9] =	ssyncset.done @p1 $0x0  }
0x70: {  	s14 =	simm.s32 @p1 $0x4200;
	[sflag:s9] =	ssyncadd.s32 @p1 $0xFFFFC400;
	s9 =	simm.s32 @p1 $0x78  }
0x71: {  	[spmem:s1] =	stream.indirect.scatter.add.f32 @p1 [tilespmem:s14], [sflag:$0x5], $0x80, s16, s9, $0xb8;
	[tilespmem:$0x1F600] =	vst v63  }
0x72: {  	s9 =	simm.s32 @p1 $0x5  }
0x73: {  	_ =	swait.ge @p1 [sflag:s9], $0x3C00  }
0x74: {  	[sflag:s9] =	ssyncset.done @p1 $0x0  }
0x75: {  	s14 =	sadd.s32 @!p1 $0x78, s7;
	[sflag:s9] =	ssyncadd.s32 @p1 $0xFFFFC400;
	s9 =	simm.s32 @!p1 $0x100  }
0x76: {  	[tilespmem:s9], [sflag:$0x9] =	stream.linear.gather @!p1 [hbm4b:s14+s6], $0x78, $0x38;
	[tilespmem:$0x1F600] =	vst v63  }
0x77: {  	s16 =	simm.s32 @!p1 $0x7;
	s9 =	sadd.s32 @!p1 $0x78, s5;
	s14 =	simm.s32 @!p1 $0x400  }
0x78: {  	[tilespmem:s14], [sflag:$0x9] =	stream.linear.gather @!p1 [hbm4b:s9+s6], $0x78, $0x38;
	[tilespmem:$0x1F600] =	vst v63  }
0x79: {  	_ =	swait.ge @!p1 [sflag:s16], $0x78  }
0x7a: {  	[sflag:s16] =	ssyncset.done @!p1 $0x0  }
0x7b: {  	[sflag:s16] =	ssyncadd.s32 @!p1 $0xFFFFFF88  }
0x7c: {  	_ =	swait.ge @!p1 [sflag:s16], $0x78  }
0x7d: {  	s9 =	simm.s32 @!p1 $0x2;
	[sflag:s16] =	ssyncset.done @!p1 $0x0  }
0x7e: {  	s14 =	simm.s32 @!p1 $0x78;
	[sflag:s16] =	ssyncadd.s32 @!p1 $0xFFFFFF88;
	s16 =	simm.s32 @!p1 $0x600  }
0x7f: {  	[tilespmem:s16], [sflag:$0x1] =	stream.indirect.gather @!p1 [hbm4b:s25+s14], $0x80, s6, s14, $0xb8;
	[tilespmem:$0x1F600] =	vst v63  }
0x80: {  	_ =	swait.ge @!p1 [sflag:s9], $0x3C00  }
0x81: {  	[sflag:s9] =	ssyncset.done @!p1 $0x0  }
0x82: {  	s16 =	simm.s32 @!p1 $0x4200;
	[sflag:s9] =	ssyncadd.s32 @!p1 $0xFFFFC400;
	s9 =	simm.s32 @!p1 $0x500  }
0x83: {  	[spmem:s1] =	stream.indirect.scatter.add.f32 @!p1 [tilespmem:s16], [sflag:$0x5], $0x80, s9, s14, $0xb8;
	[tilespmem:$0x1F600] =	vst v63  }
0x84: {  	s9 =	simm.s32 @!p1 $0x5  }
0x85: {  	_ =	swait.ge @!p1 [sflag:s9], $0x3C00  }
0x86: {  	[sflag:s9] =	ssyncset.done @!p1 $0x0  }
0x87: {  	s7 =	sadd.s32 @!p1 $0x87, s7;
	[sflag:s9] =	ssyncadd.s32 @!p1 $0xFFFFC400;
	s9 =	simm.s32 @!p1 $0x180  }
0x88: {  	[tilespmem:s9], [sflag:$0xA] =	stream.linear.gather @!p1 [hbm4b:s7+s6], $0x78, $0x38;
	[tilespmem:$0x1F600] =	vst v63  }
0x89: {  	s5 =	sadd.s32 @!p1 $0x87, s5;
	s7 =	simm.s32 @!p1 $0x480  }
0x8a: {  	[tilespmem:s7], [sflag:$0xA] =	stream.linear.gather @!p1 [hbm4b:s5+s6], $0x78, $0x38;
	[tilespmem:$0x1F600] =	vst v63  }
0x8b: {  	s5 =	simm.s32 @!p1 $0x8  }
0x8c: {  	_ =	swait.ge @!p1 [sflag:s5], $0x78  }
0x8d: {  	[sflag:s5] =	ssyncset.done @!p1 $0x0  }
0x8e: {  	[sflag:s5] =	ssyncadd.s32 @!p1 $0xFFFFFF88  }
0x8f: {  	_ =	swait.ge @!p1 [sflag:s5], $0x78  }
0x90: {  	[sflag:s5] =	ssyncset.done @!p1 $0x0  }
0x91: {  	[sflag:s5] =	ssyncadd.s32 @!p1 $0xFFFFFF88  }
0x92: {  	[tilespmem:s16], [sflag:$0x2] =	stream.indirect.gather @!p1 [hbm4b:s25+s14], $0x80, s8, s14, $0xb8;
	[tilespmem:$0x1F600] =	vst v63  }
0x93: {  	_ =	swait.ge [sflag:s10], $0x3C00  }
0x94: {  	s9 =	simm.s32 $0x380;
	s5 =	rddreg [dreg:$0x19]  }
0x95: {  	s8 =	simm.s32 $0x300;
	[sflag:s10] =	ssyncset.done $0x0;
	s21 =	rddreg [dreg:$0x5]  }
0x96: {  	s14 =	simm.s32 $0x100;
	s23 =	rddreg [dreg:$0x6];
	[sflag:s10] =	ssyncadd.s32 $0xFFFFC400  }
0x97: {  	[spmem:s1] =	stream.indirect.scatter.add.f32 [tilespmem:s28], [sflag:$0x6], $0x80, s17, s11, $0xb8;
	[tilespmem:$0x1F600] =	vst v63  }
0x98: {  	s16 =	simm.s32 $0x400;
	s30 =	rddreg [dreg:$0x1e];
	s17 =	simm.s32 $0x180  }
.LBB2_8:
0x99: {  	_ =	swait.ge [sflag:s13], $0x3C00  }
0x9a: {  	[sflag:s13] =	ssyncset.done $0x0  }
0x9b: {  	[sflag:s13] =	ssyncadd.s32 $0xFFFFC400  }
0x9c: {  	s6 =	rddreg [dreg:$0x1d];
	[bflag:$0x0] =	sbarrier.arrive $0xFFFF  }
0x9d: {  	s5 =	sadd.s32 s5, s6;
	s6 =	rddreg [dreg:$0x1b]  }
0x9e: {  	s7 =	rddreg [dreg:$0x1f]  }
0x9f: {  	[hbm:s5], [sflag:s6] =	dma.local [spmem:s7], $0x2780  }
0xa0: {  	s7 =	simm.s32 $0xD  }
0xa1: {  	_ =	swait.ge [sflag:s7], $0x2780  }
0xa2: {  	s30 =	sadd.s32 $0x1, s30;
	s5 =	rddreg [dreg:$0x1c]  }
0xa3: {  	p1 =	sne.s32 s30, s5  }
.Ltmp1:
0xa4: {  	_ = 	snop;
	(pc) =	sbr.rel @!p1 .LBB2_9-.Ltmp1, $3  }
0xa5: {  	_ =	sdelay $0x1  }
0xa6: {  	[sflag:s7] =	ssyncset.done $0x0  }
0xa7: {  	[sflag:s7] =	ssyncadd.s32 $0xFFFFD880  }
.LBB2_1:
0xa8: {  	[dreg:$0x1e] =	wrdreg s30  }
0xa9: {  	s5 =	rddreg [dreg:$0x1a]  }
0xaa: {  	s30 =	sshrl.u32 s5, $0x3;
	s5 =	rddreg [dreg:$0x17]  }
0xab: {  	[dreg:$0x1f] =	wrdreg s30  }
0xac: {  	[spmem:s30], [sflag:s6] =	dma.local [hbm:s5], $0x2780  }
.Ltmp2:
0xad: {  	_ =	swait.ge [sflag:s7], $0x2780;
	(pc) =	sbr.rel @p0 .LBB2_5-.Ltmp2, $4  }
0xae: {  	[sflag:s7] =	ssyncset.done $0x0  }
0xaf: {  	[sflag:s7] =	ssyncadd.s32 $0xFFFFD880  }
0xb0: {  	[bflag:$0x0] =	sbarrier.arrive $0xFFFF  }
0xb1: {  	s5 =	simm.s32 $0x0  }
0xb2: {  	s6 =	rddreg [dreg:$0xf]  }
0xb3: {  	[tilespmem:s5], [sflag:$0x7] =	stream.linear.gather [hbm4b:s6+s5], $0x78, $0x38;
	[tilespmem:$0x1F600] =	vst v63  }
0xb4: {  	s7 =	rddreg [dreg:$0x10]  }
0xb5: {  	[tilespmem:s8], [sflag:$0x7] =	stream.linear.gather [hbm4b:s7+s5], $0x78, $0x38;
	[tilespmem:$0x1F600] =	vst v63  }
0xb6: {  	s19 =	rddreg [dreg:$0x11];
	s7 =	simm.s32 $0x80  }
0xb7: {  	[tilespmem:s7], [sflag:$0x8] =	stream.linear.gather [hbm4b:s19+s5], $0x78, $0x38;
	[tilespmem:$0x1F600] =	vst v63  }
0xb8: {  	s20 =	rddreg [dreg:$0x12]  }
0xb9: {  	[tilespmem:s9], [sflag:$0x8] =	stream.linear.gather [hbm4b:s20+s5], $0x78, $0x38;
	[tilespmem:$0x1F600] =	vst v63  }
0xba: {  	s26 =	rddreg [dreg:$0x13]  }
0xbb: {  	[tilespmem:s14], [sflag:$0x9] =	stream.linear.gather [hbm4b:s26+s5], $0x78, $0x38;
	[tilespmem:$0x1F600] =	vst v63  }
0xbc: {  	s19 =	rddreg [dreg:$0x14]  }
0xbd: {  	[tilespmem:s16], [sflag:$0x9] =	stream.linear.gather [hbm4b:s19+s5], $0x78, $0x38;
	[tilespmem:$0x1F600] =	vst v63  }
0xbe: {  	s20 =	rddreg [dreg:$0x15]  }
0xbf: {  	[tilespmem:s17], [sflag:$0xA] =	stream.linear.gather [hbm4b:s20+s5], $0x78, $0x38;
	[tilespmem:$0x1F600] =	vst v63  }
0xc0: {  	s26 =	rddreg [dreg:$0x16];
	s19 =	simm.s32 $0x480;
	s20 =	simm.s32 $0x7  }
0xc1: {  	[tilespmem:s19], [sflag:$0xA] =	stream.linear.gather [hbm4b:s26+s5], $0x78, $0x38;
	[tilespmem:$0x1F600] =	vst v63  }
0xc2: {  	_ =	swait.ge [sflag:s20], $0x78  }
0xc3: {  	[sflag:s20] =	ssyncset.done $0x0  }
0xc4: {  	[sflag:s20] =	ssyncadd.s32 $0xFFFFFF88  }
0xc5: {  	_ =	swait.ge [sflag:s20], $0x78  }
0xc6: {  	[sflag:s20] =	ssyncset.done $0x0  }
0xc7: {  	s26 =	simm.s32 $0x8;
	[sflag:s20] =	ssyncadd.s32 $0xFFFFFF88  }
0xc8: {  	[tilespmem:s12], [sflag:$0x1] =	stream.indirect.gather [hbm4b:s24+s11], $0x80, s5, s11, $0xb8;
	[tilespmem:$0x1F600] =	vst v63  }
0xc9: {  	_ =	swait.ge [sflag:s26], $0x78  }
0xca: {  	[sflag:s26] =	ssyncset.done $0x0  }
0xcb: {  	[sflag:s26] =	ssyncadd.s32 $0xFFFFFF88  }
0xcc: {  	_ =	swait.ge [sflag:s26], $0x78  }
0xcd: {  	p1 =	por $0x1, $0x1;
	[sflag:s26] =	ssyncset.done $0x0  }
0xce: {  	s5 =	simm.s32 @!p1 $0x6;
	[sflag:s26] =	ssyncadd.s32 $0xFFFFFF88;
	s26 =	simm.s32 $0x4200  }
0xcf: {  	[tilespmem:s26], [sflag:$0x2] =	stream.indirect.gather [hbm4b:s24+s11], $0x80, s7, s11, $0xb8;
	[tilespmem:$0x1F600] =	vst v63  }
0xd0: {  	_ =	swait.ge @!p1 [sflag:s5], $0x3C00  }
0xd1: {  	s30 =	simm.s32 $0x200;
	s6 =	sadd.s32 $0x0, s23;
	[sflag:s5] =	ssyncset.done @!p1 $0x0  }
0xd2: {  	s7 =	sadd.s32 $0x0, s21;
	[sflag:s5] =	ssyncadd.s32 @!p1 $0xFFFFC400;
	s5 =	sadd.s32 $0x3C, s6  }
0xd3: {  	[tilespmem:s30], [sflag:$0xB] =	stream.linear.gather [hbm4b:s5+s22], $0x78, $0x38;
	[tilespmem:$0x1F600] =	vst v63  }
0xd4: {  	s20 =	simm.s32 $0x500;
	s5 =	sadd.s32 $0x3C, s7  }
0xd5: {  	[tilespmem:s20], [sflag:$0xB] =	stream.linear.gather [hbm4b:s5+s22], $0x78, $0x38;
	[tilespmem:$0x1F600] =	vst v63  }
0xd6: {  	_ =	swait.ge [sflag:s18], $0x78  }
0xd7: {  	[sflag:s18] =	ssyncset.done $0x0  }
0xd8: {  	[sflag:s18] =	ssyncadd.s32 $0xFFFFFF88  }
0xd9: {  	_ =	swait.ge [sflag:s18], $0x78  }
0xda: {  	[sflag:s18] =	ssyncset.done $0x0  }
0xdb: {  	[sflag:s18] =	ssyncadd.s32 $0xFFFFFF88  }
0xdc: {  	[tilespmem:s28], [sflag:$0x3] =	stream.indirect.gather [hbm4b:s24+s11], $0x80, s14, s11, $0xb8;
	[tilespmem:$0x1F600] =	vst v63  }
0xdd: {  	_ =	swait.ge [sflag:s29], $0x3C00  }
0xde: {  	[sflag:s29] =	ssyncset.done $0x0  }
0xdf: {  	[sflag:s29] =	ssyncadd.s32 $0xFFFFC400  }
0xe0: {  	[spmem:s1] =	stream.indirect.scatter.add.f32 [tilespmem:s12], [sflag:$0x4], $0x80, s8, s11, $0xb8;
	[tilespmem:$0x1F600] =	vst v63  }
0xe1: {  	_ =	swait.ge [sflag:s4], $0x3C00  }
0xe2: {  	[sflag:s4] =	ssyncset.done $0x0  }
0xe3: {  	s6 =	sadd.s32 $0x4B, s6;
	s20 =	simm.s32 $0x280;
	[sflag:s4] =	ssyncadd.s32 $0xFFFFC400  }
0xe4: {  	[tilespmem:s20], [sflag:$0xC] =	stream.linear.gather [hbm4b:s6+s22], $0x78, $0x38;
	[tilespmem:$0x1F600] =	vst v63  }
0xe5: {  	s14 =	simm.s32 $0x580;
	s8 =	sadd.s32 $0x4B, s7  }
0xe6: {  	[tilespmem:s14], [sflag:$0xC] =	stream.linear.gather [hbm4b:s8+s22], $0x78, $0x38;
	[tilespmem:$0x1F600] =	vst v63  }
0xe7: {  	_ =	swait.ge [sflag:s15], $0x78  }
0xe8: {  	[sflag:s15] =	ssyncset.done $0x0  }
0xe9: {  	[sflag:s15] =	ssyncadd.s32 $0xFFFFFF88  }
0xea: {  	_ =	swait.ge [sflag:s15], $0x78  }
0xeb: {  	[sflag:s15] =	ssyncset.done $0x0  }
0xec: {  	[sflag:s15] =	ssyncadd.s32 $0xFFFFFF88  }
0xed: {  	[tilespmem:s12], [sflag:$0x1] =	stream.indirect.gather [hbm4b:s24+s11], $0x80, s17, s11, $0xb8;
	[tilespmem:$0x1F600] =	vst v63  }
0xee: {  	_ =	swait.ge [sflag:s0], $0x3C00  }
0xef: {  	[sflag:s0] =	ssyncset.done $0x0  }
0xf0: {  	[sflag:s0] =	ssyncadd.s32 $0xFFFFC400  }
0xf1: {  	[spmem:s1] =	stream.indirect.scatter.add.f32 [tilespmem:s26], [sflag:$0x5], $0x80, s9, s11, $0xb8;
	[tilespmem:$0x1F600] =	vst v63  }
0xf2: {  	p1 =	por $0x0, $0x0;
	_ =	swait.ge [sflag:s31], $0x3C00  }
0xf3: {  	s5 =	sadd.s32 @!p1 $0x0, s21;
	s7 =	sadd.s32 @!p1 $0x0, s23;
	[sflag:s31] =	ssyncset.done $0x0  }
0xf4: {  	s6 =	simm.s32 @!p1 $0x0;
	s8 =	sadd.s32 @!p1 $0x5A, s7;
	[sflag:s31] =	ssyncadd.s32 $0xFFFFC400  }
0xf5: {  	[tilespmem:s6], [sflag:$0x7] =	stream.linear.gather @!p1 [hbm4b:s8+s6], $0x78, $0x38;
	[tilespmem:$0x1F600] =	vst v63  }
0xf6: {  	s9 =	simm.s32 @!p1 $0x300;
	s8 =	sadd.s32 @!p1 $0x5A, s5  }
0xf7: {  	[tilespmem:s9], [sflag:$0x7] =	stream.linear.gather @!p1 [hbm4b:s8+s6], $0x78, $0x38;
	[tilespmem:$0x1F600] =	vst v63  }
0xf8: {  	_ =	swait.ge [sflag:s2], $0x78  }
0xf9: {  	[sflag:s2] =	ssyncset.done $0x0  }
0xfa: {  	[sflag:s2] =	ssyncadd.s32 $0xFFFFFF88  }
0xfb: {  	_ =	swait.ge [sflag:s2], $0x78  }
0xfc: {  	[sflag:s2] =	ssyncset.done $0x0  }
0xfd: {  	[sflag:s2] =	ssyncadd.s32 $0xFFFFFF88  }
0xfe: {  	[tilespmem:s26], [sflag:$0x2] =	stream.indirect.gather [hbm4b:s24+s11], $0x80, s30, s11, $0xb8;
	[tilespmem:$0x1F600] =	vst v63  }
0xff: {  	_ =	swait.ge [sflag:s10], $0x3C00  }
0x100: {  	[sflag:s10] =	ssyncset.done $0x0  }
0x101: {  	[sflag:s10] =	ssyncadd.s32 $0xFFFFC400  }
0x102: {  	[spmem:s1] =	stream.indirect.scatter.add.f32 [tilespmem:s28], [sflag:$0x6], $0x80, s16, s11, $0xb8;
	[tilespmem:$0x1F600] =	vst v63  }
0x103: {  	_ =	swait.ge [sflag:s13], $0x3C00  }
0x104: {  	[sflag:s13] =	ssyncset.done $0x0  }
0x105: {  	s9 =	sadd.s32 @!p1 $0x69, s7;
	s8 =	simm.s32 @!p1 $0x80;
	[sflag:s13] =	ssyncadd.s32 $0xFFFFC400  }
0x106: {  	[tilespmem:s8], [sflag:$0x8] =	stream.linear.gather @!p1 [hbm4b:s9+s6], $0x78, $0x38;
	[tilespmem:$0x1F600] =	vst v63  }
0x107: {  	s17 =	simm.s32 @!p1 $0x380;
	s9 =	sadd.s32 @!p1 $0x69, s5  }
0x108: {  	[tilespmem:s17], [sflag:$0x8] =	stream.linear.gather @!p1 [hbm4b:s9+s6], $0x78, $0x38;
	[tilespmem:$0x1F600] =	vst v63  }
0x109: {  	_ =	swait.ge [sflag:s3], $0x78  }
0x10a: {  	[sflag:s3] =	ssyncset.done $0x0  }
0x10b: {  	[sflag:s3] =	ssyncadd.s32 $0xFFFFFF88  }
0x10c: {  	_ =	swait.ge [sflag:s3], $0x78  }
0x10d: {  	[sflag:s3] =	ssyncset.done $0x0  }
0x10e: {  	[sflag:s3] =	ssyncadd.s32 $0xFFFFFF88  }
0x10f: {  	[tilespmem:s28], [sflag:$0x3] =	stream.indirect.gather [hbm4b:s24+s11], $0x80, s20, s11, $0xb8;
	[tilespmem:$0x1F600] =	vst v63  }
0x110: {  	_ =	swait.ge [sflag:s29], $0x3C00  }
0x111: {  	[sflag:s29] =	ssyncset.done $0x0  }
0x112: {  	[sflag:s29] =	ssyncadd.s32 $0xFFFFC400  }
0x113: {  	[spmem:s1] =	stream.indirect.scatter.add.f32 [tilespmem:s12], [sflag:$0x4], $0x80, s19, s11, $0xb8;
	[tilespmem:$0x1F600] =	vst v63  }
0x114: {  	_ =	swait.ge [sflag:s4], $0x3C00  }
0x115: {  	[sflag:s4] =	ssyncset.done $0x0  }
0x116: {  	s9 =	simm.s32 @p1 $0x2;
	[sflag:s4] =	ssyncadd.s32 $0xFFFFC400  }
0x117: {  	_ =	swait.ge @p1 [sflag:s9], $0x3C00  }
0x118: {  	s17 =	simm.s32 @p1 $0x4200;
	[sflag:s9] =	ssyncset.done @p1 $0x0  }
0x119: {  	s19 =	simm.s32 @p1 $0x500;
	[sflag:s9] =	ssyncadd.s32 @p1 $0xFFFFC400;
	s9 =	simm.s32 @p1 $0x78  }
0x11a: {  	[spmem:s1] =	stream.indirect.scatter.add.f32 @p1 [tilespmem:s17], [sflag:$0x5], $0x80, s19, s9, $0xb8;
	[tilespmem:$0x1F600] =	vst v63  }
0x11b: {  	s9 =	simm.s32 @p1 $0x5  }
0x11c: {  	_ =	swait.ge @p1 [sflag:s9], $0x3C00  }
0x11d: {  	[sflag:s9] =	ssyncset.done @p1 $0x0  }
0x11e: {  	s17 =	sadd.s32 @!p1 $0x78, s7;
	[sflag:s9] =	ssyncadd.s32 @p1 $0xFFFFC400;
	s9 =	simm.s32 @!p1 $0x100  }
0x11f: {  	[tilespmem:s9], [sflag:$0x9] =	stream.linear.gather @!p1 [hbm4b:s17+s6], $0x78, $0x38;
	[tilespmem:$0x1F600] =	vst v63  }
0x120: {  	s19 =	simm.s32 @!p1 $0x7;
	s9 =	sadd.s32 @!p1 $0x78, s5;
	s17 =	simm.s32 @!p1 $0x400  }
0x121: {  	[tilespmem:s17], [sflag:$0x9] =	stream.linear.gather @!p1 [hbm4b:s9+s6], $0x78, $0x38;
	[tilespmem:$0x1F600] =	vst v63  }
0x122: {  	_ =	swait.ge @!p1 [sflag:s19], $0x78  }
0x123: {  	[sflag:s19] =	ssyncset.done @!p1 $0x0  }
0x124: {  	[sflag:s19] =	ssyncadd.s32 @!p1 $0xFFFFFF88  }
0x125: {  	_ =	swait.ge @!p1 [sflag:s19], $0x78  }
0x126: {  	s9 =	simm.s32 @!p1 $0x2;
	[sflag:s19] =	ssyncset.done @!p1 $0x0  }
0x127: {  	s17 =	simm.s32 @!p1 $0x78;
	[sflag:s19] =	ssyncadd.s32 @!p1 $0xFFFFFF88;
	s19 =	simm.s32 @!p1 $0x600  }
0x128: {  	[tilespmem:s19], [sflag:$0x1] =	stream.indirect.gather @!p1 [hbm4b:s24+s17], $0x80, s6, s17, $0xb8;
	[tilespmem:$0x1F600] =	vst v63  }
0x129: {  	_ =	swait.ge @!p1 [sflag:s9], $0x3C00  }
0x12a: {  	[sflag:s9] =	ssyncset.done @!p1 $0x0  }
0x12b: {  	s19 =	simm.s32 @!p1 $0x4200;
	[sflag:s9] =	ssyncadd.s32 @!p1 $0xFFFFC400;
	s9 =	simm.s32 @!p1 $0x500  }
0x12c: {  	[spmem:s1] =	stream.indirect.scatter.add.f32 @!p1 [tilespmem:s19], [sflag:$0x5], $0x80, s9, s17, $0xb8;
	[tilespmem:$0x1F600] =	vst v63  }
0x12d: {  	s9 =	simm.s32 @!p1 $0x5  }
0x12e: {  	_ =	swait.ge @!p1 [sflag:s9], $0x3C00  }
0x12f: {  	[sflag:s9] =	ssyncset.done @!p1 $0x0  }
0x130: {  	s7 =	sadd.s32 @!p1 $0x87, s7;
	[sflag:s9] =	ssyncadd.s32 @!p1 $0xFFFFC400;
	s9 =	simm.s32 @!p1 $0x180  }
0x131: {  	[tilespmem:s9], [sflag:$0xA] =	stream.linear.gather @!p1 [hbm4b:s7+s6], $0x78, $0x38;
	[tilespmem:$0x1F600] =	vst v63  }
0x132: {  	s5 =	sadd.s32 @!p1 $0x87, s5;
	s7 =	simm.s32 @!p1 $0x480  }
0x133: {  	[tilespmem:s7], [sflag:$0xA] =	stream.linear.gather @!p1 [hbm4b:s5+s6], $0x78, $0x38;
	[tilespmem:$0x1F600] =	vst v63  }
0x134: {  	s5 =	simm.s32 @!p1 $0x8  }
0x135: {  	_ =	swait.ge @!p1 [sflag:s5], $0x78  }
0x136: {  	[sflag:s5] =	ssyncset.done @!p1 $0x0  }
0x137: {  	[sflag:s5] =	ssyncadd.s32 @!p1 $0xFFFFFF88  }
0x138: {  	_ =	swait.ge @!p1 [sflag:s5], $0x78  }
0x139: {  	[sflag:s5] =	ssyncset.done @!p1 $0x0  }
0x13a: {  	[sflag:s5] =	ssyncadd.s32 @!p1 $0xFFFFFF88  }
0x13b: {  	[tilespmem:s19], [sflag:$0x2] =	stream.indirect.gather @!p1 [hbm4b:s24+s17], $0x80, s8, s17, $0xb8;
	[tilespmem:$0x1F600] =	vst v63  }
0x13c: {  	p2 =	por $0x0, $0x0;
	_ =	swait.ge [sflag:s10], $0x3C00  }
0x13d: {  	s6 =	simm.s32 $0xB4;
	s5 =	simm.s32 $0x5A;
	[sflag:s10] =	ssyncset.done $0x0  }
.LBB2_3:
0x13e: {  	s7 =	simm.s32 @!p2 $0x6;
	[sflag:s10] =	ssyncadd.s32 $0xFFFFC400  }
0x13f: {  	[spmem:s1] =	stream.indirect.scatter.add.f32 [tilespmem:s28], [sflag:$0x6], $0x80, s14, s11, $0xb8;
	[tilespmem:$0x1F600] =	vst v63  }
0x140: {  	_ =	swait.ge @!p2 [sflag:s7], $0x3C00  }
0x141: {  	s8 =	sadd.s32 s5, s23;
	[sflag:s7] =	ssyncset.done @!p2 $0x0  }
0x142: {  	s9 =	sadd.s32 s5, s21;
	s16 =	sadd.s32 $0x3C, s8;
	[sflag:s7] =	ssyncadd.s32 @!p2 $0xFFFFC400  }
0x143: {  	[tilespmem:s30], [sflag:$0xB] =	stream.linear.gather [hbm4b:s16+s22], $0x78, $0x38;
	[tilespmem:$0x1F600] =	vst v63  }
0x144: {  	s19 =	sadd.s32 $0x3C, s9;
	s16 =	simm.s32 $0x500  }
0x145: {  	[tilespmem:s16], [sflag:$0xB] =	stream.linear.gather [hbm4b:s19+s22], $0x78, $0x38;
	[tilespmem:$0x1F600] =	vst v63  }
0x146: {  	_ =	swait.ge [sflag:s18], $0x78  }
0x147: {  	[sflag:s18] =	ssyncset.done $0x0  }
0x148: {  	[sflag:s18] =	ssyncadd.s32 $0xFFFFFF88  }
0x149: {  	_ =	swait.ge [sflag:s18], $0x78  }
0x14a: {  	[sflag:s18] =	ssyncset.done $0x0  }
0x14b: {  	s16 =	simm.s32 $0x100;
	[sflag:s18] =	ssyncadd.s32 $0xFFFFFF88  }
0x14c: {  	[tilespmem:s28], [sflag:$0x3] =	stream.indirect.gather [hbm4b:s24+s11], $0x80, s16, s11, $0xb8;
	[tilespmem:$0x1F600] =	vst v63  }
0x14d: {  	_ =	swait.ge [sflag:s29], $0x3C00  }
0x14e: {  	[sflag:s29] =	ssyncset.done $0x0  }
0x14f: {  	s19 =	simm.s32 $0x300;
	[sflag:s29] =	ssyncadd.s32 $0xFFFFC400  }
0x150: {  	[spmem:s1] =	stream.indirect.scatter.add.f32 [tilespmem:s12], [sflag:$0x4], $0x80, s19, s11, $0xb8;
	[tilespmem:$0x1F600] =	vst v63  }
0x151: {  	_ =	swait.ge [sflag:s4], $0x3C00  }
0x152: {  	[sflag:s4] =	ssyncset.done $0x0  }
0x153: {  	s8 =	sadd.s32 $0x4B, s8;
	[sflag:s4] =	ssyncadd.s32 $0xFFFFC400  }
0x154: {  	[tilespmem:s20], [sflag:$0xC] =	stream.linear.gather [hbm4b:s8+s22], $0x78, $0x38;
	[tilespmem:$0x1F600] =	vst v63  }
0x155: {  	s9 =	sadd.s32 $0x4B, s9  }
0x156: {  	[tilespmem:s14], [sflag:$0xC] =	stream.linear.gather [hbm4b:s9+s22], $0x78, $0x38;
	[tilespmem:$0x1F600] =	vst v63  }
0x157: {  	_ =	swait.ge [sflag:s15], $0x78  }
0x158: {  	[sflag:s15] =	ssyncset.done $0x0  }
0x159: {  	[sflag:s15] =	ssyncadd.s32 $0xFFFFFF88  }
0x15a: {  	_ =	swait.ge [sflag:s15], $0x78  }
0x15b: {  	[sflag:s15] =	ssyncset.done $0x0  }
0x15c: {  	s14 =	simm.s32 $0x180;
	[sflag:s15] =	ssyncadd.s32 $0xFFFFFF88  }
0x15d: {  	[tilespmem:s12], [sflag:$0x1] =	stream.indirect.gather [hbm4b:s24+s11], $0x80, s14, s11, $0xb8;
	[tilespmem:$0x1F600] =	vst v63  }
0x15e: {  	_ =	swait.ge [sflag:s0], $0x3C00  }
0x15f: {  	[sflag:s0] =	ssyncset.done $0x0  }
0x160: {  	s16 =	simm.s32 $0x380;
	[sflag:s0] =	ssyncadd.s32 $0xFFFFC400  }
0x161: {  	[spmem:s1] =	stream.indirect.scatter.add.f32 [tilespmem:s26], [sflag:$0x5], $0x80, s16, s11, $0xb8;
	[tilespmem:$0x1F600] =	vst v63  }
0x162: {  	p2 =	seq.s32 s5, $0x97E;
	_ =	swait.ge [sflag:s31], $0x3C00  }
0x163: {  	s7 =	simm.s32 @!p2 $0x0;
	s8 =	sadd.s32 @!p2 s5, s23;
	[sflag:s31] =	ssyncset.done $0x0  }
0x164: {  	s5 =	sadd.s32 @!p2 s5, s21;
	s9 =	sadd.s32 @!p2 $0x5A, s8;
	[sflag:s31] =	ssyncadd.s32 $0xFFFFC400  }
0x165: {  	[tilespmem:s7], [sflag:$0x7] =	stream.linear.gather @!p2 [hbm4b:s9+s7], $0x78, $0x38;
	[tilespmem:$0x1F600] =	vst v63  }
0x166: {  	s19 =	simm.s32 @!p2 $0x300;
	s9 =	sadd.s32 @!p2 $0x5A, s5  }
0x167: {  	[tilespmem:s19], [sflag:$0x7] =	stream.linear.gather @!p2 [hbm4b:s9+s7], $0x78, $0x38;
	[tilespmem:$0x1F600] =	vst v63  }
0x168: {  	_ =	swait.ge [sflag:s2], $0x78  }
0x169: {  	[sflag:s2] =	ssyncset.done $0x0  }
0x16a: {  	[sflag:s2] =	ssyncadd.s32 $0xFFFFFF88  }
0x16b: {  	_ =	swait.ge [sflag:s2], $0x78  }
0x16c: {  	s17 =	smov.u32 s6;
	[sflag:s2] =	ssyncset.done $0x0  }
0x16d: {  	s21 =	sadd.s32 @!p2 $0x69, s8;
	s23 =	sadd.s32 @!p2 $0x69, s5;
	[sflag:s2] =	ssyncadd.s32 $0xFFFFFF88  }
0x16e: {  	[tilespmem:s26], [sflag:$0x2] =	stream.indirect.gather [hbm4b:s24+s11], $0x80, s30, s11, $0xb8;
	[tilespmem:$0x1F600] =	vst v63  }
0x16f: {  	s20 =	sadd.s32 @!p2 $0x78, s8;
	s19 =	sadd.s32 @!p2 $0x78, s5;
	_ =	swait.ge [sflag:s10], $0x3C00  }
0x170: {  	s9 =	sadd.s32 @!p2 $0x87, s8;
	s8 =	sadd.s32 @!p2 $0x87, s5;
	[sflag:s10] =	ssyncset.done $0x0  }
0x171: {  	s5 =	smov.u32 s17;
	s17 =	simm.s32 $0x400;
	[sflag:s10] =	ssyncadd.s32 $0xFFFFC400  }
0x172: {  	[spmem:s1] =	stream.indirect.scatter.add.f32 [tilespmem:s28], [sflag:$0x6], $0x80, s17, s11, $0xb8;
	[tilespmem:$0x1F600] =	vst v63  }
0x173: {  	_ =	swait.ge [sflag:s13], $0x3C00  }
0x174: {  	[sflag:s13] =	ssyncset.done $0x0  }
0x175: {  	s17 =	simm.s32 @!p2 $0x80;
	[sflag:s13] =	ssyncadd.s32 $0xFFFFC400  }
0x176: {  	[tilespmem:s17], [sflag:$0x8] =	stream.linear.gather @!p2 [hbm4b:s21+s7], $0x78, $0x38;
	[tilespmem:$0x1F600] =	vst v63  }
0x177: {  	s21 =	simm.s32 @!p2 $0x380  }
0x178: {  	[tilespmem:s21], [sflag:$0x8] =	stream.linear.gather @!p2 [hbm4b:s23+s7], $0x78, $0x38;
	[tilespmem:$0x1F600] =	vst v63  }
0x179: {  	_ =	swait.ge [sflag:s3], $0x78  }
0x17a: {  	[sflag:s3] =	ssyncset.done $0x0  }
0x17b: {  	[sflag:s3] =	ssyncadd.s32 $0xFFFFFF88  }
0x17c: {  	_ =	swait.ge [sflag:s3], $0x78  }
0x17d: {  	[sflag:s3] =	ssyncset.done $0x0  }
0x17e: {  	s14 =	simm.s32 $0x280;
	[sflag:s3] =	ssyncadd.s32 $0xFFFFFF88  }
0x17f: {  	[tilespmem:s28], [sflag:$0x3] =	stream.indirect.gather [hbm4b:s24+s11], $0x80, s14, s11, $0xb8;
	[tilespmem:$0x1F600] =	vst v63  }
0x180: {  	_ =	swait.ge [sflag:s29], $0x3C00  }
0x181: {  	[sflag:s29] =	ssyncset.done $0x0  }
0x182: {  	s23 =	simm.s32 $0x480;
	[sflag:s29] =	ssyncadd.s32 $0xFFFFC400  }
0x183: {  	[spmem:s1] =	stream.indirect.scatter.add.f32 [tilespmem:s12], [sflag:$0x4], $0x80, s23, s11, $0xb8;
	[tilespmem:$0x1F600] =	vst v63  }
0x184: {  	_ =	swait.ge [sflag:s4], $0x3C00  }
0x185: {  	[sflag:s4] =	ssyncset.done $0x0  }
0x186: {  	s21 =	simm.s32 @p2 $0x2;
	[sflag:s4] =	ssyncadd.s32 $0xFFFFC400  }
0x187: {  	_ =	swait.ge @p2 [sflag:s21], $0x3C00  }
0x188: {  	s16 =	simm.s32 @p2 $0x500;
	[sflag:s21] =	ssyncset.done @p2 $0x0  }
0x189: {  	s23 =	simm.s32 @p2 $0x4200;
	[sflag:s21] =	ssyncadd.s32 @p2 $0xFFFFC400;
	s21 =	simm.s32 @p2 $0x78  }
0x18a: {  	[spmem:s1] =	stream.indirect.scatter.add.f32 @p2 [tilespmem:s23], [sflag:$0x5], $0x80, s16, s21, $0xb8;
	[tilespmem:$0x1F600] =	vst v63  }
0x18b: {  	s14 =	simm.s32 @p2 $0x5;
	s23 =	rddreg [dreg:$0x6]  }
0x18c: {  	s21 =	rddreg [dreg:$0x5];
	_ =	swait.ge @p2 [sflag:s14], $0x3C00  }
0x18d: {  	[sflag:s14] =	ssyncset.done @p2 $0x0  }
0x18e: {  	[sflag:s14] =	ssyncadd.s32 @p2 $0xFFFFC400;
	s14 =	simm.s32 @!p2 $0x100  }
0x18f: {  	[tilespmem:s14], [sflag:$0x9] =	stream.linear.gather @!p2 [hbm4b:s20+s7], $0x78, $0x38;
	[tilespmem:$0x1F600] =	vst v63  }
0x190: {  	s16 =	simm.s32 @!p2 $0x7;
	s14 =	simm.s32 @!p2 $0x400  }
0x191: {  	[tilespmem:s14], [sflag:$0x9] =	stream.linear.gather @!p2 [hbm4b:s19+s7], $0x78, $0x38;
	[tilespmem:$0x1F600] =	vst v63  }
0x192: {  	_ =	swait.ge @!p2 [sflag:s16], $0x78  }
0x193: {  	[sflag:s16] =	ssyncset.done @!p2 $0x0  }
0x194: {  	[sflag:s16] =	ssyncadd.s32 @!p2 $0xFFFFFF88  }
0x195: {  	_ =	swait.ge @!p2 [sflag:s16], $0x78  }
0x196: {  	s14 =	simm.s32 @!p2 $0x2;
	[sflag:s16] =	ssyncset.done @!p2 $0x0  }
0x197: {  	s19 =	simm.s32 @!p2 $0x600;
	[sflag:s16] =	ssyncadd.s32 @!p2 $0xFFFFFF88;
	s16 =	simm.s32 @!p2 $0x78  }
0x198: {  	[tilespmem:s19], [sflag:$0x1] =	stream.indirect.gather @!p2 [hbm4b:s24+s16], $0x80, s7, s16, $0xb8;
	[tilespmem:$0x1F600] =	vst v63  }
0x199: {  	_ =	swait.ge @!p2 [sflag:s14], $0x3C00  }
0x19a: {  	s20 =	simm.s32 @!p2 $0x4200;
	[sflag:s14] =	ssyncset.done @!p2 $0x0  }
0x19b: {  	s19 =	simm.s32 @!p2 $0x5;
	[sflag:s14] =	ssyncadd.s32 @!p2 $0xFFFFC400;
	s14 =	simm.s32 @!p2 $0x500  }
0x19c: {  	[spmem:s1] =	stream.indirect.scatter.add.f32 @!p2 [tilespmem:s20], [sflag:$0x5], $0x80, s14, s16, $0xb8;
	[tilespmem:$0x1F600] =	vst v63  }
0x19d: {  	_ =	swait.ge @!p2 [sflag:s19], $0x3C00  }
0x19e: {  	[sflag:s19] =	ssyncset.done @!p2 $0x0  }
0x19f: {  	s14 =	simm.s32 @!p2 $0x180;
	[sflag:s19] =	ssyncadd.s32 @!p2 $0xFFFFC400  }
0x1a0: {  	[tilespmem:s14], [sflag:$0xA] =	stream.linear.gather @!p2 [hbm4b:s9+s7], $0x78, $0x38;
	[tilespmem:$0x1F600] =	vst v63  }
0x1a1: {  	s9 =	simm.s32 @!p2 $0x480;
	s14 =	simm.s32 @!p2 $0x8  }
0x1a2: {  	[tilespmem:s9], [sflag:$0xA] =	stream.linear.gather @!p2 [hbm4b:s8+s7], $0x78, $0x38;
	[tilespmem:$0x1F600] =	vst v63  }
0x1a3: {  	_ =	swait.ge @!p2 [sflag:s14], $0x78  }
0x1a4: {  	[sflag:s14] =	ssyncset.done @!p2 $0x0  }
0x1a5: {  	s6 =	sadd.s32 $0x5A, s6;
	[sflag:s14] =	ssyncadd.s32 @!p2 $0xFFFFFF88  }
0x1a6: {  	p1 =	seq.s32 s6, $0x9D8;
	_ =	swait.ge @!p2 [sflag:s14], $0x78  }
.Ltmp3:
0x1a7: {  	[sflag:s14] =	ssyncset.done @!p2 $0x0;
	(pc) =	sbr.rel @!p1 .LBB2_3-.Ltmp3, $4  }
0x1a8: {  	[sflag:s14] =	ssyncadd.s32 @!p2 $0xFFFFFF88  }
0x1a9: {  	[tilespmem:s20], [sflag:$0x2] =	stream.indirect.gather @!p2 [hbm4b:s24+s16], $0x80, s17, s16, $0xb8;
	[tilespmem:$0x1F600] =	vst v63  }
0x1aa: {  	s14 =	simm.s32 $0x580;
	_ =	swait.ge [sflag:s10], $0x3C00  }
0x1ab: {  	s20 =	simm.s32 $0x280;
	p2 =	seq.s32 s5, $0x0;
	[sflag:s10] =	ssyncset.done $0x0  }
0x1ac: {  	s6 =	simm.s32 @!p2 $0x6;
	[sflag:s10] =	ssyncadd.s32 $0xFFFFC400  }
0x1ad: {  	[spmem:s1] =	stream.indirect.scatter.add.f32 [tilespmem:s28], [sflag:$0x6], $0x80, s14, s11, $0xb8;
	[tilespmem:$0x1F600] =	vst v63  }
0x1ae: {  	_ =	swait.ge @!p2 [sflag:s6], $0x3C00  }
0x1af: {  	s7 =	sadd.s32 s5, s23;
	[sflag:s6] =	ssyncset.done @!p2 $0x0  }
0x1b0: {  	s8 =	sadd.s32 s5, s21;
	s9 =	sadd.s32 $0x3C, s7;
	[sflag:s6] =	ssyncadd.s32 @!p2 $0xFFFFC400  }
0x1b1: {  	[tilespmem:s30], [sflag:$0xB] =	stream.linear.gather [hbm4b:s9+s22], $0x78, $0x38;
	[tilespmem:$0x1F600] =	vst v63  }
0x1b2: {  	s16 =	sadd.s32 $0x3C, s8;
	s9 =	simm.s32 $0x500  }
0x1b3: {  	[tilespmem:s9], [sflag:$0xB] =	stream.linear.gather [hbm4b:s16+s22], $0x78, $0x38;
	[tilespmem:$0x1F600] =	vst v63  }
0x1b4: {  	_ =	swait.ge [sflag:s18], $0x78  }
0x1b5: {  	[sflag:s18] =	ssyncset.done $0x0  }
0x1b6: {  	[sflag:s18] =	ssyncadd.s32 $0xFFFFFF88  }
0x1b7: {  	_ =	swait.ge [sflag:s18], $0x78  }
0x1b8: {  	[sflag:s18] =	ssyncset.done $0x0  }
0x1b9: {  	s17 =	simm.s32 $0x100;
	[sflag:s18] =	ssyncadd.s32 $0xFFFFFF88  }
0x1ba: {  	[tilespmem:s28], [sflag:$0x3] =	stream.indirect.gather [hbm4b:s24+s11], $0x80, s17, s11, $0xb8;
	[tilespmem:$0x1F600] =	vst v63  }
0x1bb: {  	_ =	swait.ge [sflag:s29], $0x3C00  }
0x1bc: {  	[sflag:s29] =	ssyncset.done $0x0  }
0x1bd: {  	s19 =	simm.s32 $0x300;
	[sflag:s29] =	ssyncadd.s32 $0xFFFFC400  }
0x1be: {  	[spmem:s1] =	stream.indirect.scatter.add.f32 [tilespmem:s12], [sflag:$0x4], $0x80, s19, s11, $0xb8;
	[tilespmem:$0x1F600] =	vst v63  }
0x1bf: {  	_ =	swait.ge [sflag:s4], $0x3C00  }
0x1c0: {  	[sflag:s4] =	ssyncset.done $0x0  }
0x1c1: {  	s7 =	sadd.s32 $0x4B, s7;
	[sflag:s4] =	ssyncadd.s32 $0xFFFFC400  }
0x1c2: {  	[tilespmem:s20], [sflag:$0xC] =	stream.linear.gather [hbm4b:s7+s22], $0x78, $0x38;
	[tilespmem:$0x1F600] =	vst v63  }
0x1c3: {  	s9 =	sadd.s32 $0x4B, s8  }
0x1c4: {  	[tilespmem:s14], [sflag:$0xC] =	stream.linear.gather [hbm4b:s9+s22], $0x78, $0x38;
	[tilespmem:$0x1F600] =	vst v63  }
0x1c5: {  	_ =	swait.ge [sflag:s15], $0x78  }
0x1c6: {  	[sflag:s15] =	ssyncset.done $0x0  }
0x1c7: {  	[sflag:s15] =	ssyncadd.s32 $0xFFFFFF88  }
0x1c8: {  	_ =	swait.ge [sflag:s15], $0x78  }
0x1c9: {  	[sflag:s15] =	ssyncset.done $0x0  }
0x1ca: {  	s16 =	simm.s32 $0x180;
	[sflag:s15] =	ssyncadd.s32 $0xFFFFFF88  }
0x1cb: {  	[tilespmem:s12], [sflag:$0x1] =	stream.indirect.gather [hbm4b:s24+s11], $0x80, s16, s11, $0xb8;
	[tilespmem:$0x1F600] =	vst v63  }
0x1cc: {  	_ =	swait.ge [sflag:s0], $0x3C00  }
0x1cd: {  	[sflag:s0] =	ssyncset.done $0x0  }
0x1ce: {  	s17 =	simm.s32 $0x380;
	[sflag:s0] =	ssyncadd.s32 $0xFFFFC400  }
0x1cf: {  	[spmem:s1] =	stream.indirect.scatter.add.f32 [tilespmem:s26], [sflag:$0x5], $0x80, s17, s11, $0xb8;
	[tilespmem:$0x1F600] =	vst v63  }
0x1d0: {  	p1 =	seq.s32 s5, $0x97E;
	_ =	swait.ge [sflag:s31], $0x3C00  }
0x1d1: {  	s6 =	simm.s32 @!p1 $0x0;
	s7 =	sadd.s32 @!p1 s5, s23;
	[sflag:s31] =	ssyncset.done $0x0  }
0x1d2: {  	s5 =	sadd.s32 @!p1 s5, s21;
	s8 =	sadd.s32 @!p1 $0x5A, s7;
	[sflag:s31] =	ssyncadd.s32 $0xFFFFC400  }
0x1d3: {  	[tilespmem:s6], [sflag:$0x7] =	stream.linear.gather @!p1 [hbm4b:s8+s6], $0x78, $0x38;
	[tilespmem:$0x1F600] =	vst v63  }
0x1d4: {  	s9 =	simm.s32 @!p1 $0x300;
	s8 =	sadd.s32 @!p1 $0x5A, s5  }
0x1d5: {  	[tilespmem:s9], [sflag:$0x7] =	stream.linear.gather @!p1 [hbm4b:s8+s6], $0x78, $0x38;
	[tilespmem:$0x1F600] =	vst v63  }
0x1d6: {  	_ =	swait.ge [sflag:s2], $0x78  }
0x1d7: {  	[sflag:s2] =	ssyncset.done $0x0  }
0x1d8: {  	[sflag:s2] =	ssyncadd.s32 $0xFFFFFF88  }
0x1d9: {  	_ =	swait.ge [sflag:s2], $0x78  }
0x1da: {  	[sflag:s2] =	ssyncset.done $0x0  }
0x1db: {  	[sflag:s2] =	ssyncadd.s32 $0xFFFFFF88  }
0x1dc: {  	[tilespmem:s26], [sflag:$0x2] =	stream.indirect.gather [hbm4b:s24+s11], $0x80, s30, s11, $0xb8;
	[tilespmem:$0x1F600] =	vst v63  }
0x1dd: {  	_ =	swait.ge [sflag:s10], $0x3C00  }
0x1de: {  	[sflag:s10] =	ssyncset.done $0x0  }
0x1df: {  	s19 =	simm.s32 $0x400;
	[sflag:s10] =	ssyncadd.s32 $0xFFFFC400  }
0x1e0: {  	[spmem:s1] =	stream.indirect.scatter.add.f32 [tilespmem:s28], [sflag:$0x6], $0x80, s19, s11, $0xb8;
	[tilespmem:$0x1F600] =	vst v63  }
0x1e1: {  	_ =	swait.ge [sflag:s13], $0x3C00  }
0x1e2: {  	[sflag:s13] =	ssyncset.done $0x0  }
0x1e3: {  	s9 =	sadd.s32 @!p1 $0x69, s7;
	s8 =	simm.s32 @!p1 $0x80;
	[sflag:s13] =	ssyncadd.s32 $0xFFFFC400  }
0x1e4: {  	[tilespmem:s8], [sflag:$0x8] =	stream.linear.gather @!p1 [hbm4b:s9+s6], $0x78, $0x38;
	[tilespmem:$0x1F600] =	vst v63  }
0x1e5: {  	s14 =	simm.s32 @!p1 $0x380;
	s9 =	sadd.s32 @!p1 $0x69, s5  }
0x1e6: {  	[tilespmem:s14], [sflag:$0x8] =	stream.linear.gather @!p1 [hbm4b:s9+s6], $0x78, $0x38;
	[tilespmem:$0x1F600] =	vst v63  }
0x1e7: {  	_ =	swait.ge [sflag:s3], $0x78  }
0x1e8: {  	[sflag:s3] =	ssyncset.done $0x0  }
0x1e9: {  	[sflag:s3] =	ssyncadd.s32 $0xFFFFFF88  }
0x1ea: {  	_ =	swait.ge [sflag:s3], $0x78  }
0x1eb: {  	[sflag:s3] =	ssyncset.done $0x0  }
0x1ec: {  	[sflag:s3] =	ssyncadd.s32 $0xFFFFFF88  }
0x1ed: {  	[tilespmem:s28], [sflag:$0x3] =	stream.indirect.gather [hbm4b:s24+s11], $0x80, s20, s11, $0xb8;
	[tilespmem:$0x1F600] =	vst v63  }
0x1ee: {  	_ =	swait.ge [sflag:s29], $0x3C00  }
0x1ef: {  	[sflag:s29] =	ssyncset.done $0x0  }
0x1f0: {  	s26 =	simm.s32 $0x480;
	[sflag:s29] =	ssyncadd.s32 $0xFFFFC400  }
0x1f1: {  	[spmem:s1] =	stream.indirect.scatter.add.f32 [tilespmem:s12], [sflag:$0x4], $0x80, s26, s11, $0xb8;
	[tilespmem:$0x1F600] =	vst v63  }
0x1f2: {  	_ =	swait.ge [sflag:s4], $0x3C00  }
0x1f3: {  	[sflag:s4] =	ssyncset.done $0x0  }
0x1f4: {  	s9 =	simm.s32 @p1 $0x2;
	[sflag:s4] =	ssyncadd.s32 $0xFFFFC400  }
0x1f5: {  	_ =	swait.ge @p1 [sflag:s9], $0x3C00  }
0x1f6: {  	s16 =	simm.s32 @p1 $0x500;
	[sflag:s9] =	ssyncset.done @p1 $0x0  }
0x1f7: {  	s14 =	simm.s32 @p1 $0x4200;
	[sflag:s9] =	ssyncadd.s32 @p1 $0xFFFFC400;
	s9 =	simm.s32 @p1 $0x78  }
0x1f8: {  	[spmem:s1] =	stream.indirect.scatter.add.f32 @p1 [tilespmem:s14], [sflag:$0x5], $0x80, s16, s9, $0xb8;
	[tilespmem:$0x1F600] =	vst v63  }
0x1f9: {  	s9 =	simm.s32 @p1 $0x5  }
0x1fa: {  	_ =	swait.ge @p1 [sflag:s9], $0x3C00  }
0x1fb: {  	[sflag:s9] =	ssyncset.done @p1 $0x0  }
0x1fc: {  	s14 =	sadd.s32 @!p1 $0x78, s7;
	[sflag:s9] =	ssyncadd.s32 @p1 $0xFFFFC400;
	s9 =	simm.s32 @!p1 $0x100  }
0x1fd: {  	[tilespmem:s9], [sflag:$0x9] =	stream.linear.gather @!p1 [hbm4b:s14+s6], $0x78, $0x38;
	[tilespmem:$0x1F600] =	vst v63  }
0x1fe: {  	s16 =	simm.s32 @!p1 $0x7;
	s9 =	sadd.s32 @!p1 $0x78, s5;
	s14 =	simm.s32 @!p1 $0x400  }
0x1ff: {  	[tilespmem:s14], [sflag:$0x9] =	stream.linear.gather @!p1 [hbm4b:s9+s6], $0x78, $0x38;
	[tilespmem:$0x1F600] =	vst v63  }
0x200: {  	_ =	swait.ge @!p1 [sflag:s16], $0x78  }
0x201: {  	[sflag:s16] =	ssyncset.done @!p1 $0x0  }
0x202: {  	[sflag:s16] =	ssyncadd.s32 @!p1 $0xFFFFFF88  }
0x203: {  	_ =	swait.ge @!p1 [sflag:s16], $0x78  }
0x204: {  	s9 =	simm.s32 @!p1 $0x2;
	[sflag:s16] =	ssyncset.done @!p1 $0x0  }
0x205: {  	s14 =	simm.s32 @!p1 $0x78;
	[sflag:s16] =	ssyncadd.s32 @!p1 $0xFFFFFF88;
	s16 =	simm.s32 @!p1 $0x600  }
0x206: {  	[tilespmem:s16], [sflag:$0x1] =	stream.indirect.gather @!p1 [hbm4b:s24+s14], $0x80, s6, s14, $0xb8;
	[tilespmem:$0x1F600] =	vst v63  }
0x207: {  	_ =	swait.ge @!p1 [sflag:s9], $0x3C00  }
0x208: {  	[sflag:s9] =	ssyncset.done @!p1 $0x0  }
0x209: {  	s16 =	simm.s32 @!p1 $0x4200;
	[sflag:s9] =	ssyncadd.s32 @!p1 $0xFFFFC400;
	s9 =	simm.s32 @!p1 $0x500  }
0x20a: {  	[spmem:s1] =	stream.indirect.scatter.add.f32 @!p1 [tilespmem:s16], [sflag:$0x5], $0x80, s9, s14, $0xb8;
	[tilespmem:$0x1F600] =	vst v63  }
0x20b: {  	s9 =	simm.s32 @!p1 $0x5  }
0x20c: {  	_ =	swait.ge @!p1 [sflag:s9], $0x3C00  }
0x20d: {  	[sflag:s9] =	ssyncset.done @!p1 $0x0  }
0x20e: {  	s7 =	sadd.s32 @!p1 $0x87, s7;
	[sflag:s9] =	ssyncadd.s32 @!p1 $0xFFFFC400;
	s9 =	simm.s32 @!p1 $0x180  }
0x20f: {  	[tilespmem:s9], [sflag:$0xA] =	stream.linear.gather @!p1 [hbm4b:s7+s6], $0x78, $0x38;
	[tilespmem:$0x1F600] =	vst v63  }
0x210: {  	s5 =	sadd.s32 @!p1 $0x87, s5;
	s7 =	simm.s32 @!p1 $0x480  }
0x211: {  	[tilespmem:s7], [sflag:$0xA] =	stream.linear.gather @!p1 [hbm4b:s5+s6], $0x78, $0x38;
	[tilespmem:$0x1F600] =	vst v63  }
0x212: {  	s5 =	simm.s32 @!p1 $0x8  }
0x213: {  	_ =	swait.ge @!p1 [sflag:s5], $0x78  }
0x214: {  	[sflag:s5] =	ssyncset.done @!p1 $0x0  }
0x215: {  	[sflag:s5] =	ssyncadd.s32 @!p1 $0xFFFFFF88  }
0x216: {  	_ =	swait.ge @!p1 [sflag:s5], $0x78  }
0x217: {  	[sflag:s5] =	ssyncset.done @!p1 $0x0  }
0x218: {  	[sflag:s5] =	ssyncadd.s32 @!p1 $0xFFFFFF88  }
0x219: {  	[tilespmem:s16], [sflag:$0x2] =	stream.indirect.gather @!p1 [hbm4b:s24+s14], $0x80, s8, s14, $0xb8;
	[tilespmem:$0x1F600] =	vst v63  }
0x21a: {  	s17 =	simm.s32 $0x580;
	s26 =	simm.s32 $0x200;
	_ =	swait.ge [sflag:s10], $0x3C00  }
.Ltmp4:
0x21b: {  	s9 =	simm.s32 $0x380;
	s5 =	rddreg [dreg:$0x18];
	(pc) =	sbr.rel .LBB2_8-.Ltmp4, $4  }
0x21c: {  	s8 =	simm.s32 $0x300;
	[sflag:s10] =	ssyncset.done $0x0;
	s19 =	rddreg [dreg:$0x3]  }
0x21d: {  	s14 =	simm.s32 $0x100;
	s20 =	rddreg [dreg:$0x4];
	[sflag:s10] =	ssyncadd.s32 $0xFFFFC400  }
0x21e: {  	[spmem:s1] =	stream.indirect.scatter.add.f32 [tilespmem:s28], [sflag:$0x6], $0x80, s17, s11, $0xb8;
	[tilespmem:$0x1F600] =	vst v63  }
0x21f: {  	s16 =	simm.s32 $0x400;
	s30 =	rddreg [dreg:$0x1e];
	s17 =	simm.s32 $0x180  }
.LBB2_5:
0x220: {  	s6 =	rddreg [dreg:$0x7]  }
0x221: {  	[tilespmem:s5], [sflag:$0x7] =	stream.linear.gather [hbm4b:s6+s5], $0x78, $0x38;
	[tilespmem:$0x1F600] =	vst v63  }
0x222: {  	s7 =	rddreg [dreg:$0x8]  }
0x223: {  	[tilespmem:s8], [sflag:$0x7] =	stream.linear.gather [hbm4b:s7+s5], $0x78, $0x38;
	[tilespmem:$0x1F600] =	vst v63  }
0x224: {  	s21 =	rddreg [dreg:$0x9];
	s7 =	simm.s32 $0x80  }
0x225: {  	[tilespmem:s7], [sflag:$0x8] =	stream.linear.gather [hbm4b:s21+s5], $0x78, $0x38;
	[tilespmem:$0x1F600] =	vst v63  }
0x226: {  	s23 =	rddreg [dreg:$0xa]  }
0x227: {  	[tilespmem:s9], [sflag:$0x8] =	stream.linear.gather [hbm4b:s23+s5], $0x78, $0x38;
	[tilespmem:$0x1F600] =	vst v63  }
0x228: {  	s21 =	rddreg [dreg:$0xb]  }
0x229: {  	[tilespmem:s14], [sflag:$0x9] =	stream.linear.gather [hbm4b:s21+s5], $0x78, $0x38;
	[tilespmem:$0x1F600] =	vst v63  }
0x22a: {  	s23 =	rddreg [dreg:$0xc]  }
0x22b: {  	[tilespmem:s16], [sflag:$0x9] =	stream.linear.gather [hbm4b:s23+s5], $0x78, $0x38;
	[tilespmem:$0x1F600] =	vst v63  }
0x22c: {  	s21 =	rddreg [dreg:$0xd]  }
0x22d: {  	[tilespmem:s17], [sflag:$0xA] =	stream.linear.gather [hbm4b:s21+s5], $0x78, $0x38;
	[tilespmem:$0x1F600] =	vst v63  }
0x22e: {  	s23 =	rddreg [dreg:$0xe];
	s21 =	simm.s32 $0x480  }
0x22f: {  	[tilespmem:s21], [sflag:$0xA] =	stream.linear.gather [hbm4b:s23+s5], $0x78, $0x38;
	[tilespmem:$0x1F600] =	vst v63  }
0x230: {  	s23 =	simm.s32 $0x7  }
0x231: {  	_ =	swait.ge [sflag:s23], $0x78  }
0x232: {  	[sflag:s23] =	ssyncset.done $0x0  }
0x233: {  	[sflag:s23] =	ssyncadd.s32 $0xFFFFFF88  }
0x234: {  	_ =	swait.ge [sflag:s23], $0x78  }
0x235: {  	[sflag:s23] =	ssyncset.done $0x0  }
0x236: {  	[sflag:s23] =	ssyncadd.s32 $0xFFFFFF88;
	s23 =	simm.s32 $0x8  }
0x237: {  	[tilespmem:s12], [sflag:$0x1] =	stream.indirect.gather [hbm4b:s25+s11], $0x80, s5, s11, $0xb8;
	[tilespmem:$0x1F600] =	vst v63  }
0x238: {  	_ =	swait.ge [sflag:s23], $0x78  }
0x239: {  	[sflag:s23] =	ssyncset.done $0x0  }
0x23a: {  	[sflag:s23] =	ssyncadd.s32 $0xFFFFFF88  }
0x23b: {  	_ =	swait.ge [sflag:s23], $0x78  }
0x23c: {  	p1 =	por $0x1, $0x1;
	[sflag:s23] =	ssyncset.done $0x0  }
0x23d: {  	s5 =	simm.s32 @!p1 $0x6;
	[sflag:s23] =	ssyncadd.s32 $0xFFFFFF88;
	s23 =	simm.s32 $0x4200  }
0x23e: {  	[tilespmem:s23], [sflag:$0x2] =	stream.indirect.gather [hbm4b:s25+s11], $0x80, s7, s11, $0xb8;
	[tilespmem:$0x1F600] =	vst v63  }
0x23f: {  	_ =	swait.ge @!p1 [sflag:s5], $0x3C00  }
0x240: {  	s6 =	sadd.s32 $0x0, s20;
	[sflag:s5] =	ssyncset.done @!p1 $0x0  }
0x241: {  	s7 =	sadd.s32 $0x0, s19;
	[sflag:s5] =	ssyncadd.s32 @!p1 $0xFFFFC400;
	s5 =	sadd.s32 $0x3C, s6  }
0x242: {  	[tilespmem:s26], [sflag:$0xB] =	stream.linear.gather [hbm4b:s5+s22], $0x78, $0x38;
	[tilespmem:$0x1F600] =	vst v63  }
0x243: {  	s30 =	simm.s32 $0x500;
	s5 =	sadd.s32 $0x3C, s7  }
0x244: {  	[tilespmem:s30], [sflag:$0xB] =	stream.linear.gather [hbm4b:s5+s22], $0x78, $0x38;
	[tilespmem:$0x1F600] =	vst v63  }
0x245: {  	_ =	swait.ge [sflag:s18], $0x78  }
0x246: {  	[sflag:s18] =	ssyncset.done $0x0  }
0x247: {  	[sflag:s18] =	ssyncadd.s32 $0xFFFFFF88  }
0x248: {  	_ =	swait.ge [sflag:s18], $0x78  }
0x249: {  	[sflag:s18] =	ssyncset.done $0x0  }
0x24a: {  	[sflag:s18] =	ssyncadd.s32 $0xFFFFFF88  }
0x24b: {  	[tilespmem:s28], [sflag:$0x3] =	stream.indirect.gather [hbm4b:s25+s11], $0x80, s14, s11, $0xb8;
	[tilespmem:$0x1F600] =	vst v63  }
0x24c: {  	_ =	swait.ge [sflag:s29], $0x3C00  }
0x24d: {  	[sflag:s29] =	ssyncset.done $0x0  }
0x24e: {  	[sflag:s29] =	ssyncadd.s32 $0xFFFFC400  }
0x24f: {  	[spmem:s1] =	stream.indirect.scatter.add.f32 [tilespmem:s12], [sflag:$0x4], $0x80, s8, s11, $0xb8;
	[tilespmem:$0x1F600] =	vst v63  }
0x250: {  	_ =	swait.ge [sflag:s4], $0x3C00  }
0x251: {  	[sflag:s4] =	ssyncset.done $0x0  }
0x252: {  	s6 =	sadd.s32 $0x4B, s6;
	s30 =	simm.s32 $0x280;
	[sflag:s4] =	ssyncadd.s32 $0xFFFFC400  }
0x253: {  	[tilespmem:s30], [sflag:$0xC] =	stream.linear.gather [hbm4b:s6+s22], $0x78, $0x38;
	[tilespmem:$0x1F600] =	vst v63  }
0x254: {  	s14 =	simm.s32 $0x580;
	s8 =	sadd.s32 $0x4B, s7  }
0x255: {  	[tilespmem:s14], [sflag:$0xC] =	stream.linear.gather [hbm4b:s8+s22], $0x78, $0x38;
	[tilespmem:$0x1F600] =	vst v63  }
0x256: {  	_ =	swait.ge [sflag:s15], $0x78  }
0x257: {  	[sflag:s15] =	ssyncset.done $0x0  }
0x258: {  	[sflag:s15] =	ssyncadd.s32 $0xFFFFFF88  }
0x259: {  	_ =	swait.ge [sflag:s15], $0x78  }
0x25a: {  	[sflag:s15] =	ssyncset.done $0x0  }
0x25b: {  	[sflag:s15] =	ssyncadd.s32 $0xFFFFFF88  }
0x25c: {  	[tilespmem:s12], [sflag:$0x1] =	stream.indirect.gather [hbm4b:s25+s11], $0x80, s17, s11, $0xb8;
	[tilespmem:$0x1F600] =	vst v63  }
0x25d: {  	_ =	swait.ge [sflag:s0], $0x3C00  }
0x25e: {  	[sflag:s0] =	ssyncset.done $0x0  }
0x25f: {  	[sflag:s0] =	ssyncadd.s32 $0xFFFFC400  }
0x260: {  	[spmem:s1] =	stream.indirect.scatter.add.f32 [tilespmem:s23], [sflag:$0x5], $0x80, s9, s11, $0xb8;
	[tilespmem:$0x1F600] =	vst v63  }
0x261: {  	p1 =	por $0x0, $0x0;
	_ =	swait.ge [sflag:s31], $0x3C00  }
0x262: {  	s5 =	sadd.s32 @!p1 $0x0, s19;
	s7 =	sadd.s32 @!p1 $0x0, s20;
	[sflag:s31] =	ssyncset.done $0x0  }
0x263: {  	s6 =	simm.s32 @!p1 $0x0;
	s8 =	sadd.s32 @!p1 $0x5A, s7;
	[sflag:s31] =	ssyncadd.s32 $0xFFFFC400  }
0x264: {  	[tilespmem:s6], [sflag:$0x7] =	stream.linear.gather @!p1 [hbm4b:s8+s6], $0x78, $0x38;
	[tilespmem:$0x1F600] =	vst v63  }
0x265: {  	s9 =	simm.s32 @!p1 $0x300;
	s8 =	sadd.s32 @!p1 $0x5A, s5  }
0x266: {  	[tilespmem:s9], [sflag:$0x7] =	stream.linear.gather @!p1 [hbm4b:s8+s6], $0x78, $0x38;
	[tilespmem:$0x1F600] =	vst v63  }
0x267: {  	_ =	swait.ge [sflag:s2], $0x78  }
0x268: {  	[sflag:s2] =	ssyncset.done $0x0  }
0x269: {  	[sflag:s2] =	ssyncadd.s32 $0xFFFFFF88  }
0x26a: {  	_ =	swait.ge [sflag:s2], $0x78  }
0x26b: {  	[sflag:s2] =	ssyncset.done $0x0  }
0x26c: {  	[sflag:s2] =	ssyncadd.s32 $0xFFFFFF88  }
0x26d: {  	[tilespmem:s23], [sflag:$0x2] =	stream.indirect.gather [hbm4b:s25+s11], $0x80, s26, s11, $0xb8;
	[tilespmem:$0x1F600] =	vst v63  }
0x26e: {  	_ =	swait.ge [sflag:s10], $0x3C00  }
0x26f: {  	[sflag:s10] =	ssyncset.done $0x0  }
0x270: {  	[sflag:s10] =	ssyncadd.s32 $0xFFFFC400  }
0x271: {  	[spmem:s1] =	stream.indirect.scatter.add.f32 [tilespmem:s28], [sflag:$0x6], $0x80, s16, s11, $0xb8;
	[tilespmem:$0x1F600] =	vst v63  }
0x272: {  	_ =	swait.ge [sflag:s13], $0x3C00  }
0x273: {  	[sflag:s13] =	ssyncset.done $0x0  }
0x274: {  	s9 =	sadd.s32 @!p1 $0x69, s7;
	s8 =	simm.s32 @!p1 $0x80;
	[sflag:s13] =	ssyncadd.s32 $0xFFFFC400  }
0x275: {  	[tilespmem:s8], [sflag:$0x8] =	stream.linear.gather @!p1 [hbm4b:s9+s6], $0x78, $0x38;
	[tilespmem:$0x1F600] =	vst v63  }
0x276: {  	s14 =	simm.s32 @!p1 $0x380;
	s9 =	sadd.s32 @!p1 $0x69, s5  }
0x277: {  	[tilespmem:s14], [sflag:$0x8] =	stream.linear.gather @!p1 [hbm4b:s9+s6], $0x78, $0x38;
	[tilespmem:$0x1F600] =	vst v63  }
0x278: {  	_ =	swait.ge [sflag:s3], $0x78  }
0x279: {  	[sflag:s3] =	ssyncset.done $0x0  }
0x27a: {  	[sflag:s3] =	ssyncadd.s32 $0xFFFFFF88  }
0x27b: {  	_ =	swait.ge [sflag:s3], $0x78  }
0x27c: {  	[sflag:s3] =	ssyncset.done $0x0  }
0x27d: {  	[sflag:s3] =	ssyncadd.s32 $0xFFFFFF88  }
0x27e: {  	[tilespmem:s28], [sflag:$0x3] =	stream.indirect.gather [hbm4b:s25+s11], $0x80, s30, s11, $0xb8;
	[tilespmem:$0x1F600] =	vst v63  }
0x27f: {  	_ =	swait.ge [sflag:s29], $0x3C00  }
0x280: {  	[sflag:s29] =	ssyncset.done $0x0  }
0x281: {  	[sflag:s29] =	ssyncadd.s32 $0xFFFFC400  }
0x282: {  	[spmem:s1] =	stream.indirect.scatter.add.f32 [tilespmem:s12], [sflag:$0x4], $0x80, s21, s11, $0xb8;
	[tilespmem:$0x1F600] =	vst v63  }
0x283: {  	_ =	swait.ge [sflag:s4], $0x3C00  }
0x284: {  	[sflag:s4] =	ssyncset.done $0x0  }
0x285: {  	s9 =	simm.s32 @p1 $0x2;
	[sflag:s4] =	ssyncadd.s32 $0xFFFFC400  }
0x286: {  	_ =	swait.ge @p1 [sflag:s9], $0x3C00  }
0x287: {  	s16 =	simm.s32 @p1 $0x500;
	[sflag:s9] =	ssyncset.done @p1 $0x0  }
0x288: {  	s14 =	simm.s32 @p1 $0x4200;
	[sflag:s9] =	ssyncadd.s32 @p1 $0xFFFFC400;
	s9 =	simm.s32 @p1 $0x78  }
0x289: {  	[spmem:s1] =	stream.indirect.scatter.add.f32 @p1 [tilespmem:s14], [sflag:$0x5], $0x80, s16, s9, $0xb8;
	[tilespmem:$0x1F600] =	vst v63  }
0x28a: {  	s9 =	simm.s32 @p1 $0x5  }
0x28b: {  	_ =	swait.ge @p1 [sflag:s9], $0x3C00  }
0x28c: {  	[sflag:s9] =	ssyncset.done @p1 $0x0  }
0x28d: {  	s14 =	sadd.s32 @!p1 $0x78, s7;
	[sflag:s9] =	ssyncadd.s32 @p1 $0xFFFFC400;
	s9 =	simm.s32 @!p1 $0x100  }
0x28e: {  	[tilespmem:s9], [sflag:$0x9] =	stream.linear.gather @!p1 [hbm4b:s14+s6], $0x78, $0x38;
	[tilespmem:$0x1F600] =	vst v63  }
0x28f: {  	s16 =	simm.s32 @!p1 $0x7;
	s9 =	sadd.s32 @!p1 $0x78, s5;
	s14 =	simm.s32 @!p1 $0x400  }
0x290: {  	[tilespmem:s14], [sflag:$0x9] =	stream.linear.gather @!p1 [hbm4b:s9+s6], $0x78, $0x38;
	[tilespmem:$0x1F600] =	vst v63  }
0x291: {  	_ =	swait.ge @!p1 [sflag:s16], $0x78  }
0x292: {  	[sflag:s16] =	ssyncset.done @!p1 $0x0  }
0x293: {  	[sflag:s16] =	ssyncadd.s32 @!p1 $0xFFFFFF88  }
0x294: {  	_ =	swait.ge @!p1 [sflag:s16], $0x78  }
0x295: {  	s9 =	simm.s32 @!p1 $0x2;
	[sflag:s16] =	ssyncset.done @!p1 $0x0  }
0x296: {  	s14 =	simm.s32 @!p1 $0x78;
	[sflag:s16] =	ssyncadd.s32 @!p1 $0xFFFFFF88;
	s16 =	simm.s32 @!p1 $0x600  }
0x297: {  	[tilespmem:s16], [sflag:$0x1] =	stream.indirect.gather @!p1 [hbm4b:s25+s14], $0x80, s6, s14, $0xb8;
	[tilespmem:$0x1F600] =	vst v63  }
0x298: {  	_ =	swait.ge @!p1 [sflag:s9], $0x3C00  }
0x299: {  	[sflag:s9] =	ssyncset.done @!p1 $0x0  }
0x29a: {  	s16 =	simm.s32 @!p1 $0x4200;
	[sflag:s9] =	ssyncadd.s32 @!p1 $0xFFFFC400;
	s9 =	simm.s32 @!p1 $0x500  }
0x29b: {  	[spmem:s1] =	stream.indirect.scatter.add.f32 @!p1 [tilespmem:s16], [sflag:$0x5], $0x80, s9, s14, $0xb8;
	[tilespmem:$0x1F600] =	vst v63  }
0x29c: {  	s9 =	simm.s32 @!p1 $0x5  }
0x29d: {  	_ =	swait.ge @!p1 [sflag:s9], $0x3C00  }
0x29e: {  	[sflag:s9] =	ssyncset.done @!p1 $0x0  }
0x29f: {  	s7 =	sadd.s32 @!p1 $0x87, s7;
	[sflag:s9] =	ssyncadd.s32 @!p1 $0xFFFFC400;
	s9 =	simm.s32 @!p1 $0x180  }
0x2a0: {  	[tilespmem:s9], [sflag:$0xA] =	stream.linear.gather @!p1 [hbm4b:s7+s6], $0x78, $0x38;
	[tilespmem:$0x1F600] =	vst v63  }
0x2a1: {  	s5 =	sadd.s32 @!p1 $0x87, s5;
	s7 =	simm.s32 @!p1 $0x480  }
0x2a2: {  	[tilespmem:s7], [sflag:$0xA] =	stream.linear.gather @!p1 [hbm4b:s5+s6], $0x78, $0x38;
	[tilespmem:$0x1F600] =	vst v63  }
0x2a3: {  	s5 =	simm.s32 @!p1 $0x8  }
0x2a4: {  	_ =	swait.ge @!p1 [sflag:s5], $0x78  }
0x2a5: {  	[sflag:s5] =	ssyncset.done @!p1 $0x0  }
0x2a6: {  	[sflag:s5] =	ssyncadd.s32 @!p1 $0xFFFFFF88  }
0x2a7: {  	_ =	swait.ge @!p1 [sflag:s5], $0x78  }
0x2a8: {  	[sflag:s5] =	ssyncset.done @!p1 $0x0  }
0x2a9: {  	[sflag:s5] =	ssyncadd.s32 @!p1 $0xFFFFFF88  }
0x2aa: {  	[tilespmem:s16], [sflag:$0x2] =	stream.indirect.gather @!p1 [hbm4b:s25+s14], $0x80, s8, s14, $0xb8;
	[tilespmem:$0x1F600] =	vst v63  }
0x2ab: {  	p2 =	por $0x0, $0x0;
	_ =	swait.ge [sflag:s10], $0x3C00  }
0x2ac: {  	s6 =	simm.s32 $0xB4;
	s5 =	simm.s32 $0x5A;
	[sflag:s10] =	ssyncset.done $0x0  }
.LBB2_6:
0x2ad: {  	s7 =	simm.s32 @!p2 $0x6;
	[sflag:s10] =	ssyncadd.s32 $0xFFFFC400;
	s14 =	simm.s32 $0x580  }
0x2ae: {  	[spmem:s1] =	stream.indirect.scatter.add.f32 [tilespmem:s28], [sflag:$0x6], $0x80, s14, s11, $0xb8;
	[tilespmem:$0x1F600] =	vst v63  }
0x2af: {  	_ =	swait.ge @!p2 [sflag:s7], $0x3C00  }
0x2b0: {  	s8 =	sadd.s32 s5, s20;
	[sflag:s7] =	ssyncset.done @!p2 $0x0  }
0x2b1: {  	s9 =	sadd.s32 s5, s19;
	s16 =	sadd.s32 $0x3C, s8;
	[sflag:s7] =	ssyncadd.s32 @!p2 $0xFFFFC400  }
0x2b2: {  	[tilespmem:s26], [sflag:$0xB] =	stream.linear.gather [hbm4b:s16+s22], $0x78, $0x38;
	[tilespmem:$0x1F600] =	vst v63  }
0x2b3: {  	s7 =	sadd.s32 $0x3C, s9;
	s16 =	simm.s32 $0x500  }
0x2b4: {  	[tilespmem:s16], [sflag:$0xB] =	stream.linear.gather [hbm4b:s7+s22], $0x78, $0x38;
	[tilespmem:$0x1F600] =	vst v63  }
0x2b5: {  	_ =	swait.ge [sflag:s18], $0x78  }
0x2b6: {  	[sflag:s18] =	ssyncset.done $0x0  }
0x2b7: {  	[sflag:s18] =	ssyncadd.s32 $0xFFFFFF88  }
0x2b8: {  	_ =	swait.ge [sflag:s18], $0x78  }
0x2b9: {  	[sflag:s18] =	ssyncset.done $0x0  }
0x2ba: {  	s16 =	simm.s32 $0x100;
	[sflag:s18] =	ssyncadd.s32 $0xFFFFFF88  }
0x2bb: {  	[tilespmem:s28], [sflag:$0x3] =	stream.indirect.gather [hbm4b:s25+s11], $0x80, s16, s11, $0xb8;
	[tilespmem:$0x1F600] =	vst v63  }
0x2bc: {  	_ =	swait.ge [sflag:s29], $0x3C00  }
0x2bd: {  	[sflag:s29] =	ssyncset.done $0x0  }
0x2be: {  	s16 =	simm.s32 $0x300;
	[sflag:s29] =	ssyncadd.s32 $0xFFFFC400  }
0x2bf: {  	[spmem:s1] =	stream.indirect.scatter.add.f32 [tilespmem:s12], [sflag:$0x4], $0x80, s16, s11, $0xb8;
	[tilespmem:$0x1F600] =	vst v63  }
0x2c0: {  	_ =	swait.ge [sflag:s4], $0x3C00  }
0x2c1: {  	[sflag:s4] =	ssyncset.done $0x0  }
0x2c2: {  	s8 =	sadd.s32 $0x4B, s8;
	[sflag:s4] =	ssyncadd.s32 $0xFFFFC400  }
0x2c3: {  	[tilespmem:s30], [sflag:$0xC] =	stream.linear.gather [hbm4b:s8+s22], $0x78, $0x38;
	[tilespmem:$0x1F600] =	vst v63  }
0x2c4: {  	s9 =	sadd.s32 $0x4B, s9  }
0x2c5: {  	[tilespmem:s14], [sflag:$0xC] =	stream.linear.gather [hbm4b:s9+s22], $0x78, $0x38;
	[tilespmem:$0x1F600] =	vst v63  }
0x2c6: {  	_ =	swait.ge [sflag:s15], $0x78  }
0x2c7: {  	[sflag:s15] =	ssyncset.done $0x0  }
0x2c8: {  	[sflag:s15] =	ssyncadd.s32 $0xFFFFFF88  }
0x2c9: {  	_ =	swait.ge [sflag:s15], $0x78  }
0x2ca: {  	[sflag:s15] =	ssyncset.done $0x0  }
0x2cb: {  	s14 =	simm.s32 $0x180;
	[sflag:s15] =	ssyncadd.s32 $0xFFFFFF88  }
0x2cc: {  	[tilespmem:s12], [sflag:$0x1] =	stream.indirect.gather [hbm4b:s25+s11], $0x80, s14, s11, $0xb8;
	[tilespmem:$0x1F600] =	vst v63  }
0x2cd: {  	_ =	swait.ge [sflag:s0], $0x3C00  }
0x2ce: {  	[sflag:s0] =	ssyncset.done $0x0  }
0x2cf: {  	s16 =	simm.s32 $0x380;
	[sflag:s0] =	ssyncadd.s32 $0xFFFFC400  }
0x2d0: {  	[spmem:s1] =	stream.indirect.scatter.add.f32 [tilespmem:s23], [sflag:$0x5], $0x80, s16, s11, $0xb8;
	[tilespmem:$0x1F600] =	vst v63  }
0x2d1: {  	p2 =	seq.s32 s5, $0x97E;
	_ =	swait.ge [sflag:s31], $0x3C00  }
0x2d2: {  	s7 =	simm.s32 @!p2 $0x0;
	s8 =	sadd.s32 @!p2 s5, s20;
	[sflag:s31] =	ssyncset.done $0x0  }
0x2d3: {  	s5 =	sadd.s32 @!p2 s5, s19;
	s9 =	sadd.s32 @!p2 $0x5A, s8;
	[sflag:s31] =	ssyncadd.s32 $0xFFFFC400  }
0x2d4: {  	[tilespmem:s7], [sflag:$0x7] =	stream.linear.gather @!p2 [hbm4b:s9+s7], $0x78, $0x38;
	[tilespmem:$0x1F600] =	vst v63  }
0x2d5: {  	s14 =	simm.s32 @!p2 $0x300;
	s9 =	sadd.s32 @!p2 $0x5A, s5  }
0x2d6: {  	[tilespmem:s14], [sflag:$0x7] =	stream.linear.gather @!p2 [hbm4b:s9+s7], $0x78, $0x38;
	[tilespmem:$0x1F600] =	vst v63  }
0x2d7: {  	_ =	swait.ge [sflag:s2], $0x78  }
0x2d8: {  	[sflag:s2] =	ssyncset.done $0x0  }
0x2d9: {  	[sflag:s2] =	ssyncadd.s32 $0xFFFFFF88  }
0x2da: {  	_ =	swait.ge [sflag:s2], $0x78  }
0x2db: {  	[sflag:s2] =	ssyncset.done $0x0  }
0x2dc: {  	[sflag:s2] =	ssyncadd.s32 $0xFFFFFF88  }
0x2dd: {  	[tilespmem:s23], [sflag:$0x2] =	stream.indirect.gather [hbm4b:s25+s11], $0x80, s26, s11, $0xb8;
	[tilespmem:$0x1F600] =	vst v63  }
0x2de: {  	_ =	swait.ge [sflag:s10], $0x3C00  }
0x2df: {  	s17 =	smov.u32 s6;
	s20 =	sadd.s32 @!p2 $0x78, s8;
	[sflag:s10] =	ssyncset.done $0x0  }
0x2e0: {  	s19 =	sadd.s32 @!p2 $0x78, s5;
	s23 =	simm.s32 $0x400;
	[sflag:s10] =	ssyncadd.s32 $0xFFFFC400  }
0x2e1: {  	[spmem:s1] =	stream.indirect.scatter.add.f32 [tilespmem:s28], [sflag:$0x6], $0x80, s23, s11, $0xb8;
	[tilespmem:$0x1F600] =	vst v63  }
0x2e2: {  	s16 =	sadd.s32 @!p2 $0x69, s8;
	s14 =	sadd.s32 @!p2 $0x69, s5;
	_ =	swait.ge [sflag:s13], $0x3C00  }
0x2e3: {  	s9 =	sadd.s32 @!p2 $0x87, s8;
	s8 =	sadd.s32 @!p2 $0x87, s5;
	[sflag:s13] =	ssyncset.done $0x0  }
0x2e4: {  	s5 =	smov.u32 s17;
	s17 =	simm.s32 @!p2 $0x80;
	[sflag:s13] =	ssyncadd.s32 $0xFFFFC400  }
0x2e5: {  	[tilespmem:s17], [sflag:$0x8] =	stream.linear.gather @!p2 [hbm4b:s16+s7], $0x78, $0x38;
	[tilespmem:$0x1F600] =	vst v63  }
0x2e6: {  	s16 =	simm.s32 @!p2 $0x380  }
0x2e7: {  	[tilespmem:s16], [sflag:$0x8] =	stream.linear.gather @!p2 [hbm4b:s14+s7], $0x78, $0x38;
	[tilespmem:$0x1F600] =	vst v63  }
0x2e8: {  	_ =	swait.ge [sflag:s3], $0x78  }
0x2e9: {  	[sflag:s3] =	ssyncset.done $0x0  }
0x2ea: {  	[sflag:s3] =	ssyncadd.s32 $0xFFFFFF88  }
0x2eb: {  	_ =	swait.ge [sflag:s3], $0x78  }
0x2ec: {  	[sflag:s3] =	ssyncset.done $0x0  }
0x2ed: {  	[sflag:s3] =	ssyncadd.s32 $0xFFFFFF88  }
0x2ee: {  	[tilespmem:s28], [sflag:$0x3] =	stream.indirect.gather [hbm4b:s25+s11], $0x80, s30, s11, $0xb8;
	[tilespmem:$0x1F600] =	vst v63  }
0x2ef: {  	_ =	swait.ge [sflag:s29], $0x3C00  }
0x2f0: {  	[sflag:s29] =	ssyncset.done $0x0  }
0x2f1: {  	[sflag:s29] =	ssyncadd.s32 $0xFFFFC400  }
0x2f2: {  	[spmem:s1] =	stream.indirect.scatter.add.f32 [tilespmem:s12], [sflag:$0x4], $0x80, s21, s11, $0xb8;
	[tilespmem:$0x1F600] =	vst v63  }
0x2f3: {  	_ =	swait.ge [sflag:s4], $0x3C00  }
0x2f4: {  	[sflag:s4] =	ssyncset.done $0x0  }
0x2f5: {  	s14 =	simm.s32 @p2 $0x2;
	[sflag:s4] =	ssyncadd.s32 $0xFFFFC400  }
0x2f6: {  	_ =	swait.ge @p2 [sflag:s14], $0x3C00  }
0x2f7: {  	s23 =	simm.s32 @p2 $0x500;
	s16 =	simm.s32 @p2 $0x4200;
	[sflag:s14] =	ssyncset.done @p2 $0x0  }
0x2f8: {  	s21 =	simm.s32 @p2 $0x5;
	[sflag:s14] =	ssyncadd.s32 @p2 $0xFFFFC400;
	s14 =	simm.s32 @p2 $0x78  }
0x2f9: {  	[spmem:s1] =	stream.indirect.scatter.add.f32 @p2 [tilespmem:s16], [sflag:$0x5], $0x80, s23, s14, $0xb8;
	[tilespmem:$0x1F600] =	vst v63  }
0x2fa: {  	_ =	swait.ge @p2 [sflag:s21], $0x3C00  }
0x2fb: {  	[sflag:s21] =	ssyncset.done @p2 $0x0  }
0x2fc: {  	s14 =	simm.s32 @!p2 $0x100;
	[sflag:s21] =	ssyncadd.s32 @p2 $0xFFFFC400  }
0x2fd: {  	[tilespmem:s14], [sflag:$0x9] =	stream.linear.gather @!p2 [hbm4b:s20+s7], $0x78, $0x38;
	[tilespmem:$0x1F600] =	vst v63  }
0x2fe: {  	s16 =	simm.s32 @!p2 $0x7;
	s14 =	simm.s32 @!p2 $0x400  }
0x2ff: {  	[tilespmem:s14], [sflag:$0x9] =	stream.linear.gather @!p2 [hbm4b:s19+s7], $0x78, $0x38;
	[tilespmem:$0x1F600] =	vst v63  }
0x300: {  	_ =	swait.ge @!p2 [sflag:s16], $0x78  }
0x301: {  	[sflag:s16] =	ssyncset.done @!p2 $0x0  }
0x302: {  	[sflag:s16] =	ssyncadd.s32 @!p2 $0xFFFFFF88  }
0x303: {  	_ =	swait.ge @!p2 [sflag:s16], $0x78  }
0x304: {  	s14 =	simm.s32 @!p2 $0x2;
	[sflag:s16] =	ssyncset.done @!p2 $0x0  }
0x305: {  	s19 =	simm.s32 @!p2 $0x600;
	[sflag:s16] =	ssyncadd.s32 @!p2 $0xFFFFFF88;
	s16 =	simm.s32 @!p2 $0x78  }
0x306: {  	[tilespmem:s19], [sflag:$0x1] =	stream.indirect.gather @!p2 [hbm4b:s25+s16], $0x80, s7, s16, $0xb8;
	[tilespmem:$0x1F600] =	vst v63  }
0x307: {  	_ =	swait.ge @!p2 [sflag:s14], $0x3C00  }
0x308: {  	s20 =	simm.s32 @!p2 $0x4200;
	[sflag:s14] =	ssyncset.done @!p2 $0x0  }
0x309: {  	s19 =	simm.s32 @!p2 $0x5;
	[sflag:s14] =	ssyncadd.s32 @!p2 $0xFFFFC400;
	s14 =	simm.s32 @!p2 $0x500  }
0x30a: {  	[spmem:s1] =	stream.indirect.scatter.add.f32 @!p2 [tilespmem:s20], [sflag:$0x5], $0x80, s14, s16, $0xb8;
	[tilespmem:$0x1F600] =	vst v63  }
0x30b: {  	_ =	swait.ge @!p2 [sflag:s19], $0x3C00  }
0x30c: {  	[sflag:s19] =	ssyncset.done @!p2 $0x0  }
0x30d: {  	s14 =	simm.s32 @!p2 $0x180;
	[sflag:s19] =	ssyncadd.s32 @!p2 $0xFFFFC400  }
0x30e: {  	[tilespmem:s14], [sflag:$0xA] =	stream.linear.gather @!p2 [hbm4b:s9+s7], $0x78, $0x38;
	[tilespmem:$0x1F600] =	vst v63  }
0x30f: {  	s9 =	simm.s32 @!p2 $0x480;
	s14 =	simm.s32 @!p2 $0x8  }
0x310: {  	[tilespmem:s9], [sflag:$0xA] =	stream.linear.gather @!p2 [hbm4b:s8+s7], $0x78, $0x38;
	[tilespmem:$0x1F600] =	vst v63  }
0x311: {  	s19 =	rddreg [dreg:$0x3];
	_ =	swait.ge @!p2 [sflag:s14], $0x78  }
0x312: {  	[sflag:s14] =	ssyncset.done @!p2 $0x0  }
0x313: {  	s6 =	sadd.s32 $0x5A, s6;
	[sflag:s14] =	ssyncadd.s32 @!p2 $0xFFFFFF88  }
0x314: {  	p1 =	sne.s32 s6, $0x9D8;
	_ =	swait.ge @!p2 [sflag:s14], $0x78  }
.Ltmp5:
0x315: {  	[sflag:s14] =	ssyncset.done @!p2 $0x0;
	(pc) =	sbr.rel @p1 .LBB2_6-.Ltmp5, $4  }
0x316: {  	[sflag:s14] =	ssyncadd.s32 @!p2 $0xFFFFFF88  }
0x317: {  	[tilespmem:s20], [sflag:$0x2] =	stream.indirect.gather @!p2 [hbm4b:s25+s16], $0x80, s17, s16, $0xb8;
	[tilespmem:$0x1F600] =	vst v63  }
0x318: {  	s23 =	simm.s32 $0x4200;
	s20 =	rddreg [dreg:$0x4];
	_ =	swait.ge [sflag:s10], $0x3C00  }
0x319: {  	s21 =	simm.s32 $0x480;
	p2 =	seq.s32 s5, $0x0;
	[sflag:s10] =	ssyncset.done $0x0  }
.Ltmp6:
0x31a: {  	_ = 	snop;
	(pc) =	sbr.rel .LBB2_7-.Ltmp6, $1  }
0x31b: {  	_ =	sdelay $0x3  }
.LBB2_9:
0x31c: {  	_ =	sfence.sel $0x180000  }
0x31d: {  	[bflag:$0x0] =	sbarrier.arrive $0xFFFF  }
0x31e: {  	_ =	strace $0x9000004D  }
0x31f: {  	s0 =	stileid.u32;
	[bflag:$0x2] =	sbarrier.arrive $0xFFFF  }
0x320: {  	p0 =	sne.s32 s0, $0x0;
	s0 =	rddreg [dreg:$0x2]  }
0x321: {  	s0 =	sadd.s32 @!p0 $0x100000, s0  }
0x322: {  	[sflag:s0] =	ssyncadd.tile.s32 @!p0 $0x1;
	_ =	shalt  }
.Lfunc_end2:
_tile_overlayer_lowered:
.L_overlay_start_2:
0x323: {  	(tag) =	ssettag $0x2  }
0x324: {  	s0 =	rddreg [dreg:$0x0];
	s2 =	stileid.u32  }
0x325: {  	s1 =	rddreg [dreg:$0x1];
	p0 =	sne.s32 s2, $0x0  }
0x326: {  	s3 =	rddreg [dreg:$0x2];
	[bflag:$0x3] =	sbarrier.arrive $0xFFFF;
	s2 =	simm.s32 @!p0 $0x1C0D  }
0x327: {  	[timem:s3], [sflag:s2] =	dma.local @!p0 [hbm:s0], s1  }
0x328: {  	s0 =	simm.s32 @!p0 $0xD  }
0x329: {  	_ =	swait.ge @!p0 [sflag:s0], s1  }
0x32a: {  	s1 =	ssub.s32 @!p0 $0x0, s1;
	[sflag:s0] =	ssyncset.done @!p0 $0x0  }
0x32b: {  	[sflag:s0] =	ssyncadd.s32 @!p0 s1  }
0x32c: {  	[bflag:$0x3] =	sbarrier.arrive $0xFFFF  }
0x32d: {  	_ =	shalt  }

// kernel: kernel.8.cloned.1.call-start
scs
__scs_entry_jumppad:
0x0: {  	(pc) =	sbr.rel $0x88, $3  }
0x1: {  	(tag) =	ssettag $0x0;
	lr =	simm.s32 $0x1  }
0x2: {  	[smem:$0x3F93] =	sst lr;
	_ =	strace $0xD0000000  }
0x3: {  	_ = 	snop  }
0x4: {  	_ = 	snop  }
0x5: {  	_ = 	snop  }
0x6: {  	_ = 	snop  }
0x7: {  	_ = 	snop  }
__scs_overlays_trampoline_lowered:
0x8: {  	[smem:$0x3FA2] =	sst s0  }
0x9: {  	[smem:$0x3FA3] =	sst s1  }
0xa: {  	[smem:$0x3FA4] =	sst s2  }
0xb: {  	[smem:$0x3FA5] =	sst s3  }
0xc: {  	[smem:$0x3FA6] =	sst s4  }
0xd: {  	[smem:$0x3FA7] =	sst s5  }
0xe: {  	[smem:$0x3FA8] =	sst s6  }
0xf: {  	[smem:$0x3FA9] =	sst s7  }
0x10: {  	[smem:$0x3FAA] =	sst s8  }
0x11: {  	[smem:$0x3FAB] =	sst s9;
	s0 =	simm.s32 @!p0 $0x0  }
0x12: {  	s1 =	sld [smem:$0x3F91];
	s0 =	simm.s32 @p0 $0x1  }
0x13: {  	[smem:$0x3FAC] =	sst s0;
	s0 =	simm.s32 @!p1 $0x0  }
0x14: {  	s2 =	sld [smem:$0x3F90];
	s0 =	simm.s32 @p1 $0x1  }
0x15: {  	[smem:$0x3FAD] =	sst s0;
	s0 =	simm.s32 @!p2 $0x0  }
0x16: {  	s3 =	sld [smem:$0x3FDB];
	s0 =	simm.s32 @p2 $0x1  }
0x17: {  	s4 =	simm.s32 $0x1BF5;
	[smem:$0x3FAF] =	sst s0  }
0x18: {  	s0 =	sld [smem:$0x3F92];
	_ =	swait.ge [sflag:s4], $0x0  }
0x19: {  	s7 =	sld [smem:$0x3F93]  }
0x1a: {  	s8 =	sadd.s32 $0xFFFFE003, lr  }
0x1b: {  	s9 =	sadd.s32 $0xFFFFFEF7, lr;
	s5 =	simm.s32 $0xFFFFFFFF;
	p2 =	slt.u32 s8, $0xFFFFF086  }
0x1c: {  	p1 =	slt.u32 s9, $0xF7A;
	s5 =	simm.s32 @!p2 $0x0  }
0x1d: {  	s5 =	simm.s32 @p1 $0x1;
	p0 =	seq.s32 s7, s2  }
0x1e: {  	s7 =	smul.u32 @!p0 $0xF7A, s2;
	p2 =	seq.s32 @!p0 s5, $0x0  }
0x1f: {  	s9 =	smul.u32 $0xF7A, s1;
	s8 =	simm.s32 @!p0 $0x1BF5;
	p2 =	por !p2, p0  }
0x20: {  	[sflag:s8] =	ssyncset.s32 @!p0 $0xFFFFF086;
	s6 =	sadd.s32 @!p0 s3, s7;
	s7 =	simm.s32 @!p0 $0x108  }
0x21: {  	s3 =	sadd.s32 s3, s9;
	s6 =	sadd.s32 @!p0 $0x88, s6;
	s7 =	simm.s32 @p2 $0x1082  }
0x22: {  	[simem:s7], [sflag:s8] =	dma.local @!p0 [hbm:s6], $0xF7A  }
0x23: {  	s9 =	sor.u32 $0xD0000000, s2;
	s6 =	simm.s32 $0x108;
	_ =	swait.ge @!p0 [sflag:s8], $0x0  }
0x24: {  	s3 =	sadd.s32 $0x88, s3;
	s6 =	simm.s32 @!p1 $0x1082;
	[sflag:s4] =	ssyncset.s32 $0xFFFFF086  }
0x25: {  	[simem:s6], [sflag:s4] =	dma.local [hbm:s3], $0xF7A  }
0x26: {  	[smem:$0x3F93] =	sst s1;
	(tag) =	ssettag s2;
	_ =	strace s9  }
0x27: {  	s1 =	sld [smem:$0x3FA3]  }
0x28: {  	s2 =	sld [smem:$0x3FA4]  }
0x29: {  	s4 =	sld [smem:$0x3FA6]  }
0x2a: {  	p0 =	seq.s32 s5, $0x0;
	s5 =	sld [smem:$0x3FA7]  }
0x2b: {  	s6 =	sld [smem:$0x3FA8]  }
0x2c: {  	s7 =	sld [smem:$0x3FA9]  }
0x2d: {  	s3 =	simm.s32 $0x108;
	s8 =	sld [smem:$0x3FAA]  }
0x2e: {  	s3 =	simm.s32 @!p0 $0x1082;
	s9 =	sld [smem:$0x3FAB]  }
0x2f: {  	lr =	sadd.s32 s0, s3;
	s0 =	sld [smem:$0x3FA2]  }
0x30: {  	s3 =	sld [smem:$0x3FA5]  }
0x31: {  	[smem:$0x3FAE] =	sst s10  }
0x32: {  	s10 =	sld [smem:$0x3FAC];
	_ =	sdelay $0x3  }
0x33: {  	p0 =	seq.s32 s10, $0x1;
	s10 =	sld [smem:$0x3FAE];
	_ =	sdelay $0x3  }
0x34: {  	[smem:$0x3FAE] =	sst s10  }
0x35: {  	s10 =	sld [smem:$0x3FAD];
	_ =	sdelay $0x3  }
0x36: {  	p1 =	seq.s32 s10, $0x1;
	s10 =	sld [smem:$0x3FAE];
	_ =	sdelay $0x3  }
0x37: {  	[smem:$0x3FAE] =	sst s10  }
0x38: {  	s10 =	sld [smem:$0x3FAF]  }
0x39: {  	_ = 	snop;
	(pc) =	sbr.ind lr, $3  }
0x3a: {  	_ = 	snop  }
0x3b: {  	_ = 	snop  }
0x3c: {  	p2 =	seq.s32 s10, $0x1;
	s10 =	sld [smem:$0x3FAE]  }
0x3d: {  	_ =	shalt  }
0x3e: {  	_ =	shalt  }
0x3f: {  	_ =	shalt  }
0x40: {  	_ =	shalt  }
0x41: {  	_ =	shalt  }
0x42: {  	_ =	shalt  }
0x43: {  	_ =	shalt  }
0x44: {  	_ =	shalt  }
0x45: {  	_ =	shalt  }
0x46: {  	_ =	shalt  }
0x47: {  	_ =	shalt  }
0x48: {  	_ =	shalt  }
0x49: {  	_ =	shalt  }
0x4a: {  	_ =	shalt  }
0x4b: {  	_ =	shalt  }
0x4c: {  	_ =	shalt  }
0x4d: {  	_ =	shalt  }
0x4e: {  	_ =	shalt  }
0x4f: {  	_ =	shalt  }
0x50: {  	_ =	shalt  }
0x51: {  	_ =	shalt  }
0x52: {  	_ =	shalt  }
0x53: {  	_ =	shalt  }
0x54: {  	_ =	shalt  }
0x55: {  	_ =	shalt  }
0x56: {  	_ =	shalt  }
0x57: {  	_ =	shalt  }
0x58: {  	_ =	shalt  }
0x59: {  	_ =	shalt  }
0x5a: {  	_ =	shalt  }
0x5b: {  	_ =	shalt  }
0x5c: {  	_ =	shalt  }
0x5d: {  	_ =	shalt  }
0x5e: {  	_ =	shalt  }
0x5f: {  	_ =	shalt  }
0x60: {  	_ =	shalt  }
0x61: {  	_ =	shalt  }
0x62: {  	_ =	shalt  }
0x63: {  	_ =	shalt  }
0x64: {  	_ =	shalt  }
0x65: {  	_ =	shalt  }
0x66: {  	_ =	shalt  }
0x67: {  	_ =	shalt  }
0x68: {  	_ =	shalt  }
0x69: {  	_ =	shalt  }
0x6a: {  	_ =	shalt  }
0x6b: {  	_ =	shalt  }
0x6c: {  	_ =	shalt  }
0x6d: {  	_ =	shalt  }
0x6e: {  	_ =	shalt  }
0x6f: {  	_ =	shalt  }
0x70: {  	_ =	shalt  }
0x71: {  	_ =	shalt  }
0x72: {  	_ =	shalt  }
0x73: {  	_ =	shalt  }
0x74: {  	_ =	shalt  }
0x75: {  	_ =	shalt  }
0x76: {  	_ =	shalt  }
0x77: {  	_ =	shalt  }
0x78: {  	_ =	shalt  }
0x79: {  	_ =	shalt  }
0x7a: {  	_ =	shalt  }
0x7b: {  	_ =	shalt  }
0x7c: {  	_ =	shalt  }
0x7d: {  	_ =	shalt  }
0x7e: {  	_ =	shalt  }
0x7f: {  	_ =	shalt  }
0x80: {  	_ =	shalt  }
0x81: {  	_ =	shalt  }
0x82: {  	_ =	shalt  }
0x83: {  	_ =	shalt  }
0x84: {  	_ =	shalt  }
0x85: {  	_ =	shalt  }
0x86: {  	_ =	shalt  }
0x87: {  	_ =	shalt  }
.Lfunc_end0:
.L_simem_size_0:
called_computation_lowered:
.L_overlay_start_0:
0x88: {  	s2 =	sld [smem:$0x3FD9]  }
0x89: {  	s3 =	sld [smem:$0x3FFE];
	_ =	sdelay $0x1  }
0x8a: {  	s1 =	srdreg.scid  }
0x8b: {  	s0 =	sand.u32 $0x1, s1  }
0x8c: {  	s17 =	sshll.u32 s0, $0xA;
	s2 =	sadd.s32 s3, s2  }
0x8d: {  	s2 =	sadd.s32 s2, s17  }
0x8e: {  	[smem:$0x3FBA] =	sst s2  }
0x8f: {  	_ = 	snop  }
0x90: {  	s2 =	sld [smem:$0x3FD0];
	(tm) =	ssettm $0x1  }
0x91: {  	s18 =	sld [smem:$0x3FFB];
	_ =	sdelay $0x3  }
0x92: {  	_ =	strace s18  }
0x93: {  	s3 =	sld [smem:$0x3FFC];
	_ =	sdelay $0x3  }
0x94: {  	_ =	strace s3  }
0x95: {  	s3 =	sld [smem:$0x3FFD];
	_ =	sdelay $0x3  }
0x96: {  	_ =	strace s3  }
0x97: {  	_ =	strace $0x8FFFFFFF  }
0x98: {  	s19 =	sld [smem:$0x3FDB];
	_ =	sdelay $0x1  }
0x99: {  	s4 =	simm.s32 $_scs_section_size  }
0x9a: {  	s5 =	simm.s32 $_size__tile_overlayer_lowered;
	s6 =	simm.s32 $_tile_overlayer_lowered  }
0x9b: {  	s22 =	simm.s32 $0x1BFF;
	s21 =	sshll.u32 s6, $0x1;
	s3 =	sadd.s32 s4, s19  }
0x9c: {  	s7 =	simm.s32 $0x0;
	s20 =	sshll.u32 s5, $0x1;
	s5 =	sadd.s32 s21, s3  }
0x9d: {  	[timem:s7], [sflag:s22] =	dma.local [hbm:s5], s20  }
0x9e: {  	_ =	swait.ge [sflag:s22], s20  }
0x9f: {  	s4 =	ssub.s32 $0x0, s20;
	[sflag:s22] =	ssyncset.done $0x0  }
0xa0: {  	[sflag:s22] =	ssyncadd.s32 s4;
	_ =	sdelay $0x1  }
0xa1: {  	s23 =	simm.s32 $0x1B8B  }
0xa2: {  	_ =	swait.ge [sflag:s23], $0x1  }
0xa3: {  	[sflag:s23] =	ssyncset.done $0x0  }
0xa4: {  	s25 =	simm.s32 $0x1B8E;
	s24 =	sld [smem:$0x3FFE];
	[sflag:s23] =	ssyncadd.s32 $0xFFFFFFFF  }
0xa5: {  	s26 =	simm.s32 $execute0_lowered;
	[smem:$0x3FD2] =	sst s25  }
0xa6: {  	s5 =	sshll.u32 s26, $0x1;
	_ =	strace $0x80000046;
	[dreg:$0x1] =	wrdreg $0xFFFFFFFF  }
0xa7: {  	s28 =	simm.s32 $_size_execute0_lowered;
	s3 =	sadd.s32 s3, s5;
	[dreg:$0x0] =	wrdreg $0x0  }
0xa8: {  	s5 =	sshll.u32 s28, $0x1;
	[dreg:$0x2] =	wrdreg s3  }
0xa9: {  	[dreg:$0x3] =	wrdreg s5  }
0xaa: {  	[dreg:$0x4] =	wrdreg $0xC0  }
0xab: {  	_ =	task [dreg:s7], $0x5FFFF  }
0xac: {  	[dreg:$0x1] =	wrdreg $0xFFFFFFFF  }
0xad: {  	[dreg:$0x0] =	wrdreg $0x60  }
0xae: {  	[dreg:$0x2] =	wrdreg s24  }
0xaf: {  	[dreg:$0x3] =	wrdreg s2  }
0xb0: {  	[dreg:$0x4] =	wrdreg $0x53000  }
0xb1: {  	[dreg:$0x5] =	wrdreg $0x9  }
0xb2: {  	_ =	task.clear_ibuf [dreg:s7], $0x6FFFF;
	_ =	strace $0x90000046  }
0xb3: {  	s29 =	simm.s32 $0x9;
	_ =	strace $0x80000048  }
0xb4: {  	_ =	swait.ge [sflag:s29], $0x1  }
0xb5: {  	[sflag:s29] =	ssyncadd.s32 $0xFFFFFFFF  }
0xb6: {  	_ =	strace $0x90000048  }
0xb7: {  	_ =	sfence  }
0xb8: {  	s30 =	sld [smem:$0x0];
	_ =	sdelay $0x2  }
0xb9: {  	s31 =	sshll.u32 s1, $0xD;
	s1 =	sshrl.u32 s1, $0x2  }
0xba: {  	s3 =	sand.u32 $0x4000, s31;
	s1 =	sadd.s32 s1, s30  }
0xbb: {  	s0 =	sor.u32 s3, s0;
	s1 =	sshll.u32 s1, $0x11  }
0xbc: {  	s0 =	sor.u32 s1, s0  }
0xbd: {  	s0 =	sadd.s32 $0x8F2B, s0  }
0xbe: {  	[sflag:s0] =	ssyncadd.remote.s32 $0x1  }
0xbf: {  	_ =	sfence.sel $0xFFFF  }
0xc0: {  	[dreg:$0x0] =	wrdreg $0xFFFFFFFF;
	(pc) =	sbr.abs _section_cstart, $3  }
0xc1: {  	[dreg:$0x1] =	wrdreg $0xFFFFFFFF  }
0xc2: {  	_ =	task.clear_ibuf [dreg:s7], $0x2FFFF;
	_ =	strace $0x9FFFFFFF  }
0xc3: {  	(tm) =	ssettm $0x7FFFFFFF  }
tec
execute0_lowered:
.L_overlay_start_1:
0x0: {  	(tag) =	ssettag $0x1  }
0x1: {  	s7 =	rddreg [dreg:$0x0]  }
0x2: {  	s2 =	rddreg [dreg:$0x1]  }
0x3: {  	s3 =	rddreg [dreg:$0x2]  }
0x4: {  	s0 =	rddreg [dreg:$0x3];
	s1 =	stileid.u32  }
0x5: {  	s4 =	simm.s32 $0x0;
	s6 =	srdreg.scid;
	s14 =	simm.s32 $0x2  }
0x6: {  	s15 =	simm.s32 $0x5000;
	s16 =	simm.s32 $0x80;
	s17 =	simm.s32 $0x1  }
0x7: {  	s18 =	simm.s32 $0x0;
	s5 =	smul.u32 $0xA00, s1;
	[smem:$0x7FF] =	sst s4  }
0x8: {  	s13 =	sand.u32 $0x1, s6;
	s10 =	smul.u32 $0x278, s1;
	s6 =	sadd.s32 $0x19A00, s7  }
.Ltmp0:
0x9: {  	_ =	strace $0x80000047;
	s8 =	ssub.s32 $0x2, s13;
	(pc) =	sbr.rel .LBB2_1-.Ltmp0, $4  }
0xa: {  	p0 =	sne.s32 s13, $0x0;
	s13 =	simm.s32 $0x5080;
	s11 =	sadd.s32 s5, s7  }
0xb: {  	s5 =	sadd.s32 $0x19800, s7;
	s9 =	sshrl.u32 s8, $0x1;
	s7 =	sadd.s32 $0x1A000, s7  }
0xc: {  	s12 =	ssub.s32 s8, s9;
	s8 =	sadd.s32 s10, s3;
	s9 =	sadd.s32 $0x5800, s11  }
0xd: {  	s10 =	sshrl.u32 s10, $0x3;
	s11 =	sadd.s32 $0xF800, s11;
	s12 =	smax.u32 s12, $0x1  }
.LBB2_7:
0xe: {  	s19 =	sshra.s32 s19, $0x2;
	[sflag:s17] =	ssyncadd.s32 $0xFFFFFF80  }
0xf: {  	[spmem:s3] =	stream.indirect.scatter.add.f32 [tilespmem:s15], [sflag:$0x1], $0x1, s19, s16, $0xb8;
	[tilespmem:$0x5578] =	vst v63  }
0x10: {  	s20 =	sadd.s32 $0x80, s19  }
0x11: {  	[spmem:s3] =	stream.indirect.scatter.add.f32 [tilespmem:s15], [sflag:$0x1], $0x1, s20, s16, $0xb8;
	[tilespmem:$0x5578] =	vst v63  }
0x12: {  	s26 =	sadd.s32 $0x100, s19  }
0x13: {  	[spmem:s3] =	stream.indirect.scatter.add.f32 [tilespmem:s15], [sflag:$0x1], $0x1, s26, s16, $0xb8;
	[tilespmem:$0x5578] =	vst v63  }
0x14: {  	s28 =	sadd.s32 $0x180, s19  }
0x15: {  	[spmem:s3] =	stream.indirect.scatter.add.f32 [tilespmem:s15], [sflag:$0x1], $0x1, s28, s16, $0xb8;
	[tilespmem:$0x5578] =	vst v63  }
0x16: {  	s29 =	sadd.s32 $0x200, s19  }
0x17: {  	[spmem:s3] =	stream.indirect.scatter.add.f32 [tilespmem:s15], [sflag:$0x1], $0x1, s29, s16, $0xb8;
	[tilespmem:$0x5578] =	vst v63  }
0x18: {  	s30 =	sadd.s32 $0x280, s19  }
0x19: {  	[spmem:s3] =	stream.indirect.scatter.add.f32 [tilespmem:s15], [sflag:$0x1], $0x1, s30, s16, $0xb8;
	[tilespmem:$0x5578] =	vst v63  }
0x1a: {  	s31 =	sadd.s32 $0x300, s19  }
0x1b: {  	[spmem:s3] =	stream.indirect.scatter.add.f32 [tilespmem:s15], [sflag:$0x1], $0x1, s31, s16, $0xb8;
	[tilespmem:$0x5578] =	vst v63  }
0x1c: {  	s19 =	sadd.s32 $0x380, s19  }
0x1d: {  	[spmem:s3] =	stream.indirect.scatter.add.f32 [tilespmem:s15], [sflag:$0x1], $0x1, s19, s16, $0xb8;
	[tilespmem:$0x5578] =	vst v63  }
0x1e: {  	_ =	swait.ge [sflag:s17], $0x80  }
0x1f: {  	[sflag:s17] =	ssyncset.done $0x0  }
0x20: {  	[sflag:s17] =	ssyncadd.s32 $0xFFFFFF80  }
0x21: {  	_ =	swait.ge [sflag:s17], $0x80  }
0x22: {  	[sflag:s17] =	ssyncset.done $0x0  }
0x23: {  	[sflag:s17] =	ssyncadd.s32 $0xFFFFFF80  }
0x24: {  	_ =	swait.ge [sflag:s17], $0x80  }
0x25: {  	[sflag:s17] =	ssyncset.done $0x0  }
0x26: {  	[sflag:s17] =	ssyncadd.s32 $0xFFFFFF80  }
0x27: {  	_ =	swait.ge [sflag:s17], $0x80  }
0x28: {  	[sflag:s17] =	ssyncset.done $0x0  }
0x29: {  	[sflag:s17] =	ssyncadd.s32 $0xFFFFFF80  }
0x2a: {  	_ =	swait.ge [sflag:s17], $0x80  }
0x2b: {  	[sflag:s17] =	ssyncset.done $0x0  }
0x2c: {  	[sflag:s17] =	ssyncadd.s32 $0xFFFFFF80  }
0x2d: {  	_ =	swait.ge [sflag:s17], $0x80  }
0x2e: {  	[sflag:s17] =	ssyncset.done $0x0  }
0x2f: {  	[sflag:s17] =	ssyncadd.s32 $0xFFFFFF80  }
0x30: {  	_ =	swait.ge [sflag:s17], $0x80  }
0x31: {  	[sflag:s17] =	ssyncset.done $0x0  }
0x32: {  	[sflag:s17] =	ssyncadd.s32 $0xFFFFFF80  }
0x33: {  	_ =	swait.ge [sflag:s17], $0x80  }
0x34: {  	[sflag:s17] =	ssyncset.done $0x0  }
0x35: {  	s19 =	smov.u32 s7;
	[sflag:s17] =	ssyncadd.s32 $0xFFFFFF80  }
.LBB2_8:
0x36: {  	[bflag:$0x0] =	sbarrier.arrive $0xFFFF  }
0x37: {  	[tilespmem:s13], [sflag:$0x2] =	stream.linear.gather [spmem:s8], $0x278, $0x38;
	[tilespmem:$0x5578] =	vst v63  }
0x38: {  	s18 =	sadd.s32 $0x1, s18;
	_ =	swait.ge [sflag:s14], $0x278  }
0x39: {  	p1 =	sne.s32 s18, s12;
	[sflag:s14] =	ssyncset.done $0x0  }
.Ltmp1:
0x3a: {  	s19 =	sadd.s32 s19, s10;
	[sflag:s14] =	ssyncadd.s32 $0xFFFFFD88;
	(pc) =	sbr.rel @!p1 .LBB2_9-.Ltmp1, $4  }
0x3b: {  	[hbm4b:s19+s4] =	stream.linear.scatter [tilespmem:s13], [sflag:$0x2], $0x278, $0x38;
	[tilespmem:$0x5578] =	vst v63  }
0x3c: {  	_ =	swait.ge [sflag:s14], $0x278  }
0x3d: {  	[sflag:s14] =	ssyncset.done $0x0  }
0x3e: {  	[sflag:s14] =	ssyncadd.s32 $0xFFFFFD88  }
.LBB2_1:
0x3f: {  	[tilespmem:s13], [sflag:$0x2] =	stream.linear.gather [hbm4b:s5+s4], $0x280, $0x38;
	[tilespmem:$0x5578] =	vst v63  }
0x40: {  	_ =	swait.ge [sflag:s14], $0x280  }
0x41: {  	[sflag:s14] =	ssyncset.done $0x0  }
0x42: {  	[sflag:s14] =	ssyncadd.s32 $0xFFFFFD80  }
0x43: {  	[spmem:s8] =	stream.linear.scatter [tilespmem:s13], [sflag:$0x2], $0x278, $0x38;
	[tilespmem:$0x5578] =	vst v63  }
0x44: {  	_ =	swait.ge [sflag:s14], $0x278  }
0x45: {  	[sflag:s14] =	ssyncset.done $0x0  }
0x46: {  	[sflag:s14] =	ssyncadd.s32 $0xFFFFFD88  }
0x47: {  	[tilespmem:s15], [sflag:$0x2] =	stream.linear.gather [hbm4b:s2+s4], $0x80, $0x38;
	[tilespmem:$0x5578] =	vst v63  }
.Ltmp2:
0x48: {  	_ =	swait.ge [sflag:s14], $0x80;
	(pc) =	sbr.rel @p0 .LBB2_5-.Ltmp2, $4  }
0x49: {  	[sflag:s14] =	ssyncset.done $0x0  }
0x4a: {  	[sflag:s14] =	ssyncadd.s32 $0xFFFFFF80  }
0x4b: {  	[bflag:$0x0] =	sbarrier.arrive $0xFFFF  }
0x4c: {  	s19 =	simm.s32 $0x0  }
0x4d: {  	[tilespmem:s19], [sflag:$0x2] =	stream.linear.gather [hbm4b:s11+s19], $0x5000, $0x38;
	[tilespmem:$0x5578] =	vst v63  }
0x4e: {  	_ =	swait.ge [sflag:s14], $0x5000  }
0x4f: {  	[sflag:s14] =	ssyncset.done $0x0  }
0x50: {  	s23 =	simm.s32 $0x0;
	[sflag:s14] =	ssyncadd.s32 $0xFFFFB000  }
0x51: {  	[spmem:s3] =	stream.indirect.scatter.add.f32 [tilespmem:s15], [sflag:$0x1], $0x1, s23, s16, $0xb8;
	[tilespmem:$0x5578] =	vst v63  }
0x52: {  	s24 =	simm.s32 $0x80  }
0x53: {  	[spmem:s3] =	stream.indirect.scatter.add.f32 [tilespmem:s15], [sflag:$0x1], $0x1, s24, s16, $0xb8;
	[tilespmem:$0x5578] =	vst v63  }
0x54: {  	s25 =	simm.s32 $0x100  }
0x55: {  	[spmem:s3] =	stream.indirect.scatter.add.f32 [tilespmem:s15], [sflag:$0x1], $0x1, s25, s16, $0xb8;
	[tilespmem:$0x5578] =	vst v63  }
0x56: {  	s26 =	simm.s32 $0x180  }
0x57: {  	[spmem:s3] =	stream.indirect.scatter.add.f32 [tilespmem:s15], [sflag:$0x1], $0x1, s26, s16, $0xb8;
	[tilespmem:$0x5578] =	vst v63  }
0x58: {  	s28 =	simm.s32 $0x200  }
0x59: {  	[spmem:s3] =	stream.indirect.scatter.add.f32 [tilespmem:s15], [sflag:$0x1], $0x1, s28, s16, $0xb8;
	[tilespmem:$0x5578] =	vst v63  }
0x5a: {  	s29 =	simm.s32 $0x280  }
0x5b: {  	[spmem:s3] =	stream.indirect.scatter.add.f32 [tilespmem:s15], [sflag:$0x1], $0x1, s29, s16, $0xb8;
	[tilespmem:$0x5578] =	vst v63  }
0x5c: {  	s30 =	simm.s32 $0x300  }
0x5d: {  	[spmem:s3] =	stream.indirect.scatter.add.f32 [tilespmem:s15], [sflag:$0x1], $0x1, s30, s16, $0xb8;
	[tilespmem:$0x5578] =	vst v63  }
0x5e: {  	s31 =	simm.s32 $0x380  }
0x5f: {  	[spmem:s3] =	stream.indirect.scatter.add.f32 [tilespmem:s15], [sflag:$0x1], $0x1, s31, s16, $0xb8;
	[tilespmem:$0x5578] =	vst v63  }
0x60: {  	_ =	swait.ge [sflag:s17], $0x80  }
0x61: {  	[sflag:s17] =	ssyncset.done $0x0  }
0x62: {  	[sflag:s17] =	ssyncadd.s32 $0xFFFFFF80  }
0x63: {  	_ =	swait.ge [sflag:s17], $0x80  }
0x64: {  	[sflag:s17] =	ssyncset.done $0x0  }
0x65: {  	[sflag:s17] =	ssyncadd.s32 $0xFFFFFF80  }
0x66: {  	_ =	swait.ge [sflag:s17], $0x80  }
0x67: {  	[sflag:s17] =	ssyncset.done $0x0  }
0x68: {  	[sflag:s17] =	ssyncadd.s32 $0xFFFFFF80  }
0x69: {  	_ =	swait.ge [sflag:s17], $0x80  }
0x6a: {  	[sflag:s17] =	ssyncset.done $0x0  }
0x6b: {  	[sflag:s17] =	ssyncadd.s32 $0xFFFFFF80  }
0x6c: {  	_ =	swait.ge [sflag:s17], $0x80  }
0x6d: {  	[sflag:s17] =	ssyncset.done $0x0  }
0x6e: {  	[sflag:s17] =	ssyncadd.s32 $0xFFFFFF80  }
0x6f: {  	_ =	swait.ge [sflag:s17], $0x80  }
0x70: {  	[sflag:s17] =	ssyncset.done $0x0  }
0x71: {  	[sflag:s17] =	ssyncadd.s32 $0xFFFFFF80  }
0x72: {  	_ =	swait.ge [sflag:s17], $0x80  }
0x73: {  	[sflag:s17] =	ssyncset.done $0x0  }
0x74: {  	[sflag:s17] =	ssyncadd.s32 $0xFFFFFF80  }
0x75: {  	_ =	swait.ge [sflag:s17], $0x80  }
0x76: {  	s19 =	simm.s32 $0x1000;
	s21 =	simm.s32 $0x2000;
	[sflag:s17] =	ssyncset.done $0x0  }
.LBB2_3:
0x77: {  	s22 =	sshra.s32 s19, $0x2  }
0x78: {  	[sflag:s17] =	ssyncadd.s32 $0xFFFFFF80;
	s19 =	smov.u32 s21;
	s20 =	sadd.s32 $0x1000, s21  }
0x79: {  	[spmem:s3] =	stream.indirect.scatter.add.f32 [tilespmem:s15], [sflag:$0x1], $0x1, s22, s16, $0xb8;
	[tilespmem:$0x5578] =	vst v63  }
0x7a: {  	p1 =	seq.s32 s21, $0x13000;
	s21 =	sadd.s32 $0x80, s22  }
0x7b: {  	[spmem:s3] =	stream.indirect.scatter.add.f32 [tilespmem:s15], [sflag:$0x1], $0x1, s21, s16, $0xb8;
	[tilespmem:$0x5578] =	vst v63  }
0x7c: {  	s21 =	sadd.s32 $0x100, s22  }
0x7d: {  	[spmem:s3] =	stream.indirect.scatter.add.f32 [tilespmem:s15], [sflag:$0x1], $0x1, s21, s16, $0xb8;
	[tilespmem:$0x5578] =	vst v63  }
0x7e: {  	s21 =	sadd.s32 $0x180, s22  }
0x7f: {  	[spmem:s3] =	stream.indirect.scatter.add.f32 [tilespmem:s15], [sflag:$0x1], $0x1, s21, s16, $0xb8;
	[tilespmem:$0x5578] =	vst v63  }
0x80: {  	s21 =	sadd.s32 $0x200, s22  }
0x81: {  	[spmem:s3] =	stream.indirect.scatter.add.f32 [tilespmem:s15], [sflag:$0x1], $0x1, s21, s16, $0xb8;
	[tilespmem:$0x5578] =	vst v63  }
0x82: {  	s21 =	sadd.s32 $0x280, s22  }
0x83: {  	[spmem:s3] =	stream.indirect.scatter.add.f32 [tilespmem:s15], [sflag:$0x1], $0x1, s21, s16, $0xb8;
	[tilespmem:$0x5578] =	vst v63  }
0x84: {  	s21 =	sadd.s32 $0x300, s22  }
0x85: {  	[spmem:s3] =	stream.indirect.scatter.add.f32 [tilespmem:s15], [sflag:$0x1], $0x1, s21, s16, $0xb8;
	[tilespmem:$0x5578] =	vst v63  }
0x86: {  	s21 =	sadd.s32 $0x380, s22  }
0x87: {  	[spmem:s3] =	stream.indirect.scatter.add.f32 [tilespmem:s15], [sflag:$0x1], $0x1, s21, s16, $0xb8;
	[tilespmem:$0x5578] =	vst v63  }
0x88: {  	_ =	swait.ge [sflag:s17], $0x80  }
0x89: {  	[sflag:s17] =	ssyncset.done $0x0  }
0x8a: {  	[sflag:s17] =	ssyncadd.s32 $0xFFFFFF80  }
0x8b: {  	_ =	swait.ge [sflag:s17], $0x80  }
0x8c: {  	[sflag:s17] =	ssyncset.done $0x0  }
0x8d: {  	[sflag:s17] =	ssyncadd.s32 $0xFFFFFF80  }
0x8e: {  	_ =	swait.ge [sflag:s17], $0x80  }
0x8f: {  	[sflag:s17] =	ssyncset.done $0x0  }
0x90: {  	[sflag:s17] =	ssyncadd.s32 $0xFFFFFF80  }
0x91: {  	_ =	swait.ge [sflag:s17], $0x80  }
0x92: {  	[sflag:s17] =	ssyncset.done $0x0  }
0x93: {  	[sflag:s17] =	ssyncadd.s32 $0xFFFFFF80  }
0x94: {  	_ =	swait.ge [sflag:s17], $0x80  }
0x95: {  	[sflag:s17] =	ssyncset.done $0x0  }
0x96: {  	[sflag:s17] =	ssyncadd.s32 $0xFFFFFF80  }
0x97: {  	_ =	swait.ge [sflag:s17], $0x80  }
0x98: {  	[sflag:s17] =	ssyncset.done $0x0  }
0x99: {  	[sflag:s17] =	ssyncadd.s32 $0xFFFFFF80  }
.Ltmp3:
0x9a: {  	_ =	swait.ge [sflag:s17], $0x80;
	(pc) =	sbr.rel @!p1 .LBB2_3-.Ltmp3, $4  }
0x9b: {  	[sflag:s17] =	ssyncset.done $0x0  }
0x9c: {  	[sflag:s17] =	ssyncadd.s32 $0xFFFFFF80  }
0x9d: {  	_ =	swait.ge [sflag:s17], $0x80  }
0x9e: {  	s21 =	smov.u32 s20;
	[sflag:s17] =	ssyncset.done $0x0  }
0x9f: {  	s19 =	sshra.s32 s19, $0x2;
	[sflag:s17] =	ssyncadd.s32 $0xFFFFFF80  }
0xa0: {  	[spmem:s3] =	stream.indirect.scatter.add.f32 [tilespmem:s15], [sflag:$0x1], $0x1, s19, s16, $0xb8;
	[tilespmem:$0x5578] =	vst v63  }
0xa1: {  	s20 =	sadd.s32 $0x80, s19  }
0xa2: {  	[spmem:s3] =	stream.indirect.scatter.add.f32 [tilespmem:s15], [sflag:$0x1], $0x1, s20, s16, $0xb8;
	[tilespmem:$0x5578] =	vst v63  }
0xa3: {  	s26 =	sadd.s32 $0x100, s19  }
0xa4: {  	[spmem:s3] =	stream.indirect.scatter.add.f32 [tilespmem:s15], [sflag:$0x1], $0x1, s26, s16, $0xb8;
	[tilespmem:$0x5578] =	vst v63  }
0xa5: {  	s28 =	sadd.s32 $0x180, s19  }
0xa6: {  	[spmem:s3] =	stream.indirect.scatter.add.f32 [tilespmem:s15], [sflag:$0x1], $0x1, s28, s16, $0xb8;
	[tilespmem:$0x5578] =	vst v63  }
0xa7: {  	s29 =	sadd.s32 $0x200, s19  }
0xa8: {  	[spmem:s3] =	stream.indirect.scatter.add.f32 [tilespmem:s15], [sflag:$0x1], $0x1, s29, s16, $0xb8;
	[tilespmem:$0x5578] =	vst v63  }
0xa9: {  	s30 =	sadd.s32 $0x280, s19  }
0xaa: {  	[spmem:s3] =	stream.indirect.scatter.add.f32 [tilespmem:s15], [sflag:$0x1], $0x1, s30, s16, $0xb8;
	[tilespmem:$0x5578] =	vst v63  }
0xab: {  	s31 =	sadd.s32 $0x300, s19  }
0xac: {  	[spmem:s3] =	stream.indirect.scatter.add.f32 [tilespmem:s15], [sflag:$0x1], $0x1, s31, s16, $0xb8;
	[tilespmem:$0x5578] =	vst v63  }
0xad: {  	s19 =	sadd.s32 $0x380, s19  }
0xae: {  	[spmem:s3] =	stream.indirect.scatter.add.f32 [tilespmem:s15], [sflag:$0x1], $0x1, s19, s16, $0xb8;
	[tilespmem:$0x5578] =	vst v63  }
0xaf: {  	_ =	swait.ge [sflag:s17], $0x80  }
0xb0: {  	[sflag:s17] =	ssyncset.done $0x0  }
0xb1: {  	[sflag:s17] =	ssyncadd.s32 $0xFFFFFF80  }
0xb2: {  	_ =	swait.ge [sflag:s17], $0x80  }
0xb3: {  	[sflag:s17] =	ssyncset.done $0x0  }
0xb4: {  	[sflag:s17] =	ssyncadd.s32 $0xFFFFFF80  }
0xb5: {  	_ =	swait.ge [sflag:s17], $0x80  }
0xb6: {  	[sflag:s17] =	ssyncset.done $0x0  }
0xb7: {  	[sflag:s17] =	ssyncadd.s32 $0xFFFFFF80  }
0xb8: {  	_ =	swait.ge [sflag:s17], $0x80  }
0xb9: {  	[sflag:s17] =	ssyncset.done $0x0  }
0xba: {  	[sflag:s17] =	ssyncadd.s32 $0xFFFFFF80  }
0xbb: {  	_ =	swait.ge [sflag:s17], $0x80  }
0xbc: {  	[sflag:s17] =	ssyncset.done $0x0  }
0xbd: {  	[sflag:s17] =	ssyncadd.s32 $0xFFFFFF80  }
0xbe: {  	_ =	swait.ge [sflag:s17], $0x80  }
0xbf: {  	[sflag:s17] =	ssyncset.done $0x0  }
0xc0: {  	[sflag:s17] =	ssyncadd.s32 $0xFFFFFF80  }
0xc1: {  	_ =	swait.ge [sflag:s17], $0x80  }
.Ltmp4:
0xc2: {  	[sflag:s17] =	ssyncset.done $0x0;
	(pc) =	sbr.rel .LBB2_8-.Ltmp4, $4  }
0xc3: {  	[sflag:s17] =	ssyncadd.s32 $0xFFFFFF80  }
0xc4: {  	_ =	swait.ge [sflag:s17], $0x80  }
0xc5: {  	[sflag:s17] =	ssyncset.done $0x0  }
0xc6: {  	s19 =	smov.u32 s6;
	[sflag:s17] =	ssyncadd.s32 $0xFFFFFF80  }
.LBB2_5:
0xc7: {  	[tilespmem:s19], [sflag:$0x2] =	stream.linear.gather [hbm4b:s9+s19], $0x5000, $0x38;
	[tilespmem:$0x5578] =	vst v63  }
0xc8: {  	_ =	swait.ge [sflag:s14], $0x5000  }
0xc9: {  	[sflag:s14] =	ssyncset.done $0x0  }
0xca: {  	s23 =	simm.s32 $0x0;
	[sflag:s14] =	ssyncadd.s32 $0xFFFFB000  }
0xcb: {  	[spmem:s3] =	stream.indirect.scatter.add.f32 [tilespmem:s15], [sflag:$0x1], $0x1, s23, s16, $0xb8;
	[tilespmem:$0x5578] =	vst v63  }
0xcc: {  	s24 =	simm.s32 $0x80  }
0xcd: {  	[spmem:s3] =	stream.indirect.scatter.add.f32 [tilespmem:s15], [sflag:$0x1], $0x1, s24, s16, $0xb8;
	[tilespmem:$0x5578] =	vst v63  }
0xce: {  	s25 =	simm.s32 $0x100  }
0xcf: {  	[spmem:s3] =	stream.indirect.scatter.add.f32 [tilespmem:s15], [sflag:$0x1], $0x1, s25, s16, $0xb8;
	[tilespmem:$0x5578] =	vst v63  }
0xd0: {  	s26 =	simm.s32 $0x180  }
0xd1: {  	[spmem:s3] =	stream.indirect.scatter.add.f32 [tilespmem:s15], [sflag:$0x1], $0x1, s26, s16, $0xb8;
	[tilespmem:$0x5578] =	vst v63  }
0xd2: {  	s28 =	simm.s32 $0x200  }
0xd3: {  	[spmem:s3] =	stream.indirect.scatter.add.f32 [tilespmem:s15], [sflag:$0x1], $0x1, s28, s16, $0xb8;
	[tilespmem:$0x5578] =	vst v63  }
0xd4: {  	s29 =	simm.s32 $0x280  }
0xd5: {  	[spmem:s3] =	stream.indirect.scatter.add.f32 [tilespmem:s15], [sflag:$0x1], $0x1, s29, s16, $0xb8;
	[tilespmem:$0x5578] =	vst v63  }
0xd6: {  	s30 =	simm.s32 $0x300  }
0xd7: {  	[spmem:s3] =	stream.indirect.scatter.add.f32 [tilespmem:s15], [sflag:$0x1], $0x1, s30, s16, $0xb8;
	[tilespmem:$0x5578] =	vst v63  }
0xd8: {  	s31 =	simm.s32 $0x380  }
0xd9: {  	[spmem:s3] =	stream.indirect.scatter.add.f32 [tilespmem:s15], [sflag:$0x1], $0x1, s31, s16, $0xb8;
	[tilespmem:$0x5578] =	vst v63  }
0xda: {  	_ =	swait.ge [sflag:s17], $0x80  }
0xdb: {  	[sflag:s17] =	ssyncset.done $0x0  }
0xdc: {  	[sflag:s17] =	ssyncadd.s32 $0xFFFFFF80  }
0xdd: {  	_ =	swait.ge [sflag:s17], $0x80  }
0xde: {  	[sflag:s17] =	ssyncset.done $0x0  }
0xdf: {  	[sflag:s17] =	ssyncadd.s32 $0xFFFFFF80  }
0xe0: {  	_ =	swait.ge [sflag:s17], $0x80  }
0xe1: {  	[sflag:s17] =	ssyncset.done $0x0  }
0xe2: {  	[sflag:s17] =	ssyncadd.s32 $0xFFFFFF80  }
0xe3: {  	_ =	swait.ge [sflag:s17], $0x80  }
0xe4: {  	[sflag:s17] =	ssyncset.done $0x0  }
0xe5: {  	[sflag:s17] =	ssyncadd.s32 $0xFFFFFF80  }
0xe6: {  	_ =	swait.ge [sflag:s17], $0x80  }
0xe7: {  	[sflag:s17] =	ssyncset.done $0x0  }
0xe8: {  	[sflag:s17] =	ssyncadd.s32 $0xFFFFFF80  }
0xe9: {  	_ =	swait.ge [sflag:s17], $0x80  }
0xea: {  	[sflag:s17] =	ssyncset.done $0x0  }
0xeb: {  	[sflag:s17] =	ssyncadd.s32 $0xFFFFFF80  }
0xec: {  	_ =	swait.ge [sflag:s17], $0x80  }
0xed: {  	[sflag:s17] =	ssyncset.done $0x0  }
0xee: {  	[sflag:s17] =	ssyncadd.s32 $0xFFFFFF80  }
0xef: {  	_ =	swait.ge [sflag:s17], $0x80  }
0xf0: {  	s19 =	simm.s32 $0x1000;
	s21 =	simm.s32 $0x2000;
	[sflag:s17] =	ssyncset.done $0x0  }
.LBB2_6:
0xf1: {  	s22 =	sshra.s32 s19, $0x2  }
0xf2: {  	[sflag:s17] =	ssyncadd.s32 $0xFFFFFF80;
	s19 =	smov.u32 s21;
	s20 =	sadd.s32 $0x1000, s21  }
0xf3: {  	[spmem:s3] =	stream.indirect.scatter.add.f32 [tilespmem:s15], [sflag:$0x1], $0x1, s22, s16, $0xb8;
	[tilespmem:$0x5578] =	vst v63  }
0xf4: {  	p1 =	sne.s32 s21, $0x13000;
	s21 =	sadd.s32 $0x80, s22  }
0xf5: {  	[spmem:s3] =	stream.indirect.scatter.add.f32 [tilespmem:s15], [sflag:$0x1], $0x1, s21, s16, $0xb8;
	[tilespmem:$0x5578] =	vst v63  }
0xf6: {  	s21 =	sadd.s32 $0x100, s22  }
0xf7: {  	[spmem:s3] =	stream.indirect.scatter.add.f32 [tilespmem:s15], [sflag:$0x1], $0x1, s21, s16, $0xb8;
	[tilespmem:$0x5578] =	vst v63  }
0xf8: {  	s21 =	sadd.s32 $0x180, s22  }
0xf9: {  	[spmem:s3] =	stream.indirect.scatter.add.f32 [tilespmem:s15], [sflag:$0x1], $0x1, s21, s16, $0xb8;
	[tilespmem:$0x5578] =	vst v63  }
0xfa: {  	s21 =	sadd.s32 $0x200, s22  }
0xfb: {  	[spmem:s3] =	stream.indirect.scatter.add.f32 [tilespmem:s15], [sflag:$0x1], $0x1, s21, s16, $0xb8;
	[tilespmem:$0x5578] =	vst v63  }
0xfc: {  	s21 =	sadd.s32 $0x280, s22  }
0xfd: {  	[spmem:s3] =	stream.indirect.scatter.add.f32 [tilespmem:s15], [sflag:$0x1], $0x1, s21, s16, $0xb8;
	[tilespmem:$0x5578] =	vst v63  }
0xfe: {  	s21 =	sadd.s32 $0x300, s22  }
0xff: {  	[spmem:s3] =	stream.indirect.scatter.add.f32 [tilespmem:s15], [sflag:$0x1], $0x1, s21, s16, $0xb8;
	[tilespmem:$0x5578] =	vst v63  }
0x100: {  	s21 =	sadd.s32 $0x380, s22  }
0x101: {  	[spmem:s3] =	stream.indirect.scatter.add.f32 [tilespmem:s15], [sflag:$0x1], $0x1, s21, s16, $0xb8;
	[tilespmem:$0x5578] =	vst v63  }
0x102: {  	_ =	swait.ge [sflag:s17], $0x80  }
0x103: {  	[sflag:s17] =	ssyncset.done $0x0  }
0x104: {  	[sflag:s17] =	ssyncadd.s32 $0xFFFFFF80  }
0x105: {  	_ =	swait.ge [sflag:s17], $0x80  }
0x106: {  	[sflag:s17] =	ssyncset.done $0x0  }
0x107: {  	[sflag:s17] =	ssyncadd.s32 $0xFFFFFF80  }
0x108: {  	_ =	swait.ge [sflag:s17], $0x80  }
0x109: {  	[sflag:s17] =	ssyncset.done $0x0  }
0x10a: {  	[sflag:s17] =	ssyncadd.s32 $0xFFFFFF80  }
0x10b: {  	_ =	swait.ge [sflag:s17], $0x80  }
0x10c: {  	[sflag:s17] =	ssyncset.done $0x0  }
0x10d: {  	[sflag:s17] =	ssyncadd.s32 $0xFFFFFF80  }
0x10e: {  	_ =	swait.ge [sflag:s17], $0x80  }
0x10f: {  	[sflag:s17] =	ssyncset.done $0x0  }
0x110: {  	[sflag:s17] =	ssyncadd.s32 $0xFFFFFF80  }
0x111: {  	_ =	swait.ge [sflag:s17], $0x80  }
0x112: {  	[sflag:s17] =	ssyncset.done $0x0  }
0x113: {  	[sflag:s17] =	ssyncadd.s32 $0xFFFFFF80  }
.Ltmp5:
0x114: {  	_ =	swait.ge [sflag:s17], $0x80;
	(pc) =	sbr.rel @p1 .LBB2_6-.Ltmp5, $4  }
0x115: {  	[sflag:s17] =	ssyncset.done $0x0  }
0x116: {  	[sflag:s17] =	ssyncadd.s32 $0xFFFFFF80  }
0x117: {  	_ =	swait.ge [sflag:s17], $0x80  }
0x118: {  	s21 =	smov.u32 s20;
	[sflag:s17] =	ssyncset.done $0x0  }
.Ltmp6:
0x119: {  	_ = 	snop;
	(pc) =	sbr.rel .LBB2_7-.Ltmp6, $1  }
0x11a: {  	_ =	sdelay $0x3  }
.LBB2_9:
0x11b: {  	_ =	sfence.sel $0x180000  }
0x11c: {  	[bflag:$0x0] =	sbarrier.arrive $0xFFFF  }
0x11d: {  	p0 =	sne.s32 s1, $0x0;
	_ =	strace $0x90000047  }
0x11e: {  	s0 =	sadd.s32 @!p0 $0x100000, s0;
	[bflag:$0x2] =	sbarrier.arrive $0xFFFF  }
0x11f: {  	[sflag:s0] =	ssyncadd.tile.s32 @!p0 $0x1;
	_ =	shalt  }
.Lfunc_end2:
_tile_overlayer_lowered:
.L_overlay_start_2:
0x120: {  	(tag) =	ssettag $0x2  }
0x121: {  	s0 =	rddreg [dreg:$0x0];
	s2 =	stileid.u32  }
0x122: {  	s1 =	rddreg [dreg:$0x1];
	p0 =	sne.s32 s2, $0x0  }
0x123: {  	s3 =	rddreg [dreg:$0x2];
	[bflag:$0x3] =	sbarrier.arrive $0xFFFF;
	s2 =	simm.s32 @!p0 $0x1C02  }
0x124: {  	[timem:s3], [sflag:s2] =	dma.local @!p0 [hbm:s0], s1  }
0x125: {  	s0 =	simm.s32 @!p0 $0x2  }
0x126: {  	_ =	swait.ge @!p0 [sflag:s0], s1  }
0x127: {  	s1 =	ssub.s32 @!p0 $0x0, s1;
	[sflag:s0] =	ssyncset.done @!p0 $0x0  }
0x128: {  	[sflag:s0] =	ssyncadd.s32 @!p0 s1  }
0x129: {  	[bflag:$0x3] =	sbarrier.arrive $0xFFFF  }
0x12a: {  	_ =	shalt  }

</sc_bundles>
